<compile_context>
chip_gen: v7x
topology: tpu7x:2x2x1
jax: 0.10.2.dev20260603
libtpu: 0.0.44.dev20260713+nightly
codegen_flags: <defaults>
</compile_context>

<pallas_src>
import functools

import jax
import jax.numpy as jnp
from jax import lax
from jax.experimental import pallas as pl
from jax.experimental.pallas import tpu as pltpu
from jax.experimental.pallas import tpu_sc as plsc

N = 10000
E = 320000
D = 128
NPAD = 10240
CH = 128
NCHUNK = E // CH
NW = 32
CPW = 80
ROWS_PER_TILE = NPAD // 16
TAU = 2.0
V_TH = 1.0
EPS = 1e-5

_mesh = plsc.VectorSubcoreMesh(
    core_axis_name="c", subcore_axis_name="s", num_cores=2, num_subcores=16)


def _zero_vmem_2d(ref, nrows):
    z = jnp.zeros((16,), jnp.float32)

    def body(i, _):
        for m in range(8):
            ref[i, pl.ds(m * 16, 16)] = z
        return 0

    lax.fori_loop(0, nrows, body, 0)


def _zero_vmem_1d(ref, n):
    z = jnp.zeros((16,), jnp.float32)

    def body(i, _):
        ref[pl.ds(i * 16, 16)] = z
        return 0

    lax.fori_loop(0, n // 16, body, 0)


@functools.partial(
    pl.kernel,
    out_type=jax.ShapeDtypeStruct((2, NPAD), jnp.float32),
    mesh=_mesh,
    scratch_types=[
        pltpu.VMEM((4, CH), jnp.int32),
        pltpu.VMEM((CH,), jnp.float32),
        pltpu.VMEM((ROWS_PER_TILE,), jnp.float32),
        pltpu.VMEM_SHARED((NPAD,), jnp.float32),
        pltpu.SemaphoreType.DMA,
        pltpu.SemaphoreType.DMA,
        pltpu.SemaphoreType.DMA,
        pltpu.SemaphoreType.DMA,
        pltpu.SemaphoreType.DMA,
        pltpu.SemaphoreType.DMA,
        pltpu.SemaphoreType.DMA,
        pltpu.SemaphoreType.DMA,
    ],
)
def _deg_kernel(eidx_hbm, dummy_hbm, out_hbm, cbuf, ones_v, zbuf, hist_sh,
                isem0, isem1, isem2, isem3, ssem0, ssem1, ssem2, ssem3):
    c = lax.axis_index("c")
    s = lax.axis_index("s")
    wid = s * 2 + c
    isem = (isem0, isem1, isem2, isem3)
    ssem = (ssem0, ssem1, ssem2, ssem3)

    _zero_vmem_1d(zbuf, ROWS_PER_TILE)
    one = jnp.ones((16,), jnp.float32)
    for m in range(CH // 16):
        ones_v[pl.ds(m * 16, 16)] = one
    pltpu.sync_copy(zbuf, hist_sh.at[pl.ds(s * ROWS_PER_TILE, ROWS_PER_TILE)])
    plsc.subcore_barrier()

    def prefetch(k, b):
        j = wid + k * NW

        @pl.when(j < NCHUNK)
        def _():
            pltpu.async_copy(eidx_hbm.at[1, pl.ds(j * CH, CH)],
                             cbuf.at[b], isem[b])

        @pl.when(j >= NCHUNK)
        def _():
            pltpu.async_copy(dummy_hbm.at[1], cbuf.at[b], isem[b])

    def swait(b):
        pltpu.make_async_copy(ones_v, hist_sh.at[cbuf.at[b]], ssem[b]).wait()

    prefetch(0, 0)
    prefetch(1, 1)

    def step(k, phase, first=False):
        b = phase % 4
        b2 = (phase + 2) % 4
        pltpu.make_async_copy(dummy_hbm.at[1], cbuf.at[b], isem[b]).wait()
        pltpu.async_copy(ones_v, hist_sh.at[cbuf.at[b]], ssem[b], add=True)
        if not first:
            swait(b2)
        prefetch(k + 2, b2)

    step(0, 0, first=True)
    step(1, 1, first=True)

    def outer(i, _):
        for t in range(4):
            step(2 + i * 4 + t, 2 + t)
        return 0

    lax.fori_loop(0, (CPW - 4) // 4, outer, 0)
    step(CPW - 2, CPW - 2)
    step(CPW - 1, CPW - 1)
    swait((CPW - 2) % 4)
    swait((CPW - 1) % 4)
    pltpu.make_async_copy(
        dummy_hbm.at[1], cbuf.at[CPW % 4], isem[CPW % 4]).wait()
    pltpu.make_async_copy(
        dummy_hbm.at[1], cbuf.at[(CPW + 1) % 4], isem[(CPW + 1) % 4]).wait()

    plsc.subcore_barrier()
    pltpu.sync_copy(hist_sh.at[pl.ds(s * ROWS_PER_TILE, ROWS_PER_TILE)],
                    out_hbm.at[c, pl.ds(s * ROWS_PER_TILE, ROWS_PER_TILE)])


def _proj_body(x_ref, w_ref, degc_ref, g_ref, sfac_ref, msk_ref):
    deg = degc_ref[:, 0:1] + degc_ref[:, 1:2]
    dinv = jnp.where(deg > 0, 1.0 / jnp.sqrt(jnp.maximum(deg, 1e-12)), 0.0)
    sfac_ref[...] = dinv / jnp.maximum(deg, 1.0)
    msk_ref[...] = (deg > 0).astype(jnp.float32)
    h = lax.dot_general(x_ref[...], w_ref[...], (((1,), (1,)), ((), ())),
                        preferred_element_type=jnp.float32)
    g_ref[...] = h * dinv[:N, :]


_proj = pl.pallas_call(
    _proj_body,
    out_shape=(
        jax.ShapeDtypeStruct((N, D), jnp.float32),
        jax.ShapeDtypeStruct((NPAD, 1), jnp.float32),
        jax.ShapeDtypeStruct((NPAD, 1), jnp.float32),
    ),
)


@functools.partial(
    pl.kernel,
    out_type=jax.ShapeDtypeStruct((2, NPAD, D), jnp.float32),
    mesh=_mesh,
    scratch_types=[
        pltpu.VMEM((2, CH), jnp.int32),
        pltpu.VMEM((2, CH), jnp.int32),
        pltpu.VMEM((2, CH), jnp.int32),
        pltpu.VMEM((2, CH, D), jnp.float32),
        pltpu.VMEM((64, D), jnp.float32),
        pltpu.VMEM_SHARED((NPAD, D), jnp.float32),
        pltpu.SemaphoreType.DMA,
        pltpu.SemaphoreType.DMA,
        pltpu.SemaphoreType.DMA,
        pltpu.SemaphoreType.DMA,
        pltpu.SemaphoreType.DMA,
        pltpu.SemaphoreType.DMA,
        pltpu.SemaphoreType.DMA,
    ],
)
def _scatter_kernel(g_hbm, eidx_hbm, dummy_hbm, out_hbm,
                    ebuf0, ebuf1, ebuf2, rows, zbuf,
                    agg_sh, gsem0, gsem1, ssem0, ssem1, is0, is1, is2):
    c = lax.axis_index("c")
    s = lax.axis_index("s")
    wid = s * 2 + c
    ebuf = (ebuf0, ebuf1, ebuf2)
    gsem = (gsem0, gsem1)
    ssem = (ssem0, ssem1)
    isem = (is0, is1, is2)

    _zero_vmem_2d(zbuf, 64)
    for k in range(ROWS_PER_TILE // 64):
        pltpu.sync_copy(zbuf, agg_sh.at[pl.ds(s * ROWS_PER_TILE + k * 64, 64)])
    plsc.subcore_barrier()

    def prefetch(k, b):
        j = wid + k * NW

        @pl.when(j < NCHUNK)
        def _():
            pltpu.async_copy(eidx_hbm.at[0, pl.ds(j * CH, CH)],
                             ebuf[b].at[0], isem[b])
            pltpu.async_copy(eidx_hbm.at[1, pl.ds(j * CH, CH)],
                             ebuf[b].at[1], isem[b])

        @pl.when(j >= NCHUNK)
        def _():
            pltpu.async_copy(dummy_hbm.at[0], ebuf[b].at[0], isem[b])
            pltpu.async_copy(dummy_hbm.at[1], ebuf[b].at[1], isem[b])

    def gather(rows_slot, idx_slot):
        pltpu.async_copy(g_hbm.at[ebuf[idx_slot].at[0]], rows.at[rows_slot],
                         gsem[rows_slot])

    def scatter_start(rows_slot, idx_slot):
        pltpu.async_copy(rows.at[rows_slot], agg_sh.at[ebuf[idx_slot].at[1]],
                         ssem[rows_slot], add=True)

    def scatter_wait(rows_slot, idx_slot):
        pltpu.make_async_copy(rows.at[rows_slot],
                              agg_sh.at[ebuf[idx_slot].at[1]],
                              ssem[rows_slot]).wait()

    def iwait(idx_slot):
        pltpu.make_async_copy(dummy_hbm.at[0], ebuf[idx_slot].at[0],
                              isem[idx_slot]).wait()
        pltpu.make_async_copy(dummy_hbm.at[1], ebuf[idx_slot].at[1],
                              isem[idx_slot]).wait()

    for b in range(2):
        prefetch(b, b)
    iwait(0)
    gather(0, 0)

    def step(k, phase, peeled_first=False):
        br = phase % 2
        brn = (br + 1) % 2
        bi = phase % 3
        bi1 = (phase + 1) % 3
        bi2 = (phase + 2) % 3
        iwait(bi1)
        if not peeled_first:
            scatter_wait(brn, bi2)
        gather(brn, bi1)
        prefetch(k + 2, bi2)
        pltpu.make_async_copy(
            g_hbm.at[ebuf[bi].at[0]], rows.at[br], gsem[br]).wait()
        scatter_start(br, bi)

    step(0, 0, peeled_first=True)

    def outer(i, _):
        for t in range(6):
            step(1 + i * 6 + t, 1 + t)
        return 0

    lax.fori_loop(0, (CPW - 2) // 6, outer, 0)
    step(CPW - 1, CPW - 1)
    scatter_wait((CPW - 1) % 2, (CPW - 1) % 3)
    pltpu.make_async_copy(
        g_hbm.at[ebuf[CPW % 3].at[0]], rows.at[CPW % 2], gsem[CPW % 2]).wait()
    iwait((CPW + 1) % 3)
    plsc.subcore_barrier()

    for k in range(ROWS_PER_TILE // 128):
        r0 = s * ROWS_PER_TILE + k * 128
        pltpu.sync_copy(agg_sh.at[pl.ds(r0, 128)],
                        out_hbm.at[c, pl.ds(r0, 128), :])


def _epi_body(aggp_ref, sfac_ref, msk_ref, cb_ref, bnw_ref, bnb_ref, out_ref):
    a = aggp_ref[0, :N, :] + aggp_ref[1, :N, :]
    out = a * sfac_ref[:N, :] + msk_ref[:N, :] * cb_ref[...]
    mean = jnp.mean(out, axis=0, keepdims=True)
    var = jnp.mean((out - mean) * (out - mean), axis=0, keepdims=True)
    y = (out - mean) / jnp.sqrt(var + EPS) * bnw_ref[...] + bnb_ref[...]
    out_ref[...] = (y / TAU >= V_TH).astype(jnp.float32)


_epilogue = pl.pallas_call(
    _epi_body,
    out_shape=jax.ShapeDtypeStruct((N, D), jnp.float32),
)


def kernel(x, edge_index, conv_w, conv_b, lin_res_w, lin_res_b, bn_w, bn_b):
    del lin_res_w, lin_res_b
    ei = edge_index.astype(jnp.int32)
    lanes = jnp.arange(CH, dtype=jnp.int32)
    dummy = jnp.stack([lanes, N + lanes], axis=0)

    degp = _deg_kernel(ei, dummy)
    degc = jnp.transpose(degp)
    g, sfac, msk = _proj(x, conv_w, degc)
    aggp = _scatter_kernel(g, ei, dummy)
    spike = _epilogue(aggp, sfac, msk,
                      conv_b.reshape(1, D),
                      bn_w.reshape(1, D), bn_b.reshape(1, D))
    return spike

# --- scband reference (transcript-rebuilt; emitter-appended) ---
"""Pipeline reference for scband-stfnconv-26465588478210 (READ-ONLY COPY).

The authoritative reference and input builder live on the scoring server;
editing this copy changes nothing except your own understanding.
"""

import jax, jax.numpy as jnp
import numpy as np

N = 10000
E = 320000
D_IN = 128
D_OUT = 128
TAU = 2.0
V_TH = 1.0
EPS = 1e-5

def _xavier(key, shape):
    fan_out, fan_in = shape
    bound = float(np.sqrt(6.0 / (fan_in + fan_out)))
    return jax.random.uniform(key, shape, jnp.float32, -bound, bound)

def setup_inputs(seed: int = 0) -> dict:
    key = jax.random.key(seed)
    ks = jax.random.split(key, 6)
    x = jax.random.normal(ks[0], (N, D_IN), dtype=jnp.float32)
    edge_index = jax.random.randint(ks[1], (2, E), 0, N)
    conv_w = _xavier(ks[2], (D_OUT, D_IN))
    conv_b = jnp.zeros((1, D_OUT), jnp.float32)
    lin_res_w = _xavier(ks[3], (D_OUT, D_IN))
    lin_res_b = jnp.zeros((D_OUT,), jnp.float32)
    bn_w = jnp.ones((D_OUT,), jnp.float32)
    bn_b = jnp.zeros((D_OUT,), jnp.float32)
    return {"x": x, "edge_index": edge_index, "conv_w": conv_w, "conv_b": conv_b,
            "lin_res_w": lin_res_w, "lin_res_b": lin_res_b, "bn_w": bn_w, "bn_b": bn_b}

def reference(x, edge_index, conv_w, conv_b, lin_res_w, lin_res_b, bn_w, bn_b):
    # residual branch (computed but unused since enable_res=False)
    x_res = x @ lin_res_w.T + lin_res_b
    # GCConv: linear projection
    h = x @ conv_w.T
    row, col = edge_index[0], edge_index[1]
    # symmetric degree normalization (degree of dst column, as in torch_geometric degree(col, N))
    deg = jnp.zeros((N,), jnp.float32).at[col].add(1.0)
    deg_inv_sqrt = jnp.where(deg > 0, 1.0 / jnp.sqrt(jnp.maximum(deg, 1e-12)), 0.0)
    edge_weight = deg_inv_sqrt[row] * deg_inv_sqrt[col]
    # message: x_j * w + bias, gathered from source nodes (row)
    msg = h[row] * edge_weight[:, None] + conv_b
    # mean aggregation by destination (col)
    sums = jnp.zeros((N, D_OUT), jnp.float32).at[col].add(msg)
    cnt = jnp.zeros((N,), jnp.float32).at[col].add(1.0)
    out = sums / jnp.clip(cnt, 1.0)[:, None]
    # BatchNorm1d (training-mode batch statistics, biased var)
    mean = out.mean(axis=0)
    var = out.var(axis=0)
    out = (out - mean) / jnp.sqrt(var + EPS) * bn_w + bn_b
    # LIF neuron (spikingjelly single-step): v starts at 0, v_reset=0, tau=2
    v = out / TAU
    spike = (v >= V_TH).astype(jnp.float32)
    return spike

if __name__ == "__main__":
    import jax
    _d = setup_inputs()
    print(jax.jit(kernel)(*tuple(_d.values())))

</pallas_src>

<mosaic_0001>
#map = affine_map<(d0, d1) -> (0, 0)>
module attributes {stable_mosaic.version = 14 : i64} {
  func.func @_deg_kernel(%arg0: i32, %arg1: i32, %arg2: memref<2x320000xi32, #tpu.memory_space<hbm>>, %arg3: memref<2x128xi32, #tpu.memory_space<hbm>>, %arg4: memref<2x10240xf32, #tpu.memory_space<hbm>>, %arg5: memref<4x128xi32, #tpu.memory_space<vmem>>, %arg6: memref<128xf32, #tpu.memory_space<vmem>>, %arg7: memref<640xf32, #tpu.memory_space<vmem>>, %arg8: memref<10240xf32, #tpu.memory_space<vmem_shared>>, %arg9: memref<!tpu.dma_semaphore, #tpu.memory_space<semaphore_mem>>, %arg10: memref<!tpu.dma_semaphore, #tpu.memory_space<semaphore_mem>>, %arg11: memref<!tpu.dma_semaphore, #tpu.memory_space<semaphore_mem>>, %arg12: memref<!tpu.dma_semaphore, #tpu.memory_space<semaphore_mem>>, %arg13: memref<!tpu.dma_semaphore, #tpu.memory_space<semaphore_mem>>, %arg14: memref<!tpu.dma_semaphore, #tpu.memory_space<semaphore_mem>>, %arg15: memref<!tpu.dma_semaphore, #tpu.memory_space<semaphore_mem>>, %arg16: memref<!tpu.dma_semaphore, #tpu.memory_space<semaphore_mem>>) attributes {dimension_semantics = [#tpu.dimension_semantics<core_parallel>, #tpu.dimension_semantics<subcore_parallel>], iteration_bounds = array<i64: 2, 16>, scalar_prefetch = 0 : i64, scratch_operands = 12 : i64, tpu.core_type = #tpu.core_type<sc_vector_subcore>, window_params = [{transform_indices = #map}, {transform_indices = #map}, {transform_indices = #map}]} {
    %mul3A = arith.constant 2 : i32
    %mul3A_0 = arith.muli %arg1, %mul3A : i32
    %add3A = arith.addi %mul3A_0, %arg0 : i32
    %broadcast_in_dim3A = arith.constant 0.000000e+00 : f32
    %broadcast_in_dim3A_1 = vector.broadcast %broadcast_in_dim3A : f32 to vector<16xf32>
    %scan3A = arith.constant 0 : i32
    %scan3A_2 = arith.constant 0 : i32
    %scan3A_3 = arith.constant 40 : i32
    %scan3A_4 = arith.addi %scan3A_2, %scan3A_3 : i32
    %scan3A_5 = arith.constant 1 : i32
    %scan3A_6 = scf.for %scan3A_253 = %scan3A_2 to %scan3A_4 step %scan3A_5 iter_args(%scan3A_254 = %scan3A) -> (i32)  : i32 {
      %mul3A_255 = arith.constant 16 : i32
      %mul3A_256 = arith.muli %scan3A_253, %mul3A_255 : i32
      %swap3A_257 = arith.index_cast %mul3A_256 : i32 to index
      %swap3A_258 = tpu.vector_load %arg7[%swap3A_257] {strides = array<i32>} : memref<640xf32, #tpu.memory_space<vmem>>, vector<16xf32>,
      %swap3A_259 = vector.shape_cast %swap3A_258 : vector<16xf32> to vector<16xf32>
      %swap3A_260 = vector.shape_cast %broadcast_in_dim3A_1 : vector<16xf32> to vector<16xf32>
      tpu.vector_store %arg7[%swap3A_257], %swap3A_260 {strides = array<i32>} : memref<640xf32, #tpu.memory_space<vmem>>, vector<16xf32>,
      %scan3A_261 = arith.constant 0 : i32
      scf.yield %scan3A_261 : i32
    }
    %scan3A_7 = arith.constant 40 : i32
    %broadcast_in_dim3A_8 = arith.constant 1.000000e+00 : f32
    %broadcast_in_dim3A_9 = vector.broadcast %broadcast_in_dim3A_8 : f32 to vector<16xf32>
    %swap3A = arith.constant 0 : index
    %swap3A_10 = tpu.vector_load %arg6[%swap3A] {strides = array<i32>} : memref<128xf32, #tpu.memory_space<vmem>>, vector<16xf32>,
    %swap3A_11 = vector.shape_cast %swap3A_10 : vector<16xf32> to vector<16xf32>
    %swap3A_12 = vector.shape_cast %broadcast_in_dim3A_9 : vector<16xf32> to vector<16xf32>
    tpu.vector_store %arg6[%swap3A], %swap3A_12 {strides = array<i32>} : memref<128xf32, #tpu.memory_space<vmem>>, vector<16xf32>,
    %swap3A_13 = arith.constant 16 : index
    %swap3A_14 = tpu.vector_load %arg6[%swap3A_13] {strides = array<i32>} : memref<128xf32, #tpu.memory_space<vmem>>, vector<16xf32>,
    %swap3A_15 = vector.shape_cast %swap3A_14 : vector<16xf32> to vector<16xf32>
    %swap3A_16 = vector.shape_cast %broadcast_in_dim3A_9 : vector<16xf32> to vector<16xf32>
    tpu.vector_store %arg6[%swap3A_13], %swap3A_16 {strides = array<i32>} : memref<128xf32, #tpu.memory_space<vmem>>, vector<16xf32>,
    %swap3A_17 = arith.constant 32 : index
    %swap3A_18 = tpu.vector_load %arg6[%swap3A_17] {strides = array<i32>} : memref<128xf32, #tpu.memory_space<vmem>>, vector<16xf32>,
    %swap3A_19 = vector.shape_cast %swap3A_18 : vector<16xf32> to vector<16xf32>
    %swap3A_20 = vector.shape_cast %broadcast_in_dim3A_9 : vector<16xf32> to vector<16xf32>
    tpu.vector_store %arg6[%swap3A_17], %swap3A_20 {strides = array<i32>} : memref<128xf32, #tpu.memory_space<vmem>>, vector<16xf32>,
    %swap3A_21 = arith.constant 48 : index
    %swap3A_22 = tpu.vector_load %arg6[%swap3A_21] {strides = array<i32>} : memref<128xf32, #tpu.memory_space<vmem>>, vector<16xf32>,
    %swap3A_23 = vector.shape_cast %swap3A_22 : vector<16xf32> to vector<16xf32>
    %swap3A_24 = vector.shape_cast %broadcast_in_dim3A_9 : vector<16xf32> to vector<16xf32>
    tpu.vector_store %arg6[%swap3A_21], %swap3A_24 {strides = array<i32>} : memref<128xf32, #tpu.memory_space<vmem>>, vector<16xf32>,
    %swap3A_25 = arith.constant 64 : index
    %swap3A_26 = tpu.vector_load %arg6[%swap3A_25] {strides = array<i32>} : memref<128xf32, #tpu.memory_space<vmem>>, vector<16xf32>,
    %swap3A_27 = vector.shape_cast %swap3A_26 : vector<16xf32> to vector<16xf32>
    %swap3A_28 = vector.shape_cast %broadcast_in_dim3A_9 : vector<16xf32> to vector<16xf32>
    tpu.vector_store %arg6[%swap3A_25], %swap3A_28 {strides = array<i32>} : memref<128xf32, #tpu.memory_space<vmem>>, vector<16xf32>,
    %swap3A_29 = arith.constant 80 : index
    %swap3A_30 = tpu.vector_load %arg6[%swap3A_29] {strides = array<i32>} : memref<128xf32, #tpu.memory_space<vmem>>, vector<16xf32>,
    %swap3A_31 = vector.shape_cast %swap3A_30 : vector<16xf32> to vector<16xf32>
    %swap3A_32 = vector.shape_cast %broadcast_in_dim3A_9 : vector<16xf32> to vector<16xf32>
    tpu.vector_store %arg6[%swap3A_29], %swap3A_32 {strides = array<i32>} : memref<128xf32, #tpu.memory_space<vmem>>, vector<16xf32>,
    %swap3A_33 = arith.constant 96 : index
    %swap3A_34 = tpu.vector_load %arg6[%swap3A_33] {strides = array<i32>} : memref<128xf32, #tpu.memory_space<vmem>>, vector<16xf32>,
    %swap3A_35 = vector.shape_cast %swap3A_34 : vector<16xf32> to vector<16xf32>
    %swap3A_36 = vector.shape_cast %broadcast_in_dim3A_9 : vector<16xf32> to vector<16xf32>
    tpu.vector_store %arg6[%swap3A_33], %swap3A_36 {strides = array<i32>} : memref<128xf32, #tpu.memory_space<vmem>>, vector<16xf32>,
    %swap3A_37 = arith.constant 112 : index
    %swap3A_38 = tpu.vector_load %arg6[%swap3A_37] {strides = array<i32>} : memref<128xf32, #tpu.memory_space<vmem>>, vector<16xf32>,
    %swap3A_39 = vector.shape_cast %swap3A_38 : vector<16xf32> to vector<16xf32>
    %swap3A_40 = vector.shape_cast %broadcast_in_dim3A_9 : vector<16xf32> to vector<16xf32>
    tpu.vector_store %arg6[%swap3A_37], %swap3A_40 {strides = array<i32>} : memref<128xf32, #tpu.memory_space<vmem>>, vector<16xf32>,
    %mul3A_41 = arith.constant 640 : i32
    %mul3A_42 = arith.muli %arg1, %mul3A_41 : i32
    "tpu.region"() ({
      %run_scoped3A = tpu.sem_alloc : memref<!tpu.dma_semaphore, #tpu.memory_space<semaphore_mem>>
      %dma_start3A_253 = tpu.memref_slice %arg8[%mul3A_42] : memref<10240xf32, #tpu.memory_space<vmem_shared>> -> memref<640xf32, #tpu.memory_space<vmem_shared>>
      %dma_start3A_254 = tpu.memref_slice %arg8[%mul3A_42] : memref<10240xf32, #tpu.memory_space<vmem_shared>> -> memref<640xf32, #tpu.memory_space<vmem_shared>>
      tpu.enqueue_dma source(%arg7 : memref<640xf32, #tpu.memory_space<vmem>>) target(%dma_start3A_254 : memref<640xf32, #tpu.memory_space<vmem_shared>>) target_semaphore(%run_scoped3A : memref<!tpu.dma_semaphore, #tpu.memory_space<semaphore_mem>>)
      %dma_wait3A_255 = tpu.memref_slice %arg8[%mul3A_42] : memref<10240xf32, #tpu.memory_space<vmem_shared>> -> memref<640xf32, #tpu.memory_space<vmem_shared>>
      %dma_wait3A_256 = tpu.memref_slice %arg8[%mul3A_42] : memref<10240xf32, #tpu.memory_space<vmem_shared>> -> memref<640xf32, #tpu.memory_space<vmem_shared>>
      tpu.wait_dma2 semaphore(%run_scoped3A : memref<!tpu.dma_semaphore, #tpu.memory_space<semaphore_mem>>) src(%arg7 : memref<640xf32, #tpu.memory_space<vmem>>) dst(%dma_wait3A_256 : memref<640xf32, #tpu.memory_space<vmem_shared>>)
      tpu.yield
    }) : () -> ()
    %barrier3A = arith.constant 0 : index
    tpu.barrier barrier_id(%barrier3A)
    %add3A_43 = arith.constant 0 : i32
    %add3A_44 = arith.addi %add3A, %add3A_43 : i32
    %lt3A = arith.constant 2500 : i32
    %lt3A_45 = arith.cmpi slt, %add3A_44, %lt3A : i32
    %convert_element_type3A = arith.extui %lt3A_45 : i1 to i32
    %cond3A = arith.constant 0 : i32
    %cond3A_46 = arith.cmpi ne, %convert_element_type3A, %cond3A : i32
    scf.if %cond3A_46 {
      %mul3A_253 = arith.constant 128 : i32
      %mul3A_254 = arith.muli %add3A_44, %mul3A_253 : i32
      %dma_start3A_255 = arith.constant 1 : i32
      %dma_start3A_256 = arith.constant 0 : i32
      %dma_start3A_257 = arith.constant 0 : i32
      %dma_start3A_258 = tpu.memref_slice %arg5[%dma_start3A_256, %dma_start3A_257] : memref<4x128xi32, #tpu.memory_space<vmem>> -> memref<1x128xi32, #tpu.memory_space<vmem>>
      %dma_start3A_259 = tpu.memref_squeeze %dma_start3A_258 : memref<1x128xi32, #tpu.memory_space<vmem>> -> memref<128xi32, #tpu.memory_space<vmem>>
      %dma_start3A_260 = tpu.memref_slice %arg2[%dma_start3A_255, %mul3A_254] : memref<2x320000xi32, #tpu.memory_space<hbm>> -> memref<1x128xi32, #tpu.memory_space<hbm>>
      %dma_start3A_261 = tpu.memref_squeeze %dma_start3A_260 : memref<1x128xi32, #tpu.memory_space<hbm>> -> memref<128xi32, #tpu.memory_space<hbm>>
      %dma_start3A_262 = arith.constant 0 : i32
      %dma_start3A_263 = tpu.memref_slice %arg5[%dma_start3A_256, %dma_start3A_262] : memref<4x128xi32, #tpu.memory_space<vmem>> -> memref<1x128xi32, #tpu.memory_space<vmem>>
      %dma_start3A_264 = tpu.memref_squeeze %dma_start3A_263 : memref<1x128xi32, #tpu.memory_space<vmem>> -> memref<128xi32, #tpu.memory_space<vmem>>
      %dma_start3A_265 = tpu.memref_slice %arg2[%dma_start3A_255, %mul3A_254] : memref<2x320000xi32, #tpu.memory_space<hbm>> -> memref<1x128xi32, #tpu.memory_space<hbm>>
      %dma_start3A_266 = tpu.memref_squeeze %dma_start3A_265 : memref<1x128xi32, #tpu.memory_space<hbm>> -> memref<128xi32, #tpu.memory_space<hbm>>
      tpu.enqueue_dma source(%dma_start3A_266 : memref<128xi32, #tpu.memory_space<hbm>>) target(%dma_start3A_264 : memref<128xi32, #tpu.memory_space<vmem>>) target_semaphore(%arg9 : memref<!tpu.dma_semaphore, #tpu.memory_space<semaphore_mem>>)
    } else {
    }
    %ge3A = arith.constant 2500 : i32
    %ge3A_47 = arith.cmpi sge, %add3A_44, %ge3A : i32
    %convert_element_type3A_48 = arith.extui %ge3A_47 : i1 to i32
    %cond3A_49 = arith.constant 0 : i32
    %cond3A_50 = arith.cmpi ne, %convert_element_type3A_48, %cond3A_49 : i32
    scf.if %cond3A_50 {
      %dma_start3A_253 = arith.constant 1 : i32
      %dma_start3A_254 = arith.constant 0 : i32
      %dma_start3A_255 = arith.constant 0 : i32
      %dma_start3A_256 = tpu.memref_slice %arg5[%dma_start3A_254, %dma_start3A_255] : memref<4x128xi32, #tpu.memory_space<vmem>> -> memref<1x128xi32, #tpu.memory_space<vmem>>
      %dma_start3A_257 = tpu.memref_squeeze %dma_start3A_256 : memref<1x128xi32, #tpu.memory_space<vmem>> -> memref<128xi32, #tpu.memory_space<vmem>>
      %dma_start3A_258 = arith.constant 0 : i32
      %dma_start3A_259 = tpu.memref_slice %arg3[%dma_start3A_253, %dma_start3A_258] : memref<2x128xi32, #tpu.memory_space<hbm>> -> memref<1x128xi32, #tpu.memory_space<hbm>>
      %dma_start3A_260 = tpu.memref_squeeze %dma_start3A_259 : memref<1x128xi32, #tpu.memory_space<hbm>> -> memref<128xi32, #tpu.memory_space<hbm>>
      %dma_start3A_261 = arith.constant 0 : i32
      %dma_start3A_262 = tpu.memref_slice %arg5[%dma_start3A_254, %dma_start3A_261] : memref<4x128xi32, #tpu.memory_space<vmem>> -> memref<1x128xi32, #tpu.memory_space<vmem>>
      %dma_start3A_263 = tpu.memref_squeeze %dma_start3A_262 : memref<1x128xi32, #tpu.memory_space<vmem>> -> memref<128xi32, #tpu.memory_space<vmem>>
      %dma_start3A_264 = arith.constant 0 : i32
      %dma_start3A_265 = tpu.memref_slice %arg3[%dma_start3A_253, %dma_start3A_264] : memref<2x128xi32, #tpu.memory_space<hbm>> -> memref<1x128xi32, #tpu.memory_space<hbm>>
      %dma_start3A_266 = tpu.memref_squeeze %dma_start3A_265 : memref<1x128xi32, #tpu.memory_space<hbm>> -> memref<128xi32, #tpu.memory_space<hbm>>
      tpu.enqueue_dma source(%dma_start3A_266 : memref<128xi32, #tpu.memory_space<hbm>>) target(%dma_start3A_263 : memref<128xi32, #tpu.memory_space<vmem>>) target_semaphore(%arg9 : memref<!tpu.dma_semaphore, #tpu.memory_space<semaphore_mem>>)
    } else {
    }
    %add3A_51 = arith.constant 32 : i32
    %add3A_52 = arith.addi %add3A, %add3A_51 : i32
    %lt3A_53 = arith.constant 2500 : i32
    %lt3A_54 = arith.cmpi slt, %add3A_52, %lt3A_53 : i32
    %convert_element_type3A_55 = arith.extui %lt3A_54 : i1 to i32
    %cond3A_56 = arith.constant 0 : i32
    %cond3A_57 = arith.cmpi ne, %convert_element_type3A_55, %cond3A_56 : i32
    scf.if %cond3A_57 {
      %mul3A_253 = arith.constant 128 : i32
      %mul3A_254 = arith.muli %add3A_52, %mul3A_253 : i32
      %dma_start3A_255 = arith.constant 1 : i32
      %dma_start3A_256 = arith.constant 1 : i32
      %dma_start3A_257 = arith.constant 0 : i32
      %dma_start3A_258 = tpu.memref_slice %arg5[%dma_start3A_256, %dma_start3A_257] : memref<4x128xi32, #tpu.memory_space<vmem>> -> memref<1x128xi32, #tpu.memory_space<vmem>>
      %dma_start3A_259 = tpu.memref_squeeze %dma_start3A_258 : memref<1x128xi32, #tpu.memory_space<vmem>> -> memref<128xi32, #tpu.memory_space<vmem>>
      %dma_start3A_260 = tpu.memref_slice %arg2[%dma_start3A_255, %mul3A_254] : memref<2x320000xi32, #tpu.memory_space<hbm>> -> memref<1x128xi32, #tpu.memory_space<hbm>>
      %dma_start3A_261 = tpu.memref_squeeze %dma_start3A_260 : memref<1x128xi32, #tpu.memory_space<hbm>> -> memref<128xi32, #tpu.memory_space<hbm>>
      %dma_start3A_262 = arith.constant 0 : i32
      %dma_start3A_263 = tpu.memref_slice %arg5[%dma_start3A_256, %dma_start3A_262] : memref<4x128xi32, #tpu.memory_space<vmem>> -> memref<1x128xi32, #tpu.memory_space<vmem>>
      %dma_start3A_264 = tpu.memref_squeeze %dma_start3A_263 : memref<1x128xi32, #tpu.memory_space<vmem>> -> memref<128xi32, #tpu.memory_space<vmem>>
      %dma_start3A_265 = tpu.memref_slice %arg2[%dma_start3A_255, %mul3A_254] : memref<2x320000xi32, #tpu.memory_space<hbm>> -> memref<1x128xi32, #tpu.memory_space<hbm>>
      %dma_start3A_266 = tpu.memref_squeeze %dma_start3A_265 : memref<1x128xi32, #tpu.memory_space<hbm>> -> memref<128xi32, #tpu.memory_space<hbm>>
      tpu.enqueue_dma source(%dma_start3A_266 : memref<128xi32, #tpu.memory_space<hbm>>) target(%dma_start3A_264 : memref<128xi32, #tpu.memory_space<vmem>>) target_semaphore(%arg10 : memref<!tpu.dma_semaphore, #tpu.memory_space<semaphore_mem>>)
    } else {
    }
    %ge3A_58 = arith.constant 2500 : i32
    %ge3A_59 = arith.cmpi sge, %add3A_52, %ge3A_58 : i32
    %convert_element_type3A_60 = arith.extui %ge3A_59 : i1 to i32
    %cond3A_61 = arith.constant 0 : i32
    %cond3A_62 = arith.cmpi ne, %convert_element_type3A_60, %cond3A_61 : i32
    scf.if %cond3A_62 {
      %dma_start3A_253 = arith.constant 1 : i32
      %dma_start3A_254 = arith.constant 1 : i32
      %dma_start3A_255 = arith.constant 0 : i32
      %dma_start3A_256 = tpu.memref_slice %arg5[%dma_start3A_254, %dma_start3A_255] : memref<4x128xi32, #tpu.memory_space<vmem>> -> memref<1x128xi32, #tpu.memory_space<vmem>>
      %dma_start3A_257 = tpu.memref_squeeze %dma_start3A_256 : memref<1x128xi32, #tpu.memory_space<vmem>> -> memref<128xi32, #tpu.memory_space<vmem>>
      %dma_start3A_258 = arith.constant 0 : i32
      %dma_start3A_259 = tpu.memref_slice %arg3[%dma_start3A_253, %dma_start3A_258] : memref<2x128xi32, #tpu.memory_space<hbm>> -> memref<1x128xi32, #tpu.memory_space<hbm>>
      %dma_start3A_260 = tpu.memref_squeeze %dma_start3A_259 : memref<1x128xi32, #tpu.memory_space<hbm>> -> memref<128xi32, #tpu.memory_space<hbm>>
      %dma_start3A_261 = arith.constant 0 : i32
      %dma_start3A_262 = tpu.memref_slice %arg5[%dma_start3A_254, %dma_start3A_261] : memref<4x128xi32, #tpu.memory_space<vmem>> -> memref<1x128xi32, #tpu.memory_space<vmem>>
      %dma_start3A_263 = tpu.memref_squeeze %dma_start3A_262 : memref<1x128xi32, #tpu.memory_space<vmem>> -> memref<128xi32, #tpu.memory_space<vmem>>
      %dma_start3A_264 = arith.constant 0 : i32
      %dma_start3A_265 = tpu.memref_slice %arg3[%dma_start3A_253, %dma_start3A_264] : memref<2x128xi32, #tpu.memory_space<hbm>> -> memref<1x128xi32, #tpu.memory_space<hbm>>
      %dma_start3A_266 = tpu.memref_squeeze %dma_start3A_265 : memref<1x128xi32, #tpu.memory_space<hbm>> -> memref<128xi32, #tpu.memory_space<hbm>>
      tpu.enqueue_dma source(%dma_start3A_266 : memref<128xi32, #tpu.memory_space<hbm>>) target(%dma_start3A_263 : memref<128xi32, #tpu.memory_space<vmem>>) target_semaphore(%arg10 : memref<!tpu.dma_semaphore, #tpu.memory_space<semaphore_mem>>)
    } else {
    }
    %dma_wait3A = arith.constant 1 : i32
    %dma_wait3A_63 = arith.constant 0 : i32
    %dma_wait3A_64 = arith.constant 0 : i32
    %dma_wait3A_65 = tpu.memref_slice %arg5[%dma_wait3A_63, %dma_wait3A_64] : memref<4x128xi32, #tpu.memory_space<vmem>> -> memref<1x128xi32, #tpu.memory_space<vmem>>
    %dma_wait3A_66 = tpu.memref_squeeze %dma_wait3A_65 : memref<1x128xi32, #tpu.memory_space<vmem>> -> memref<128xi32, #tpu.memory_space<vmem>>
    %dma_wait3A_67 = arith.constant 0 : i32
    %dma_wait3A_68 = tpu.memref_slice %arg3[%dma_wait3A, %dma_wait3A_67] : memref<2x128xi32, #tpu.memory_space<hbm>> -> memref<1x128xi32, #tpu.memory_space<hbm>>
    %dma_wait3A_69 = tpu.memref_squeeze %dma_wait3A_68 : memref<1x128xi32, #tpu.memory_space<hbm>> -> memref<128xi32, #tpu.memory_space<hbm>>
    %dma_wait3A_70 = arith.constant 0 : i32
    %dma_wait3A_71 = tpu.memref_slice %arg5[%dma_wait3A_63, %dma_wait3A_70] : memref<4x128xi32, #tpu.memory_space<vmem>> -> memref<1x128xi32, #tpu.memory_space<vmem>>
    %dma_wait3A_72 = tpu.memref_squeeze %dma_wait3A_71 : memref<1x128xi32, #tpu.memory_space<vmem>> -> memref<128xi32, #tpu.memory_space<vmem>>
    %dma_wait3A_73 = arith.constant 0 : i32
    %dma_wait3A_74 = tpu.memref_slice %arg3[%dma_wait3A, %dma_wait3A_73] : memref<2x128xi32, #tpu.memory_space<hbm>> -> memref<1x128xi32, #tpu.memory_space<hbm>>
    %dma_wait3A_75 = tpu.memref_squeeze %dma_wait3A_74 : memref<1x128xi32, #tpu.memory_space<hbm>> -> memref<128xi32, #tpu.memory_space<hbm>>
    tpu.wait_dma2 semaphore(%arg9 : memref<!tpu.dma_semaphore, #tpu.memory_space<semaphore_mem>>) src(%dma_wait3A_75 : memref<128xi32, #tpu.memory_space<hbm>>) dst(%dma_wait3A_72 : memref<128xi32, #tpu.memory_space<vmem>>)
    %dma_start3A = arith.constant 0 : i32
    %dma_start3A_76 = arith.constant 0 : i32
    %dma_start3A_77 = tpu.memref_slice %arg5[%dma_start3A, %dma_start3A_76] : memref<4x128xi32, #tpu.memory_space<vmem>> -> memref<1x128xi32, #tpu.memory_space<vmem>>
    %dma_start3A_78 = tpu.memref_squeeze %dma_start3A_77 : memref<1x128xi32, #tpu.memory_space<vmem>> -> memref<128xi32, #tpu.memory_space<vmem>>
    %dma_start3A_79 = arith.constant 0 : i32
    %dma_start3A_80 = tpu.memref_slice %arg8[%dma_start3A_79] : memref<10240xf32, #tpu.memory_space<vmem_shared>> -> memref<10240xf32, #tpu.memory_space<vmem_shared>>
    tpu.enqueue_indirect_dma source(%arg6 : memref<128xf32, #tpu.memory_space<vmem>>) target(%dma_start3A_80 : memref<10240xf32, #tpu.memory_space<vmem_shared>>) offsets(%dma_start3A_78 : memref<128xi32, #tpu.memory_space<vmem>>) semaphore(%arg13 : memref<!tpu.dma_semaphore, #tpu.memory_space<semaphore_mem>>) {add = true}
    %add3A_81 = arith.constant 64 : i32
    %add3A_82 = arith.addi %add3A, %add3A_81 : i32
    %lt3A_83 = arith.constant 2500 : i32
    %lt3A_84 = arith.cmpi slt, %add3A_82, %lt3A_83 : i32
    %convert_element_type3A_85 = arith.extui %lt3A_84 : i1 to i32
    %cond3A_86 = arith.constant 0 : i32
    %cond3A_87 = arith.cmpi ne, %convert_element_type3A_85, %cond3A_86 : i32
    scf.if %cond3A_87 {
      %mul3A_253 = arith.constant 128 : i32
      %mul3A_254 = arith.muli %add3A_82, %mul3A_253 : i32
      %dma_start3A_255 = arith.constant 1 : i32
      %dma_start3A_256 = arith.constant 2 : i32
      %dma_start3A_257 = arith.constant 0 : i32
      %dma_start3A_258 = tpu.memref_slice %arg5[%dma_start3A_256, %dma_start3A_257] : memref<4x128xi32, #tpu.memory_space<vmem>> -> memref<1x128xi32, #tpu.memory_space<vmem>>
      %dma_start3A_259 = tpu.memref_squeeze %dma_start3A_258 : memref<1x128xi32, #tpu.memory_space<vmem>> -> memref<128xi32, #tpu.memory_space<vmem>>
      %dma_start3A_260 = tpu.memref_slice %arg2[%dma_start3A_255, %mul3A_254] : memref<2x320000xi32, #tpu.memory_space<hbm>> -> memref<1x128xi32, #tpu.memory_space<hbm>>
      %dma_start3A_261 = tpu.memref_squeeze %dma_start3A_260 : memref<1x128xi32, #tpu.memory_space<hbm>> -> memref<128xi32, #tpu.memory_space<hbm>>
      %dma_start3A_262 = arith.constant 0 : i32
      %dma_start3A_263 = tpu.memref_slice %arg5[%dma_start3A_256, %dma_start3A_262] : memref<4x128xi32, #tpu.memory_space<vmem>> -> memref<1x128xi32, #tpu.memory_space<vmem>>
      %dma_start3A_264 = tpu.memref_squeeze %dma_start3A_263 : memref<1x128xi32, #tpu.memory_space<vmem>> -> memref<128xi32, #tpu.memory_space<vmem>>
      %dma_start3A_265 = tpu.memref_slice %arg2[%dma_start3A_255, %mul3A_254] : memref<2x320000xi32, #tpu.memory_space<hbm>> -> memref<1x128xi32, #tpu.memory_space<hbm>>
      %dma_start3A_266 = tpu.memref_squeeze %dma_start3A_265 : memref<1x128xi32, #tpu.memory_space<hbm>> -> memref<128xi32, #tpu.memory_space<hbm>>
      tpu.enqueue_dma source(%dma_start3A_266 : memref<128xi32, #tpu.memory_space<hbm>>) target(%dma_start3A_264 : memref<128xi32, #tpu.memory_space<vmem>>) target_semaphore(%arg11 : memref<!tpu.dma_semaphore, #tpu.memory_space<semaphore_mem>>)
    } else {
    }
    %ge3A_88 = arith.constant 2500 : i32
    %ge3A_89 = arith.cmpi sge, %add3A_82, %ge3A_88 : i32
    %convert_element_type3A_90 = arith.extui %ge3A_89 : i1 to i32
    %cond3A_91 = arith.constant 0 : i32
    %cond3A_92 = arith.cmpi ne, %convert_element_type3A_90, %cond3A_91 : i32
    scf.if %cond3A_92 {
      %dma_start3A_253 = arith.constant 1 : i32
      %dma_start3A_254 = arith.constant 2 : i32
      %dma_start3A_255 = arith.constant 0 : i32
      %dma_start3A_256 = tpu.memref_slice %arg5[%dma_start3A_254, %dma_start3A_255] : memref<4x128xi32, #tpu.memory_space<vmem>> -> memref<1x128xi32, #tpu.memory_space<vmem>>
      %dma_start3A_257 = tpu.memref_squeeze %dma_start3A_256 : memref<1x128xi32, #tpu.memory_space<vmem>> -> memref<128xi32, #tpu.memory_space<vmem>>
      %dma_start3A_258 = arith.constant 0 : i32
      %dma_start3A_259 = tpu.memref_slice %arg3[%dma_start3A_253, %dma_start3A_258] : memref<2x128xi32, #tpu.memory_space<hbm>> -> memref<1x128xi32, #tpu.memory_space<hbm>>
      %dma_start3A_260 = tpu.memref_squeeze %dma_start3A_259 : memref<1x128xi32, #tpu.memory_space<hbm>> -> memref<128xi32, #tpu.memory_space<hbm>>
      %dma_start3A_261 = arith.constant 0 : i32
      %dma_start3A_262 = tpu.memref_slice %arg5[%dma_start3A_254, %dma_start3A_261] : memref<4x128xi32, #tpu.memory_space<vmem>> -> memref<1x128xi32, #tpu.memory_space<vmem>>
      %dma_start3A_263 = tpu.memref_squeeze %dma_start3A_262 : memref<1x128xi32, #tpu.memory_space<vmem>> -> memref<128xi32, #tpu.memory_space<vmem>>
      %dma_start3A_264 = arith.constant 0 : i32
      %dma_start3A_265 = tpu.memref_slice %arg3[%dma_start3A_253, %dma_start3A_264] : memref<2x128xi32, #tpu.memory_space<hbm>> -> memref<1x128xi32, #tpu.memory_space<hbm>>
      %dma_start3A_266 = tpu.memref_squeeze %dma_start3A_265 : memref<1x128xi32, #tpu.memory_space<hbm>> -> memref<128xi32, #tpu.memory_space<hbm>>
      tpu.enqueue_dma source(%dma_start3A_266 : memref<128xi32, #tpu.memory_space<hbm>>) target(%dma_start3A_263 : memref<128xi32, #tpu.memory_space<vmem>>) target_semaphore(%arg11 : memref<!tpu.dma_semaphore, #tpu.memory_space<semaphore_mem>>)
    } else {
    }
    %dma_wait3A_93 = arith.constant 1 : i32
    %dma_wait3A_94 = arith.constant 1 : i32
    %dma_wait3A_95 = arith.constant 0 : i32
    %dma_wait3A_96 = tpu.memref_slice %arg5[%dma_wait3A_94, %dma_wait3A_95] : memref<4x128xi32, #tpu.memory_space<vmem>> -> memref<1x128xi32, #tpu.memory_space<vmem>>
    %dma_wait3A_97 = tpu.memref_squeeze %dma_wait3A_96 : memref<1x128xi32, #tpu.memory_space<vmem>> -> memref<128xi32, #tpu.memory_space<vmem>>
    %dma_wait3A_98 = arith.constant 0 : i32
    %dma_wait3A_99 = tpu.memref_slice %arg3[%dma_wait3A_93, %dma_wait3A_98] : memref<2x128xi32, #tpu.memory_space<hbm>> -> memref<1x128xi32, #tpu.memory_space<hbm>>
    %dma_wait3A_100 = tpu.memref_squeeze %dma_wait3A_99 : memref<1x128xi32, #tpu.memory_space<hbm>> -> memref<128xi32, #tpu.memory_space<hbm>>
    %dma_wait3A_101 = arith.constant 0 : i32
    %dma_wait3A_102 = tpu.memref_slice %arg5[%dma_wait3A_94, %dma_wait3A_101] : memref<4x128xi32, #tpu.memory_space<vmem>> -> memref<1x128xi32, #tpu.memory_space<vmem>>
    %dma_wait3A_103 = tpu.memref_squeeze %dma_wait3A_102 : memref<1x128xi32, #tpu.memory_space<vmem>> -> memref<128xi32, #tpu.memory_space<vmem>>
    %dma_wait3A_104 = arith.constant 0 : i32
    %dma_wait3A_105 = tpu.memref_slice %arg3[%dma_wait3A_93, %dma_wait3A_104] : memref<2x128xi32, #tpu.memory_space<hbm>> -> memref<1x128xi32, #tpu.memory_space<hbm>>
    %dma_wait3A_106 = tpu.memref_squeeze %dma_wait3A_105 : memref<1x128xi32, #tpu.memory_space<hbm>> -> memref<128xi32, #tpu.memory_space<hbm>>
    tpu.wait_dma2 semaphore(%arg10 : memref<!tpu.dma_semaphore, #tpu.memory_space<semaphore_mem>>) src(%dma_wait3A_106 : memref<128xi32, #tpu.memory_space<hbm>>) dst(%dma_wait3A_103 : memref<128xi32, #tpu.memory_space<vmem>>)
    %dma_start3A_107 = arith.constant 1 : i32
    %dma_start3A_108 = arith.constant 0 : i32
    %dma_start3A_109 = tpu.memref_slice %arg5[%dma_start3A_107, %dma_start3A_108] : memref<4x128xi32, #tpu.memory_space<vmem>> -> memref<1x128xi32, #tpu.memory_space<vmem>>
    %dma_start3A_110 = tpu.memref_squeeze %dma_start3A_109 : memref<1x128xi32, #tpu.memory_space<vmem>> -> memref<128xi32, #tpu.memory_space<vmem>>
    %dma_start3A_111 = arith.constant 0 : i32
    %dma_start3A_112 = tpu.memref_slice %arg8[%dma_start3A_111] : memref<10240xf32, #tpu.memory_space<vmem_shared>> -> memref<10240xf32, #tpu.memory_space<vmem_shared>>
    tpu.enqueue_indirect_dma source(%arg6 : memref<128xf32, #tpu.memory_space<vmem>>) target(%dma_start3A_112 : memref<10240xf32, #tpu.memory_space<vmem_shared>>) offsets(%dma_start3A_110 : memref<128xi32, #tpu.memory_space<vmem>>) semaphore(%arg14 : memref<!tpu.dma_semaphore, #tpu.memory_space<semaphore_mem>>) {add = true}
    %add3A_113 = arith.constant 96 : i32
    %add3A_114 = arith.addi %add3A, %add3A_113 : i32
    %lt3A_115 = arith.constant 2500 : i32
    %lt3A_116 = arith.cmpi slt, %add3A_114, %lt3A_115 : i32
    %convert_element_type3A_117 = arith.extui %lt3A_116 : i1 to i32
    %cond3A_118 = arith.constant 0 : i32
    %cond3A_119 = arith.cmpi ne, %convert_element_type3A_117, %cond3A_118 : i32
    scf.if %cond3A_119 {
      %mul3A_253 = arith.constant 128 : i32
      %mul3A_254 = arith.muli %add3A_114, %mul3A_253 : i32
      %dma_start3A_255 = arith.constant 1 : i32
      %dma_start3A_256 = arith.constant 3 : i32
      %dma_start3A_257 = arith.constant 0 : i32
      %dma_start3A_258 = tpu.memref_slice %arg5[%dma_start3A_256, %dma_start3A_257] : memref<4x128xi32, #tpu.memory_space<vmem>> -> memref<1x128xi32, #tpu.memory_space<vmem>>
      %dma_start3A_259 = tpu.memref_squeeze %dma_start3A_258 : memref<1x128xi32, #tpu.memory_space<vmem>> -> memref<128xi32, #tpu.memory_space<vmem>>
      %dma_start3A_260 = tpu.memref_slice %arg2[%dma_start3A_255, %mul3A_254] : memref<2x320000xi32, #tpu.memory_space<hbm>> -> memref<1x128xi32, #tpu.memory_space<hbm>>
      %dma_start3A_261 = tpu.memref_squeeze %dma_start3A_260 : memref<1x128xi32, #tpu.memory_space<hbm>> -> memref<128xi32, #tpu.memory_space<hbm>>
      %dma_start3A_262 = arith.constant 0 : i32
      %dma_start3A_263 = tpu.memref_slice %arg5[%dma_start3A_256, %dma_start3A_262] : memref<4x128xi32, #tpu.memory_space<vmem>> -> memref<1x128xi32, #tpu.memory_space<vmem>>
      %dma_start3A_264 = tpu.memref_squeeze %dma_start3A_263 : memref<1x128xi32, #tpu.memory_space<vmem>> -> memref<128xi32, #tpu.memory_space<vmem>>
      %dma_start3A_265 = tpu.memref_slice %arg2[%dma_start3A_255, %mul3A_254] : memref<2x320000xi32, #tpu.memory_space<hbm>> -> memref<1x128xi32, #tpu.memory_space<hbm>>
      %dma_start3A_266 = tpu.memref_squeeze %dma_start3A_265 : memref<1x128xi32, #tpu.memory_space<hbm>> -> memref<128xi32, #tpu.memory_space<hbm>>
      tpu.enqueue_dma source(%dma_start3A_266 : memref<128xi32, #tpu.memory_space<hbm>>) target(%dma_start3A_264 : memref<128xi32, #tpu.memory_space<vmem>>) target_semaphore(%arg12 : memref<!tpu.dma_semaphore, #tpu.memory_space<semaphore_mem>>)
    } else {
    }
    %ge3A_120 = arith.constant 2500 : i32
    %ge3A_121 = arith.cmpi sge, %add3A_114, %ge3A_120 : i32
    %convert_element_type3A_122 = arith.extui %ge3A_121 : i1 to i32
    %cond3A_123 = arith.constant 0 : i32
    %cond3A_124 = arith.cmpi ne, %convert_element_type3A_122, %cond3A_123 : i32
    scf.if %cond3A_124 {
      %dma_start3A_253 = arith.constant 1 : i32
      %dma_start3A_254 = arith.constant 3 : i32
      %dma_start3A_255 = arith.constant 0 : i32
      %dma_start3A_256 = tpu.memref_slice %arg5[%dma_start3A_254, %dma_start3A_255] : memref<4x128xi32, #tpu.memory_space<vmem>> -> memref<1x128xi32, #tpu.memory_space<vmem>>
      %dma_start3A_257 = tpu.memref_squeeze %dma_start3A_256 : memref<1x128xi32, #tpu.memory_space<vmem>> -> memref<128xi32, #tpu.memory_space<vmem>>
      %dma_start3A_258 = arith.constant 0 : i32
      %dma_start3A_259 = tpu.memref_slice %arg3[%dma_start3A_253, %dma_start3A_258] : memref<2x128xi32, #tpu.memory_space<hbm>> -> memref<1x128xi32, #tpu.memory_space<hbm>>
      %dma_start3A_260 = tpu.memref_squeeze %dma_start3A_259 : memref<1x128xi32, #tpu.memory_space<hbm>> -> memref<128xi32, #tpu.memory_space<hbm>>
      %dma_start3A_261 = arith.constant 0 : i32
      %dma_start3A_262 = tpu.memref_slice %arg5[%dma_start3A_254, %dma_start3A_261] : memref<4x128xi32, #tpu.memory_space<vmem>> -> memref<1x128xi32, #tpu.memory_space<vmem>>
      %dma_start3A_263 = tpu.memref_squeeze %dma_start3A_262 : memref<1x128xi32, #tpu.memory_space<vmem>> -> memref<128xi32, #tpu.memory_space<vmem>>
      %dma_start3A_264 = arith.constant 0 : i32
      %dma_start3A_265 = tpu.memref_slice %arg3[%dma_start3A_253, %dma_start3A_264] : memref<2x128xi32, #tpu.memory_space<hbm>> -> memref<1x128xi32, #tpu.memory_space<hbm>>
      %dma_start3A_266 = tpu.memref_squeeze %dma_start3A_265 : memref<1x128xi32, #tpu.memory_space<hbm>> -> memref<128xi32, #tpu.memory_space<hbm>>
      tpu.enqueue_dma source(%dma_start3A_266 : memref<128xi32, #tpu.memory_space<hbm>>) target(%dma_start3A_263 : memref<128xi32, #tpu.memory_space<vmem>>) target_semaphore(%arg12 : memref<!tpu.dma_semaphore, #tpu.memory_space<semaphore_mem>>)
    } else {
    }
    %scan3A_125 = arith.constant 0 : i32
    %scan3A_126 = arith.constant 0 : i32
    %scan3A_127 = arith.constant 19 : i32
    %scan3A_128 = arith.addi %scan3A_126, %scan3A_127 : i32
    %scan3A_129 = arith.constant 1 : i32
    %scan3A_130 = scf.for %scan3A_253 = %scan3A_126 to %scan3A_128 step %scan3A_129 iter_args(%scan3A_254 = %scan3A_125) -> (i32)  : i32 {
      %mul3A_255 = arith.constant 4 : i32
      %mul3A_256 = arith.muli %scan3A_253, %mul3A_255 : i32
      %add3A_257 = arith.constant 2 : i32
      %add3A_258 = arith.addi %add3A_257, %mul3A_256 : i32
      %add3A_259 = arith.constant 0 : i32
      %add3A_260 = arith.addi %add3A_258, %add3A_259 : i32
      %dma_wait3A_261 = arith.constant 1 : i32
      %dma_wait3A_262 = arith.constant 2 : i32
      %dma_wait3A_263 = arith.constant 0 : i32
      %dma_wait3A_264 = tpu.memref_slice %arg5[%dma_wait3A_262, %dma_wait3A_263] : memref<4x128xi32, #tpu.memory_space<vmem>> -> memref<1x128xi32, #tpu.memory_space<vmem>>
      %dma_wait3A_265 = tpu.memref_squeeze %dma_wait3A_264 : memref<1x128xi32, #tpu.memory_space<vmem>> -> memref<128xi32, #tpu.memory_space<vmem>>
      %dma_wait3A_266 = arith.constant 0 : i32
      %dma_wait3A_267 = tpu.memref_slice %arg3[%dma_wait3A_261, %dma_wait3A_266] : memref<2x128xi32, #tpu.memory_space<hbm>> -> memref<1x128xi32, #tpu.memory_space<hbm>>
      %dma_wait3A_268 = tpu.memref_squeeze %dma_wait3A_267 : memref<1x128xi32, #tpu.memory_space<hbm>> -> memref<128xi32, #tpu.memory_space<hbm>>
      %dma_wait3A_269 = arith.constant 0 : i32
      %dma_wait3A_270 = tpu.memref_slice %arg5[%dma_wait3A_262, %dma_wait3A_269] : memref<4x128xi32, #tpu.memory_space<vmem>> -> memref<1x128xi32, #tpu.memory_space<vmem>>
      %dma_wait3A_271 = tpu.memref_squeeze %dma_wait3A_270 : memref<1x128xi32, #tpu.memory_space<vmem>> -> memref<128xi32, #tpu.memory_space<vmem>>
      %dma_wait3A_272 = arith.constant 0 : i32
      %dma_wait3A_273 = tpu.memref_slice %arg3[%dma_wait3A_261, %dma_wait3A_272] : memref<2x128xi32, #tpu.memory_space<hbm>> -> memref<1x128xi32, #tpu.memory_space<hbm>>
      %dma_wait3A_274 = tpu.memref_squeeze %dma_wait3A_273 : memref<1x128xi32, #tpu.memory_space<hbm>> -> memref<128xi32, #tpu.memory_space<hbm>>
      tpu.wait_dma2 semaphore(%arg11 : memref<!tpu.dma_semaphore, #tpu.memory_space<semaphore_mem>>) src(%dma_wait3A_274 : memref<128xi32, #tpu.memory_space<hbm>>) dst(%dma_wait3A_271 : memref<128xi32, #tpu.memory_space<vmem>>)
      %dma_start3A_275 = arith.constant 2 : i32
      %dma_start3A_276 = arith.constant 0 : i32
      %dma_start3A_277 = tpu.memref_slice %arg5[%dma_start3A_275, %dma_start3A_276] : memref<4x128xi32, #tpu.memory_space<vmem>> -> memref<1x128xi32, #tpu.memory_space<vmem>>
      %dma_start3A_278 = tpu.memref_squeeze %dma_start3A_277 : memref<1x128xi32, #tpu.memory_space<vmem>> -> memref<128xi32, #tpu.memory_space<vmem>>
      %dma_start3A_279 = arith.constant 0 : i32
      %dma_start3A_280 = tpu.memref_slice %arg8[%dma_start3A_279] : memref<10240xf32, #tpu.memory_space<vmem_shared>> -> memref<10240xf32, #tpu.memory_space<vmem_shared>>
      tpu.enqueue_indirect_dma source(%arg6 : memref<128xf32, #tpu.memory_space<vmem>>) target(%dma_start3A_280 : memref<10240xf32, #tpu.memory_space<vmem_shared>>) offsets(%dma_start3A_278 : memref<128xi32, #tpu.memory_space<vmem>>) semaphore(%arg15 : memref<!tpu.dma_semaphore, #tpu.memory_space<semaphore_mem>>) {add = true}
      %dma_wait3A_281 = arith.constant 0 : i32
      %dma_wait3A_282 = arith.constant 0 : i32
      %dma_wait3A_283 = tpu.memref_slice %arg5[%dma_wait3A_281, %dma_wait3A_282] : memref<4x128xi32, #tpu.memory_space<vmem>> -> memref<1x128xi32, #tpu.memory_space<vmem>>
      %dma_wait3A_284 = tpu.memref_squeeze %dma_wait3A_283 : memref<1x128xi32, #tpu.memory_space<vmem>> -> memref<128xi32, #tpu.memory_space<vmem>>
      %dma_wait3A_285 = arith.constant 0 : i32
      %dma_wait3A_286 = tpu.memref_slice %arg8[%dma_wait3A_285] : memref<10240xf32, #tpu.memory_space<vmem_shared>> -> memref<10240xf32, #tpu.memory_space<vmem_shared>>
      tpu.wait_indirect_dma semaphore(%arg13 : memref<!tpu.dma_semaphore, #tpu.memory_space<semaphore_mem>>) src(%arg6 : memref<128xf32, #tpu.memory_space<vmem>>) dst(%dma_wait3A_286 : memref<10240xf32, #tpu.memory_space<vmem_shared>>)
      %add3A_287 = arith.constant 2 : i32
      %add3A_288 = arith.addi %add3A_260, %add3A_287 : i32
      %mul3A_289 = arith.constant 32 : i32
      %mul3A_290 = arith.muli %add3A_288, %mul3A_289 : i32
      %add3A_291 = arith.addi %add3A, %mul3A_290 : i32
      %lt3A_292 = arith.constant 2500 : i32
      %lt3A_293 = arith.cmpi slt, %add3A_291, %lt3A_292 : i32
      %convert_element_type3A_294 = arith.extui %lt3A_293 : i1 to i32
      %cond3A_295 = arith.constant 0 : i32
      %cond3A_296 = arith.cmpi ne, %convert_element_type3A_294, %cond3A_295 : i32
      scf.if %cond3A_296 {
        %mul3A_444 = arith.constant 128 : i32
        %mul3A_445 = arith.muli %add3A_291, %mul3A_444 : i32
        %dma_start3A_446 = arith.constant 1 : i32
        %dma_start3A_447 = arith.constant 0 : i32
        %dma_start3A_448 = arith.constant 0 : i32
        %dma_start3A_449 = tpu.memref_slice %arg5[%dma_start3A_447, %dma_start3A_448] : memref<4x128xi32, #tpu.memory_space<vmem>> -> memref<1x128xi32, #tpu.memory_space<vmem>>
        %dma_start3A_450 = tpu.memref_squeeze %dma_start3A_449 : memref<1x128xi32, #tpu.memory_space<vmem>> -> memref<128xi32, #tpu.memory_space<vmem>>
        %dma_start3A_451 = tpu.memref_slice %arg2[%dma_start3A_446, %mul3A_445] : memref<2x320000xi32, #tpu.memory_space<hbm>> -> memref<1x128xi32, #tpu.memory_space<hbm>>
        %dma_start3A_452 = tpu.memref_squeeze %dma_start3A_451 : memref<1x128xi32, #tpu.memory_space<hbm>> -> memref<128xi32, #tpu.memory_space<hbm>>
        %dma_start3A_453 = arith.constant 0 : i32
        %dma_start3A_454 = tpu.memref_slice %arg5[%dma_start3A_447, %dma_start3A_453] : memref<4x128xi32, #tpu.memory_space<vmem>> -> memref<1x128xi32, #tpu.memory_space<vmem>>
        %dma_start3A_455 = tpu.memref_squeeze %dma_start3A_454 : memref<1x128xi32, #tpu.memory_space<vmem>> -> memref<128xi32, #tpu.memory_space<vmem>>
        %dma_start3A_456 = tpu.memref_slice %arg2[%dma_start3A_446, %mul3A_445] : memref<2x320000xi32, #tpu.memory_space<hbm>> -> memref<1x128xi32, #tpu.memory_space<hbm>>
        %dma_start3A_457 = tpu.memref_squeeze %dma_start3A_456 : memref<1x128xi32, #tpu.memory_space<hbm>> -> memref<128xi32, #tpu.memory_space<hbm>>
        tpu.enqueue_dma source(%dma_start3A_457 : memref<128xi32, #tpu.memory_space<hbm>>) target(%dma_start3A_455 : memref<128xi32, #tpu.memory_space<vmem>>) target_semaphore(%arg9 : memref<!tpu.dma_semaphore, #tpu.memory_space<semaphore_mem>>)
      } else {
      }
      %ge3A_297 = arith.constant 2500 : i32
      %ge3A_298 = arith.cmpi sge, %add3A_291, %ge3A_297 : i32
      %convert_element_type3A_299 = arith.extui %ge3A_298 : i1 to i32
      %cond3A_300 = arith.constant 0 : i32
      %cond3A_301 = arith.cmpi ne, %convert_element_type3A_299, %cond3A_300 : i32
      scf.if %cond3A_301 {
        %dma_start3A_444 = arith.constant 1 : i32
        %dma_start3A_445 = arith.constant 0 : i32
        %dma_start3A_446 = arith.constant 0 : i32
        %dma_start3A_447 = tpu.memref_slice %arg5[%dma_start3A_445, %dma_start3A_446] : memref<4x128xi32, #tpu.memory_space<vmem>> -> memref<1x128xi32, #tpu.memory_space<vmem>>
        %dma_start3A_448 = tpu.memref_squeeze %dma_start3A_447 : memref<1x128xi32, #tpu.memory_space<vmem>> -> memref<128xi32, #tpu.memory_space<vmem>>
        %dma_start3A_449 = arith.constant 0 : i32
        %dma_start3A_450 = tpu.memref_slice %arg3[%dma_start3A_444, %dma_start3A_449] : memref<2x128xi32, #tpu.memory_space<hbm>> -> memref<1x128xi32, #tpu.memory_space<hbm>>
        %dma_start3A_451 = tpu.memref_squeeze %dma_start3A_450 : memref<1x128xi32, #tpu.memory_space<hbm>> -> memref<128xi32, #tpu.memory_space<hbm>>
        %dma_start3A_452 = arith.constant 0 : i32
        %dma_start3A_453 = tpu.memref_slice %arg5[%dma_start3A_445, %dma_start3A_452] : memref<4x128xi32, #tpu.memory_space<vmem>> -> memref<1x128xi32, #tpu.memory_space<vmem>>
        %dma_start3A_454 = tpu.memref_squeeze %dma_start3A_453 : memref<1x128xi32, #tpu.memory_space<vmem>> -> memref<128xi32, #tpu.memory_space<vmem>>
        %dma_start3A_455 = arith.constant 0 : i32
        %dma_start3A_456 = tpu.memref_slice %arg3[%dma_start3A_444, %dma_start3A_455] : memref<2x128xi32, #tpu.memory_space<hbm>> -> memref<1x128xi32, #tpu.memory_space<hbm>>
        %dma_start3A_457 = tpu.memref_squeeze %dma_start3A_456 : memref<1x128xi32, #tpu.memory_space<hbm>> -> memref<128xi32, #tpu.memory_space<hbm>>
        tpu.enqueue_dma source(%dma_start3A_457 : memref<128xi32, #tpu.memory_space<hbm>>) target(%dma_start3A_454 : memref<128xi32, #tpu.memory_space<vmem>>) target_semaphore(%arg9 : memref<!tpu.dma_semaphore, #tpu.memory_space<semaphore_mem>>)
      } else {
      }
      %mul3A_302 = arith.constant 4 : i32
      %mul3A_303 = arith.muli %scan3A_253, %mul3A_302 : i32
      %add3A_304 = arith.constant 2 : i32
      %add3A_305 = arith.addi %add3A_304, %mul3A_303 : i32
      %add3A_306 = arith.constant 1 : i32
      %add3A_307 = arith.addi %add3A_305, %add3A_306 : i32
      %dma_wait3A_308 = arith.constant 1 : i32
      %dma_wait3A_309 = arith.constant 3 : i32
      %dma_wait3A_310 = arith.constant 0 : i32
      %dma_wait3A_311 = tpu.memref_slice %arg5[%dma_wait3A_309, %dma_wait3A_310] : memref<4x128xi32, #tpu.memory_space<vmem>> -> memref<1x128xi32, #tpu.memory_space<vmem>>
      %dma_wait3A_312 = tpu.memref_squeeze %dma_wait3A_311 : memref<1x128xi32, #tpu.memory_space<vmem>> -> memref<128xi32, #tpu.memory_space<vmem>>
      %dma_wait3A_313 = arith.constant 0 : i32
      %dma_wait3A_314 = tpu.memref_slice %arg3[%dma_wait3A_308, %dma_wait3A_313] : memref<2x128xi32, #tpu.memory_space<hbm>> -> memref<1x128xi32, #tpu.memory_space<hbm>>
      %dma_wait3A_315 = tpu.memref_squeeze %dma_wait3A_314 : memref<1x128xi32, #tpu.memory_space<hbm>> -> memref<128xi32, #tpu.memory_space<hbm>>
      %dma_wait3A_316 = arith.constant 0 : i32
      %dma_wait3A_317 = tpu.memref_slice %arg5[%dma_wait3A_309, %dma_wait3A_316] : memref<4x128xi32, #tpu.memory_space<vmem>> -> memref<1x128xi32, #tpu.memory_space<vmem>>
      %dma_wait3A_318 = tpu.memref_squeeze %dma_wait3A_317 : memref<1x128xi32, #tpu.memory_space<vmem>> -> memref<128xi32, #tpu.memory_space<vmem>>
      %dma_wait3A_319 = arith.constant 0 : i32
      %dma_wait3A_320 = tpu.memref_slice %arg3[%dma_wait3A_308, %dma_wait3A_319] : memref<2x128xi32, #tpu.memory_space<hbm>> -> memref<1x128xi32, #tpu.memory_space<hbm>>
      %dma_wait3A_321 = tpu.memref_squeeze %dma_wait3A_320 : memref<1x128xi32, #tpu.memory_space<hbm>> -> memref<128xi32, #tpu.memory_space<hbm>>
      tpu.wait_dma2 semaphore(%arg12 : memref<!tpu.dma_semaphore, #tpu.memory_space<semaphore_mem>>) src(%dma_wait3A_321 : memref<128xi32, #tpu.memory_space<hbm>>) dst(%dma_wait3A_318 : memref<128xi32, #tpu.memory_space<vmem>>)
      %dma_start3A_322 = arith.constant 3 : i32
      %dma_start3A_323 = arith.constant 0 : i32
      %dma_start3A_324 = tpu.memref_slice %arg5[%dma_start3A_322, %dma_start3A_323] : memref<4x128xi32, #tpu.memory_space<vmem>> -> memref<1x128xi32, #tpu.memory_space<vmem>>
      %dma_start3A_325 = tpu.memref_squeeze %dma_start3A_324 : memref<1x128xi32, #tpu.memory_space<vmem>> -> memref<128xi32, #tpu.memory_space<vmem>>
      %dma_start3A_326 = arith.constant 0 : i32
      %dma_start3A_327 = tpu.memref_slice %arg8[%dma_start3A_326] : memref<10240xf32, #tpu.memory_space<vmem_shared>> -> memref<10240xf32, #tpu.memory_space<vmem_shared>>
      tpu.enqueue_indirect_dma source(%arg6 : memref<128xf32, #tpu.memory_space<vmem>>) target(%dma_start3A_327 : memref<10240xf32, #tpu.memory_space<vmem_shared>>) offsets(%dma_start3A_325 : memref<128xi32, #tpu.memory_space<vmem>>) semaphore(%arg16 : memref<!tpu.dma_semaphore, #tpu.memory_space<semaphore_mem>>) {add = true}
      %dma_wait3A_328 = arith.constant 1 : i32
      %dma_wait3A_329 = arith.constant 0 : i32
      %dma_wait3A_330 = tpu.memref_slice %arg5[%dma_wait3A_328, %dma_wait3A_329] : memref<4x128xi32, #tpu.memory_space<vmem>> -> memref<1x128xi32, #tpu.memory_space<vmem>>
      %dma_wait3A_331 = tpu.memref_squeeze %dma_wait3A_330 : memref<1x128xi32, #tpu.memory_space<vmem>> -> memref<128xi32, #tpu.memory_space<vmem>>
      %dma_wait3A_332 = arith.constant 0 : i32
      %dma_wait3A_333 = tpu.memref_slice %arg8[%dma_wait3A_332] : memref<10240xf32, #tpu.memory_space<vmem_shared>> -> memref<10240xf32, #tpu.memory_space<vmem_shared>>
      tpu.wait_indirect_dma semaphore(%arg14 : memref<!tpu.dma_semaphore, #tpu.memory_space<semaphore_mem>>) src(%arg6 : memref<128xf32, #tpu.memory_space<vmem>>) dst(%dma_wait3A_333 : memref<10240xf32, #tpu.memory_space<vmem_shared>>)
      %add3A_334 = arith.constant 2 : i32
      %add3A_335 = arith.addi %add3A_307, %add3A_334 : i32
      %mul3A_336 = arith.constant 32 : i32
      %mul3A_337 = arith.muli %add3A_335, %mul3A_336 : i32
      %add3A_338 = arith.addi %add3A, %mul3A_337 : i32
      %lt3A_339 = arith.constant 2500 : i32
      %lt3A_340 = arith.cmpi slt, %add3A_338, %lt3A_339 : i32
      %convert_element_type3A_341 = arith.extui %lt3A_340 : i1 to i32
      %cond3A_342 = arith.constant 0 : i32
      %cond3A_343 = arith.cmpi ne, %convert_element_type3A_341, %cond3A_342 : i32
      scf.if %cond3A_343 {
        %mul3A_444 = arith.constant 128 : i32
        %mul3A_445 = arith.muli %add3A_338, %mul3A_444 : i32
        %dma_start3A_446 = arith.constant 1 : i32
        %dma_start3A_447 = arith.constant 1 : i32
        %dma_start3A_448 = arith.constant 0 : i32
        %dma_start3A_449 = tpu.memref_slice %arg5[%dma_start3A_447, %dma_start3A_448] : memref<4x128xi32, #tpu.memory_space<vmem>> -> memref<1x128xi32, #tpu.memory_space<vmem>>
        %dma_start3A_450 = tpu.memref_squeeze %dma_start3A_449 : memref<1x128xi32, #tpu.memory_space<vmem>> -> memref<128xi32, #tpu.memory_space<vmem>>
        %dma_start3A_451 = tpu.memref_slice %arg2[%dma_start3A_446, %mul3A_445] : memref<2x320000xi32, #tpu.memory_space<hbm>> -> memref<1x128xi32, #tpu.memory_space<hbm>>
        %dma_start3A_452 = tpu.memref_squeeze %dma_start3A_451 : memref<1x128xi32, #tpu.memory_space<hbm>> -> memref<128xi32, #tpu.memory_space<hbm>>
        %dma_start3A_453 = arith.constant 0 : i32
        %dma_start3A_454 = tpu.memref_slice %arg5[%dma_start3A_447, %dma_start3A_453] : memref<4x128xi32, #tpu.memory_space<vmem>> -> memref<1x128xi32, #tpu.memory_space<vmem>>
        %dma_start3A_455 = tpu.memref_squeeze %dma_start3A_454 : memref<1x128xi32, #tpu.memory_space<vmem>> -> memref<128xi32, #tpu.memory_space<vmem>>
        %dma_start3A_456 = tpu.memref_slice %arg2[%dma_start3A_446, %mul3A_445] : memref<2x320000xi32, #tpu.memory_space<hbm>> -> memref<1x128xi32, #tpu.memory_space<hbm>>
        %dma_start3A_457 = tpu.memref_squeeze %dma_start3A_456 : memref<1x128xi32, #tpu.memory_space<hbm>> -> memref<128xi32, #tpu.memory_space<hbm>>
        tpu.enqueue_dma source(%dma_start3A_457 : memref<128xi32, #tpu.memory_space<hbm>>) target(%dma_start3A_455 : memref<128xi32, #tpu.memory_space<vmem>>) target_semaphore(%arg10 : memref<!tpu.dma_semaphore, #tpu.memory_space<semaphore_mem>>)
      } else {
      }
      %ge3A_344 = arith.constant 2500 : i32
      %ge3A_345 = arith.cmpi sge, %add3A_338, %ge3A_344 : i32
      %convert_element_type3A_346 = arith.extui %ge3A_345 : i1 to i32
      %cond3A_347 = arith.constant 0 : i32
      %cond3A_348 = arith.cmpi ne, %convert_element_type3A_346, %cond3A_347 : i32
      scf.if %cond3A_348 {
        %dma_start3A_444 = arith.constant 1 : i32
        %dma_start3A_445 = arith.constant 1 : i32
        %dma_start3A_446 = arith.constant 0 : i32
        %dma_start3A_447 = tpu.memref_slice %arg5[%dma_start3A_445, %dma_start3A_446] : memref<4x128xi32, #tpu.memory_space<vmem>> -> memref<1x128xi32, #tpu.memory_space<vmem>>
        %dma_start3A_448 = tpu.memref_squeeze %dma_start3A_447 : memref<1x128xi32, #tpu.memory_space<vmem>> -> memref<128xi32, #tpu.memory_space<vmem>>
        %dma_start3A_449 = arith.constant 0 : i32
        %dma_start3A_450 = tpu.memref_slice %arg3[%dma_start3A_444, %dma_start3A_449] : memref<2x128xi32, #tpu.memory_space<hbm>> -> memref<1x128xi32, #tpu.memory_space<hbm>>
        %dma_start3A_451 = tpu.memref_squeeze %dma_start3A_450 : memref<1x128xi32, #tpu.memory_space<hbm>> -> memref<128xi32, #tpu.memory_space<hbm>>
        %dma_start3A_452 = arith.constant 0 : i32
        %dma_start3A_453 = tpu.memref_slice %arg5[%dma_start3A_445, %dma_start3A_452] : memref<4x128xi32, #tpu.memory_space<vmem>> -> memref<1x128xi32, #tpu.memory_space<vmem>>
        %dma_start3A_454 = tpu.memref_squeeze %dma_start3A_453 : memref<1x128xi32, #tpu.memory_space<vmem>> -> memref<128xi32, #tpu.memory_space<vmem>>
        %dma_start3A_455 = arith.constant 0 : i32
        %dma_start3A_456 = tpu.memref_slice %arg3[%dma_start3A_444, %dma_start3A_455] : memref<2x128xi32, #tpu.memory_space<hbm>> -> memref<1x128xi32, #tpu.memory_space<hbm>>
        %dma_start3A_457 = tpu.memref_squeeze %dma_start3A_456 : memref<1x128xi32, #tpu.memory_space<hbm>> -> memref<128xi32, #tpu.memory_space<hbm>>
        tpu.enqueue_dma source(%dma_start3A_457 : memref<128xi32, #tpu.memory_space<hbm>>) target(%dma_start3A_454 : memref<128xi32, #tpu.memory_space<vmem>>) target_semaphore(%arg10 : memref<!tpu.dma_semaphore, #tpu.memory_space<semaphore_mem>>)
      } else {
      }
      %mul3A_349 = arith.constant 4 : i32
      %mul3A_350 = arith.muli %scan3A_253, %mul3A_349 : i32
      %add3A_351 = arith.constant 2 : i32
      %add3A_352 = arith.addi %add3A_351, %mul3A_350 : i32
      %add3A_353 = arith.constant 2 : i32
      %add3A_354 = arith.addi %add3A_352, %add3A_353 : i32
      %dma_wait3A_355 = arith.constant 1 : i32
      %dma_wait3A_356 = arith.constant 0 : i32
      %dma_wait3A_357 = arith.constant 0 : i32
      %dma_wait3A_358 = tpu.memref_slice %arg5[%dma_wait3A_356, %dma_wait3A_357] : memref<4x128xi32, #tpu.memory_space<vmem>> -> memref<1x128xi32, #tpu.memory_space<vmem>>
      %dma_wait3A_359 = tpu.memref_squeeze %dma_wait3A_358 : memref<1x128xi32, #tpu.memory_space<vmem>> -> memref<128xi32, #tpu.memory_space<vmem>>
      %dma_wait3A_360 = arith.constant 0 : i32
      %dma_wait3A_361 = tpu.memref_slice %arg3[%dma_wait3A_355, %dma_wait3A_360] : memref<2x128xi32, #tpu.memory_space<hbm>> -> memref<1x128xi32, #tpu.memory_space<hbm>>
      %dma_wait3A_362 = tpu.memref_squeeze %dma_wait3A_361 : memref<1x128xi32, #tpu.memory_space<hbm>> -> memref<128xi32, #tpu.memory_space<hbm>>
      %dma_wait3A_363 = arith.constant 0 : i32
      %dma_wait3A_364 = tpu.memref_slice %arg5[%dma_wait3A_356, %dma_wait3A_363] : memref<4x128xi32, #tpu.memory_space<vmem>> -> memref<1x128xi32, #tpu.memory_space<vmem>>
      %dma_wait3A_365 = tpu.memref_squeeze %dma_wait3A_364 : memref<1x128xi32, #tpu.memory_space<vmem>> -> memref<128xi32, #tpu.memory_space<vmem>>
      %dma_wait3A_366 = arith.constant 0 : i32
      %dma_wait3A_367 = tpu.memref_slice %arg3[%dma_wait3A_355, %dma_wait3A_366] : memref<2x128xi32, #tpu.memory_space<hbm>> -> memref<1x128xi32, #tpu.memory_space<hbm>>
      %dma_wait3A_368 = tpu.memref_squeeze %dma_wait3A_367 : memref<1x128xi32, #tpu.memory_space<hbm>> -> memref<128xi32, #tpu.memory_space<hbm>>
      tpu.wait_dma2 semaphore(%arg9 : memref<!tpu.dma_semaphore, #tpu.memory_space<semaphore_mem>>) src(%dma_wait3A_368 : memref<128xi32, #tpu.memory_space<hbm>>) dst(%dma_wait3A_365 : memref<128xi32, #tpu.memory_space<vmem>>)
      %dma_start3A_369 = arith.constant 0 : i32
      %dma_start3A_370 = arith.constant 0 : i32
      %dma_start3A_371 = tpu.memref_slice %arg5[%dma_start3A_369, %dma_start3A_370] : memref<4x128xi32, #tpu.memory_space<vmem>> -> memref<1x128xi32, #tpu.memory_space<vmem>>
      %dma_start3A_372 = tpu.memref_squeeze %dma_start3A_371 : memref<1x128xi32, #tpu.memory_space<vmem>> -> memref<128xi32, #tpu.memory_space<vmem>>
      %dma_start3A_373 = arith.constant 0 : i32
      %dma_start3A_374 = tpu.memref_slice %arg8[%dma_start3A_373] : memref<10240xf32, #tpu.memory_space<vmem_shared>> -> memref<10240xf32, #tpu.memory_space<vmem_shared>>
      tpu.enqueue_indirect_dma source(%arg6 : memref<128xf32, #tpu.memory_space<vmem>>) target(%dma_start3A_374 : memref<10240xf32, #tpu.memory_space<vmem_shared>>) offsets(%dma_start3A_372 : memref<128xi32, #tpu.memory_space<vmem>>) semaphore(%arg13 : memref<!tpu.dma_semaphore, #tpu.memory_space<semaphore_mem>>) {add = true}
      %dma_wait3A_375 = arith.constant 2 : i32
      %dma_wait3A_376 = arith.constant 0 : i32
      %dma_wait3A_377 = tpu.memref_slice %arg5[%dma_wait3A_375, %dma_wait3A_376] : memref<4x128xi32, #tpu.memory_space<vmem>> -> memref<1x128xi32, #tpu.memory_space<vmem>>
      %dma_wait3A_378 = tpu.memref_squeeze %dma_wait3A_377 : memref<1x128xi32, #tpu.memory_space<vmem>> -> memref<128xi32, #tpu.memory_space<vmem>>
      %dma_wait3A_379 = arith.constant 0 : i32
      %dma_wait3A_380 = tpu.memref_slice %arg8[%dma_wait3A_379] : memref<10240xf32, #tpu.memory_space<vmem_shared>> -> memref<10240xf32, #tpu.memory_space<vmem_shared>>
      tpu.wait_indirect_dma semaphore(%arg15 : memref<!tpu.dma_semaphore, #tpu.memory_space<semaphore_mem>>) src(%arg6 : memref<128xf32, #tpu.memory_space<vmem>>) dst(%dma_wait3A_380 : memref<10240xf32, #tpu.memory_space<vmem_shared>>)
      %add3A_381 = arith.constant 2 : i32
      %add3A_382 = arith.addi %add3A_354, %add3A_381 : i32
      %mul3A_383 = arith.constant 32 : i32
      %mul3A_384 = arith.muli %add3A_382, %mul3A_383 : i32
      %add3A_385 = arith.addi %add3A, %mul3A_384 : i32
      %lt3A_386 = arith.constant 2500 : i32
      %lt3A_387 = arith.cmpi slt, %add3A_385, %lt3A_386 : i32
      %convert_element_type3A_388 = arith.extui %lt3A_387 : i1 to i32
      %cond3A_389 = arith.constant 0 : i32
      %cond3A_390 = arith.cmpi ne, %convert_element_type3A_388, %cond3A_389 : i32
      scf.if %cond3A_390 {
        %mul3A_444 = arith.constant 128 : i32
        %mul3A_445 = arith.muli %add3A_385, %mul3A_444 : i32
        %dma_start3A_446 = arith.constant 1 : i32
        %dma_start3A_447 = arith.constant 2 : i32
        %dma_start3A_448 = arith.constant 0 : i32
        %dma_start3A_449 = tpu.memref_slice %arg5[%dma_start3A_447, %dma_start3A_448] : memref<4x128xi32, #tpu.memory_space<vmem>> -> memref<1x128xi32, #tpu.memory_space<vmem>>
        %dma_start3A_450 = tpu.memref_squeeze %dma_start3A_449 : memref<1x128xi32, #tpu.memory_space<vmem>> -> memref<128xi32, #tpu.memory_space<vmem>>
        %dma_start3A_451 = tpu.memref_slice %arg2[%dma_start3A_446, %mul3A_445] : memref<2x320000xi32, #tpu.memory_space<hbm>> -> memref<1x128xi32, #tpu.memory_space<hbm>>
        %dma_start3A_452 = tpu.memref_squeeze %dma_start3A_451 : memref<1x128xi32, #tpu.memory_space<hbm>> -> memref<128xi32, #tpu.memory_space<hbm>>
        %dma_start3A_453 = arith.constant 0 : i32
        %dma_start3A_454 = tpu.memref_slice %arg5[%dma_start3A_447, %dma_start3A_453] : memref<4x128xi32, #tpu.memory_space<vmem>> -> memref<1x128xi32, #tpu.memory_space<vmem>>
        %dma_start3A_455 = tpu.memref_squeeze %dma_start3A_454 : memref<1x128xi32, #tpu.memory_space<vmem>> -> memref<128xi32, #tpu.memory_space<vmem>>
        %dma_start3A_456 = tpu.memref_slice %arg2[%dma_start3A_446, %mul3A_445] : memref<2x320000xi32, #tpu.memory_space<hbm>> -> memref<1x128xi32, #tpu.memory_space<hbm>>
        %dma_start3A_457 = tpu.memref_squeeze %dma_start3A_456 : memref<1x128xi32, #tpu.memory_space<hbm>> -> memref<128xi32, #tpu.memory_space<hbm>>
        tpu.enqueue_dma source(%dma_start3A_457 : memref<128xi32, #tpu.memory_space<hbm>>) target(%dma_start3A_455 : memref<128xi32, #tpu.memory_space<vmem>>) target_semaphore(%arg11 : memref<!tpu.dma_semaphore, #tpu.memory_space<semaphore_mem>>)
      } else {
      }
      %ge3A_391 = arith.constant 2500 : i32
      %ge3A_392 = arith.cmpi sge, %add3A_385, %ge3A_391 : i32
      %convert_element_type3A_393 = arith.extui %ge3A_392 : i1 to i32
      %cond3A_394 = arith.constant 0 : i32
      %cond3A_395 = arith.cmpi ne, %convert_element_type3A_393, %cond3A_394 : i32
      scf.if %cond3A_395 {
        %dma_start3A_444 = arith.constant 1 : i32
        %dma_start3A_445 = arith.constant 2 : i32
        %dma_start3A_446 = arith.constant 0 : i32
        %dma_start3A_447 = tpu.memref_slice %arg5[%dma_start3A_445, %dma_start3A_446] : memref<4x128xi32, #tpu.memory_space<vmem>> -> memref<1x128xi32, #tpu.memory_space<vmem>>
        %dma_start3A_448 = tpu.memref_squeeze %dma_start3A_447 : memref<1x128xi32, #tpu.memory_space<vmem>> -> memref<128xi32, #tpu.memory_space<vmem>>
        %dma_start3A_449 = arith.constant 0 : i32
        %dma_start3A_450 = tpu.memref_slice %arg3[%dma_start3A_444, %dma_start3A_449] : memref<2x128xi32, #tpu.memory_space<hbm>> -> memref<1x128xi32, #tpu.memory_space<hbm>>
        %dma_start3A_451 = tpu.memref_squeeze %dma_start3A_450 : memref<1x128xi32, #tpu.memory_space<hbm>> -> memref<128xi32, #tpu.memory_space<hbm>>
        %dma_start3A_452 = arith.constant 0 : i32
        %dma_start3A_453 = tpu.memref_slice %arg5[%dma_start3A_445, %dma_start3A_452] : memref<4x128xi32, #tpu.memory_space<vmem>> -> memref<1x128xi32, #tpu.memory_space<vmem>>
        %dma_start3A_454 = tpu.memref_squeeze %dma_start3A_453 : memref<1x128xi32, #tpu.memory_space<vmem>> -> memref<128xi32, #tpu.memory_space<vmem>>
        %dma_start3A_455 = arith.constant 0 : i32
        %dma_start3A_456 = tpu.memref_slice %arg3[%dma_start3A_444, %dma_start3A_455] : memref<2x128xi32, #tpu.memory_space<hbm>> -> memref<1x128xi32, #tpu.memory_space<hbm>>
        %dma_start3A_457 = tpu.memref_squeeze %dma_start3A_456 : memref<1x128xi32, #tpu.memory_space<hbm>> -> memref<128xi32, #tpu.memory_space<hbm>>
        tpu.enqueue_dma source(%dma_start3A_457 : memref<128xi32, #tpu.memory_space<hbm>>) target(%dma_start3A_454 : memref<128xi32, #tpu.memory_space<vmem>>) target_semaphore(%arg11 : memref<!tpu.dma_semaphore, #tpu.memory_space<semaphore_mem>>)
      } else {
      }
      %mul3A_396 = arith.constant 4 : i32
      %mul3A_397 = arith.muli %scan3A_253, %mul3A_396 : i32
      %add3A_398 = arith.constant 2 : i32
      %add3A_399 = arith.addi %add3A_398, %mul3A_397 : i32
      %add3A_400 = arith.constant 3 : i32
      %add3A_401 = arith.addi %add3A_399, %add3A_400 : i32
      %dma_wait3A_402 = arith.constant 1 : i32
      %dma_wait3A_403 = arith.constant 1 : i32
      %dma_wait3A_404 = arith.constant 0 : i32
      %dma_wait3A_405 = tpu.memref_slice %arg5[%dma_wait3A_403, %dma_wait3A_404] : memref<4x128xi32, #tpu.memory_space<vmem>> -> memref<1x128xi32, #tpu.memory_space<vmem>>
      %dma_wait3A_406 = tpu.memref_squeeze %dma_wait3A_405 : memref<1x128xi32, #tpu.memory_space<vmem>> -> memref<128xi32, #tpu.memory_space<vmem>>
      %dma_wait3A_407 = arith.constant 0 : i32
      %dma_wait3A_408 = tpu.memref_slice %arg3[%dma_wait3A_402, %dma_wait3A_407] : memref<2x128xi32, #tpu.memory_space<hbm>> -> memref<1x128xi32, #tpu.memory_space<hbm>>
      %dma_wait3A_409 = tpu.memref_squeeze %dma_wait3A_408 : memref<1x128xi32, #tpu.memory_space<hbm>> -> memref<128xi32, #tpu.memory_space<hbm>>
      %dma_wait3A_410 = arith.constant 0 : i32
      %dma_wait3A_411 = tpu.memref_slice %arg5[%dma_wait3A_403, %dma_wait3A_410] : memref<4x128xi32, #tpu.memory_space<vmem>> -> memref<1x128xi32, #tpu.memory_space<vmem>>
      %dma_wait3A_412 = tpu.memref_squeeze %dma_wait3A_411 : memref<1x128xi32, #tpu.memory_space<vmem>> -> memref<128xi32, #tpu.memory_space<vmem>>
      %dma_wait3A_413 = arith.constant 0 : i32
      %dma_wait3A_414 = tpu.memref_slice %arg3[%dma_wait3A_402, %dma_wait3A_413] : memref<2x128xi32, #tpu.memory_space<hbm>> -> memref<1x128xi32, #tpu.memory_space<hbm>>
      %dma_wait3A_415 = tpu.memref_squeeze %dma_wait3A_414 : memref<1x128xi32, #tpu.memory_space<hbm>> -> memref<128xi32, #tpu.memory_space<hbm>>
      tpu.wait_dma2 semaphore(%arg10 : memref<!tpu.dma_semaphore, #tpu.memory_space<semaphore_mem>>) src(%dma_wait3A_415 : memref<128xi32, #tpu.memory_space<hbm>>) dst(%dma_wait3A_412 : memref<128xi32, #tpu.memory_space<vmem>>)
      %dma_start3A_416 = arith.constant 1 : i32
      %dma_start3A_417 = arith.constant 0 : i32
      %dma_start3A_418 = tpu.memref_slice %arg5[%dma_start3A_416, %dma_start3A_417] : memref<4x128xi32, #tpu.memory_space<vmem>> -> memref<1x128xi32, #tpu.memory_space<vmem>>
      %dma_start3A_419 = tpu.memref_squeeze %dma_start3A_418 : memref<1x128xi32, #tpu.memory_space<vmem>> -> memref<128xi32, #tpu.memory_space<vmem>>
      %dma_start3A_420 = arith.constant 0 : i32
      %dma_start3A_421 = tpu.memref_slice %arg8[%dma_start3A_420] : memref<10240xf32, #tpu.memory_space<vmem_shared>> -> memref<10240xf32, #tpu.memory_space<vmem_shared>>
      tpu.enqueue_indirect_dma source(%arg6 : memref<128xf32, #tpu.memory_space<vmem>>) target(%dma_start3A_421 : memref<10240xf32, #tpu.memory_space<vmem_shared>>) offsets(%dma_start3A_419 : memref<128xi32, #tpu.memory_space<vmem>>) semaphore(%arg14 : memref<!tpu.dma_semaphore, #tpu.memory_space<semaphore_mem>>) {add = true}
      %dma_wait3A_422 = arith.constant 3 : i32
      %dma_wait3A_423 = arith.constant 0 : i32
      %dma_wait3A_424 = tpu.memref_slice %arg5[%dma_wait3A_422, %dma_wait3A_423] : memref<4x128xi32, #tpu.memory_space<vmem>> -> memref<1x128xi32, #tpu.memory_space<vmem>>
      %dma_wait3A_425 = tpu.memref_squeeze %dma_wait3A_424 : memref<1x128xi32, #tpu.memory_space<vmem>> -> memref<128xi32, #tpu.memory_space<vmem>>
      %dma_wait3A_426 = arith.constant 0 : i32
      %dma_wait3A_427 = tpu.memref_slice %arg8[%dma_wait3A_426] : memref<10240xf32, #tpu.memory_space<vmem_shared>> -> memref<10240xf32, #tpu.memory_space<vmem_shared>>
      tpu.wait_indirect_dma semaphore(%arg16 : memref<!tpu.dma_semaphore, #tpu.memory_space<semaphore_mem>>) src(%arg6 : memref<128xf32, #tpu.memory_space<vmem>>) dst(%dma_wait3A_427 : memref<10240xf32, #tpu.memory_space<vmem_shared>>)
      %add3A_428 = arith.constant 2 : i32
      %add3A_429 = arith.addi %add3A_401, %add3A_428 : i32
      %mul3A_430 = arith.constant 32 : i32
      %mul3A_431 = arith.muli %add3A_429, %mul3A_430 : i32
      %add3A_432 = arith.addi %add3A, %mul3A_431 : i32
      %lt3A_433 = arith.constant 2500 : i32
      %lt3A_434 = arith.cmpi slt, %add3A_432, %lt3A_433 : i32
      %convert_element_type3A_435 = arith.extui %lt3A_434 : i1 to i32
      %cond3A_436 = arith.constant 0 : i32
      %cond3A_437 = arith.cmpi ne, %convert_element_type3A_435, %cond3A_436 : i32
      scf.if %cond3A_437 {
        %mul3A_444 = arith.constant 128 : i32
        %mul3A_445 = arith.muli %add3A_432, %mul3A_444 : i32
        %dma_start3A_446 = arith.constant 1 : i32
        %dma_start3A_447 = arith.constant 3 : i32
        %dma_start3A_448 = arith.constant 0 : i32
        %dma_start3A_449 = tpu.memref_slice %arg5[%dma_start3A_447, %dma_start3A_448] : memref<4x128xi32, #tpu.memory_space<vmem>> -> memref<1x128xi32, #tpu.memory_space<vmem>>
        %dma_start3A_450 = tpu.memref_squeeze %dma_start3A_449 : memref<1x128xi32, #tpu.memory_space<vmem>> -> memref<128xi32, #tpu.memory_space<vmem>>
        %dma_start3A_451 = tpu.memref_slice %arg2[%dma_start3A_446, %mul3A_445] : memref<2x320000xi32, #tpu.memory_space<hbm>> -> memref<1x128xi32, #tpu.memory_space<hbm>>
        %dma_start3A_452 = tpu.memref_squeeze %dma_start3A_451 : memref<1x128xi32, #tpu.memory_space<hbm>> -> memref<128xi32, #tpu.memory_space<hbm>>
        %dma_start3A_453 = arith.constant 0 : i32
        %dma_start3A_454 = tpu.memref_slice %arg5[%dma_start3A_447, %dma_start3A_453] : memref<4x128xi32, #tpu.memory_space<vmem>> -> memref<1x128xi32, #tpu.memory_space<vmem>>
        %dma_start3A_455 = tpu.memref_squeeze %dma_start3A_454 : memref<1x128xi32, #tpu.memory_space<vmem>> -> memref<128xi32, #tpu.memory_space<vmem>>
        %dma_start3A_456 = tpu.memref_slice %arg2[%dma_start3A_446, %mul3A_445] : memref<2x320000xi32, #tpu.memory_space<hbm>> -> memref<1x128xi32, #tpu.memory_space<hbm>>
        %dma_start3A_457 = tpu.memref_squeeze %dma_start3A_456 : memref<1x128xi32, #tpu.memory_space<hbm>> -> memref<128xi32, #tpu.memory_space<hbm>>
        tpu.enqueue_dma source(%dma_start3A_457 : memref<128xi32, #tpu.memory_space<hbm>>) target(%dma_start3A_455 : memref<128xi32, #tpu.memory_space<vmem>>) target_semaphore(%arg12 : memref<!tpu.dma_semaphore, #tpu.memory_space<semaphore_mem>>)
      } else {
      }
      %ge3A_438 = arith.constant 2500 : i32
      %ge3A_439 = arith.cmpi sge, %add3A_432, %ge3A_438 : i32
      %convert_element_type3A_440 = arith.extui %ge3A_439 : i1 to i32
      %cond3A_441 = arith.constant 0 : i32
      %cond3A_442 = arith.cmpi ne, %convert_element_type3A_440, %cond3A_441 : i32
      scf.if %cond3A_442 {
        %dma_start3A_444 = arith.constant 1 : i32
        %dma_start3A_445 = arith.constant 3 : i32
        %dma_start3A_446 = arith.constant 0 : i32
        %dma_start3A_447 = tpu.memref_slice %arg5[%dma_start3A_445, %dma_start3A_446] : memref<4x128xi32, #tpu.memory_space<vmem>> -> memref<1x128xi32, #tpu.memory_space<vmem>>
        %dma_start3A_448 = tpu.memref_squeeze %dma_start3A_447 : memref<1x128xi32, #tpu.memory_space<vmem>> -> memref<128xi32, #tpu.memory_space<vmem>>
        %dma_start3A_449 = arith.constant 0 : i32
        %dma_start3A_450 = tpu.memref_slice %arg3[%dma_start3A_444, %dma_start3A_449] : memref<2x128xi32, #tpu.memory_space<hbm>> -> memref<1x128xi32, #tpu.memory_space<hbm>>
        %dma_start3A_451 = tpu.memref_squeeze %dma_start3A_450 : memref<1x128xi32, #tpu.memory_space<hbm>> -> memref<128xi32, #tpu.memory_space<hbm>>
        %dma_start3A_452 = arith.constant 0 : i32
        %dma_start3A_453 = tpu.memref_slice %arg5[%dma_start3A_445, %dma_start3A_452] : memref<4x128xi32, #tpu.memory_space<vmem>> -> memref<1x128xi32, #tpu.memory_space<vmem>>
        %dma_start3A_454 = tpu.memref_squeeze %dma_start3A_453 : memref<1x128xi32, #tpu.memory_space<vmem>> -> memref<128xi32, #tpu.memory_space<vmem>>
        %dma_start3A_455 = arith.constant 0 : i32
        %dma_start3A_456 = tpu.memref_slice %arg3[%dma_start3A_444, %dma_start3A_455] : memref<2x128xi32, #tpu.memory_space<hbm>> -> memref<1x128xi32, #tpu.memory_space<hbm>>
        %dma_start3A_457 = tpu.memref_squeeze %dma_start3A_456 : memref<1x128xi32, #tpu.memory_space<hbm>> -> memref<128xi32, #tpu.memory_space<hbm>>
        tpu.enqueue_dma source(%dma_start3A_457 : memref<128xi32, #tpu.memory_space<hbm>>) target(%dma_start3A_454 : memref<128xi32, #tpu.memory_space<vmem>>) target_semaphore(%arg12 : memref<!tpu.dma_semaphore, #tpu.memory_space<semaphore_mem>>)
      } else {
      }
      %scan3A_443 = arith.constant 0 : i32
      scf.yield %scan3A_443 : i32
    }
    %scan3A_131 = arith.constant 19 : i32
    %dma_wait3A_132 = arith.constant 1 : i32
    %dma_wait3A_133 = arith.constant 2 : i32
    %dma_wait3A_134 = arith.constant 0 : i32
    %dma_wait3A_135 = tpu.memref_slice %arg5[%dma_wait3A_133, %dma_wait3A_134] : memref<4x128xi32, #tpu.memory_space<vmem>> -> memref<1x128xi32, #tpu.memory_space<vmem>>
    %dma_wait3A_136 = tpu.memref_squeeze %dma_wait3A_135 : memref<1x128xi32, #tpu.memory_space<vmem>> -> memref<128xi32, #tpu.memory_space<vmem>>
    %dma_wait3A_137 = arith.constant 0 : i32
    %dma_wait3A_138 = tpu.memref_slice %arg3[%dma_wait3A_132, %dma_wait3A_137] : memref<2x128xi32, #tpu.memory_space<hbm>> -> memref<1x128xi32, #tpu.memory_space<hbm>>
    %dma_wait3A_139 = tpu.memref_squeeze %dma_wait3A_138 : memref<1x128xi32, #tpu.memory_space<hbm>> -> memref<128xi32, #tpu.memory_space<hbm>>
    %dma_wait3A_140 = arith.constant 0 : i32
    %dma_wait3A_141 = tpu.memref_slice %arg5[%dma_wait3A_133, %dma_wait3A_140] : memref<4x128xi32, #tpu.memory_space<vmem>> -> memref<1x128xi32, #tpu.memory_space<vmem>>
    %dma_wait3A_142 = tpu.memref_squeeze %dma_wait3A_141 : memref<1x128xi32, #tpu.memory_space<vmem>> -> memref<128xi32, #tpu.memory_space<vmem>>
    %dma_wait3A_143 = arith.constant 0 : i32
    %dma_wait3A_144 = tpu.memref_slice %arg3[%dma_wait3A_132, %dma_wait3A_143] : memref<2x128xi32, #tpu.memory_space<hbm>> -> memref<1x128xi32, #tpu.memory_space<hbm>>
    %dma_wait3A_145 = tpu.memref_squeeze %dma_wait3A_144 : memref<1x128xi32, #tpu.memory_space<hbm>> -> memref<128xi32, #tpu.memory_space<hbm>>
    tpu.wait_dma2 semaphore(%arg11 : memref<!tpu.dma_semaphore, #tpu.memory_space<semaphore_mem>>) src(%dma_wait3A_145 : memref<128xi32, #tpu.memory_space<hbm>>) dst(%dma_wait3A_142 : memref<128xi32, #tpu.memory_space<vmem>>)
    %dma_start3A_146 = arith.constant 2 : i32
    %dma_start3A_147 = arith.constant 0 : i32
    %dma_start3A_148 = tpu.memref_slice %arg5[%dma_start3A_146, %dma_start3A_147] : memref<4x128xi32, #tpu.memory_space<vmem>> -> memref<1x128xi32, #tpu.memory_space<vmem>>
    %dma_start3A_149 = tpu.memref_squeeze %dma_start3A_148 : memref<1x128xi32, #tpu.memory_space<vmem>> -> memref<128xi32, #tpu.memory_space<vmem>>
    %dma_start3A_150 = arith.constant 0 : i32
    %dma_start3A_151 = tpu.memref_slice %arg8[%dma_start3A_150] : memref<10240xf32, #tpu.memory_space<vmem_shared>> -> memref<10240xf32, #tpu.memory_space<vmem_shared>>
    tpu.enqueue_indirect_dma source(%arg6 : memref<128xf32, #tpu.memory_space<vmem>>) target(%dma_start3A_151 : memref<10240xf32, #tpu.memory_space<vmem_shared>>) offsets(%dma_start3A_149 : memref<128xi32, #tpu.memory_space<vmem>>) semaphore(%arg15 : memref<!tpu.dma_semaphore, #tpu.memory_space<semaphore_mem>>) {add = true}
    %dma_wait3A_152 = arith.constant 0 : i32
    %dma_wait3A_153 = arith.constant 0 : i32
    %dma_wait3A_154 = tpu.memref_slice %arg5[%dma_wait3A_152, %dma_wait3A_153] : memref<4x128xi32, #tpu.memory_space<vmem>> -> memref<1x128xi32, #tpu.memory_space<vmem>>
    %dma_wait3A_155 = tpu.memref_squeeze %dma_wait3A_154 : memref<1x128xi32, #tpu.memory_space<vmem>> -> memref<128xi32, #tpu.memory_space<vmem>>
    %dma_wait3A_156 = arith.constant 0 : i32
    %dma_wait3A_157 = tpu.memref_slice %arg8[%dma_wait3A_156] : memref<10240xf32, #tpu.memory_space<vmem_shared>> -> memref<10240xf32, #tpu.memory_space<vmem_shared>>
    tpu.wait_indirect_dma semaphore(%arg13 : memref<!tpu.dma_semaphore, #tpu.memory_space<semaphore_mem>>) src(%arg6 : memref<128xf32, #tpu.memory_space<vmem>>) dst(%dma_wait3A_157 : memref<10240xf32, #tpu.memory_space<vmem_shared>>)
    %add3A_158 = arith.constant 2560 : i32
    %add3A_159 = arith.addi %add3A, %add3A_158 : i32
    %lt3A_160 = arith.constant 2500 : i32
    %lt3A_161 = arith.cmpi slt, %add3A_159, %lt3A_160 : i32
    %convert_element_type3A_162 = arith.extui %lt3A_161 : i1 to i32
    %cond3A_163 = arith.constant 0 : i32
    %cond3A_164 = arith.cmpi ne, %convert_element_type3A_162, %cond3A_163 : i32
    scf.if %cond3A_164 {
      %mul3A_253 = arith.constant 128 : i32
      %mul3A_254 = arith.muli %add3A_159, %mul3A_253 : i32
      %dma_start3A_255 = arith.constant 1 : i32
      %dma_start3A_256 = arith.constant 0 : i32
      %dma_start3A_257 = arith.constant 0 : i32
      %dma_start3A_258 = tpu.memref_slice %arg5[%dma_start3A_256, %dma_start3A_257] : memref<4x128xi32, #tpu.memory_space<vmem>> -> memref<1x128xi32, #tpu.memory_space<vmem>>
      %dma_start3A_259 = tpu.memref_squeeze %dma_start3A_258 : memref<1x128xi32, #tpu.memory_space<vmem>> -> memref<128xi32, #tpu.memory_space<vmem>>
      %dma_start3A_260 = tpu.memref_slice %arg2[%dma_start3A_255, %mul3A_254] : memref<2x320000xi32, #tpu.memory_space<hbm>> -> memref<1x128xi32, #tpu.memory_space<hbm>>
      %dma_start3A_261 = tpu.memref_squeeze %dma_start3A_260 : memref<1x128xi32, #tpu.memory_space<hbm>> -> memref<128xi32, #tpu.memory_space<hbm>>
      %dma_start3A_262 = arith.constant 0 : i32
      %dma_start3A_263 = tpu.memref_slice %arg5[%dma_start3A_256, %dma_start3A_262] : memref<4x128xi32, #tpu.memory_space<vmem>> -> memref<1x128xi32, #tpu.memory_space<vmem>>
      %dma_start3A_264 = tpu.memref_squeeze %dma_start3A_263 : memref<1x128xi32, #tpu.memory_space<vmem>> -> memref<128xi32, #tpu.memory_space<vmem>>
      %dma_start3A_265 = tpu.memref_slice %arg2[%dma_start3A_255, %mul3A_254] : memref<2x320000xi32, #tpu.memory_space<hbm>> -> memref<1x128xi32, #tpu.memory_space<hbm>>
      %dma_start3A_266 = tpu.memref_squeeze %dma_start3A_265 : memref<1x128xi32, #tpu.memory_space<hbm>> -> memref<128xi32, #tpu.memory_space<hbm>>
      tpu.enqueue_dma source(%dma_start3A_266 : memref<128xi32, #tpu.memory_space<hbm>>) target(%dma_start3A_264 : memref<128xi32, #tpu.memory_space<vmem>>) target_semaphore(%arg9 : memref<!tpu.dma_semaphore, #tpu.memory_space<semaphore_mem>>)
    } else {
    }
    %ge3A_165 = arith.constant 2500 : i32
    %ge3A_166 = arith.cmpi sge, %add3A_159, %ge3A_165 : i32
    %convert_element_type3A_167 = arith.extui %ge3A_166 : i1 to i32
    %cond3A_168 = arith.constant 0 : i32
    %cond3A_169 = arith.cmpi ne, %convert_element_type3A_167, %cond3A_168 : i32
    scf.if %cond3A_169 {
      %dma_start3A_253 = arith.constant 1 : i32
      %dma_start3A_254 = arith.constant 0 : i32
      %dma_start3A_255 = arith.constant 0 : i32
      %dma_start3A_256 = tpu.memref_slice %arg5[%dma_start3A_254, %dma_start3A_255] : memref<4x128xi32, #tpu.memory_space<vmem>> -> memref<1x128xi32, #tpu.memory_space<vmem>>
      %dma_start3A_257 = tpu.memref_squeeze %dma_start3A_256 : memref<1x128xi32, #tpu.memory_space<vmem>> -> memref<128xi32, #tpu.memory_space<vmem>>
      %dma_start3A_258 = arith.constant 0 : i32
      %dma_start3A_259 = tpu.memref_slice %arg3[%dma_start3A_253, %dma_start3A_258] : memref<2x128xi32, #tpu.memory_space<hbm>> -> memref<1x128xi32, #tpu.memory_space<hbm>>
      %dma_start3A_260 = tpu.memref_squeeze %dma_start3A_259 : memref<1x128xi32, #tpu.memory_space<hbm>> -> memref<128xi32, #tpu.memory_space<hbm>>
      %dma_start3A_261 = arith.constant 0 : i32
      %dma_start3A_262 = tpu.memref_slice %arg5[%dma_start3A_254, %dma_start3A_261] : memref<4x128xi32, #tpu.memory_space<vmem>> -> memref<1x128xi32, #tpu.memory_space<vmem>>
      %dma_start3A_263 = tpu.memref_squeeze %dma_start3A_262 : memref<1x128xi32, #tpu.memory_space<vmem>> -> memref<128xi32, #tpu.memory_space<vmem>>
      %dma_start3A_264 = arith.constant 0 : i32
      %dma_start3A_265 = tpu.memref_slice %arg3[%dma_start3A_253, %dma_start3A_264] : memref<2x128xi32, #tpu.memory_space<hbm>> -> memref<1x128xi32, #tpu.memory_space<hbm>>
      %dma_start3A_266 = tpu.memref_squeeze %dma_start3A_265 : memref<1x128xi32, #tpu.memory_space<hbm>> -> memref<128xi32, #tpu.memory_space<hbm>>
      tpu.enqueue_dma source(%dma_start3A_266 : memref<128xi32, #tpu.memory_space<hbm>>) target(%dma_start3A_263 : memref<128xi32, #tpu.memory_space<vmem>>) target_semaphore(%arg9 : memref<!tpu.dma_semaphore, #tpu.memory_space<semaphore_mem>>)
    } else {
    }
    %dma_wait3A_170 = arith.constant 1 : i32
    %dma_wait3A_171 = arith.constant 3 : i32
    %dma_wait3A_172 = arith.constant 0 : i32
    %dma_wait3A_173 = tpu.memref_slice %arg5[%dma_wait3A_171, %dma_wait3A_172] : memref<4x128xi32, #tpu.memory_space<vmem>> -> memref<1x128xi32, #tpu.memory_space<vmem>>
    %dma_wait3A_174 = tpu.memref_squeeze %dma_wait3A_173 : memref<1x128xi32, #tpu.memory_space<vmem>> -> memref<128xi32, #tpu.memory_space<vmem>>
    %dma_wait3A_175 = arith.constant 0 : i32
    %dma_wait3A_176 = tpu.memref_slice %arg3[%dma_wait3A_170, %dma_wait3A_175] : memref<2x128xi32, #tpu.memory_space<hbm>> -> memref<1x128xi32, #tpu.memory_space<hbm>>
    %dma_wait3A_177 = tpu.memref_squeeze %dma_wait3A_176 : memref<1x128xi32, #tpu.memory_space<hbm>> -> memref<128xi32, #tpu.memory_space<hbm>>
    %dma_wait3A_178 = arith.constant 0 : i32
    %dma_wait3A_179 = tpu.memref_slice %arg5[%dma_wait3A_171, %dma_wait3A_178] : memref<4x128xi32, #tpu.memory_space<vmem>> -> memref<1x128xi32, #tpu.memory_space<vmem>>
    %dma_wait3A_180 = tpu.memref_squeeze %dma_wait3A_179 : memref<1x128xi32, #tpu.memory_space<vmem>> -> memref<128xi32, #tpu.memory_space<vmem>>
    %dma_wait3A_181 = arith.constant 0 : i32
    %dma_wait3A_182 = tpu.memref_slice %arg3[%dma_wait3A_170, %dma_wait3A_181] : memref<2x128xi32, #tpu.memory_space<hbm>> -> memref<1x128xi32, #tpu.memory_space<hbm>>
    %dma_wait3A_183 = tpu.memref_squeeze %dma_wait3A_182 : memref<1x128xi32, #tpu.memory_space<hbm>> -> memref<128xi32, #tpu.memory_space<hbm>>
    tpu.wait_dma2 semaphore(%arg12 : memref<!tpu.dma_semaphore, #tpu.memory_space<semaphore_mem>>) src(%dma_wait3A_183 : memref<128xi32, #tpu.memory_space<hbm>>) dst(%dma_wait3A_180 : memref<128xi32, #tpu.memory_space<vmem>>)
    %dma_start3A_184 = arith.constant 3 : i32
    %dma_start3A_185 = arith.constant 0 : i32
    %dma_start3A_186 = tpu.memref_slice %arg5[%dma_start3A_184, %dma_start3A_185] : memref<4x128xi32, #tpu.memory_space<vmem>> -> memref<1x128xi32, #tpu.memory_space<vmem>>
    %dma_start3A_187 = tpu.memref_squeeze %dma_start3A_186 : memref<1x128xi32, #tpu.memory_space<vmem>> -> memref<128xi32, #tpu.memory_space<vmem>>
    %dma_start3A_188 = arith.constant 0 : i32
    %dma_start3A_189 = tpu.memref_slice %arg8[%dma_start3A_188] : memref<10240xf32, #tpu.memory_space<vmem_shared>> -> memref<10240xf32, #tpu.memory_space<vmem_shared>>
    tpu.enqueue_indirect_dma source(%arg6 : memref<128xf32, #tpu.memory_space<vmem>>) target(%dma_start3A_189 : memref<10240xf32, #tpu.memory_space<vmem_shared>>) offsets(%dma_start3A_187 : memref<128xi32, #tpu.memory_space<vmem>>) semaphore(%arg16 : memref<!tpu.dma_semaphore, #tpu.memory_space<semaphore_mem>>) {add = true}
    %dma_wait3A_190 = arith.constant 1 : i32
    %dma_wait3A_191 = arith.constant 0 : i32
    %dma_wait3A_192 = tpu.memref_slice %arg5[%dma_wait3A_190, %dma_wait3A_191] : memref<4x128xi32, #tpu.memory_space<vmem>> -> memref<1x128xi32, #tpu.memory_space<vmem>>
    %dma_wait3A_193 = tpu.memref_squeeze %dma_wait3A_192 : memref<1x128xi32, #tpu.memory_space<vmem>> -> memref<128xi32, #tpu.memory_space<vmem>>
    %dma_wait3A_194 = arith.constant 0 : i32
    %dma_wait3A_195 = tpu.memref_slice %arg8[%dma_wait3A_194] : memref<10240xf32, #tpu.memory_space<vmem_shared>> -> memref<10240xf32, #tpu.memory_space<vmem_shared>>
    tpu.wait_indirect_dma semaphore(%arg14 : memref<!tpu.dma_semaphore, #tpu.memory_space<semaphore_mem>>) src(%arg6 : memref<128xf32, #tpu.memory_space<vmem>>) dst(%dma_wait3A_195 : memref<10240xf32, #tpu.memory_space<vmem_shared>>)
    %add3A_196 = arith.constant 2592 : i32
    %add3A_197 = arith.addi %add3A, %add3A_196 : i32
    %lt3A_198 = arith.constant 2500 : i32
    %lt3A_199 = arith.cmpi slt, %add3A_197, %lt3A_198 : i32
    %convert_element_type3A_200 = arith.extui %lt3A_199 : i1 to i32
    %cond3A_201 = arith.constant 0 : i32
    %cond3A_202 = arith.cmpi ne, %convert_element_type3A_200, %cond3A_201 : i32
    scf.if %cond3A_202 {
      %mul3A_253 = arith.constant 128 : i32
      %mul3A_254 = arith.muli %add3A_197, %mul3A_253 : i32
      %dma_start3A_255 = arith.constant 1 : i32
      %dma_start3A_256 = arith.constant 1 : i32
      %dma_start3A_257 = arith.constant 0 : i32
      %dma_start3A_258 = tpu.memref_slice %arg5[%dma_start3A_256, %dma_start3A_257] : memref<4x128xi32, #tpu.memory_space<vmem>> -> memref<1x128xi32, #tpu.memory_space<vmem>>
      %dma_start3A_259 = tpu.memref_squeeze %dma_start3A_258 : memref<1x128xi32, #tpu.memory_space<vmem>> -> memref<128xi32, #tpu.memory_space<vmem>>
      %dma_start3A_260 = tpu.memref_slice %arg2[%dma_start3A_255, %mul3A_254] : memref<2x320000xi32, #tpu.memory_space<hbm>> -> memref<1x128xi32, #tpu.memory_space<hbm>>
      %dma_start3A_261 = tpu.memref_squeeze %dma_start3A_260 : memref<1x128xi32, #tpu.memory_space<hbm>> -> memref<128xi32, #tpu.memory_space<hbm>>
      %dma_start3A_262 = arith.constant 0 : i32
      %dma_start3A_263 = tpu.memref_slice %arg5[%dma_start3A_256, %dma_start3A_262] : memref<4x128xi32, #tpu.memory_space<vmem>> -> memref<1x128xi32, #tpu.memory_space<vmem>>
      %dma_start3A_264 = tpu.memref_squeeze %dma_start3A_263 : memref<1x128xi32, #tpu.memory_space<vmem>> -> memref<128xi32, #tpu.memory_space<vmem>>
      %dma_start3A_265 = tpu.memref_slice %arg2[%dma_start3A_255, %mul3A_254] : memref<2x320000xi32, #tpu.memory_space<hbm>> -> memref<1x128xi32, #tpu.memory_space<hbm>>
      %dma_start3A_266 = tpu.memref_squeeze %dma_start3A_265 : memref<1x128xi32, #tpu.memory_space<hbm>> -> memref<128xi32, #tpu.memory_space<hbm>>
      tpu.enqueue_dma source(%dma_start3A_266 : memref<128xi32, #tpu.memory_space<hbm>>) target(%dma_start3A_264 : memref<128xi32, #tpu.memory_space<vmem>>) target_semaphore(%arg10 : memref<!tpu.dma_semaphore, #tpu.memory_space<semaphore_mem>>)
    } else {
    }
    %ge3A_203 = arith.constant 2500 : i32
    %ge3A_204 = arith.cmpi sge, %add3A_197, %ge3A_203 : i32
    %convert_element_type3A_205 = arith.extui %ge3A_204 : i1 to i32
    %cond3A_206 = arith.constant 0 : i32
    %cond3A_207 = arith.cmpi ne, %convert_element_type3A_205, %cond3A_206 : i32
    scf.if %cond3A_207 {
      %dma_start3A_253 = arith.constant 1 : i32
      %dma_start3A_254 = arith.constant 1 : i32
      %dma_start3A_255 = arith.constant 0 : i32
      %dma_start3A_256 = tpu.memref_slice %arg5[%dma_start3A_254, %dma_start3A_255] : memref<4x128xi32, #tpu.memory_space<vmem>> -> memref<1x128xi32, #tpu.memory_space<vmem>>
      %dma_start3A_257 = tpu.memref_squeeze %dma_start3A_256 : memref<1x128xi32, #tpu.memory_space<vmem>> -> memref<128xi32, #tpu.memory_space<vmem>>
      %dma_start3A_258 = arith.constant 0 : i32
      %dma_start3A_259 = tpu.memref_slice %arg3[%dma_start3A_253, %dma_start3A_258] : memref<2x128xi32, #tpu.memory_space<hbm>> -> memref<1x128xi32, #tpu.memory_space<hbm>>
      %dma_start3A_260 = tpu.memref_squeeze %dma_start3A_259 : memref<1x128xi32, #tpu.memory_space<hbm>> -> memref<128xi32, #tpu.memory_space<hbm>>
      %dma_start3A_261 = arith.constant 0 : i32
      %dma_start3A_262 = tpu.memref_slice %arg5[%dma_start3A_254, %dma_start3A_261] : memref<4x128xi32, #tpu.memory_space<vmem>> -> memref<1x128xi32, #tpu.memory_space<vmem>>
      %dma_start3A_263 = tpu.memref_squeeze %dma_start3A_262 : memref<1x128xi32, #tpu.memory_space<vmem>> -> memref<128xi32, #tpu.memory_space<vmem>>
      %dma_start3A_264 = arith.constant 0 : i32
      %dma_start3A_265 = tpu.memref_slice %arg3[%dma_start3A_253, %dma_start3A_264] : memref<2x128xi32, #tpu.memory_space<hbm>> -> memref<1x128xi32, #tpu.memory_space<hbm>>
      %dma_start3A_266 = tpu.memref_squeeze %dma_start3A_265 : memref<1x128xi32, #tpu.memory_space<hbm>> -> memref<128xi32, #tpu.memory_space<hbm>>
      tpu.enqueue_dma source(%dma_start3A_266 : memref<128xi32, #tpu.memory_space<hbm>>) target(%dma_start3A_263 : memref<128xi32, #tpu.memory_space<vmem>>) target_semaphore(%arg10 : memref<!tpu.dma_semaphore, #tpu.memory_space<semaphore_mem>>)
    } else {
    }
    %dma_wait3A_208 = arith.constant 2 : i32
    %dma_wait3A_209 = arith.constant 0 : i32
    %dma_wait3A_210 = tpu.memref_slice %arg5[%dma_wait3A_208, %dma_wait3A_209] : memref<4x128xi32, #tpu.memory_space<vmem>> -> memref<1x128xi32, #tpu.memory_space<vmem>>
    %dma_wait3A_211 = tpu.memref_squeeze %dma_wait3A_210 : memref<1x128xi32, #tpu.memory_space<vmem>> -> memref<128xi32, #tpu.memory_space<vmem>>
    %dma_wait3A_212 = arith.constant 0 : i32
    %dma_wait3A_213 = tpu.memref_slice %arg8[%dma_wait3A_212] : memref<10240xf32, #tpu.memory_space<vmem_shared>> -> memref<10240xf32, #tpu.memory_space<vmem_shared>>
    tpu.wait_indirect_dma semaphore(%arg15 : memref<!tpu.dma_semaphore, #tpu.memory_space<semaphore_mem>>) src(%arg6 : memref<128xf32, #tpu.memory_space<vmem>>) dst(%dma_wait3A_213 : memref<10240xf32, #tpu.memory_space<vmem_shared>>)
    %dma_wait3A_214 = arith.constant 3 : i32
    %dma_wait3A_215 = arith.constant 0 : i32
    %dma_wait3A_216 = tpu.memref_slice %arg5[%dma_wait3A_214, %dma_wait3A_215] : memref<4x128xi32, #tpu.memory_space<vmem>> -> memref<1x128xi32, #tpu.memory_space<vmem>>
    %dma_wait3A_217 = tpu.memref_squeeze %dma_wait3A_216 : memref<1x128xi32, #tpu.memory_space<vmem>> -> memref<128xi32, #tpu.memory_space<vmem>>
    %dma_wait3A_218 = arith.constant 0 : i32
    %dma_wait3A_219 = tpu.memref_slice %arg8[%dma_wait3A_218] : memref<10240xf32, #tpu.memory_space<vmem_shared>> -> memref<10240xf32, #tpu.memory_space<vmem_shared>>
    tpu.wait_indirect_dma semaphore(%arg16 : memref<!tpu.dma_semaphore, #tpu.memory_space<semaphore_mem>>) src(%arg6 : memref<128xf32, #tpu.memory_space<vmem>>) dst(%dma_wait3A_219 : memref<10240xf32, #tpu.memory_space<vmem_shared>>)
    %dma_wait3A_220 = arith.constant 1 : i32
    %dma_wait3A_221 = arith.constant 0 : i32
    %dma_wait3A_222 = arith.constant 0 : i32
    %dma_wait3A_223 = tpu.memref_slice %arg5[%dma_wait3A_221, %dma_wait3A_222] : memref<4x128xi32, #tpu.memory_space<vmem>> -> memref<1x128xi32, #tpu.memory_space<vmem>>
    %dma_wait3A_224 = tpu.memref_squeeze %dma_wait3A_223 : memref<1x128xi32, #tpu.memory_space<vmem>> -> memref<128xi32, #tpu.memory_space<vmem>>
    %dma_wait3A_225 = arith.constant 0 : i32
    %dma_wait3A_226 = tpu.memref_slice %arg3[%dma_wait3A_220, %dma_wait3A_225] : memref<2x128xi32, #tpu.memory_space<hbm>> -> memref<1x128xi32, #tpu.memory_space<hbm>>
    %dma_wait3A_227 = tpu.memref_squeeze %dma_wait3A_226 : memref<1x128xi32, #tpu.memory_space<hbm>> -> memref<128xi32, #tpu.memory_space<hbm>>
    %dma_wait3A_228 = arith.constant 0 : i32
    %dma_wait3A_229 = tpu.memref_slice %arg5[%dma_wait3A_221, %dma_wait3A_228] : memref<4x128xi32, #tpu.memory_space<vmem>> -> memref<1x128xi32, #tpu.memory_space<vmem>>
    %dma_wait3A_230 = tpu.memref_squeeze %dma_wait3A_229 : memref<1x128xi32, #tpu.memory_space<vmem>> -> memref<128xi32, #tpu.memory_space<vmem>>
    %dma_wait3A_231 = arith.constant 0 : i32
    %dma_wait3A_232 = tpu.memref_slice %arg3[%dma_wait3A_220, %dma_wait3A_231] : memref<2x128xi32, #tpu.memory_space<hbm>> -> memref<1x128xi32, #tpu.memory_space<hbm>>
    %dma_wait3A_233 = tpu.memref_squeeze %dma_wait3A_232 : memref<1x128xi32, #tpu.memory_space<hbm>> -> memref<128xi32, #tpu.memory_space<hbm>>
    tpu.wait_dma2 semaphore(%arg9 : memref<!tpu.dma_semaphore, #tpu.memory_space<semaphore_mem>>) src(%dma_wait3A_233 : memref<128xi32, #tpu.memory_space<hbm>>) dst(%dma_wait3A_230 : memref<128xi32, #tpu.memory_space<vmem>>)
    %dma_wait3A_234 = arith.constant 1 : i32
    %dma_wait3A_235 = arith.constant 1 : i32
    %dma_wait3A_236 = arith.constant 0 : i32
    %dma_wait3A_237 = tpu.memref_slice %arg5[%dma_wait3A_235, %dma_wait3A_236] : memref<4x128xi32, #tpu.memory_space<vmem>> -> memref<1x128xi32, #tpu.memory_space<vmem>>
    %dma_wait3A_238 = tpu.memref_squeeze %dma_wait3A_237 : memref<1x128xi32, #tpu.memory_space<vmem>> -> memref<128xi32, #tpu.memory_space<vmem>>
    %dma_wait3A_239 = arith.constant 0 : i32
    %dma_wait3A_240 = tpu.memref_slice %arg3[%dma_wait3A_234, %dma_wait3A_239] : memref<2x128xi32, #tpu.memory_space<hbm>> -> memref<1x128xi32, #tpu.memory_space<hbm>>
    %dma_wait3A_241 = tpu.memref_squeeze %dma_wait3A_240 : memref<1x128xi32, #tpu.memory_space<hbm>> -> memref<128xi32, #tpu.memory_space<hbm>>
    %dma_wait3A_242 = arith.constant 0 : i32
    %dma_wait3A_243 = tpu.memref_slice %arg5[%dma_wait3A_235, %dma_wait3A_242] : memref<4x128xi32, #tpu.memory_space<vmem>> -> memref<1x128xi32, #tpu.memory_space<vmem>>
    %dma_wait3A_244 = tpu.memref_squeeze %dma_wait3A_243 : memref<1x128xi32, #tpu.memory_space<vmem>> -> memref<128xi32, #tpu.memory_space<vmem>>
    %dma_wait3A_245 = arith.constant 0 : i32
    %dma_wait3A_246 = tpu.memref_slice %arg3[%dma_wait3A_234, %dma_wait3A_245] : memref<2x128xi32, #tpu.memory_space<hbm>> -> memref<1x128xi32, #tpu.memory_space<hbm>>
    %dma_wait3A_247 = tpu.memref_squeeze %dma_wait3A_246 : memref<1x128xi32, #tpu.memory_space<hbm>> -> memref<128xi32, #tpu.memory_space<hbm>>
    tpu.wait_dma2 semaphore(%arg10 : memref<!tpu.dma_semaphore, #tpu.memory_space<semaphore_mem>>) src(%dma_wait3A_247 : memref<128xi32, #tpu.memory_space<hbm>>) dst(%dma_wait3A_244 : memref<128xi32, #tpu.memory_space<vmem>>)
    %barrier3A_248 = arith.constant 0 : index
    tpu.barrier barrier_id(%barrier3A_248)
    %mul3A_249 = arith.constant 640 : i32
    %mul3A_250 = arith.muli %arg1, %mul3A_249 : i32
    %mul3A_251 = arith.constant 640 : i32
    %mul3A_252 = arith.muli %arg1, %mul3A_251 : i32
    "tpu.region"() ({
      %run_scoped3A = tpu.sem_alloc : memref<!tpu.dma_semaphore, #tpu.memory_space<semaphore_mem>>
      %dma_start3A_253 = tpu.memref_slice %arg4[%arg0, %mul3A_252] : memref<2x10240xf32, #tpu.memory_space<hbm>> -> memref<1x640xf32, #tpu.memory_space<hbm>>
      %dma_start3A_254 = tpu.memref_squeeze %dma_start3A_253 : memref<1x640xf32, #tpu.memory_space<hbm>> -> memref<640xf32, #tpu.memory_space<hbm>>
      %dma_start3A_255 = tpu.memref_slice %arg8[%mul3A_250] : memref<10240xf32, #tpu.memory_space<vmem_shared>> -> memref<640xf32, #tpu.memory_space<vmem_shared>>
      tpu.enqueue_dma source(%dma_start3A_255 : memref<640xf32, #tpu.memory_space<vmem_shared>>) target(%dma_start3A_254 : memref<640xf32, #tpu.memory_space<hbm>>) target_semaphore(%run_scoped3A : memref<!tpu.dma_semaphore, #tpu.memory_space<semaphore_mem>>)
      %dma_wait3A_256 = tpu.memref_slice %arg4[%arg0, %mul3A_252] : memref<2x10240xf32, #tpu.memory_space<hbm>> -> memref<1x640xf32, #tpu.memory_space<hbm>>
      %dma_wait3A_257 = tpu.memref_squeeze %dma_wait3A_256 : memref<1x640xf32, #tpu.memory_space<hbm>> -> memref<640xf32, #tpu.memory_space<hbm>>
      %dma_wait3A_258 = tpu.memref_slice %arg8[%mul3A_250] : memref<10240xf32, #tpu.memory_space<vmem_shared>> -> memref<640xf32, #tpu.memory_space<vmem_shared>>
      tpu.wait_dma2 semaphore(%run_scoped3A : memref<!tpu.dma_semaphore, #tpu.memory_space<semaphore_mem>>) src(%dma_wait3A_258 : memref<640xf32, #tpu.memory_space<vmem_shared>>) dst(%dma_wait3A_257 : memref<640xf32, #tpu.memory_space<hbm>>)
      tpu.yield
    }) : () -> ()
    return
  }
}

#map = affine_map<(d0, d1) -> (0, 0)>
#map1 = affine_map<(d0, d1) -> (0, 0, 0)>
module attributes {stable_mosaic.version = 14 : i64} {
  func.func @_scatter_kernel(%arg0: i32, %arg1: i32, %arg2: memref<10000x128xf32, #tpu.memory_space<hbm>>, %arg3: memref<2x320000xi32, #tpu.memory_space<hbm>>, %arg4: memref<2x128xi32, #tpu.memory_space<hbm>>, %arg5: memref<2x10240x128xf32, #tpu.memory_space<hbm>>, %arg6: memref<2x128xi32, #tpu.memory_space<vmem>>, %arg7: memref<2x128xi32, #tpu.memory_space<vmem>>, %arg8: memref<2x128xi32, #tpu.memory_space<vmem>>, %arg9: memref<2x128x128xf32, #tpu.memory_space<vmem>>, %arg10: memref<64x128xf32, #tpu.memory_space<vmem>>, %arg11: memref<10240x128xf32, #tpu.memory_space<vmem_shared>>, %arg12: memref<!tpu.dma_semaphore, #tpu.memory_space<semaphore_mem>>, %arg13: memref<!tpu.dma_semaphore, #tpu.memory_space<semaphore_mem>>, %arg14: memref<!tpu.dma_semaphore, #tpu.memory_space<semaphore_mem>>, %arg15: memref<!tpu.dma_semaphore, #tpu.memory_space<semaphore_mem>>, %arg16: memref<!tpu.dma_semaphore, #tpu.memory_space<semaphore_mem>>, %arg17: memref<!tpu.dma_semaphore, #tpu.memory_space<semaphore_mem>>, %arg18: memref<!tpu.dma_semaphore, #tpu.memory_space<semaphore_mem>>) attributes {dimension_semantics = [#tpu.dimension_semantics<core_parallel>, #tpu.dimension_semantics<subcore_parallel>], iteration_bounds = array<i64: 2, 16>, scalar_prefetch = 0 : i64, scratch_operands = 13 : i64, tpu.core_type = #tpu.core_type<sc_vector_subcore>, window_params = [{transform_indices = #map}, {transform_indices = #map}, {transform_indices = #map}, {transform_indices = #map1}]} {
    %mul3A = arith.constant 2 : i32
    %mul3A_0 = arith.muli %arg1, %mul3A : i32
    %add3A = arith.addi %mul3A_0, %arg0 : i32
    %broadcast_in_dim3A = arith.constant 0.000000e+00 : f32
    %broadcast_in_dim3A_1 = vector.broadcast %broadcast_in_dim3A : f32 to vector<16xf32>
    %scan3A = arith.constant 0 : i32
    %scan3A_2 = arith.constant 0 : i32
    %scan3A_3 = arith.constant 64 : i32
    %scan3A_4 = arith.addi %scan3A_2, %scan3A_3 : i32
    %scan3A_5 = arith.constant 1 : i32
    %scan3A_6 = scf.for %scan3A_350 = %scan3A_2 to %scan3A_4 step %scan3A_5 iter_args(%scan3A_351 = %scan3A) -> (i32)  : i32 {
      %swap3A = arith.index_cast %scan3A_350 : i32 to index
      %swap3A_352 = arith.constant 0 : index
      %swap3A_353 = tpu.vector_load %arg10[%swap3A, %swap3A_352] {strides = array<i32>} : memref<64x128xf32, #tpu.memory_space<vmem>>, vector<1x16xf32>,
      %swap3A_354 = vector.shape_cast %swap3A_353 : vector<1x16xf32> to vector<16xf32>
      %swap3A_355 = vector.shape_cast %broadcast_in_dim3A_1 : vector<16xf32> to vector<1x16xf32>
      tpu.vector_store %arg10[%swap3A, %swap3A_352], %swap3A_355 {strides = array<i32>} : memref<64x128xf32, #tpu.memory_space<vmem>>, vector<1x16xf32>,
      %swap3A_356 = arith.index_cast %scan3A_350 : i32 to index
      %swap3A_357 = arith.constant 16 : index
      %swap3A_358 = tpu.vector_load %arg10[%swap3A_356, %swap3A_357] {strides = array<i32>} : memref<64x128xf32, #tpu.memory_space<vmem>>, vector<1x16xf32>,
      %swap3A_359 = vector.shape_cast %swap3A_358 : vector<1x16xf32> to vector<16xf32>
      %swap3A_360 = vector.shape_cast %broadcast_in_dim3A_1 : vector<16xf32> to vector<1x16xf32>
      tpu.vector_store %arg10[%swap3A_356, %swap3A_357], %swap3A_360 {strides = array<i32>} : memref<64x128xf32, #tpu.memory_space<vmem>>, vector<1x16xf32>,
      %swap3A_361 = arith.index_cast %scan3A_350 : i32 to index
      %swap3A_362 = arith.constant 32 : index
      %swap3A_363 = tpu.vector_load %arg10[%swap3A_361, %swap3A_362] {strides = array<i32>} : memref<64x128xf32, #tpu.memory_space<vmem>>, vector<1x16xf32>,
      %swap3A_364 = vector.shape_cast %swap3A_363 : vector<1x16xf32> to vector<16xf32>
      %swap3A_365 = vector.shape_cast %broadcast_in_dim3A_1 : vector<16xf32> to vector<1x16xf32>
      tpu.vector_store %arg10[%swap3A_361, %swap3A_362], %swap3A_365 {strides = array<i32>} : memref<64x128xf32, #tpu.memory_space<vmem>>, vector<1x16xf32>,
      %swap3A_366 = arith.index_cast %scan3A_350 : i32 to index
      %swap3A_367 = arith.constant 48 : index
      %swap3A_368 = tpu.vector_load %arg10[%swap3A_366, %swap3A_367] {strides = array<i32>} : memref<64x128xf32, #tpu.memory_space<vmem>>, vector<1x16xf32>,
      %swap3A_369 = vector.shape_cast %swap3A_368 : vector<1x16xf32> to vector<16xf32>
      %swap3A_370 = vector.shape_cast %broadcast_in_dim3A_1 : vector<16xf32> to vector<1x16xf32>
      tpu.vector_store %arg10[%swap3A_366, %swap3A_367], %swap3A_370 {strides = array<i32>} : memref<64x128xf32, #tpu.memory_space<vmem>>, vector<1x16xf32>,
      %swap3A_371 = arith.index_cast %scan3A_350 : i32 to index
      %swap3A_372 = arith.constant 64 : index
      %swap3A_373 = tpu.vector_load %arg10[%swap3A_371, %swap3A_372] {strides = array<i32>} : memref<64x128xf32, #tpu.memory_space<vmem>>, vector<1x16xf32>,
      %swap3A_374 = vector.shape_cast %swap3A_373 : vector<1x16xf32> to vector<16xf32>
      %swap3A_375 = vector.shape_cast %broadcast_in_dim3A_1 : vector<16xf32> to vector<1x16xf32>
      tpu.vector_store %arg10[%swap3A_371, %swap3A_372], %swap3A_375 {strides = array<i32>} : memref<64x128xf32, #tpu.memory_space<vmem>>, vector<1x16xf32>,
      %swap3A_376 = arith.index_cast %scan3A_350 : i32 to index
      %swap3A_377 = arith.constant 80 : index
      %swap3A_378 = tpu.vector_load %arg10[%swap3A_376, %swap3A_377] {strides = array<i32>} : memref<64x128xf32, #tpu.memory_space<vmem>>, vector<1x16xf32>,
      %swap3A_379 = vector.shape_cast %swap3A_378 : vector<1x16xf32> to vector<16xf32>
      %swap3A_380 = vector.shape_cast %broadcast_in_dim3A_1 : vector<16xf32> to vector<1x16xf32>
      tpu.vector_store %arg10[%swap3A_376, %swap3A_377], %swap3A_380 {strides = array<i32>} : memref<64x128xf32, #tpu.memory_space<vmem>>, vector<1x16xf32>,
      %swap3A_381 = arith.index_cast %scan3A_350 : i32 to index
      %swap3A_382 = arith.constant 96 : index
      %swap3A_383 = tpu.vector_load %arg10[%swap3A_381, %swap3A_382] {strides = array<i32>} : memref<64x128xf32, #tpu.memory_space<vmem>>, vector<1x16xf32>,
      %swap3A_384 = vector.shape_cast %swap3A_383 : vector<1x16xf32> to vector<16xf32>
      %swap3A_385 = vector.shape_cast %broadcast_in_dim3A_1 : vector<16xf32> to vector<1x16xf32>
      tpu.vector_store %arg10[%swap3A_381, %swap3A_382], %swap3A_385 {strides = array<i32>} : memref<64x128xf32, #tpu.memory_space<vmem>>, vector<1x16xf32>,
      %swap3A_386 = arith.index_cast %scan3A_350 : i32 to index
      %swap3A_387 = arith.constant 112 : index
      %swap3A_388 = tpu.vector_load %arg10[%swap3A_386, %swap3A_387] {strides = array<i32>} : memref<64x128xf32, #tpu.memory_space<vmem>>, vector<1x16xf32>,
      %swap3A_389 = vector.shape_cast %swap3A_388 : vector<1x16xf32> to vector<16xf32>
      %swap3A_390 = vector.shape_cast %broadcast_in_dim3A_1 : vector<16xf32> to vector<1x16xf32>
      tpu.vector_store %arg10[%swap3A_386, %swap3A_387], %swap3A_390 {strides = array<i32>} : memref<64x128xf32, #tpu.memory_space<vmem>>, vector<1x16xf32>,
      %scan3A_391 = arith.constant 0 : i32
      scf.yield %scan3A_391 : i32
    }
    %scan3A_7 = arith.constant 64 : i32
    %mul3A_8 = arith.constant 640 : i32
    %mul3A_9 = arith.muli %arg1, %mul3A_8 : i32
    %add3A_10 = arith.constant 0 : i32
    %add3A_11 = arith.addi %mul3A_9, %add3A_10 : i32
    "tpu.region"() ({
      %run_scoped3A = tpu.sem_alloc : memref<!tpu.dma_semaphore, #tpu.memory_space<semaphore_mem>>
      %dma_start3A_350 = arith.constant 0 : i32
      %dma_start3A_351 = tpu.memref_slice %arg11[%add3A_11, %dma_start3A_350] : memref<10240x128xf32, #tpu.memory_space<vmem_shared>> -> memref<64x128xf32, #tpu.memory_space<vmem_shared>>
      %dma_start3A_352 = arith.constant 0 : i32
      %dma_start3A_353 = tpu.memref_slice %arg11[%add3A_11, %dma_start3A_352] : memref<10240x128xf32, #tpu.memory_space<vmem_shared>> -> memref<64x128xf32, #tpu.memory_space<vmem_shared>>
      tpu.enqueue_dma source(%arg10 : memref<64x128xf32, #tpu.memory_space<vmem>>) target(%dma_start3A_353 : memref<64x128xf32, #tpu.memory_space<vmem_shared>>) target_semaphore(%run_scoped3A : memref<!tpu.dma_semaphore, #tpu.memory_space<semaphore_mem>>)
      %dma_wait3A_354 = arith.constant 0 : i32
      %dma_wait3A_355 = tpu.memref_slice %arg11[%add3A_11, %dma_wait3A_354] : memref<10240x128xf32, #tpu.memory_space<vmem_shared>> -> memref<64x128xf32, #tpu.memory_space<vmem_shared>>
      %dma_wait3A_356 = arith.constant 0 : i32
      %dma_wait3A_357 = tpu.memref_slice %arg11[%add3A_11, %dma_wait3A_356] : memref<10240x128xf32, #tpu.memory_space<vmem_shared>> -> memref<64x128xf32, #tpu.memory_space<vmem_shared>>
      tpu.wait_dma2 semaphore(%run_scoped3A : memref<!tpu.dma_semaphore, #tpu.memory_space<semaphore_mem>>) src(%arg10 : memref<64x128xf32, #tpu.memory_space<vmem>>) dst(%dma_wait3A_357 : memref<64x128xf32, #tpu.memory_space<vmem_shared>>)
      tpu.yield
    }) : () -> ()
    %mul3A_12 = arith.constant 640 : i32
    %mul3A_13 = arith.muli %arg1, %mul3A_12 : i32
    %add3A_14 = arith.constant 64 : i32
    %add3A_15 = arith.addi %mul3A_13, %add3A_14 : i32
    "tpu.region"() ({
      %run_scoped3A = tpu.sem_alloc : memref<!tpu.dma_semaphore, #tpu.memory_space<semaphore_mem>>
      %dma_start3A_350 = arith.constant 0 : i32
      %dma_start3A_351 = tpu.memref_slice %arg11[%add3A_15, %dma_start3A_350] : memref<10240x128xf32, #tpu.memory_space<vmem_shared>> -> memref<64x128xf32, #tpu.memory_space<vmem_shared>>
      %dma_start3A_352 = arith.constant 0 : i32
      %dma_start3A_353 = tpu.memref_slice %arg11[%add3A_15, %dma_start3A_352] : memref<10240x128xf32, #tpu.memory_space<vmem_shared>> -> memref<64x128xf32, #tpu.memory_space<vmem_shared>>
      tpu.enqueue_dma source(%arg10 : memref<64x128xf32, #tpu.memory_space<vmem>>) target(%dma_start3A_353 : memref<64x128xf32, #tpu.memory_space<vmem_shared>>) target_semaphore(%run_scoped3A : memref<!tpu.dma_semaphore, #tpu.memory_space<semaphore_mem>>)
      %dma_wait3A_354 = arith.constant 0 : i32
      %dma_wait3A_355 = tpu.memref_slice %arg11[%add3A_15, %dma_wait3A_354] : memref<10240x128xf32, #tpu.memory_space<vmem_shared>> -> memref<64x128xf32, #tpu.memory_space<vmem_shared>>
      %dma_wait3A_356 = arith.constant 0 : i32
      %dma_wait3A_357 = tpu.memref_slice %arg11[%add3A_15, %dma_wait3A_356] : memref<10240x128xf32, #tpu.memory_space<vmem_shared>> -> memref<64x128xf32, #tpu.memory_space<vmem_shared>>
      tpu.wait_dma2 semaphore(%run_scoped3A : memref<!tpu.dma_semaphore, #tpu.memory_space<semaphore_mem>>) src(%arg10 : memref<64x128xf32, #tpu.memory_space<vmem>>) dst(%dma_wait3A_357 : memref<64x128xf32, #tpu.memory_space<vmem_shared>>)
      tpu.yield
    }) : () -> ()
    %mul3A_16 = arith.constant 640 : i32
    %mul3A_17 = arith.muli %arg1, %mul3A_16 : i32
    %add3A_18 = arith.constant 128 : i32
    %add3A_19 = arith.addi %mul3A_17, %add3A_18 : i32
    "tpu.region"() ({
      %run_scoped3A = tpu.sem_alloc : memref<!tpu.dma_semaphore, #tpu.memory_space<semaphore_mem>>
      %dma_start3A_350 = arith.constant 0 : i32
      %dma_start3A_351 = tpu.memref_slice %arg11[%add3A_19, %dma_start3A_350] : memref<10240x128xf32, #tpu.memory_space<vmem_shared>> -> memref<64x128xf32, #tpu.memory_space<vmem_shared>>
      %dma_start3A_352 = arith.constant 0 : i32
      %dma_start3A_353 = tpu.memref_slice %arg11[%add3A_19, %dma_start3A_352] : memref<10240x128xf32, #tpu.memory_space<vmem_shared>> -> memref<64x128xf32, #tpu.memory_space<vmem_shared>>
      tpu.enqueue_dma source(%arg10 : memref<64x128xf32, #tpu.memory_space<vmem>>) target(%dma_start3A_353 : memref<64x128xf32, #tpu.memory_space<vmem_shared>>) target_semaphore(%run_scoped3A : memref<!tpu.dma_semaphore, #tpu.memory_space<semaphore_mem>>)
      %dma_wait3A_354 = arith.constant 0 : i32
      %dma_wait3A_355 = tpu.memref_slice %arg11[%add3A_19, %dma_wait3A_354] : memref<10240x128xf32, #tpu.memory_space<vmem_shared>> -> memref<64x128xf32, #tpu.memory_space<vmem_shared>>
      %dma_wait3A_356 = arith.constant 0 : i32
      %dma_wait3A_357 = tpu.memref_slice %arg11[%add3A_19, %dma_wait3A_356] : memref<10240x128xf32, #tpu.memory_space<vmem_shared>> -> memref<64x128xf32, #tpu.memory_space<vmem_shared>>
      tpu.wait_dma2 semaphore(%run_scoped3A : memref<!tpu.dma_semaphore, #tpu.memory_space<semaphore_mem>>) src(%arg10 : memref<64x128xf32, #tpu.memory_space<vmem>>) dst(%dma_wait3A_357 : memref<64x128xf32, #tpu.memory_space<vmem_shared>>)
      tpu.yield
    }) : () -> ()
    %mul3A_20 = arith.constant 640 : i32
    %mul3A_21 = arith.muli %arg1, %mul3A_20 : i32
    %add3A_22 = arith.constant 192 : i32
    %add3A_23 = arith.addi %mul3A_21, %add3A_22 : i32
    "tpu.region"() ({
      %run_scoped3A = tpu.sem_alloc : memref<!tpu.dma_semaphore, #tpu.memory_space<semaphore_mem>>
      %dma_start3A_350 = arith.constant 0 : i32
      %dma_start3A_351 = tpu.memref_slice %arg11[%add3A_23, %dma_start3A_350] : memref<10240x128xf32, #tpu.memory_space<vmem_shared>> -> memref<64x128xf32, #tpu.memory_space<vmem_shared>>
      %dma_start3A_352 = arith.constant 0 : i32
      %dma_start3A_353 = tpu.memref_slice %arg11[%add3A_23, %dma_start3A_352] : memref<10240x128xf32, #tpu.memory_space<vmem_shared>> -> memref<64x128xf32, #tpu.memory_space<vmem_shared>>
      tpu.enqueue_dma source(%arg10 : memref<64x128xf32, #tpu.memory_space<vmem>>) target(%dma_start3A_353 : memref<64x128xf32, #tpu.memory_space<vmem_shared>>) target_semaphore(%run_scoped3A : memref<!tpu.dma_semaphore, #tpu.memory_space<semaphore_mem>>)
      %dma_wait3A_354 = arith.constant 0 : i32
      %dma_wait3A_355 = tpu.memref_slice %arg11[%add3A_23, %dma_wait3A_354] : memref<10240x128xf32, #tpu.memory_space<vmem_shared>> -> memref<64x128xf32, #tpu.memory_space<vmem_shared>>
      %dma_wait3A_356 = arith.constant 0 : i32
      %dma_wait3A_357 = tpu.memref_slice %arg11[%add3A_23, %dma_wait3A_356] : memref<10240x128xf32, #tpu.memory_space<vmem_shared>> -> memref<64x128xf32, #tpu.memory_space<vmem_shared>>
      tpu.wait_dma2 semaphore(%run_scoped3A : memref<!tpu.dma_semaphore, #tpu.memory_space<semaphore_mem>>) src(%arg10 : memref<64x128xf32, #tpu.memory_space<vmem>>) dst(%dma_wait3A_357 : memref<64x128xf32, #tpu.memory_space<vmem_shared>>)
      tpu.yield
    }) : () -> ()
    %mul3A_24 = arith.constant 640 : i32
    %mul3A_25 = arith.muli %arg1, %mul3A_24 : i32
    %add3A_26 = arith.constant 256 : i32
    %add3A_27 = arith.addi %mul3A_25, %add3A_26 : i32
    "tpu.region"() ({
      %run_scoped3A = tpu.sem_alloc : memref<!tpu.dma_semaphore, #tpu.memory_space<semaphore_mem>>
      %dma_start3A_350 = arith.constant 0 : i32
      %dma_start3A_351 = tpu.memref_slice %arg11[%add3A_27, %dma_start3A_350] : memref<10240x128xf32, #tpu.memory_space<vmem_shared>> -> memref<64x128xf32, #tpu.memory_space<vmem_shared>>
      %dma_start3A_352 = arith.constant 0 : i32
      %dma_start3A_353 = tpu.memref_slice %arg11[%add3A_27, %dma_start3A_352] : memref<10240x128xf32, #tpu.memory_space<vmem_shared>> -> memref<64x128xf32, #tpu.memory_space<vmem_shared>>
      tpu.enqueue_dma source(%arg10 : memref<64x128xf32, #tpu.memory_space<vmem>>) target(%dma_start3A_353 : memref<64x128xf32, #tpu.memory_space<vmem_shared>>) target_semaphore(%run_scoped3A : memref<!tpu.dma_semaphore, #tpu.memory_space<semaphore_mem>>)
      %dma_wait3A_354 = arith.constant 0 : i32
      %dma_wait3A_355 = tpu.memref_slice %arg11[%add3A_27, %dma_wait3A_354] : memref<10240x128xf32, #tpu.memory_space<vmem_shared>> -> memref<64x128xf32, #tpu.memory_space<vmem_shared>>
      %dma_wait3A_356 = arith.constant 0 : i32
      %dma_wait3A_357 = tpu.memref_slice %arg11[%add3A_27, %dma_wait3A_356] : memref<10240x128xf32, #tpu.memory_space<vmem_shared>> -> memref<64x128xf32, #tpu.memory_space<vmem_shared>>
      tpu.wait_dma2 semaphore(%run_scoped3A : memref<!tpu.dma_semaphore, #tpu.memory_space<semaphore_mem>>) src(%arg10 : memref<64x128xf32, #tpu.memory_space<vmem>>) dst(%dma_wait3A_357 : memref<64x128xf32, #tpu.memory_space<vmem_shared>>)
      tpu.yield
    }) : () -> ()
    %mul3A_28 = arith.constant 640 : i32
    %mul3A_29 = arith.muli %arg1, %mul3A_28 : i32
    %add3A_30 = arith.constant 320 : i32
    %add3A_31 = arith.addi %mul3A_29, %add3A_30 : i32
    "tpu.region"() ({
      %run_scoped3A = tpu.sem_alloc : memref<!tpu.dma_semaphore, #tpu.memory_space<semaphore_mem>>
      %dma_start3A_350 = arith.constant 0 : i32
      %dma_start3A_351 = tpu.memref_slice %arg11[%add3A_31, %dma_start3A_350] : memref<10240x128xf32, #tpu.memory_space<vmem_shared>> -> memref<64x128xf32, #tpu.memory_space<vmem_shared>>
      %dma_start3A_352 = arith.constant 0 : i32
      %dma_start3A_353 = tpu.memref_slice %arg11[%add3A_31, %dma_start3A_352] : memref<10240x128xf32, #tpu.memory_space<vmem_shared>> -> memref<64x128xf32, #tpu.memory_space<vmem_shared>>
      tpu.enqueue_dma source(%arg10 : memref<64x128xf32, #tpu.memory_space<vmem>>) target(%dma_start3A_353 : memref<64x128xf32, #tpu.memory_space<vmem_shared>>) target_semaphore(%run_scoped3A : memref<!tpu.dma_semaphore, #tpu.memory_space<semaphore_mem>>)
      %dma_wait3A_354 = arith.constant 0 : i32
      %dma_wait3A_355 = tpu.memref_slice %arg11[%add3A_31, %dma_wait3A_354] : memref<10240x128xf32, #tpu.memory_space<vmem_shared>> -> memref<64x128xf32, #tpu.memory_space<vmem_shared>>
      %dma_wait3A_356 = arith.constant 0 : i32
      %dma_wait3A_357 = tpu.memref_slice %arg11[%add3A_31, %dma_wait3A_356] : memref<10240x128xf32, #tpu.memory_space<vmem_shared>> -> memref<64x128xf32, #tpu.memory_space<vmem_shared>>
      tpu.wait_dma2 semaphore(%run_scoped3A : memref<!tpu.dma_semaphore, #tpu.memory_space<semaphore_mem>>) src(%arg10 : memref<64x128xf32, #tpu.memory_space<vmem>>) dst(%dma_wait3A_357 : memref<64x128xf32, #tpu.memory_space<vmem_shared>>)
      tpu.yield
    }) : () -> ()
    %mul3A_32 = arith.constant 640 : i32
    %mul3A_33 = arith.muli %arg1, %mul3A_32 : i32
    %add3A_34 = arith.constant 384 : i32
    %add3A_35 = arith.addi %mul3A_33, %add3A_34 : i32
    "tpu.region"() ({
      %run_scoped3A = tpu.sem_alloc : memref<!tpu.dma_semaphore, #tpu.memory_space<semaphore_mem>>
      %dma_start3A_350 = arith.constant 0 : i32
      %dma_start3A_351 = tpu.memref_slice %arg11[%add3A_35, %dma_start3A_350] : memref<10240x128xf32, #tpu.memory_space<vmem_shared>> -> memref<64x128xf32, #tpu.memory_space<vmem_shared>>
      %dma_start3A_352 = arith.constant 0 : i32
      %dma_start3A_353 = tpu.memref_slice %arg11[%add3A_35, %dma_start3A_352] : memref<10240x128xf32, #tpu.memory_space<vmem_shared>> -> memref<64x128xf32, #tpu.memory_space<vmem_shared>>
      tpu.enqueue_dma source(%arg10 : memref<64x128xf32, #tpu.memory_space<vmem>>) target(%dma_start3A_353 : memref<64x128xf32, #tpu.memory_space<vmem_shared>>) target_semaphore(%run_scoped3A : memref<!tpu.dma_semaphore, #tpu.memory_space<semaphore_mem>>)
      %dma_wait3A_354 = arith.constant 0 : i32
      %dma_wait3A_355 = tpu.memref_slice %arg11[%add3A_35, %dma_wait3A_354] : memref<10240x128xf32, #tpu.memory_space<vmem_shared>> -> memref<64x128xf32, #tpu.memory_space<vmem_shared>>
      %dma_wait3A_356 = arith.constant 0 : i32
      %dma_wait3A_357 = tpu.memref_slice %arg11[%add3A_35, %dma_wait3A_356] : memref<10240x128xf32, #tpu.memory_space<vmem_shared>> -> memref<64x128xf32, #tpu.memory_space<vmem_shared>>
      tpu.wait_dma2 semaphore(%run_scoped3A : memref<!tpu.dma_semaphore, #tpu.memory_space<semaphore_mem>>) src(%arg10 : memref<64x128xf32, #tpu.memory_space<vmem>>) dst(%dma_wait3A_357 : memref<64x128xf32, #tpu.memory_space<vmem_shared>>)
      tpu.yield
    }) : () -> ()
    %mul3A_36 = arith.constant 640 : i32
    %mul3A_37 = arith.muli %arg1, %mul3A_36 : i32
    %add3A_38 = arith.constant 448 : i32
    %add3A_39 = arith.addi %mul3A_37, %add3A_38 : i32
    "tpu.region"() ({
      %run_scoped3A = tpu.sem_alloc : memref<!tpu.dma_semaphore, #tpu.memory_space<semaphore_mem>>
      %dma_start3A_350 = arith.constant 0 : i32
      %dma_start3A_351 = tpu.memref_slice %arg11[%add3A_39, %dma_start3A_350] : memref<10240x128xf32, #tpu.memory_space<vmem_shared>> -> memref<64x128xf32, #tpu.memory_space<vmem_shared>>
      %dma_start3A_352 = arith.constant 0 : i32
      %dma_start3A_353 = tpu.memref_slice %arg11[%add3A_39, %dma_start3A_352] : memref<10240x128xf32, #tpu.memory_space<vmem_shared>> -> memref<64x128xf32, #tpu.memory_space<vmem_shared>>
      tpu.enqueue_dma source(%arg10 : memref<64x128xf32, #tpu.memory_space<vmem>>) target(%dma_start3A_353 : memref<64x128xf32, #tpu.memory_space<vmem_shared>>) target_semaphore(%run_scoped3A : memref<!tpu.dma_semaphore, #tpu.memory_space<semaphore_mem>>)
      %dma_wait3A_354 = arith.constant 0 : i32
      %dma_wait3A_355 = tpu.memref_slice %arg11[%add3A_39, %dma_wait3A_354] : memref<10240x128xf32, #tpu.memory_space<vmem_shared>> -> memref<64x128xf32, #tpu.memory_space<vmem_shared>>
      %dma_wait3A_356 = arith.constant 0 : i32
      %dma_wait3A_357 = tpu.memref_slice %arg11[%add3A_39, %dma_wait3A_356] : memref<10240x128xf32, #tpu.memory_space<vmem_shared>> -> memref<64x128xf32, #tpu.memory_space<vmem_shared>>
      tpu.wait_dma2 semaphore(%run_scoped3A : memref<!tpu.dma_semaphore, #tpu.memory_space<semaphore_mem>>) src(%arg10 : memref<64x128xf32, #tpu.memory_space<vmem>>) dst(%dma_wait3A_357 : memref<64x128xf32, #tpu.memory_space<vmem_shared>>)
      tpu.yield
    }) : () -> ()
    %mul3A_40 = arith.constant 640 : i32
    %mul3A_41 = arith.muli %arg1, %mul3A_40 : i32
    %add3A_42 = arith.constant 512 : i32
    %add3A_43 = arith.addi %mul3A_41, %add3A_42 : i32
    "tpu.region"() ({
      %run_scoped3A = tpu.sem_alloc : memref<!tpu.dma_semaphore, #tpu.memory_space<semaphore_mem>>
      %dma_start3A_350 = arith.constant 0 : i32
      %dma_start3A_351 = tpu.memref_slice %arg11[%add3A_43, %dma_start3A_350] : memref<10240x128xf32, #tpu.memory_space<vmem_shared>> -> memref<64x128xf32, #tpu.memory_space<vmem_shared>>
      %dma_start3A_352 = arith.constant 0 : i32
      %dma_start3A_353 = tpu.memref_slice %arg11[%add3A_43, %dma_start3A_352] : memref<10240x128xf32, #tpu.memory_space<vmem_shared>> -> memref<64x128xf32, #tpu.memory_space<vmem_shared>>
      tpu.enqueue_dma source(%arg10 : memref<64x128xf32, #tpu.memory_space<vmem>>) target(%dma_start3A_353 : memref<64x128xf32, #tpu.memory_space<vmem_shared>>) target_semaphore(%run_scoped3A : memref<!tpu.dma_semaphore, #tpu.memory_space<semaphore_mem>>)
      %dma_wait3A_354 = arith.constant 0 : i32
      %dma_wait3A_355 = tpu.memref_slice %arg11[%add3A_43, %dma_wait3A_354] : memref<10240x128xf32, #tpu.memory_space<vmem_shared>> -> memref<64x128xf32, #tpu.memory_space<vmem_shared>>
      %dma_wait3A_356 = arith.constant 0 : i32
      %dma_wait3A_357 = tpu.memref_slice %arg11[%add3A_43, %dma_wait3A_356] : memref<10240x128xf32, #tpu.memory_space<vmem_shared>> -> memref<64x128xf32, #tpu.memory_space<vmem_shared>>
      tpu.wait_dma2 semaphore(%run_scoped3A : memref<!tpu.dma_semaphore, #tpu.memory_space<semaphore_mem>>) src(%arg10 : memref<64x128xf32, #tpu.memory_space<vmem>>) dst(%dma_wait3A_357 : memref<64x128xf32, #tpu.memory_space<vmem_shared>>)
      tpu.yield
    }) : () -> ()
    %mul3A_44 = arith.constant 640 : i32
    %mul3A_45 = arith.muli %arg1, %mul3A_44 : i32
    %add3A_46 = arith.constant 576 : i32
    %add3A_47 = arith.addi %mul3A_45, %add3A_46 : i32
    "tpu.region"() ({
      %run_scoped3A = tpu.sem_alloc : memref<!tpu.dma_semaphore, #tpu.memory_space<semaphore_mem>>
      %dma_start3A_350 = arith.constant 0 : i32
      %dma_start3A_351 = tpu.memref_slice %arg11[%add3A_47, %dma_start3A_350] : memref<10240x128xf32, #tpu.memory_space<vmem_shared>> -> memref<64x128xf32, #tpu.memory_space<vmem_shared>>
      %dma_start3A_352 = arith.constant 0 : i32
      %dma_start3A_353 = tpu.memref_slice %arg11[%add3A_47, %dma_start3A_352] : memref<10240x128xf32, #tpu.memory_space<vmem_shared>> -> memref<64x128xf32, #tpu.memory_space<vmem_shared>>
      tpu.enqueue_dma source(%arg10 : memref<64x128xf32, #tpu.memory_space<vmem>>) target(%dma_start3A_353 : memref<64x128xf32, #tpu.memory_space<vmem_shared>>) target_semaphore(%run_scoped3A : memref<!tpu.dma_semaphore, #tpu.memory_space<semaphore_mem>>)
      %dma_wait3A_354 = arith.constant 0 : i32
      %dma_wait3A_355 = tpu.memref_slice %arg11[%add3A_47, %dma_wait3A_354] : memref<10240x128xf32, #tpu.memory_space<vmem_shared>> -> memref<64x128xf32, #tpu.memory_space<vmem_shared>>
      %dma_wait3A_356 = arith.constant 0 : i32
      %dma_wait3A_357 = tpu.memref_slice %arg11[%add3A_47, %dma_wait3A_356] : memref<10240x128xf32, #tpu.memory_space<vmem_shared>> -> memref<64x128xf32, #tpu.memory_space<vmem_shared>>
      tpu.wait_dma2 semaphore(%run_scoped3A : memref<!tpu.dma_semaphore, #tpu.memory_space<semaphore_mem>>) src(%arg10 : memref<64x128xf32, #tpu.memory_space<vmem>>) dst(%dma_wait3A_357 : memref<64x128xf32, #tpu.memory_space<vmem_shared>>)
      tpu.yield
    }) : () -> ()
    %barrier3A = arith.constant 0 : index
    tpu.barrier barrier_id(%barrier3A)
    %add3A_48 = arith.constant 0 : i32
    %add3A_49 = arith.addi %add3A, %add3A_48 : i32
    %lt3A = arith.constant 2500 : i32
    %lt3A_50 = arith.cmpi slt, %add3A_49, %lt3A : i32
    %convert_element_type3A = arith.extui %lt3A_50 : i1 to i32
    %cond3A = arith.constant 0 : i32
    %cond3A_51 = arith.cmpi ne, %convert_element_type3A, %cond3A : i32
    scf.if %cond3A_51 {
      %mul3A_350 = arith.constant 128 : i32
      %mul3A_351 = arith.muli %add3A_49, %mul3A_350 : i32
      %dma_start3A_352 = arith.constant 0 : i32
      %dma_start3A_353 = arith.constant 0 : i32
      %dma_start3A_354 = arith.constant 0 : i32
      %dma_start3A_355 = tpu.memref_slice %arg6[%dma_start3A_353, %dma_start3A_354] : memref<2x128xi32, #tpu.memory_space<vmem>> -> memref<1x128xi32, #tpu.memory_space<vmem>>
      %dma_start3A_356 = tpu.memref_squeeze %dma_start3A_355 : memref<1x128xi32, #tpu.memory_space<vmem>> -> memref<128xi32, #tpu.memory_space<vmem>>
      %dma_start3A_357 = tpu.memref_slice %arg3[%dma_start3A_352, %mul3A_351] : memref<2x320000xi32, #tpu.memory_space<hbm>> -> memref<1x128xi32, #tpu.memory_space<hbm>>
      %dma_start3A_358 = tpu.memref_squeeze %dma_start3A_357 : memref<1x128xi32, #tpu.memory_space<hbm>> -> memref<128xi32, #tpu.memory_space<hbm>>
      %dma_start3A_359 = arith.constant 0 : i32
      %dma_start3A_360 = tpu.memref_slice %arg6[%dma_start3A_353, %dma_start3A_359] : memref<2x128xi32, #tpu.memory_space<vmem>> -> memref<1x128xi32, #tpu.memory_space<vmem>>
      %dma_start3A_361 = tpu.memref_squeeze %dma_start3A_360 : memref<1x128xi32, #tpu.memory_space<vmem>> -> memref<128xi32, #tpu.memory_space<vmem>>
      %dma_start3A_362 = tpu.memref_slice %arg3[%dma_start3A_352, %mul3A_351] : memref<2x320000xi32, #tpu.memory_space<hbm>> -> memref<1x128xi32, #tpu.memory_space<hbm>>
      %dma_start3A_363 = tpu.memref_squeeze %dma_start3A_362 : memref<1x128xi32, #tpu.memory_space<hbm>> -> memref<128xi32, #tpu.memory_space<hbm>>
      tpu.enqueue_dma source(%dma_start3A_363 : memref<128xi32, #tpu.memory_space<hbm>>) target(%dma_start3A_361 : memref<128xi32, #tpu.memory_space<vmem>>) target_semaphore(%arg16 : memref<!tpu.dma_semaphore, #tpu.memory_space<semaphore_mem>>)
      %mul3A_364 = arith.constant 128 : i32
      %mul3A_365 = arith.muli %add3A_49, %mul3A_364 : i32
      %dma_start3A_366 = arith.constant 1 : i32
      %dma_start3A_367 = arith.constant 1 : i32
      %dma_start3A_368 = arith.constant 0 : i32
      %dma_start3A_369 = tpu.memref_slice %arg6[%dma_start3A_367, %dma_start3A_368] : memref<2x128xi32, #tpu.memory_space<vmem>> -> memref<1x128xi32, #tpu.memory_space<vmem>>
      %dma_start3A_370 = tpu.memref_squeeze %dma_start3A_369 : memref<1x128xi32, #tpu.memory_space<vmem>> -> memref<128xi32, #tpu.memory_space<vmem>>
      %dma_start3A_371 = tpu.memref_slice %arg3[%dma_start3A_366, %mul3A_365] : memref<2x320000xi32, #tpu.memory_space<hbm>> -> memref<1x128xi32, #tpu.memory_space<hbm>>
      %dma_start3A_372 = tpu.memref_squeeze %dma_start3A_371 : memref<1x128xi32, #tpu.memory_space<hbm>> -> memref<128xi32, #tpu.memory_space<hbm>>
      %dma_start3A_373 = arith.constant 0 : i32
      %dma_start3A_374 = tpu.memref_slice %arg6[%dma_start3A_367, %dma_start3A_373] : memref<2x128xi32, #tpu.memory_space<vmem>> -> memref<1x128xi32, #tpu.memory_space<vmem>>
      %dma_start3A_375 = tpu.memref_squeeze %dma_start3A_374 : memref<1x128xi32, #tpu.memory_space<vmem>> -> memref<128xi32, #tpu.memory_space<vmem>>
      %dma_start3A_376 = tpu.memref_slice %arg3[%dma_start3A_366, %mul3A_365] : memref<2x320000xi32, #tpu.memory_space<hbm>> -> memref<1x128xi32, #tpu.memory_space<hbm>>
      %dma_start3A_377 = tpu.memref_squeeze %dma_start3A_376 : memref<1x128xi32, #tpu.memory_space<hbm>> -> memref<128xi32, #tpu.memory_space<hbm>>
      tpu.enqueue_dma source(%dma_start3A_377 : memref<128xi32, #tpu.memory_space<hbm>>) target(%dma_start3A_375 : memref<128xi32, #tpu.memory_space<vmem>>) target_semaphore(%arg16 : memref<!tpu.dma_semaphore, #tpu.memory_space<semaphore_mem>>)
    } else {
    }
    %ge3A = arith.constant 2500 : i32
    %ge3A_52 = arith.cmpi sge, %add3A_49, %ge3A : i32
    %convert_element_type3A_53 = arith.extui %ge3A_52 : i1 to i32
    %cond3A_54 = arith.constant 0 : i32
    %cond3A_55 = arith.cmpi ne, %convert_element_type3A_53, %cond3A_54 : i32
    scf.if %cond3A_55 {
      %dma_start3A_350 = arith.constant 0 : i32
      %dma_start3A_351 = arith.constant 0 : i32
      %dma_start3A_352 = arith.constant 0 : i32
      %dma_start3A_353 = tpu.memref_slice %arg6[%dma_start3A_351, %dma_start3A_352] : memref<2x128xi32, #tpu.memory_space<vmem>> -> memref<1x128xi32, #tpu.memory_space<vmem>>
      %dma_start3A_354 = tpu.memref_squeeze %dma_start3A_353 : memref<1x128xi32, #tpu.memory_space<vmem>> -> memref<128xi32, #tpu.memory_space<vmem>>
      %dma_start3A_355 = arith.constant 0 : i32
      %dma_start3A_356 = tpu.memref_slice %arg4[%dma_start3A_350, %dma_start3A_355] : memref<2x128xi32, #tpu.memory_space<hbm>> -> memref<1x128xi32, #tpu.memory_space<hbm>>
      %dma_start3A_357 = tpu.memref_squeeze %dma_start3A_356 : memref<1x128xi32, #tpu.memory_space<hbm>> -> memref<128xi32, #tpu.memory_space<hbm>>
      %dma_start3A_358 = arith.constant 0 : i32
      %dma_start3A_359 = tpu.memref_slice %arg6[%dma_start3A_351, %dma_start3A_358] : memref<2x128xi32, #tpu.memory_space<vmem>> -> memref<1x128xi32, #tpu.memory_space<vmem>>
      %dma_start3A_360 = tpu.memref_squeeze %dma_start3A_359 : memref<1x128xi32, #tpu.memory_space<vmem>> -> memref<128xi32, #tpu.memory_space<vmem>>
      %dma_start3A_361 = arith.constant 0 : i32
      %dma_start3A_362 = tpu.memref_slice %arg4[%dma_start3A_350, %dma_start3A_361] : memref<2x128xi32, #tpu.memory_space<hbm>> -> memref<1x128xi32, #tpu.memory_space<hbm>>
      %dma_start3A_363 = tpu.memref_squeeze %dma_start3A_362 : memref<1x128xi32, #tpu.memory_space<hbm>> -> memref<128xi32, #tpu.memory_space<hbm>>
      tpu.enqueue_dma source(%dma_start3A_363 : memref<128xi32, #tpu.memory_space<hbm>>) target(%dma_start3A_360 : memref<128xi32, #tpu.memory_space<vmem>>) target_semaphore(%arg16 : memref<!tpu.dma_semaphore, #tpu.memory_space<semaphore_mem>>)
      %dma_start3A_364 = arith.constant 1 : i32
      %dma_start3A_365 = arith.constant 1 : i32
      %dma_start3A_366 = arith.constant 0 : i32
      %dma_start3A_367 = tpu.memref_slice %arg6[%dma_start3A_365, %dma_start3A_366] : memref<2x128xi32, #tpu.memory_space<vmem>> -> memref<1x128xi32, #tpu.memory_space<vmem>>
      %dma_start3A_368 = tpu.memref_squeeze %dma_start3A_367 : memref<1x128xi32, #tpu.memory_space<vmem>> -> memref<128xi32, #tpu.memory_space<vmem>>
      %dma_start3A_369 = arith.constant 0 : i32
      %dma_start3A_370 = tpu.memref_slice %arg4[%dma_start3A_364, %dma_start3A_369] : memref<2x128xi32, #tpu.memory_space<hbm>> -> memref<1x128xi32, #tpu.memory_space<hbm>>
      %dma_start3A_371 = tpu.memref_squeeze %dma_start3A_370 : memref<1x128xi32, #tpu.memory_space<hbm>> -> memref<128xi32, #tpu.memory_space<hbm>>
      %dma_start3A_372 = arith.constant 0 : i32
      %dma_start3A_373 = tpu.memref_slice %arg6[%dma_start3A_365, %dma_start3A_372] : memref<2x128xi32, #tpu.memory_space<vmem>> -> memref<1x128xi32, #tpu.memory_space<vmem>>
      %dma_start3A_374 = tpu.memref_squeeze %dma_start3A_373 : memref<1x128xi32, #tpu.memory_space<vmem>> -> memref<128xi32, #tpu.memory_space<vmem>>
      %dma_start3A_375 = arith.constant 0 : i32
      %dma_start3A_376 = tpu.memref_slice %arg4[%dma_start3A_364, %dma_start3A_375] : memref<2x128xi32, #tpu.memory_space<hbm>> -> memref<1x128xi32, #tpu.memory_space<hbm>>
      %dma_start3A_377 = tpu.memref_squeeze %dma_start3A_376 : memref<1x128xi32, #tpu.memory_space<hbm>> -> memref<128xi32, #tpu.memory_space<hbm>>
      tpu.enqueue_dma source(%dma_start3A_377 : memref<128xi32, #tpu.memory_space<hbm>>) target(%dma_start3A_374 : memref<128xi32, #tpu.memory_space<vmem>>) target_semaphore(%arg16 : memref<!tpu.dma_semaphore, #tpu.memory_space<semaphore_mem>>)
    } else {
    }
    %add3A_56 = arith.constant 32 : i32
    %add3A_57 = arith.addi %add3A, %add3A_56 : i32
    %lt3A_58 = arith.constant 2500 : i32
    %lt3A_59 = arith.cmpi slt, %add3A_57, %lt3A_58 : i32
    %convert_element_type3A_60 = arith.extui %lt3A_59 : i1 to i32
    %cond3A_61 = arith.constant 0 : i32
    %cond3A_62 = arith.cmpi ne, %convert_element_type3A_60, %cond3A_61 : i32
    scf.if %cond3A_62 {
      %mul3A_350 = arith.constant 128 : i32
      %mul3A_351 = arith.muli %add3A_57, %mul3A_350 : i32
      %dma_start3A_352 = arith.constant 0 : i32
      %dma_start3A_353 = arith.constant 0 : i32
      %dma_start3A_354 = arith.constant 0 : i32
      %dma_start3A_355 = tpu.memref_slice %arg7[%dma_start3A_353, %dma_start3A_354] : memref<2x128xi32, #tpu.memory_space<vmem>> -> memref<1x128xi32, #tpu.memory_space<vmem>>
      %dma_start3A_356 = tpu.memref_squeeze %dma_start3A_355 : memref<1x128xi32, #tpu.memory_space<vmem>> -> memref<128xi32, #tpu.memory_space<vmem>>
      %dma_start3A_357 = tpu.memref_slice %arg3[%dma_start3A_352, %mul3A_351] : memref<2x320000xi32, #tpu.memory_space<hbm>> -> memref<1x128xi32, #tpu.memory_space<hbm>>
      %dma_start3A_358 = tpu.memref_squeeze %dma_start3A_357 : memref<1x128xi32, #tpu.memory_space<hbm>> -> memref<128xi32, #tpu.memory_space<hbm>>
      %dma_start3A_359 = arith.constant 0 : i32
      %dma_start3A_360 = tpu.memref_slice %arg7[%dma_start3A_353, %dma_start3A_359] : memref<2x128xi32, #tpu.memory_space<vmem>> -> memref<1x128xi32, #tpu.memory_space<vmem>>
      %dma_start3A_361 = tpu.memref_squeeze %dma_start3A_360 : memref<1x128xi32, #tpu.memory_space<vmem>> -> memref<128xi32, #tpu.memory_space<vmem>>
      %dma_start3A_362 = tpu.memref_slice %arg3[%dma_start3A_352, %mul3A_351] : memref<2x320000xi32, #tpu.memory_space<hbm>> -> memref<1x128xi32, #tpu.memory_space<hbm>>
      %dma_start3A_363 = tpu.memref_squeeze %dma_start3A_362 : memref<1x128xi32, #tpu.memory_space<hbm>> -> memref<128xi32, #tpu.memory_space<hbm>>
      tpu.enqueue_dma source(%dma_start3A_363 : memref<128xi32, #tpu.memory_space<hbm>>) target(%dma_start3A_361 : memref<128xi32, #tpu.memory_space<vmem>>) target_semaphore(%arg17 : memref<!tpu.dma_semaphore, #tpu.memory_space<semaphore_mem>>)
      %mul3A_364 = arith.constant 128 : i32
      %mul3A_365 = arith.muli %add3A_57, %mul3A_364 : i32
      %dma_start3A_366 = arith.constant 1 : i32
      %dma_start3A_367 = arith.constant 1 : i32
      %dma_start3A_368 = arith.constant 0 : i32
      %dma_start3A_369 = tpu.memref_slice %arg7[%dma_start3A_367, %dma_start3A_368] : memref<2x128xi32, #tpu.memory_space<vmem>> -> memref<1x128xi32, #tpu.memory_space<vmem>>
      %dma_start3A_370 = tpu.memref_squeeze %dma_start3A_369 : memref<1x128xi32, #tpu.memory_space<vmem>> -> memref<128xi32, #tpu.memory_space<vmem>>
      %dma_start3A_371 = tpu.memref_slice %arg3[%dma_start3A_366, %mul3A_365] : memref<2x320000xi32, #tpu.memory_space<hbm>> -> memref<1x128xi32, #tpu.memory_space<hbm>>
      %dma_start3A_372 = tpu.memref_squeeze %dma_start3A_371 : memref<1x128xi32, #tpu.memory_space<hbm>> -> memref<128xi32, #tpu.memory_space<hbm>>
      %dma_start3A_373 = arith.constant 0 : i32
      %dma_start3A_374 = tpu.memref_slice %arg7[%dma_start3A_367, %dma_start3A_373] : memref<2x128xi32, #tpu.memory_space<vmem>> -> memref<1x128xi32, #tpu.memory_space<vmem>>
      %dma_start3A_375 = tpu.memref_squeeze %dma_start3A_374 : memref<1x128xi32, #tpu.memory_space<vmem>> -> memref<128xi32, #tpu.memory_space<vmem>>
      %dma_start3A_376 = tpu.memref_slice %arg3[%dma_start3A_366, %mul3A_365] : memref<2x320000xi32, #tpu.memory_space<hbm>> -> memref<1x128xi32, #tpu.memory_space<hbm>>
      %dma_start3A_377 = tpu.memref_squeeze %dma_start3A_376 : memref<1x128xi32, #tpu.memory_space<hbm>> -> memref<128xi32, #tpu.memory_space<hbm>>
      tpu.enqueue_dma source(%dma_start3A_377 : memref<128xi32, #tpu.memory_space<hbm>>) target(%dma_start3A_375 : memref<128xi32, #tpu.memory_space<vmem>>) target_semaphore(%arg17 : memref<!tpu.dma_semaphore, #tpu.memory_space<semaphore_mem>>)
    } else {
    }
    %ge3A_63 = arith.constant 2500 : i32
    %ge3A_64 = arith.cmpi sge, %add3A_57, %ge3A_63 : i32
    %convert_element_type3A_65 = arith.extui %ge3A_64 : i1 to i32
    %cond3A_66 = arith.constant 0 : i32
    %cond3A_67 = arith.cmpi ne, %convert_element_type3A_65, %cond3A_66 : i32
    scf.if %cond3A_67 {
      %dma_start3A_350 = arith.constant 0 : i32
      %dma_start3A_351 = arith.constant 0 : i32
      %dma_start3A_352 = arith.constant 0 : i32
      %dma_start3A_353 = tpu.memref_slice %arg7[%dma_start3A_351, %dma_start3A_352] : memref<2x128xi32, #tpu.memory_space<vmem>> -> memref<1x128xi32, #tpu.memory_space<vmem>>
      %dma_start3A_354 = tpu.memref_squeeze %dma_start3A_353 : memref<1x128xi32, #tpu.memory_space<vmem>> -> memref<128xi32, #tpu.memory_space<vmem>>
      %dma_start3A_355 = arith.constant 0 : i32
      %dma_start3A_356 = tpu.memref_slice %arg4[%dma_start3A_350, %dma_start3A_355] : memref<2x128xi32, #tpu.memory_space<hbm>> -> memref<1x128xi32, #tpu.memory_space<hbm>>
      %dma_start3A_357 = tpu.memref_squeeze %dma_start3A_356 : memref<1x128xi32, #tpu.memory_space<hbm>> -> memref<128xi32, #tpu.memory_space<hbm>>
      %dma_start3A_358 = arith.constant 0 : i32
      %dma_start3A_359 = tpu.memref_slice %arg7[%dma_start3A_351, %dma_start3A_358] : memref<2x128xi32, #tpu.memory_space<vmem>> -> memref<1x128xi32, #tpu.memory_space<vmem>>
      %dma_start3A_360 = tpu.memref_squeeze %dma_start3A_359 : memref<1x128xi32, #tpu.memory_space<vmem>> -> memref<128xi32, #tpu.memory_space<vmem>>
      %dma_start3A_361 = arith.constant 0 : i32
      %dma_start3A_362 = tpu.memref_slice %arg4[%dma_start3A_350, %dma_start3A_361] : memref<2x128xi32, #tpu.memory_space<hbm>> -> memref<1x128xi32, #tpu.memory_space<hbm>>
      %dma_start3A_363 = tpu.memref_squeeze %dma_start3A_362 : memref<1x128xi32, #tpu.memory_space<hbm>> -> memref<128xi32, #tpu.memory_space<hbm>>
      tpu.enqueue_dma source(%dma_start3A_363 : memref<128xi32, #tpu.memory_space<hbm>>) target(%dma_start3A_360 : memref<128xi32, #tpu.memory_space<vmem>>) target_semaphore(%arg17 : memref<!tpu.dma_semaphore, #tpu.memory_space<semaphore_mem>>)
      %dma_start3A_364 = arith.constant 1 : i32
      %dma_start3A_365 = arith.constant 1 : i32
      %dma_start3A_366 = arith.constant 0 : i32
      %dma_start3A_367 = tpu.memref_slice %arg7[%dma_start3A_365, %dma_start3A_366] : memref<2x128xi32, #tpu.memory_space<vmem>> -> memref<1x128xi32, #tpu.memory_space<vmem>>
      %dma_start3A_368 = tpu.memref_squeeze %dma_start3A_367 : memref<1x128xi32, #tpu.memory_space<vmem>> -> memref<128xi32, #tpu.memory_space<vmem>>
      %dma_start3A_369 = arith.constant 0 : i32
      %dma_start3A_370 = tpu.memref_slice %arg4[%dma_start3A_364, %dma_start3A_369] : memref<2x128xi32, #tpu.memory_space<hbm>> -> memref<1x128xi32, #tpu.memory_space<hbm>>
      %dma_start3A_371 = tpu.memref_squeeze %dma_start3A_370 : memref<1x128xi32, #tpu.memory_space<hbm>> -> memref<128xi32, #tpu.memory_space<hbm>>
      %dma_start3A_372 = arith.constant 0 : i32
      %dma_start3A_373 = tpu.memref_slice %arg7[%dma_start3A_365, %dma_start3A_372] : memref<2x128xi32, #tpu.memory_space<vmem>> -> memref<1x128xi32, #tpu.memory_space<vmem>>
      %dma_start3A_374 = tpu.memref_squeeze %dma_start3A_373 : memref<1x128xi32, #tpu.memory_space<vmem>> -> memref<128xi32, #tpu.memory_space<vmem>>
      %dma_start3A_375 = arith.constant 0 : i32
      %dma_start3A_376 = tpu.memref_slice %arg4[%dma_start3A_364, %dma_start3A_375] : memref<2x128xi32, #tpu.memory_space<hbm>> -> memref<1x128xi32, #tpu.memory_space<hbm>>
      %dma_start3A_377 = tpu.memref_squeeze %dma_start3A_376 : memref<1x128xi32, #tpu.memory_space<hbm>> -> memref<128xi32, #tpu.memory_space<hbm>>
      tpu.enqueue_dma source(%dma_start3A_377 : memref<128xi32, #tpu.memory_space<hbm>>) target(%dma_start3A_374 : memref<128xi32, #tpu.memory_space<vmem>>) target_semaphore(%arg17 : memref<!tpu.dma_semaphore, #tpu.memory_space<semaphore_mem>>)
    } else {
    }
    %dma_wait3A = arith.constant 0 : i32
    %dma_wait3A_68 = arith.constant 0 : i32
    %dma_wait3A_69 = arith.constant 0 : i32
    %dma_wait3A_70 = tpu.memref_slice %arg6[%dma_wait3A_68, %dma_wait3A_69] : memref<2x128xi32, #tpu.memory_space<vmem>> -> memref<1x128xi32, #tpu.memory_space<vmem>>
    %dma_wait3A_71 = tpu.memref_squeeze %dma_wait3A_70 : memref<1x128xi32, #tpu.memory_space<vmem>> -> memref<128xi32, #tpu.memory_space<vmem>>
    %dma_wait3A_72 = arith.constant 0 : i32
    %dma_wait3A_73 = tpu.memref_slice %arg4[%dma_wait3A, %dma_wait3A_72] : memref<2x128xi32, #tpu.memory_space<hbm>> -> memref<1x128xi32, #tpu.memory_space<hbm>>
    %dma_wait3A_74 = tpu.memref_squeeze %dma_wait3A_73 : memref<1x128xi32, #tpu.memory_space<hbm>> -> memref<128xi32, #tpu.memory_space<hbm>>
    %dma_wait3A_75 = arith.constant 0 : i32
    %dma_wait3A_76 = tpu.memref_slice %arg6[%dma_wait3A_68, %dma_wait3A_75] : memref<2x128xi32, #tpu.memory_space<vmem>> -> memref<1x128xi32, #tpu.memory_space<vmem>>
    %dma_wait3A_77 = tpu.memref_squeeze %dma_wait3A_76 : memref<1x128xi32, #tpu.memory_space<vmem>> -> memref<128xi32, #tpu.memory_space<vmem>>
    %dma_wait3A_78 = arith.constant 0 : i32
    %dma_wait3A_79 = tpu.memref_slice %arg4[%dma_wait3A, %dma_wait3A_78] : memref<2x128xi32, #tpu.memory_space<hbm>> -> memref<1x128xi32, #tpu.memory_space<hbm>>
    %dma_wait3A_80 = tpu.memref_squeeze %dma_wait3A_79 : memref<1x128xi32, #tpu.memory_space<hbm>> -> memref<128xi32, #tpu.memory_space<hbm>>
    tpu.wait_dma2 semaphore(%arg16 : memref<!tpu.dma_semaphore, #tpu.memory_space<semaphore_mem>>) src(%dma_wait3A_80 : memref<128xi32, #tpu.memory_space<hbm>>) dst(%dma_wait3A_77 : memref<128xi32, #tpu.memory_space<vmem>>)
    %dma_wait3A_81 = arith.constant 1 : i32
    %dma_wait3A_82 = arith.constant 1 : i32
    %dma_wait3A_83 = arith.constant 0 : i32
    %dma_wait3A_84 = tpu.memref_slice %arg6[%dma_wait3A_82, %dma_wait3A_83] : memref<2x128xi32, #tpu.memory_space<vmem>> -> memref<1x128xi32, #tpu.memory_space<vmem>>
    %dma_wait3A_85 = tpu.memref_squeeze %dma_wait3A_84 : memref<1x128xi32, #tpu.memory_space<vmem>> -> memref<128xi32, #tpu.memory_space<vmem>>
    %dma_wait3A_86 = arith.constant 0 : i32
    %dma_wait3A_87 = tpu.memref_slice %arg4[%dma_wait3A_81, %dma_wait3A_86] : memref<2x128xi32, #tpu.memory_space<hbm>> -> memref<1x128xi32, #tpu.memory_space<hbm>>
    %dma_wait3A_88 = tpu.memref_squeeze %dma_wait3A_87 : memref<1x128xi32, #tpu.memory_space<hbm>> -> memref<128xi32, #tpu.memory_space<hbm>>
    %dma_wait3A_89 = arith.constant 0 : i32
    %dma_wait3A_90 = tpu.memref_slice %arg6[%dma_wait3A_82, %dma_wait3A_89] : memref<2x128xi32, #tpu.memory_space<vmem>> -> memref<1x128xi32, #tpu.memory_space<vmem>>
    %dma_wait3A_91 = tpu.memref_squeeze %dma_wait3A_90 : memref<1x128xi32, #tpu.memory_space<vmem>> -> memref<128xi32, #tpu.memory_space<vmem>>
    %dma_wait3A_92 = arith.constant 0 : i32
    %dma_wait3A_93 = tpu.memref_slice %arg4[%dma_wait3A_81, %dma_wait3A_92] : memref<2x128xi32, #tpu.memory_space<hbm>> -> memref<1x128xi32, #tpu.memory_space<hbm>>
    %dma_wait3A_94 = tpu.memref_squeeze %dma_wait3A_93 : memref<1x128xi32, #tpu.memory_space<hbm>> -> memref<128xi32, #tpu.memory_space<hbm>>
    tpu.wait_dma2 semaphore(%arg16 : memref<!tpu.dma_semaphore, #tpu.memory_space<semaphore_mem>>) src(%dma_wait3A_94 : memref<128xi32, #tpu.memory_space<hbm>>) dst(%dma_wait3A_91 : memref<128xi32, #tpu.memory_space<vmem>>)
    %dma_start3A = arith.constant 0 : i32
    %dma_start3A_95 = arith.constant 0 : i32
    %dma_start3A_96 = arith.constant 0 : i32
    %dma_start3A_97 = arith.constant 0 : i32
    %dma_start3A_98 = tpu.memref_slice %arg9[%dma_start3A_95, %dma_start3A_96, %dma_start3A_97] : memref<2x128x128xf32, #tpu.memory_space<vmem>> -> memref<1x128x128xf32, #tpu.memory_space<vmem>>
    %dma_start3A_99 = tpu.memref_squeeze %dma_start3A_98 : memref<1x128x128xf32, #tpu.memory_space<vmem>> -> memref<128x128xf32, #tpu.memory_space<vmem>>
    %dma_start3A_100 = arith.constant 0 : i32
    %dma_start3A_101 = tpu.memref_slice %arg6[%dma_start3A, %dma_start3A_100] : memref<2x128xi32, #tpu.memory_space<vmem>> -> memref<1x128xi32, #tpu.memory_space<vmem>>
    %dma_start3A_102 = tpu.memref_squeeze %dma_start3A_101 : memref<1x128xi32, #tpu.memory_space<vmem>> -> memref<128xi32, #tpu.memory_space<vmem>>
    %dma_start3A_103 = arith.constant 0 : i32
    %dma_start3A_104 = arith.constant 0 : i32
    %dma_start3A_105 = tpu.memref_slice %arg2[%dma_start3A_103, %dma_start3A_104] : memref<10000x128xf32, #tpu.memory_space<hbm>> -> memref<10000x128xf32, #tpu.memory_space<hbm>>
    tpu.enqueue_indirect_dma source(%dma_start3A_105 : memref<10000x128xf32, #tpu.memory_space<hbm>>) target(%dma_start3A_99 : memref<128x128xf32, #tpu.memory_space<vmem>>) offsets(%dma_start3A_102 : memref<128xi32, #tpu.memory_space<vmem>>) semaphore(%arg12 : memref<!tpu.dma_semaphore, #tpu.memory_space<semaphore_mem>>)
    %dma_wait3A_106 = arith.constant 0 : i32
    %dma_wait3A_107 = arith.constant 0 : i32
    %dma_wait3A_108 = arith.constant 0 : i32
    %dma_wait3A_109 = tpu.memref_slice %arg7[%dma_wait3A_107, %dma_wait3A_108] : memref<2x128xi32, #tpu.memory_space<vmem>> -> memref<1x128xi32, #tpu.memory_space<vmem>>
    %dma_wait3A_110 = tpu.memref_squeeze %dma_wait3A_109 : memref<1x128xi32, #tpu.memory_space<vmem>> -> memref<128xi32, #tpu.memory_space<vmem>>
    %dma_wait3A_111 = arith.constant 0 : i32
    %dma_wait3A_112 = tpu.memref_slice %arg4[%dma_wait3A_106, %dma_wait3A_111] : memref<2x128xi32, #tpu.memory_space<hbm>> -> memref<1x128xi32, #tpu.memory_space<hbm>>
    %dma_wait3A_113 = tpu.memref_squeeze %dma_wait3A_112 : memref<1x128xi32, #tpu.memory_space<hbm>> -> memref<128xi32, #tpu.memory_space<hbm>>
    %dma_wait3A_114 = arith.constant 0 : i32
    %dma_wait3A_115 = tpu.memref_slice %arg7[%dma_wait3A_107, %dma_wait3A_114] : memref<2x128xi32, #tpu.memory_space<vmem>> -> memref<1x128xi32, #tpu.memory_space<vmem>>
    %dma_wait3A_116 = tpu.memref_squeeze %dma_wait3A_115 : memref<1x128xi32, #tpu.memory_space<vmem>> -> memref<128xi32, #tpu.memory_space<vmem>>
    %dma_wait3A_117 = arith.constant 0 : i32
    %dma_wait3A_118 = tpu.memref_slice %arg4[%dma_wait3A_106, %dma_wait3A_117] : memref<2x128xi32, #tpu.memory_space<hbm>> -> memref<1x128xi32, #tpu.memory_space<hbm>>
    %dma_wait3A_119 = tpu.memref_squeeze %dma_wait3A_118 : memref<1x128xi32, #tpu.memory_space<hbm>> -> memref<128xi32, #tpu.memory_space<hbm>>
    tpu.wait_dma2 semaphore(%arg17 : memref<!tpu.dma_semaphore, #tpu.memory_space<semaphore_mem>>) src(%dma_wait3A_119 : memref<128xi32, #tpu.memory_space<hbm>>) dst(%dma_wait3A_116 : memref<128xi32, #tpu.memory_space<vmem>>)
    %dma_wait3A_120 = arith.constant 1 : i32
    %dma_wait3A_121 = arith.constant 1 : i32
    %dma_wait3A_122 = arith.constant 0 : i32
    %dma_wait3A_123 = tpu.memref_slice %arg7[%dma_wait3A_121, %dma_wait3A_122] : memref<2x128xi32, #tpu.memory_space<vmem>> -> memref<1x128xi32, #tpu.memory_space<vmem>>
    %dma_wait3A_124 = tpu.memref_squeeze %dma_wait3A_123 : memref<1x128xi32, #tpu.memory_space<vmem>> -> memref<128xi32, #tpu.memory_space<vmem>>
    %dma_wait3A_125 = arith.constant 0 : i32
    %dma_wait3A_126 = tpu.memref_slice %arg4[%dma_wait3A_120, %dma_wait3A_125] : memref<2x128xi32, #tpu.memory_space<hbm>> -> memref<1x128xi32, #tpu.memory_space<hbm>>
    %dma_wait3A_127 = tpu.memref_squeeze %dma_wait3A_126 : memref<1x128xi32, #tpu.memory_space<hbm>> -> memref<128xi32, #tpu.memory_space<hbm>>
    %dma_wait3A_128 = arith.constant 0 : i32
    %dma_wait3A_129 = tpu.memref_slice %arg7[%dma_wait3A_121, %dma_wait3A_128] : memref<2x128xi32, #tpu.memory_space<vmem>> -> memref<1x128xi32, #tpu.memory_space<vmem>>
    %dma_wait3A_130 = tpu.memref_squeeze %dma_wait3A_129 : memref<1x128xi32, #tpu.memory_space<vmem>> -> memref<128xi32, #tpu.memory_space<vmem>>
    %dma_wait3A_131 = arith.constant 0 : i32
    %dma_wait3A_132 = tpu.memref_slice %arg4[%dma_wait3A_120, %dma_wait3A_131] : memref<2x128xi32, #tpu.memory_space<hbm>> -> memref<1x128xi32, #tpu.memory_space<hbm>>
    %dma_wait3A_133 = tpu.memref_squeeze %dma_wait3A_132 : memref<1x128xi32, #tpu.memory_space<hbm>> -> memref<128xi32, #tpu.memory_space<hbm>>
    tpu.wait_dma2 semaphore(%arg17 : memref<!tpu.dma_semaphore, #tpu.memory_space<semaphore_mem>>) src(%dma_wait3A_133 : memref<128xi32, #tpu.memory_space<hbm>>) dst(%dma_wait3A_130 : memref<128xi32, #tpu.memory_space<vmem>>)
    %dma_start3A_134 = arith.constant 0 : i32
    %dma_start3A_135 = arith.constant 1 : i32
    %dma_start3A_136 = arith.constant 0 : i32
    %dma_start3A_137 = arith.constant 0 : i32
    %dma_start3A_138 = tpu.memref_slice %arg9[%dma_start3A_135, %dma_start3A_136, %dma_start3A_137] : memref<2x128x128xf32, #tpu.memory_space<vmem>> -> memref<1x128x128xf32, #tpu.memory_space<vmem>>
    %dma_start3A_139 = tpu.memref_squeeze %dma_start3A_138 : memref<1x128x128xf32, #tpu.memory_space<vmem>> -> memref<128x128xf32, #tpu.memory_space<vmem>>
    %dma_start3A_140 = arith.constant 0 : i32
    %dma_start3A_141 = tpu.memref_slice %arg7[%dma_start3A_134, %dma_start3A_140] : memref<2x128xi32, #tpu.memory_space<vmem>> -> memref<1x128xi32, #tpu.memory_space<vmem>>
    %dma_start3A_142 = tpu.memref_squeeze %dma_start3A_141 : memref<1x128xi32, #tpu.memory_space<vmem>> -> memref<128xi32, #tpu.memory_space<vmem>>
    %dma_start3A_143 = arith.constant 0 : i32
    %dma_start3A_144 = arith.constant 0 : i32
    %dma_start3A_145 = tpu.memref_slice %arg2[%dma_start3A_143, %dma_start3A_144] : memref<10000x128xf32, #tpu.memory_space<hbm>> -> memref<10000x128xf32, #tpu.memory_space<hbm>>
    tpu.enqueue_indirect_dma source(%dma_start3A_145 : memref<10000x128xf32, #tpu.memory_space<hbm>>) target(%dma_start3A_139 : memref<128x128xf32, #tpu.memory_space<vmem>>) offsets(%dma_start3A_142 : memref<128xi32, #tpu.memory_space<vmem>>) semaphore(%arg13 : memref<!tpu.dma_semaphore, #tpu.memory_space<semaphore_mem>>)
    %add3A_146 = arith.constant 64 : i32
    %add3A_147 = arith.addi %add3A, %add3A_146 : i32
    %lt3A_148 = arith.constant 2500 : i32
    %lt3A_149 = arith.cmpi slt, %add3A_147, %lt3A_148 : i32
    %convert_element_type3A_150 = arith.extui %lt3A_149 : i1 to i32
    %cond3A_151 = arith.constant 0 : i32
    %cond3A_152 = arith.cmpi ne, %convert_element_type3A_150, %cond3A_151 : i32
    scf.if %cond3A_152 {
      %mul3A_350 = arith.constant 128 : i32
      %mul3A_351 = arith.muli %add3A_147, %mul3A_350 : i32
      %dma_start3A_352 = arith.constant 0 : i32
      %dma_start3A_353 = arith.constant 0 : i32
      %dma_start3A_354 = arith.constant 0 : i32
      %dma_start3A_355 = tpu.memref_slice %arg8[%dma_start3A_353, %dma_start3A_354] : memref<2x128xi32, #tpu.memory_space<vmem>> -> memref<1x128xi32, #tpu.memory_space<vmem>>
      %dma_start3A_356 = tpu.memref_squeeze %dma_start3A_355 : memref<1x128xi32, #tpu.memory_space<vmem>> -> memref<128xi32, #tpu.memory_space<vmem>>
      %dma_start3A_357 = tpu.memref_slice %arg3[%dma_start3A_352, %mul3A_351] : memref<2x320000xi32, #tpu.memory_space<hbm>> -> memref<1x128xi32, #tpu.memory_space<hbm>>
      %dma_start3A_358 = tpu.memref_squeeze %dma_start3A_357 : memref<1x128xi32, #tpu.memory_space<hbm>> -> memref<128xi32, #tpu.memory_space<hbm>>
      %dma_start3A_359 = arith.constant 0 : i32
      %dma_start3A_360 = tpu.memref_slice %arg8[%dma_start3A_353, %dma_start3A_359] : memref<2x128xi32, #tpu.memory_space<vmem>> -> memref<1x128xi32, #tpu.memory_space<vmem>>
      %dma_start3A_361 = tpu.memref_squeeze %dma_start3A_360 : memref<1x128xi32, #tpu.memory_space<vmem>> -> memref<128xi32, #tpu.memory_space<vmem>>
      %dma_start3A_362 = tpu.memref_slice %arg3[%dma_start3A_352, %mul3A_351] : memref<2x320000xi32, #tpu.memory_space<hbm>> -> memref<1x128xi32, #tpu.memory_space<hbm>>
      %dma_start3A_363 = tpu.memref_squeeze %dma_start3A_362 : memref<1x128xi32, #tpu.memory_space<hbm>> -> memref<128xi32, #tpu.memory_space<hbm>>
      tpu.enqueue_dma source(%dma_start3A_363 : memref<128xi32, #tpu.memory_space<hbm>>) target(%dma_start3A_361 : memref<128xi32, #tpu.memory_space<vmem>>) target_semaphore(%arg18 : memref<!tpu.dma_semaphore, #tpu.memory_space<semaphore_mem>>)
      %mul3A_364 = arith.constant 128 : i32
      %mul3A_365 = arith.muli %add3A_147, %mul3A_364 : i32
      %dma_start3A_366 = arith.constant 1 : i32
      %dma_start3A_367 = arith.constant 1 : i32
      %dma_start3A_368 = arith.constant 0 : i32
      %dma_start3A_369 = tpu.memref_slice %arg8[%dma_start3A_367, %dma_start3A_368] : memref<2x128xi32, #tpu.memory_space<vmem>> -> memref<1x128xi32, #tpu.memory_space<vmem>>
      %dma_start3A_370 = tpu.memref_squeeze %dma_start3A_369 : memref<1x128xi32, #tpu.memory_space<vmem>> -> memref<128xi32, #tpu.memory_space<vmem>>
      %dma_start3A_371 = tpu.memref_slice %arg3[%dma_start3A_366, %mul3A_365] : memref<2x320000xi32, #tpu.memory_space<hbm>> -> memref<1x128xi32, #tpu.memory_space<hbm>>
      %dma_start3A_372 = tpu.memref_squeeze %dma_start3A_371 : memref<1x128xi32, #tpu.memory_space<hbm>> -> memref<128xi32, #tpu.memory_space<hbm>>
      %dma_start3A_373 = arith.constant 0 : i32
      %dma_start3A_374 = tpu.memref_slice %arg8[%dma_start3A_367, %dma_start3A_373] : memref<2x128xi32, #tpu.memory_space<vmem>> -> memref<1x128xi32, #tpu.memory_space<vmem>>
      %dma_start3A_375 = tpu.memref_squeeze %dma_start3A_374 : memref<1x128xi32, #tpu.memory_space<vmem>> -> memref<128xi32, #tpu.memory_space<vmem>>
      %dma_start3A_376 = tpu.memref_slice %arg3[%dma_start3A_366, %mul3A_365] : memref<2x320000xi32, #tpu.memory_space<hbm>> -> memref<1x128xi32, #tpu.memory_space<hbm>>
      %dma_start3A_377 = tpu.memref_squeeze %dma_start3A_376 : memref<1x128xi32, #tpu.memory_space<hbm>> -> memref<128xi32, #tpu.memory_space<hbm>>
      tpu.enqueue_dma source(%dma_start3A_377 : memref<128xi32, #tpu.memory_space<hbm>>) target(%dma_start3A_375 : memref<128xi32, #tpu.memory_space<vmem>>) target_semaphore(%arg18 : memref<!tpu.dma_semaphore, #tpu.memory_space<semaphore_mem>>)
    } else {
    }
    %ge3A_153 = arith.constant 2500 : i32
    %ge3A_154 = arith.cmpi sge, %add3A_147, %ge3A_153 : i32
    %convert_element_type3A_155 = arith.extui %ge3A_154 : i1 to i32
    %cond3A_156 = arith.constant 0 : i32
    %cond3A_157 = arith.cmpi ne, %convert_element_type3A_155, %cond3A_156 : i32
    scf.if %cond3A_157 {
      %dma_start3A_350 = arith.constant 0 : i32
      %dma_start3A_351 = arith.constant 0 : i32
      %dma_start3A_352 = arith.constant 0 : i32
      %dma_start3A_353 = tpu.memref_slice %arg8[%dma_start3A_351, %dma_start3A_352] : memref<2x128xi32, #tpu.memory_space<vmem>> -> memref<1x128xi32, #tpu.memory_space<vmem>>
      %dma_start3A_354 = tpu.memref_squeeze %dma_start3A_353 : memref<1x128xi32, #tpu.memory_space<vmem>> -> memref<128xi32, #tpu.memory_space<vmem>>
      %dma_start3A_355 = arith.constant 0 : i32
      %dma_start3A_356 = tpu.memref_slice %arg4[%dma_start3A_350, %dma_start3A_355] : memref<2x128xi32, #tpu.memory_space<hbm>> -> memref<1x128xi32, #tpu.memory_space<hbm>>
      %dma_start3A_357 = tpu.memref_squeeze %dma_start3A_356 : memref<1x128xi32, #tpu.memory_space<hbm>> -> memref<128xi32, #tpu.memory_space<hbm>>
      %dma_start3A_358 = arith.constant 0 : i32
      %dma_start3A_359 = tpu.memref_slice %arg8[%dma_start3A_351, %dma_start3A_358] : memref<2x128xi32, #tpu.memory_space<vmem>> -> memref<1x128xi32, #tpu.memory_space<vmem>>
      %dma_start3A_360 = tpu.memref_squeeze %dma_start3A_359 : memref<1x128xi32, #tpu.memory_space<vmem>> -> memref<128xi32, #tpu.memory_space<vmem>>
      %dma_start3A_361 = arith.constant 0 : i32
      %dma_start3A_362 = tpu.memref_slice %arg4[%dma_start3A_350, %dma_start3A_361] : memref<2x128xi32, #tpu.memory_space<hbm>> -> memref<1x128xi32, #tpu.memory_space<hbm>>
      %dma_start3A_363 = tpu.memref_squeeze %dma_start3A_362 : memref<1x128xi32, #tpu.memory_space<hbm>> -> memref<128xi32, #tpu.memory_space<hbm>>
      tpu.enqueue_dma source(%dma_start3A_363 : memref<128xi32, #tpu.memory_space<hbm>>) target(%dma_start3A_360 : memref<128xi32, #tpu.memory_space<vmem>>) target_semaphore(%arg18 : memref<!tpu.dma_semaphore, #tpu.memory_space<semaphore_mem>>)
      %dma_start3A_364 = arith.constant 1 : i32
      %dma_start3A_365 = arith.constant 1 : i32
      %dma_start3A_366 = arith.constant 0 : i32
      %dma_start3A_367 = tpu.memref_slice %arg8[%dma_start3A_365, %dma_start3A_366] : memref<2x128xi32, #tpu.memory_space<vmem>> -> memref<1x128xi32, #tpu.memory_space<vmem>>
      %dma_start3A_368 = tpu.memref_squeeze %dma_start3A_367 : memref<1x128xi32, #tpu.memory_space<vmem>> -> memref<128xi32, #tpu.memory_space<vmem>>
      %dma_start3A_369 = arith.constant 0 : i32
      %dma_start3A_370 = tpu.memref_slice %arg4[%dma_start3A_364, %dma_start3A_369] : memref<2x128xi32, #tpu.memory_space<hbm>> -> memref<1x128xi32, #tpu.memory_space<hbm>>
      %dma_start3A_371 = tpu.memref_squeeze %dma_start3A_370 : memref<1x128xi32, #tpu.memory_space<hbm>> -> memref<128xi32, #tpu.memory_space<hbm>>
      %dma_start3A_372 = arith.constant 0 : i32
      %dma_start3A_373 = tpu.memref_slice %arg8[%dma_start3A_365, %dma_start3A_372] : memref<2x128xi32, #tpu.memory_space<vmem>> -> memref<1x128xi32, #tpu.memory_space<vmem>>
      %dma_start3A_374 = tpu.memref_squeeze %dma_start3A_373 : memref<1x128xi32, #tpu.memory_space<vmem>> -> memref<128xi32, #tpu.memory_space<vmem>>
      %dma_start3A_375 = arith.constant 0 : i32
      %dma_start3A_376 = tpu.memref_slice %arg4[%dma_start3A_364, %dma_start3A_375] : memref<2x128xi32, #tpu.memory_space<hbm>> -> memref<1x128xi32, #tpu.memory_space<hbm>>
      %dma_start3A_377 = tpu.memref_squeeze %dma_start3A_376 : memref<1x128xi32, #tpu.memory_space<hbm>> -> memref<128xi32, #tpu.memory_space<hbm>>
      tpu.enqueue_dma source(%dma_start3A_377 : memref<128xi32, #tpu.memory_space<hbm>>) target(%dma_start3A_374 : memref<128xi32, #tpu.memory_space<vmem>>) target_semaphore(%arg18 : memref<!tpu.dma_semaphore, #tpu.memory_space<semaphore_mem>>)
    } else {
    }
    %dma_wait3A_158 = arith.constant 0 : i32
    %dma_wait3A_159 = arith.constant 0 : i32
    %dma_wait3A_160 = arith.constant 0 : i32
    %dma_wait3A_161 = arith.constant 0 : i32
    %dma_wait3A_162 = tpu.memref_slice %arg9[%dma_wait3A_159, %dma_wait3A_160, %dma_wait3A_161] : memref<2x128x128xf32, #tpu.memory_space<vmem>> -> memref<1x128x128xf32, #tpu.memory_space<vmem>>
    %dma_wait3A_163 = tpu.memref_squeeze %dma_wait3A_162 : memref<1x128x128xf32, #tpu.memory_space<vmem>> -> memref<128x128xf32, #tpu.memory_space<vmem>>
    %dma_wait3A_164 = arith.constant 0 : i32
    %dma_wait3A_165 = tpu.memref_slice %arg6[%dma_wait3A_158, %dma_wait3A_164] : memref<2x128xi32, #tpu.memory_space<vmem>> -> memref<1x128xi32, #tpu.memory_space<vmem>>
    %dma_wait3A_166 = tpu.memref_squeeze %dma_wait3A_165 : memref<1x128xi32, #tpu.memory_space<vmem>> -> memref<128xi32, #tpu.memory_space<vmem>>
    %dma_wait3A_167 = arith.constant 0 : i32
    %dma_wait3A_168 = arith.constant 0 : i32
    %dma_wait3A_169 = tpu.memref_slice %arg2[%dma_wait3A_167, %dma_wait3A_168] : memref<10000x128xf32, #tpu.memory_space<hbm>> -> memref<10000x128xf32, #tpu.memory_space<hbm>>
    tpu.wait_indirect_dma semaphore(%arg12 : memref<!tpu.dma_semaphore, #tpu.memory_space<semaphore_mem>>) src(%dma_wait3A_169 : memref<10000x128xf32, #tpu.memory_space<hbm>>) dst(%dma_wait3A_163 : memref<128x128xf32, #tpu.memory_space<vmem>>)
    %dma_start3A_170 = arith.constant 0 : i32
    %dma_start3A_171 = arith.constant 1 : i32
    %dma_start3A_172 = arith.constant 0 : i32
    %dma_start3A_173 = arith.constant 0 : i32
    %dma_start3A_174 = tpu.memref_slice %arg9[%dma_start3A_170, %dma_start3A_172, %dma_start3A_173] : memref<2x128x128xf32, #tpu.memory_space<vmem>> -> memref<1x128x128xf32, #tpu.memory_space<vmem>>
    %dma_start3A_175 = tpu.memref_squeeze %dma_start3A_174 : memref<1x128x128xf32, #tpu.memory_space<vmem>> -> memref<128x128xf32, #tpu.memory_space<vmem>>
    %dma_start3A_176 = arith.constant 0 : i32
    %dma_start3A_177 = tpu.memref_slice %arg6[%dma_start3A_171, %dma_start3A_176] : memref<2x128xi32, #tpu.memory_space<vmem>> -> memref<1x128xi32, #tpu.memory_space<vmem>>
    %dma_start3A_178 = tpu.memref_squeeze %dma_start3A_177 : memref<1x128xi32, #tpu.memory_space<vmem>> -> memref<128xi32, #tpu.memory_space<vmem>>
    %dma_start3A_179 = arith.constant 0 : i32
    %dma_start3A_180 = arith.constant 0 : i32
    %dma_start3A_181 = tpu.memref_slice %arg11[%dma_start3A_179, %dma_start3A_180] : memref<10240x128xf32, #tpu.memory_space<vmem_shared>> -> memref<10240x128xf32, #tpu.memory_space<vmem_shared>>
    tpu.enqueue_indirect_dma source(%dma_start3A_175 : memref<128x128xf32, #tpu.memory_space<vmem>>) target(%dma_start3A_181 : memref<10240x128xf32, #tpu.memory_space<vmem_shared>>) offsets(%dma_start3A_178 : memref<128xi32, #tpu.memory_space<vmem>>) semaphore(%arg14 : memref<!tpu.dma_semaphore, #tpu.memory_space<semaphore_mem>>) {add = true}
    %scan3A_182 = arith.constant 0 : i32
    %scan3A_183 = arith.constant 0 : i32
    %scan3A_184 = arith.constant 13 : i32
    %scan3A_185 = arith.addi %scan3A_183, %scan3A_184 : i32
    %scan3A_186 = arith.constant 1 : i32
    %scan3A_187 = scf.for %scan3A_350 = %scan3A_183 to %scan3A_185 step %scan3A_186 iter_args(%scan3A_351 = %scan3A_182) -> (i32)  : i32 {
      %mul3A_352 = arith.constant 6 : i32
      %mul3A_353 = arith.muli %scan3A_350, %mul3A_352 : i32
      %add3A_354 = arith.constant 1 : i32
      %add3A_355 = arith.addi %add3A_354, %mul3A_353 : i32
      %add3A_356 = arith.constant 0 : i32
      %add3A_357 = arith.addi %add3A_355, %add3A_356 : i32
      %dma_wait3A_358 = arith.constant 0 : i32
      %dma_wait3A_359 = arith.constant 0 : i32
      %dma_wait3A_360 = arith.constant 0 : i32
      %dma_wait3A_361 = tpu.memref_slice %arg8[%dma_wait3A_359, %dma_wait3A_360] : memref<2x128xi32, #tpu.memory_space<vmem>> -> memref<1x128xi32, #tpu.memory_space<vmem>>
      %dma_wait3A_362 = tpu.memref_squeeze %dma_wait3A_361 : memref<1x128xi32, #tpu.memory_space<vmem>> -> memref<128xi32, #tpu.memory_space<vmem>>
      %dma_wait3A_363 = arith.constant 0 : i32
      %dma_wait3A_364 = tpu.memref_slice %arg4[%dma_wait3A_358, %dma_wait3A_363] : memref<2x128xi32, #tpu.memory_space<hbm>> -> memref<1x128xi32, #tpu.memory_space<hbm>>
      %dma_wait3A_365 = tpu.memref_squeeze %dma_wait3A_364 : memref<1x128xi32, #tpu.memory_space<hbm>> -> memref<128xi32, #tpu.memory_space<hbm>>
      %dma_wait3A_366 = arith.constant 0 : i32
      %dma_wait3A_367 = tpu.memref_slice %arg8[%dma_wait3A_359, %dma_wait3A_366] : memref<2x128xi32, #tpu.memory_space<vmem>> -> memref<1x128xi32, #tpu.memory_space<vmem>>
      %dma_wait3A_368 = tpu.memref_squeeze %dma_wait3A_367 : memref<1x128xi32, #tpu.memory_space<vmem>> -> memref<128xi32, #tpu.memory_space<vmem>>
      %dma_wait3A_369 = arith.constant 0 : i32
      %dma_wait3A_370 = tpu.memref_slice %arg4[%dma_wait3A_358, %dma_wait3A_369] : memref<2x128xi32, #tpu.memory_space<hbm>> -> memref<1x128xi32, #tpu.memory_space<hbm>>
      %dma_wait3A_371 = tpu.memref_squeeze %dma_wait3A_370 : memref<1x128xi32, #tpu.memory_space<hbm>> -> memref<128xi32, #tpu.memory_space<hbm>>
      tpu.wait_dma2 semaphore(%arg18 : memref<!tpu.dma_semaphore, #tpu.memory_space<semaphore_mem>>) src(%dma_wait3A_371 : memref<128xi32, #tpu.memory_space<hbm>>) dst(%dma_wait3A_368 : memref<128xi32, #tpu.memory_space<vmem>>)
      %dma_wait3A_372 = arith.constant 1 : i32
      %dma_wait3A_373 = arith.constant 1 : i32
      %dma_wait3A_374 = arith.constant 0 : i32
      %dma_wait3A_375 = tpu.memref_slice %arg8[%dma_wait3A_373, %dma_wait3A_374] : memref<2x128xi32, #tpu.memory_space<vmem>> -> memref<1x128xi32, #tpu.memory_space<vmem>>
      %dma_wait3A_376 = tpu.memref_squeeze %dma_wait3A_375 : memref<1x128xi32, #tpu.memory_space<vmem>> -> memref<128xi32, #tpu.memory_space<vmem>>
      %dma_wait3A_377 = arith.constant 0 : i32
      %dma_wait3A_378 = tpu.memref_slice %arg4[%dma_wait3A_372, %dma_wait3A_377] : memref<2x128xi32, #tpu.memory_space<hbm>> -> memref<1x128xi32, #tpu.memory_space<hbm>>
      %dma_wait3A_379 = tpu.memref_squeeze %dma_wait3A_378 : memref<1x128xi32, #tpu.memory_space<hbm>> -> memref<128xi32, #tpu.memory_space<hbm>>
      %dma_wait3A_380 = arith.constant 0 : i32
      %dma_wait3A_381 = tpu.memref_slice %arg8[%dma_wait3A_373, %dma_wait3A_380] : memref<2x128xi32, #tpu.memory_space<vmem>> -> memref<1x128xi32, #tpu.memory_space<vmem>>
      %dma_wait3A_382 = tpu.memref_squeeze %dma_wait3A_381 : memref<1x128xi32, #tpu.memory_space<vmem>> -> memref<128xi32, #tpu.memory_space<vmem>>
      %dma_wait3A_383 = arith.constant 0 : i32
      %dma_wait3A_384 = tpu.memref_slice %arg4[%dma_wait3A_372, %dma_wait3A_383] : memref<2x128xi32, #tpu.memory_space<hbm>> -> memref<1x128xi32, #tpu.memory_space<hbm>>
      %dma_wait3A_385 = tpu.memref_squeeze %dma_wait3A_384 : memref<1x128xi32, #tpu.memory_space<hbm>> -> memref<128xi32, #tpu.memory_space<hbm>>
      tpu.wait_dma2 semaphore(%arg18 : memref<!tpu.dma_semaphore, #tpu.memory_space<semaphore_mem>>) src(%dma_wait3A_385 : memref<128xi32, #tpu.memory_space<hbm>>) dst(%dma_wait3A_382 : memref<128xi32, #tpu.memory_space<vmem>>)
      %dma_wait3A_386 = arith.constant 0 : i32
      %dma_wait3A_387 = arith.constant 1 : i32
      %dma_wait3A_388 = arith.constant 0 : i32
      %dma_wait3A_389 = arith.constant 0 : i32
      %dma_wait3A_390 = tpu.memref_slice %arg9[%dma_wait3A_386, %dma_wait3A_388, %dma_wait3A_389] : memref<2x128x128xf32, #tpu.memory_space<vmem>> -> memref<1x128x128xf32, #tpu.memory_space<vmem>>
      %dma_wait3A_391 = tpu.memref_squeeze %dma_wait3A_390 : memref<1x128x128xf32, #tpu.memory_space<vmem>> -> memref<128x128xf32, #tpu.memory_space<vmem>>
      %dma_wait3A_392 = arith.constant 0 : i32
      %dma_wait3A_393 = tpu.memref_slice %arg6[%dma_wait3A_387, %dma_wait3A_392] : memref<2x128xi32, #tpu.memory_space<vmem>> -> memref<1x128xi32, #tpu.memory_space<vmem>>
      %dma_wait3A_394 = tpu.memref_squeeze %dma_wait3A_393 : memref<1x128xi32, #tpu.memory_space<vmem>> -> memref<128xi32, #tpu.memory_space<vmem>>
      %dma_wait3A_395 = arith.constant 0 : i32
      %dma_wait3A_396 = arith.constant 0 : i32
      %dma_wait3A_397 = tpu.memref_slice %arg11[%dma_wait3A_395, %dma_wait3A_396] : memref<10240x128xf32, #tpu.memory_space<vmem_shared>> -> memref<10240x128xf32, #tpu.memory_space<vmem_shared>>
      tpu.wait_indirect_dma semaphore(%arg14 : memref<!tpu.dma_semaphore, #tpu.memory_space<semaphore_mem>>) src(%dma_wait3A_391 : memref<128x128xf32, #tpu.memory_space<vmem>>) dst(%dma_wait3A_397 : memref<10240x128xf32, #tpu.memory_space<vmem_shared>>)
      %dma_start3A_398 = arith.constant 0 : i32
      %dma_start3A_399 = arith.constant 0 : i32
      %dma_start3A_400 = arith.constant 0 : i32
      %dma_start3A_401 = arith.constant 0 : i32
      %dma_start3A_402 = tpu.memref_slice %arg9[%dma_start3A_399, %dma_start3A_400, %dma_start3A_401] : memref<2x128x128xf32, #tpu.memory_space<vmem>> -> memref<1x128x128xf32, #tpu.memory_space<vmem>>
      %dma_start3A_403 = tpu.memref_squeeze %dma_start3A_402 : memref<1x128x128xf32, #tpu.memory_space<vmem>> -> memref<128x128xf32, #tpu.memory_space<vmem>>
      %dma_start3A_404 = arith.constant 0 : i32
      %dma_start3A_405 = tpu.memref_slice %arg8[%dma_start3A_398, %dma_start3A_404] : memref<2x128xi32, #tpu.memory_space<vmem>> -> memref<1x128xi32, #tpu.memory_space<vmem>>
      %dma_start3A_406 = tpu.memref_squeeze %dma_start3A_405 : memref<1x128xi32, #tpu.memory_space<vmem>> -> memref<128xi32, #tpu.memory_space<vmem>>
      %dma_start3A_407 = arith.constant 0 : i32
      %dma_start3A_408 = arith.constant 0 : i32
      %dma_start3A_409 = tpu.memref_slice %arg2[%dma_start3A_407, %dma_start3A_408] : memref<10000x128xf32, #tpu.memory_space<hbm>> -> memref<10000x128xf32, #tpu.memory_space<hbm>>
      tpu.enqueue_indirect_dma source(%dma_start3A_409 : memref<10000x128xf32, #tpu.memory_space<hbm>>) target(%dma_start3A_403 : memref<128x128xf32, #tpu.memory_space<vmem>>) offsets(%dma_start3A_406 : memref<128xi32, #tpu.memory_space<vmem>>) semaphore(%arg12 : memref<!tpu.dma_semaphore, #tpu.memory_space<semaphore_mem>>)
      %add3A_410 = arith.constant 2 : i32
      %add3A_411 = arith.addi %add3A_357, %add3A_410 : i32
      %mul3A_412 = arith.constant 32 : i32
      %mul3A_413 = arith.muli %add3A_411, %mul3A_412 : i32
      %add3A_414 = arith.addi %add3A, %mul3A_413 : i32
      %lt3A_415 = arith.constant 2500 : i32
      %lt3A_416 = arith.cmpi slt, %add3A_414, %lt3A_415 : i32
      %convert_element_type3A_417 = arith.extui %lt3A_416 : i1 to i32
      %cond3A_418 = arith.constant 0 : i32
      %cond3A_419 = arith.cmpi ne, %convert_element_type3A_417, %cond3A_418 : i32
      scf.if %cond3A_419 {
        %mul3A_935 = arith.constant 128 : i32
        %mul3A_936 = arith.muli %add3A_414, %mul3A_935 : i32
        %dma_start3A_937 = arith.constant 0 : i32
        %dma_start3A_938 = arith.constant 0 : i32
        %dma_start3A_939 = arith.constant 0 : i32
        %dma_start3A_940 = tpu.memref_slice %arg6[%dma_start3A_938, %dma_start3A_939] : memref<2x128xi32, #tpu.memory_space<vmem>> -> memref<1x128xi32, #tpu.memory_space<vmem>>
        %dma_start3A_941 = tpu.memref_squeeze %dma_start3A_940 : memref<1x128xi32, #tpu.memory_space<vmem>> -> memref<128xi32, #tpu.memory_space<vmem>>
        %dma_start3A_942 = tpu.memref_slice %arg3[%dma_start3A_937, %mul3A_936] : memref<2x320000xi32, #tpu.memory_space<hbm>> -> memref<1x128xi32, #tpu.memory_space<hbm>>
        %dma_start3A_943 = tpu.memref_squeeze %dma_start3A_942 : memref<1x128xi32, #tpu.memory_space<hbm>> -> memref<128xi32, #tpu.memory_space<hbm>>
        %dma_start3A_944 = arith.constant 0 : i32
        %dma_start3A_945 = tpu.memref_slice %arg6[%dma_start3A_938, %dma_start3A_944] : memref<2x128xi32, #tpu.memory_space<vmem>> -> memref<1x128xi32, #tpu.memory_space<vmem>>
        %dma_start3A_946 = tpu.memref_squeeze %dma_start3A_945 : memref<1x128xi32, #tpu.memory_space<vmem>> -> memref<128xi32, #tpu.memory_space<vmem>>
        %dma_start3A_947 = tpu.memref_slice %arg3[%dma_start3A_937, %mul3A_936] : memref<2x320000xi32, #tpu.memory_space<hbm>> -> memref<1x128xi32, #tpu.memory_space<hbm>>
        %dma_start3A_948 = tpu.memref_squeeze %dma_start3A_947 : memref<1x128xi32, #tpu.memory_space<hbm>> -> memref<128xi32, #tpu.memory_space<hbm>>
        tpu.enqueue_dma source(%dma_start3A_948 : memref<128xi32, #tpu.memory_space<hbm>>) target(%dma_start3A_946 : memref<128xi32, #tpu.memory_space<vmem>>) target_semaphore(%arg16 : memref<!tpu.dma_semaphore, #tpu.memory_space<semaphore_mem>>)
        %mul3A_949 = arith.constant 128 : i32
        %mul3A_950 = arith.muli %add3A_414, %mul3A_949 : i32
        %dma_start3A_951 = arith.constant 1 : i32
        %dma_start3A_952 = arith.constant 1 : i32
        %dma_start3A_953 = arith.constant 0 : i32
        %dma_start3A_954 = tpu.memref_slice %arg6[%dma_start3A_952, %dma_start3A_953] : memref<2x128xi32, #tpu.memory_space<vmem>> -> memref<1x128xi32, #tpu.memory_space<vmem>>
        %dma_start3A_955 = tpu.memref_squeeze %dma_start3A_954 : memref<1x128xi32, #tpu.memory_space<vmem>> -> memref<128xi32, #tpu.memory_space<vmem>>
        %dma_start3A_956 = tpu.memref_slice %arg3[%dma_start3A_951, %mul3A_950] : memref<2x320000xi32, #tpu.memory_space<hbm>> -> memref<1x128xi32, #tpu.memory_space<hbm>>
        %dma_start3A_957 = tpu.memref_squeeze %dma_start3A_956 : memref<1x128xi32, #tpu.memory_space<hbm>> -> memref<128xi32, #tpu.memory_space<hbm>>
        %dma_start3A_958 = arith.constant 0 : i32
        %dma_start3A_959 = tpu.memref_slice %arg6[%dma_start3A_952, %dma_start3A_958] : memref<2x128xi32, #tpu.memory_space<vmem>> -> memref<1x128xi32, #tpu.memory_space<vmem>>
        %dma_start3A_960 = tpu.memref_squeeze %dma_start3A_959 : memref<1x128xi32, #tpu.memory_space<vmem>> -> memref<128xi32, #tpu.memory_space<vmem>>
        %dma_start3A_961 = tpu.memref_slice %arg3[%dma_start3A_951, %mul3A_950] : memref<2x320000xi32, #tpu.memory_space<hbm>> -> memref<1x128xi32, #tpu.memory_space<hbm>>
        %dma_start3A_962 = tpu.memref_squeeze %dma_start3A_961 : memref<1x128xi32, #tpu.memory_space<hbm>> -> memref<128xi32, #tpu.memory_space<hbm>>
        tpu.enqueue_dma source(%dma_start3A_962 : memref<128xi32, #tpu.memory_space<hbm>>) target(%dma_start3A_960 : memref<128xi32, #tpu.memory_space<vmem>>) target_semaphore(%arg16 : memref<!tpu.dma_semaphore, #tpu.memory_space<semaphore_mem>>)
      } else {
      }
      %ge3A_420 = arith.constant 2500 : i32
      %ge3A_421 = arith.cmpi sge, %add3A_414, %ge3A_420 : i32
      %convert_element_type3A_422 = arith.extui %ge3A_421 : i1 to i32
      %cond3A_423 = arith.constant 0 : i32
      %cond3A_424 = arith.cmpi ne, %convert_element_type3A_422, %cond3A_423 : i32
      scf.if %cond3A_424 {
        %dma_start3A_935 = arith.constant 0 : i32
        %dma_start3A_936 = arith.constant 0 : i32
        %dma_start3A_937 = arith.constant 0 : i32
        %dma_start3A_938 = tpu.memref_slice %arg6[%dma_start3A_936, %dma_start3A_937] : memref<2x128xi32, #tpu.memory_space<vmem>> -> memref<1x128xi32, #tpu.memory_space<vmem>>
        %dma_start3A_939 = tpu.memref_squeeze %dma_start3A_938 : memref<1x128xi32, #tpu.memory_space<vmem>> -> memref<128xi32, #tpu.memory_space<vmem>>
        %dma_start3A_940 = arith.constant 0 : i32
        %dma_start3A_941 = tpu.memref_slice %arg4[%dma_start3A_935, %dma_start3A_940] : memref<2x128xi32, #tpu.memory_space<hbm>> -> memref<1x128xi32, #tpu.memory_space<hbm>>
        %dma_start3A_942 = tpu.memref_squeeze %dma_start3A_941 : memref<1x128xi32, #tpu.memory_space<hbm>> -> memref<128xi32, #tpu.memory_space<hbm>>
        %dma_start3A_943 = arith.constant 0 : i32
        %dma_start3A_944 = tpu.memref_slice %arg6[%dma_start3A_936, %dma_start3A_943] : memref<2x128xi32, #tpu.memory_space<vmem>> -> memref<1x128xi32, #tpu.memory_space<vmem>>
        %dma_start3A_945 = tpu.memref_squeeze %dma_start3A_944 : memref<1x128xi32, #tpu.memory_space<vmem>> -> memref<128xi32, #tpu.memory_space<vmem>>
        %dma_start3A_946 = arith.constant 0 : i32
        %dma_start3A_947 = tpu.memref_slice %arg4[%dma_start3A_935, %dma_start3A_946] : memref<2x128xi32, #tpu.memory_space<hbm>> -> memref<1x128xi32, #tpu.memory_space<hbm>>
        %dma_start3A_948 = tpu.memref_squeeze %dma_start3A_947 : memref<1x128xi32, #tpu.memory_space<hbm>> -> memref<128xi32, #tpu.memory_space<hbm>>
        tpu.enqueue_dma source(%dma_start3A_948 : memref<128xi32, #tpu.memory_space<hbm>>) target(%dma_start3A_945 : memref<128xi32, #tpu.memory_space<vmem>>) target_semaphore(%arg16 : memref<!tpu.dma_semaphore, #tpu.memory_space<semaphore_mem>>)
        %dma_start3A_949 = arith.constant 1 : i32
        %dma_start3A_950 = arith.constant 1 : i32
        %dma_start3A_951 = arith.constant 0 : i32
        %dma_start3A_952 = tpu.memref_slice %arg6[%dma_start3A_950, %dma_start3A_951] : memref<2x128xi32, #tpu.memory_space<vmem>> -> memref<1x128xi32, #tpu.memory_space<vmem>>
        %dma_start3A_953 = tpu.memref_squeeze %dma_start3A_952 : memref<1x128xi32, #tpu.memory_space<vmem>> -> memref<128xi32, #tpu.memory_space<vmem>>
        %dma_start3A_954 = arith.constant 0 : i32
        %dma_start3A_955 = tpu.memref_slice %arg4[%dma_start3A_949, %dma_start3A_954] : memref<2x128xi32, #tpu.memory_space<hbm>> -> memref<1x128xi32, #tpu.memory_space<hbm>>
        %dma_start3A_956 = tpu.memref_squeeze %dma_start3A_955 : memref<1x128xi32, #tpu.memory_space<hbm>> -> memref<128xi32, #tpu.memory_space<hbm>>
        %dma_start3A_957 = arith.constant 0 : i32
        %dma_start3A_958 = tpu.memref_slice %arg6[%dma_start3A_950, %dma_start3A_957] : memref<2x128xi32, #tpu.memory_space<vmem>> -> memref<1x128xi32, #tpu.memory_space<vmem>>
        %dma_start3A_959 = tpu.memref_squeeze %dma_start3A_958 : memref<1x128xi32, #tpu.memory_space<vmem>> -> memref<128xi32, #tpu.memory_space<vmem>>
        %dma_start3A_960 = arith.constant 0 : i32
        %dma_start3A_961 = tpu.memref_slice %arg4[%dma_start3A_949, %dma_start3A_960] : memref<2x128xi32, #tpu.memory_space<hbm>> -> memref<1x128xi32, #tpu.memory_space<hbm>>
        %dma_start3A_962 = tpu.memref_squeeze %dma_start3A_961 : memref<1x128xi32, #tpu.memory_space<hbm>> -> memref<128xi32, #tpu.memory_space<hbm>>
        tpu.enqueue_dma source(%dma_start3A_962 : memref<128xi32, #tpu.memory_space<hbm>>) target(%dma_start3A_959 : memref<128xi32, #tpu.memory_space<vmem>>) target_semaphore(%arg16 : memref<!tpu.dma_semaphore, #tpu.memory_space<semaphore_mem>>)
      } else {
      }
      %dma_wait3A_425 = arith.constant 0 : i32
      %dma_wait3A_426 = arith.constant 1 : i32
      %dma_wait3A_427 = arith.constant 0 : i32
      %dma_wait3A_428 = arith.constant 0 : i32
      %dma_wait3A_429 = tpu.memref_slice %arg9[%dma_wait3A_426, %dma_wait3A_427, %dma_wait3A_428] : memref<2x128x128xf32, #tpu.memory_space<vmem>> -> memref<1x128x128xf32, #tpu.memory_space<vmem>>
      %dma_wait3A_430 = tpu.memref_squeeze %dma_wait3A_429 : memref<1x128x128xf32, #tpu.memory_space<vmem>> -> memref<128x128xf32, #tpu.memory_space<vmem>>
      %dma_wait3A_431 = arith.constant 0 : i32
      %dma_wait3A_432 = tpu.memref_slice %arg7[%dma_wait3A_425, %dma_wait3A_431] : memref<2x128xi32, #tpu.memory_space<vmem>> -> memref<1x128xi32, #tpu.memory_space<vmem>>
      %dma_wait3A_433 = tpu.memref_squeeze %dma_wait3A_432 : memref<1x128xi32, #tpu.memory_space<vmem>> -> memref<128xi32, #tpu.memory_space<vmem>>
      %dma_wait3A_434 = arith.constant 0 : i32
      %dma_wait3A_435 = arith.constant 0 : i32
      %dma_wait3A_436 = tpu.memref_slice %arg2[%dma_wait3A_434, %dma_wait3A_435] : memref<10000x128xf32, #tpu.memory_space<hbm>> -> memref<10000x128xf32, #tpu.memory_space<hbm>>
      tpu.wait_indirect_dma semaphore(%arg13 : memref<!tpu.dma_semaphore, #tpu.memory_space<semaphore_mem>>) src(%dma_wait3A_436 : memref<10000x128xf32, #tpu.memory_space<hbm>>) dst(%dma_wait3A_430 : memref<128x128xf32, #tpu.memory_space<vmem>>)
      %dma_start3A_437 = arith.constant 1 : i32
      %dma_start3A_438 = arith.constant 1 : i32
      %dma_start3A_439 = arith.constant 0 : i32
      %dma_start3A_440 = arith.constant 0 : i32
      %dma_start3A_441 = tpu.memref_slice %arg9[%dma_start3A_437, %dma_start3A_439, %dma_start3A_440] : memref<2x128x128xf32, #tpu.memory_space<vmem>> -> memref<1x128x128xf32, #tpu.memory_space<vmem>>
      %dma_start3A_442 = tpu.memref_squeeze %dma_start3A_441 : memref<1x128x128xf32, #tpu.memory_space<vmem>> -> memref<128x128xf32, #tpu.memory_space<vmem>>
      %dma_start3A_443 = arith.constant 0 : i32
      %dma_start3A_444 = tpu.memref_slice %arg7[%dma_start3A_438, %dma_start3A_443] : memref<2x128xi32, #tpu.memory_space<vmem>> -> memref<1x128xi32, #tpu.memory_space<vmem>>
      %dma_start3A_445 = tpu.memref_squeeze %dma_start3A_444 : memref<1x128xi32, #tpu.memory_space<vmem>> -> memref<128xi32, #tpu.memory_space<vmem>>
      %dma_start3A_446 = arith.constant 0 : i32
      %dma_start3A_447 = arith.constant 0 : i32
      %dma_start3A_448 = tpu.memref_slice %arg11[%dma_start3A_446, %dma_start3A_447] : memref<10240x128xf32, #tpu.memory_space<vmem_shared>> -> memref<10240x128xf32, #tpu.memory_space<vmem_shared>>
      tpu.enqueue_indirect_dma source(%dma_start3A_442 : memref<128x128xf32, #tpu.memory_space<vmem>>) target(%dma_start3A_448 : memref<10240x128xf32, #tpu.memory_space<vmem_shared>>) offsets(%dma_start3A_445 : memref<128xi32, #tpu.memory_space<vmem>>) semaphore(%arg15 : memref<!tpu.dma_semaphore, #tpu.memory_space<semaphore_mem>>) {add = true}
      %mul3A_449 = arith.constant 6 : i32
      %mul3A_450 = arith.muli %scan3A_350, %mul3A_449 : i32
      %add3A_451 = arith.constant 1 : i32
      %add3A_452 = arith.addi %add3A_451, %mul3A_450 : i32
      %add3A_453 = arith.constant 1 : i32
      %add3A_454 = arith.addi %add3A_452, %add3A_453 : i32
      %dma_wait3A_455 = arith.constant 0 : i32
      %dma_wait3A_456 = arith.constant 0 : i32
      %dma_wait3A_457 = arith.constant 0 : i32
      %dma_wait3A_458 = tpu.memref_slice %arg6[%dma_wait3A_456, %dma_wait3A_457] : memref<2x128xi32, #tpu.memory_space<vmem>> -> memref<1x128xi32, #tpu.memory_space<vmem>>
      %dma_wait3A_459 = tpu.memref_squeeze %dma_wait3A_458 : memref<1x128xi32, #tpu.memory_space<vmem>> -> memref<128xi32, #tpu.memory_space<vmem>>
      %dma_wait3A_460 = arith.constant 0 : i32
      %dma_wait3A_461 = tpu.memref_slice %arg4[%dma_wait3A_455, %dma_wait3A_460] : memref<2x128xi32, #tpu.memory_space<hbm>> -> memref<1x128xi32, #tpu.memory_space<hbm>>
      %dma_wait3A_462 = tpu.memref_squeeze %dma_wait3A_461 : memref<1x128xi32, #tpu.memory_space<hbm>> -> memref<128xi32, #tpu.memory_space<hbm>>
      %dma_wait3A_463 = arith.constant 0 : i32
      %dma_wait3A_464 = tpu.memref_slice %arg6[%dma_wait3A_456, %dma_wait3A_463] : memref<2x128xi32, #tpu.memory_space<vmem>> -> memref<1x128xi32, #tpu.memory_space<vmem>>
      %dma_wait3A_465 = tpu.memref_squeeze %dma_wait3A_464 : memref<1x128xi32, #tpu.memory_space<vmem>> -> memref<128xi32, #tpu.memory_space<vmem>>
      %dma_wait3A_466 = arith.constant 0 : i32
      %dma_wait3A_467 = tpu.memref_slice %arg4[%dma_wait3A_455, %dma_wait3A_466] : memref<2x128xi32, #tpu.memory_space<hbm>> -> memref<1x128xi32, #tpu.memory_space<hbm>>
      %dma_wait3A_468 = tpu.memref_squeeze %dma_wait3A_467 : memref<1x128xi32, #tpu.memory_space<hbm>> -> memref<128xi32, #tpu.memory_space<hbm>>
      tpu.wait_dma2 semaphore(%arg16 : memref<!tpu.dma_semaphore, #tpu.memory_space<semaphore_mem>>) src(%dma_wait3A_468 : memref<128xi32, #tpu.memory_space<hbm>>) dst(%dma_wait3A_465 : memref<128xi32, #tpu.memory_space<vmem>>)
      %dma_wait3A_469 = arith.constant 1 : i32
      %dma_wait3A_470 = arith.constant 1 : i32
      %dma_wait3A_471 = arith.constant 0 : i32
      %dma_wait3A_472 = tpu.memref_slice %arg6[%dma_wait3A_470, %dma_wait3A_471] : memref<2x128xi32, #tpu.memory_space<vmem>> -> memref<1x128xi32, #tpu.memory_space<vmem>>
      %dma_wait3A_473 = tpu.memref_squeeze %dma_wait3A_472 : memref<1x128xi32, #tpu.memory_space<vmem>> -> memref<128xi32, #tpu.memory_space<vmem>>
      %dma_wait3A_474 = arith.constant 0 : i32
      %dma_wait3A_475 = tpu.memref_slice %arg4[%dma_wait3A_469, %dma_wait3A_474] : memref<2x128xi32, #tpu.memory_space<hbm>> -> memref<1x128xi32, #tpu.memory_space<hbm>>
      %dma_wait3A_476 = tpu.memref_squeeze %dma_wait3A_475 : memref<1x128xi32, #tpu.memory_space<hbm>> -> memref<128xi32, #tpu.memory_space<hbm>>
      %dma_wait3A_477 = arith.constant 0 : i32
      %dma_wait3A_478 = tpu.memref_slice %arg6[%dma_wait3A_470, %dma_wait3A_477] : memref<2x128xi32, #tpu.memory_space<vmem>> -> memref<1x128xi32, #tpu.memory_space<vmem>>
      %dma_wait3A_479 = tpu.memref_squeeze %dma_wait3A_478 : memref<1x128xi32, #tpu.memory_space<vmem>> -> memref<128xi32, #tpu.memory_space<vmem>>
      %dma_wait3A_480 = arith.constant 0 : i32
      %dma_wait3A_481 = tpu.memref_slice %arg4[%dma_wait3A_469, %dma_wait3A_480] : memref<2x128xi32, #tpu.memory_space<hbm>> -> memref<1x128xi32, #tpu.memory_space<hbm>>
      %dma_wait3A_482 = tpu.memref_squeeze %dma_wait3A_481 : memref<1x128xi32, #tpu.memory_space<hbm>> -> memref<128xi32, #tpu.memory_space<hbm>>
      tpu.wait_dma2 semaphore(%arg16 : memref<!tpu.dma_semaphore, #tpu.memory_space<semaphore_mem>>) src(%dma_wait3A_482 : memref<128xi32, #tpu.memory_space<hbm>>) dst(%dma_wait3A_479 : memref<128xi32, #tpu.memory_space<vmem>>)
      %dma_wait3A_483 = arith.constant 1 : i32
      %dma_wait3A_484 = arith.constant 1 : i32
      %dma_wait3A_485 = arith.constant 0 : i32
      %dma_wait3A_486 = arith.constant 0 : i32
      %dma_wait3A_487 = tpu.memref_slice %arg9[%dma_wait3A_483, %dma_wait3A_485, %dma_wait3A_486] : memref<2x128x128xf32, #tpu.memory_space<vmem>> -> memref<1x128x128xf32, #tpu.memory_space<vmem>>
      %dma_wait3A_488 = tpu.memref_squeeze %dma_wait3A_487 : memref<1x128x128xf32, #tpu.memory_space<vmem>> -> memref<128x128xf32, #tpu.memory_space<vmem>>
      %dma_wait3A_489 = arith.constant 0 : i32
      %dma_wait3A_490 = tpu.memref_slice %arg7[%dma_wait3A_484, %dma_wait3A_489] : memref<2x128xi32, #tpu.memory_space<vmem>> -> memref<1x128xi32, #tpu.memory_space<vmem>>
      %dma_wait3A_491 = tpu.memref_squeeze %dma_wait3A_490 : memref<1x128xi32, #tpu.memory_space<vmem>> -> memref<128xi32, #tpu.memory_space<vmem>>
      %dma_wait3A_492 = arith.constant 0 : i32
      %dma_wait3A_493 = arith.constant 0 : i32
      %dma_wait3A_494 = tpu.memref_slice %arg11[%dma_wait3A_492, %dma_wait3A_493] : memref<10240x128xf32, #tpu.memory_space<vmem_shared>> -> memref<10240x128xf32, #tpu.memory_space<vmem_shared>>
      tpu.wait_indirect_dma semaphore(%arg15 : memref<!tpu.dma_semaphore, #tpu.memory_space<semaphore_mem>>) src(%dma_wait3A_488 : memref<128x128xf32, #tpu.memory_space<vmem>>) dst(%dma_wait3A_494 : memref<10240x128xf32, #tpu.memory_space<vmem_shared>>)
      %dma_start3A_495 = arith.constant 0 : i32
      %dma_start3A_496 = arith.constant 1 : i32
      %dma_start3A_497 = arith.constant 0 : i32
      %dma_start3A_498 = arith.constant 0 : i32
      %dma_start3A_499 = tpu.memref_slice %arg9[%dma_start3A_496, %dma_start3A_497, %dma_start3A_498] : memref<2x128x128xf32, #tpu.memory_space<vmem>> -> memref<1x128x128xf32, #tpu.memory_space<vmem>>
      %dma_start3A_500 = tpu.memref_squeeze %dma_start3A_499 : memref<1x128x128xf32, #tpu.memory_space<vmem>> -> memref<128x128xf32, #tpu.memory_space<vmem>>
      %dma_start3A_501 = arith.constant 0 : i32
      %dma_start3A_502 = tpu.memref_slice %arg6[%dma_start3A_495, %dma_start3A_501] : memref<2x128xi32, #tpu.memory_space<vmem>> -> memref<1x128xi32, #tpu.memory_space<vmem>>
      %dma_start3A_503 = tpu.memref_squeeze %dma_start3A_502 : memref<1x128xi32, #tpu.memory_space<vmem>> -> memref<128xi32, #tpu.memory_space<vmem>>
      %dma_start3A_504 = arith.constant 0 : i32
      %dma_start3A_505 = arith.constant 0 : i32
      %dma_start3A_506 = tpu.memref_slice %arg2[%dma_start3A_504, %dma_start3A_505] : memref<10000x128xf32, #tpu.memory_space<hbm>> -> memref<10000x128xf32, #tpu.memory_space<hbm>>
      tpu.enqueue_indirect_dma source(%dma_start3A_506 : memref<10000x128xf32, #tpu.memory_space<hbm>>) target(%dma_start3A_500 : memref<128x128xf32, #tpu.memory_space<vmem>>) offsets(%dma_start3A_503 : memref<128xi32, #tpu.memory_space<vmem>>) semaphore(%arg13 : memref<!tpu.dma_semaphore, #tpu.memory_space<semaphore_mem>>)
      %add3A_507 = arith.constant 2 : i32
      %add3A_508 = arith.addi %add3A_454, %add3A_507 : i32
      %mul3A_509 = arith.constant 32 : i32
      %mul3A_510 = arith.muli %add3A_508, %mul3A_509 : i32
      %add3A_511 = arith.addi %add3A, %mul3A_510 : i32
      %lt3A_512 = arith.constant 2500 : i32
      %lt3A_513 = arith.cmpi slt, %add3A_511, %lt3A_512 : i32
      %convert_element_type3A_514 = arith.extui %lt3A_513 : i1 to i32
      %cond3A_515 = arith.constant 0 : i32
      %cond3A_516 = arith.cmpi ne, %convert_element_type3A_514, %cond3A_515 : i32
      scf.if %cond3A_516 {
        %mul3A_935 = arith.constant 128 : i32
        %mul3A_936 = arith.muli %add3A_511, %mul3A_935 : i32
        %dma_start3A_937 = arith.constant 0 : i32
        %dma_start3A_938 = arith.constant 0 : i32
        %dma_start3A_939 = arith.constant 0 : i32
        %dma_start3A_940 = tpu.memref_slice %arg7[%dma_start3A_938, %dma_start3A_939] : memref<2x128xi32, #tpu.memory_space<vmem>> -> memref<1x128xi32, #tpu.memory_space<vmem>>
        %dma_start3A_941 = tpu.memref_squeeze %dma_start3A_940 : memref<1x128xi32, #tpu.memory_space<vmem>> -> memref<128xi32, #tpu.memory_space<vmem>>
        %dma_start3A_942 = tpu.memref_slice %arg3[%dma_start3A_937, %mul3A_936] : memref<2x320000xi32, #tpu.memory_space<hbm>> -> memref<1x128xi32, #tpu.memory_space<hbm>>
        %dma_start3A_943 = tpu.memref_squeeze %dma_start3A_942 : memref<1x128xi32, #tpu.memory_space<hbm>> -> memref<128xi32, #tpu.memory_space<hbm>>
        %dma_start3A_944 = arith.constant 0 : i32
        %dma_start3A_945 = tpu.memref_slice %arg7[%dma_start3A_938, %dma_start3A_944] : memref<2x128xi32, #tpu.memory_space<vmem>> -> memref<1x128xi32, #tpu.memory_space<vmem>>
        %dma_start3A_946 = tpu.memref_squeeze %dma_start3A_945 : memref<1x128xi32, #tpu.memory_space<vmem>> -> memref<128xi32, #tpu.memory_space<vmem>>
        %dma_start3A_947 = tpu.memref_slice %arg3[%dma_start3A_937, %mul3A_936] : memref<2x320000xi32, #tpu.memory_space<hbm>> -> memref<1x128xi32, #tpu.memory_space<hbm>>
        %dma_start3A_948 = tpu.memref_squeeze %dma_start3A_947 : memref<1x128xi32, #tpu.memory_space<hbm>> -> memref<128xi32, #tpu.memory_space<hbm>>
        tpu.enqueue_dma source(%dma_start3A_948 : memref<128xi32, #tpu.memory_space<hbm>>) target(%dma_start3A_946 : memref<128xi32, #tpu.memory_space<vmem>>) target_semaphore(%arg17 : memref<!tpu.dma_semaphore, #tpu.memory_space<semaphore_mem>>)
        %mul3A_949 = arith.constant 128 : i32
        %mul3A_950 = arith.muli %add3A_511, %mul3A_949 : i32
        %dma_start3A_951 = arith.constant 1 : i32
        %dma_start3A_952 = arith.constant 1 : i32
        %dma_start3A_953 = arith.constant 0 : i32
        %dma_start3A_954 = tpu.memref_slice %arg7[%dma_start3A_952, %dma_start3A_953] : memref<2x128xi32, #tpu.memory_space<vmem>> -> memref<1x128xi32, #tpu.memory_space<vmem>>
        %dma_start3A_955 = tpu.memref_squeeze %dma_start3A_954 : memref<1x128xi32, #tpu.memory_space<vmem>> -> memref<128xi32, #tpu.memory_space<vmem>>
        %dma_start3A_956 = tpu.memref_slice %arg3[%dma_start3A_951, %mul3A_950] : memref<2x320000xi32, #tpu.memory_space<hbm>> -> memref<1x128xi32, #tpu.memory_space<hbm>>
        %dma_start3A_957 = tpu.memref_squeeze %dma_start3A_956 : memref<1x128xi32, #tpu.memory_space<hbm>> -> memref<128xi32, #tpu.memory_space<hbm>>
        %dma_start3A_958 = arith.constant 0 : i32
        %dma_start3A_959 = tpu.memref_slice %arg7[%dma_start3A_952, %dma_start3A_958] : memref<2x128xi32, #tpu.memory_space<vmem>> -> memref<1x128xi32, #tpu.memory_space<vmem>>
        %dma_start3A_960 = tpu.memref_squeeze %dma_start3A_959 : memref<1x128xi32, #tpu.memory_space<vmem>> -> memref<128xi32, #tpu.memory_space<vmem>>
        %dma_start3A_961 = tpu.memref_slice %arg3[%dma_start3A_951, %mul3A_950] : memref<2x320000xi32, #tpu.memory_space<hbm>> -> memref<1x128xi32, #tpu.memory_space<hbm>>
        %dma_start3A_962 = tpu.memref_squeeze %dma_start3A_961 : memref<1x128xi32, #tpu.memory_space<hbm>> -> memref<128xi32, #tpu.memory_space<hbm>>
        tpu.enqueue_dma source(%dma_start3A_962 : memref<128xi32, #tpu.memory_space<hbm>>) target(%dma_start3A_960 : memref<128xi32, #tpu.memory_space<vmem>>) target_semaphore(%arg17 : memref<!tpu.dma_semaphore, #tpu.memory_space<semaphore_mem>>)
      } else {
      }
      %ge3A_517 = arith.constant 2500 : i32
      %ge3A_518 = arith.cmpi sge, %add3A_511, %ge3A_517 : i32
      %convert_element_type3A_519 = arith.extui %ge3A_518 : i1 to i32
      %cond3A_520 = arith.constant 0 : i32
      %cond3A_521 = arith.cmpi ne, %convert_element_type3A_519, %cond3A_520 : i32
      scf.if %cond3A_521 {
        %dma_start3A_935 = arith.constant 0 : i32
        %dma_start3A_936 = arith.constant 0 : i32
        %dma_start3A_937 = arith.constant 0 : i32
        %dma_start3A_938 = tpu.memref_slice %arg7[%dma_start3A_936, %dma_start3A_937] : memref<2x128xi32, #tpu.memory_space<vmem>> -> memref<1x128xi32, #tpu.memory_space<vmem>>
        %dma_start3A_939 = tpu.memref_squeeze %dma_start3A_938 : memref<1x128xi32, #tpu.memory_space<vmem>> -> memref<128xi32, #tpu.memory_space<vmem>>
        %dma_start3A_940 = arith.constant 0 : i32
        %dma_start3A_941 = tpu.memref_slice %arg4[%dma_start3A_935, %dma_start3A_940] : memref<2x128xi32, #tpu.memory_space<hbm>> -> memref<1x128xi32, #tpu.memory_space<hbm>>
        %dma_start3A_942 = tpu.memref_squeeze %dma_start3A_941 : memref<1x128xi32, #tpu.memory_space<hbm>> -> memref<128xi32, #tpu.memory_space<hbm>>
        %dma_start3A_943 = arith.constant 0 : i32
        %dma_start3A_944 = tpu.memref_slice %arg7[%dma_start3A_936, %dma_start3A_943] : memref<2x128xi32, #tpu.memory_space<vmem>> -> memref<1x128xi32, #tpu.memory_space<vmem>>
        %dma_start3A_945 = tpu.memref_squeeze %dma_start3A_944 : memref<1x128xi32, #tpu.memory_space<vmem>> -> memref<128xi32, #tpu.memory_space<vmem>>
        %dma_start3A_946 = arith.constant 0 : i32
        %dma_start3A_947 = tpu.memref_slice %arg4[%dma_start3A_935, %dma_start3A_946] : memref<2x128xi32, #tpu.memory_space<hbm>> -> memref<1x128xi32, #tpu.memory_space<hbm>>
        %dma_start3A_948 = tpu.memref_squeeze %dma_start3A_947 : memref<1x128xi32, #tpu.memory_space<hbm>> -> memref<128xi32, #tpu.memory_space<hbm>>
        tpu.enqueue_dma source(%dma_start3A_948 : memref<128xi32, #tpu.memory_space<hbm>>) target(%dma_start3A_945 : memref<128xi32, #tpu.memory_space<vmem>>) target_semaphore(%arg17 : memref<!tpu.dma_semaphore, #tpu.memory_space<semaphore_mem>>)
        %dma_start3A_949 = arith.constant 1 : i32
        %dma_start3A_950 = arith.constant 1 : i32
        %dma_start3A_951 = arith.constant 0 : i32
        %dma_start3A_952 = tpu.memref_slice %arg7[%dma_start3A_950, %dma_start3A_951] : memref<2x128xi32, #tpu.memory_space<vmem>> -> memref<1x128xi32, #tpu.memory_space<vmem>>
        %dma_start3A_953 = tpu.memref_squeeze %dma_start3A_952 : memref<1x128xi32, #tpu.memory_space<vmem>> -> memref<128xi32, #tpu.memory_space<vmem>>
        %dma_start3A_954 = arith.constant 0 : i32
        %dma_start3A_955 = tpu.memref_slice %arg4[%dma_start3A_949, %dma_start3A_954] : memref<2x128xi32, #tpu.memory_space<hbm>> -> memref<1x128xi32, #tpu.memory_space<hbm>>
        %dma_start3A_956 = tpu.memref_squeeze %dma_start3A_955 : memref<1x128xi32, #tpu.memory_space<hbm>> -> memref<128xi32, #tpu.memory_space<hbm>>
        %dma_start3A_957 = arith.constant 0 : i32
        %dma_start3A_958 = tpu.memref_slice %arg7[%dma_start3A_950, %dma_start3A_957] : memref<2x128xi32, #tpu.memory_space<vmem>> -> memref<1x128xi32, #tpu.memory_space<vmem>>
        %dma_start3A_959 = tpu.memref_squeeze %dma_start3A_958 : memref<1x128xi32, #tpu.memory_space<vmem>> -> memref<128xi32, #tpu.memory_space<vmem>>
        %dma_start3A_960 = arith.constant 0 : i32
        %dma_start3A_961 = tpu.memref_slice %arg4[%dma_start3A_949, %dma_start3A_960] : memref<2x128xi32, #tpu.memory_space<hbm>> -> memref<1x128xi32, #tpu.memory_space<hbm>>
        %dma_start3A_962 = tpu.memref_squeeze %dma_start3A_961 : memref<1x128xi32, #tpu.memory_space<hbm>> -> memref<128xi32, #tpu.memory_space<hbm>>
        tpu.enqueue_dma source(%dma_start3A_962 : memref<128xi32, #tpu.memory_space<hbm>>) target(%dma_start3A_959 : memref<128xi32, #tpu.memory_space<vmem>>) target_semaphore(%arg17 : memref<!tpu.dma_semaphore, #tpu.memory_space<semaphore_mem>>)
      } else {
      }
      %dma_wait3A_522 = arith.constant 0 : i32
      %dma_wait3A_523 = arith.constant 0 : i32
      %dma_wait3A_524 = arith.constant 0 : i32
      %dma_wait3A_525 = arith.constant 0 : i32
      %dma_wait3A_526 = tpu.memref_slice %arg9[%dma_wait3A_523, %dma_wait3A_524, %dma_wait3A_525] : memref<2x128x128xf32, #tpu.memory_space<vmem>> -> memref<1x128x128xf32, #tpu.memory_space<vmem>>
      %dma_wait3A_527 = tpu.memref_squeeze %dma_wait3A_526 : memref<1x128x128xf32, #tpu.memory_space<vmem>> -> memref<128x128xf32, #tpu.memory_space<vmem>>
      %dma_wait3A_528 = arith.constant 0 : i32
      %dma_wait3A_529 = tpu.memref_slice %arg8[%dma_wait3A_522, %dma_wait3A_528] : memref<2x128xi32, #tpu.memory_space<vmem>> -> memref<1x128xi32, #tpu.memory_space<vmem>>
      %dma_wait3A_530 = tpu.memref_squeeze %dma_wait3A_529 : memref<1x128xi32, #tpu.memory_space<vmem>> -> memref<128xi32, #tpu.memory_space<vmem>>
      %dma_wait3A_531 = arith.constant 0 : i32
      %dma_wait3A_532 = arith.constant 0 : i32
      %dma_wait3A_533 = tpu.memref_slice %arg2[%dma_wait3A_531, %dma_wait3A_532] : memref<10000x128xf32, #tpu.memory_space<hbm>> -> memref<10000x128xf32, #tpu.memory_space<hbm>>
      tpu.wait_indirect_dma semaphore(%arg12 : memref<!tpu.dma_semaphore, #tpu.memory_space<semaphore_mem>>) src(%dma_wait3A_533 : memref<10000x128xf32, #tpu.memory_space<hbm>>) dst(%dma_wait3A_527 : memref<128x128xf32, #tpu.memory_space<vmem>>)
      %dma_start3A_534 = arith.constant 0 : i32
      %dma_start3A_535 = arith.constant 1 : i32
      %dma_start3A_536 = arith.constant 0 : i32
      %dma_start3A_537 = arith.constant 0 : i32
      %dma_start3A_538 = tpu.memref_slice %arg9[%dma_start3A_534, %dma_start3A_536, %dma_start3A_537] : memref<2x128x128xf32, #tpu.memory_space<vmem>> -> memref<1x128x128xf32, #tpu.memory_space<vmem>>
      %dma_start3A_539 = tpu.memref_squeeze %dma_start3A_538 : memref<1x128x128xf32, #tpu.memory_space<vmem>> -> memref<128x128xf32, #tpu.memory_space<vmem>>
      %dma_start3A_540 = arith.constant 0 : i32
      %dma_start3A_541 = tpu.memref_slice %arg8[%dma_start3A_535, %dma_start3A_540] : memref<2x128xi32, #tpu.memory_space<vmem>> -> memref<1x128xi32, #tpu.memory_space<vmem>>
      %dma_start3A_542 = tpu.memref_squeeze %dma_start3A_541 : memref<1x128xi32, #tpu.memory_space<vmem>> -> memref<128xi32, #tpu.memory_space<vmem>>
      %dma_start3A_543 = arith.constant 0 : i32
      %dma_start3A_544 = arith.constant 0 : i32
      %dma_start3A_545 = tpu.memref_slice %arg11[%dma_start3A_543, %dma_start3A_544] : memref<10240x128xf32, #tpu.memory_space<vmem_shared>> -> memref<10240x128xf32, #tpu.memory_space<vmem_shared>>
      tpu.enqueue_indirect_dma source(%dma_start3A_539 : memref<128x128xf32, #tpu.memory_space<vmem>>) target(%dma_start3A_545 : memref<10240x128xf32, #tpu.memory_space<vmem_shared>>) offsets(%dma_start3A_542 : memref<128xi32, #tpu.memory_space<vmem>>) semaphore(%arg14 : memref<!tpu.dma_semaphore, #tpu.memory_space<semaphore_mem>>) {add = true}
      %mul3A_546 = arith.constant 6 : i32
      %mul3A_547 = arith.muli %scan3A_350, %mul3A_546 : i32
      %add3A_548 = arith.constant 1 : i32
      %add3A_549 = arith.addi %add3A_548, %mul3A_547 : i32
      %add3A_550 = arith.constant 2 : i32
      %add3A_551 = arith.addi %add3A_549, %add3A_550 : i32
      %dma_wait3A_552 = arith.constant 0 : i32
      %dma_wait3A_553 = arith.constant 0 : i32
      %dma_wait3A_554 = arith.constant 0 : i32
      %dma_wait3A_555 = tpu.memref_slice %arg7[%dma_wait3A_553, %dma_wait3A_554] : memref<2x128xi32, #tpu.memory_space<vmem>> -> memref<1x128xi32, #tpu.memory_space<vmem>>
      %dma_wait3A_556 = tpu.memref_squeeze %dma_wait3A_555 : memref<1x128xi32, #tpu.memory_space<vmem>> -> memref<128xi32, #tpu.memory_space<vmem>>
      %dma_wait3A_557 = arith.constant 0 : i32
      %dma_wait3A_558 = tpu.memref_slice %arg4[%dma_wait3A_552, %dma_wait3A_557] : memref<2x128xi32, #tpu.memory_space<hbm>> -> memref<1x128xi32, #tpu.memory_space<hbm>>
      %dma_wait3A_559 = tpu.memref_squeeze %dma_wait3A_558 : memref<1x128xi32, #tpu.memory_space<hbm>> -> memref<128xi32, #tpu.memory_space<hbm>>
      %dma_wait3A_560 = arith.constant 0 : i32
      %dma_wait3A_561 = tpu.memref_slice %arg7[%dma_wait3A_553, %dma_wait3A_560] : memref<2x128xi32, #tpu.memory_space<vmem>> -> memref<1x128xi32, #tpu.memory_space<vmem>>
      %dma_wait3A_562 = tpu.memref_squeeze %dma_wait3A_561 : memref<1x128xi32, #tpu.memory_space<vmem>> -> memref<128xi32, #tpu.memory_space<vmem>>
      %dma_wait3A_563 = arith.constant 0 : i32
      %dma_wait3A_564 = tpu.memref_slice %arg4[%dma_wait3A_552, %dma_wait3A_563] : memref<2x128xi32, #tpu.memory_space<hbm>> -> memref<1x128xi32, #tpu.memory_space<hbm>>
      %dma_wait3A_565 = tpu.memref_squeeze %dma_wait3A_564 : memref<1x128xi32, #tpu.memory_space<hbm>> -> memref<128xi32, #tpu.memory_space<hbm>>
      tpu.wait_dma2 semaphore(%arg17 : memref<!tpu.dma_semaphore, #tpu.memory_space<semaphore_mem>>) src(%dma_wait3A_565 : memref<128xi32, #tpu.memory_space<hbm>>) dst(%dma_wait3A_562 : memref<128xi32, #tpu.memory_space<vmem>>)
      %dma_wait3A_566 = arith.constant 1 : i32
      %dma_wait3A_567 = arith.constant 1 : i32
      %dma_wait3A_568 = arith.constant 0 : i32
      %dma_wait3A_569 = tpu.memref_slice %arg7[%dma_wait3A_567, %dma_wait3A_568] : memref<2x128xi32, #tpu.memory_space<vmem>> -> memref<1x128xi32, #tpu.memory_space<vmem>>
      %dma_wait3A_570 = tpu.memref_squeeze %dma_wait3A_569 : memref<1x128xi32, #tpu.memory_space<vmem>> -> memref<128xi32, #tpu.memory_space<vmem>>
      %dma_wait3A_571 = arith.constant 0 : i32
      %dma_wait3A_572 = tpu.memref_slice %arg4[%dma_wait3A_566, %dma_wait3A_571] : memref<2x128xi32, #tpu.memory_space<hbm>> -> memref<1x128xi32, #tpu.memory_space<hbm>>
      %dma_wait3A_573 = tpu.memref_squeeze %dma_wait3A_572 : memref<1x128xi32, #tpu.memory_space<hbm>> -> memref<128xi32, #tpu.memory_space<hbm>>
      %dma_wait3A_574 = arith.constant 0 : i32
      %dma_wait3A_575 = tpu.memref_slice %arg7[%dma_wait3A_567, %dma_wait3A_574] : memref<2x128xi32, #tpu.memory_space<vmem>> -> memref<1x128xi32, #tpu.memory_space<vmem>>
      %dma_wait3A_576 = tpu.memref_squeeze %dma_wait3A_575 : memref<1x128xi32, #tpu.memory_space<vmem>> -> memref<128xi32, #tpu.memory_space<vmem>>
      %dma_wait3A_577 = arith.constant 0 : i32
      %dma_wait3A_578 = tpu.memref_slice %arg4[%dma_wait3A_566, %dma_wait3A_577] : memref<2x128xi32, #tpu.memory_space<hbm>> -> memref<1x128xi32, #tpu.memory_space<hbm>>
      %dma_wait3A_579 = tpu.memref_squeeze %dma_wait3A_578 : memref<1x128xi32, #tpu.memory_space<hbm>> -> memref<128xi32, #tpu.memory_space<hbm>>
      tpu.wait_dma2 semaphore(%arg17 : memref<!tpu.dma_semaphore, #tpu.memory_space<semaphore_mem>>) src(%dma_wait3A_579 : memref<128xi32, #tpu.memory_space<hbm>>) dst(%dma_wait3A_576 : memref<128xi32, #tpu.memory_space<vmem>>)
      %dma_wait3A_580 = arith.constant 0 : i32
      %dma_wait3A_581 = arith.constant 1 : i32
      %dma_wait3A_582 = arith.constant 0 : i32
      %dma_wait3A_583 = arith.constant 0 : i32
      %dma_wait3A_584 = tpu.memref_slice %arg9[%dma_wait3A_580, %dma_wait3A_582, %dma_wait3A_583] : memref<2x128x128xf32, #tpu.memory_space<vmem>> -> memref<1x128x128xf32, #tpu.memory_space<vmem>>
      %dma_wait3A_585 = tpu.memref_squeeze %dma_wait3A_584 : memref<1x128x128xf32, #tpu.memory_space<vmem>> -> memref<128x128xf32, #tpu.memory_space<vmem>>
      %dma_wait3A_586 = arith.constant 0 : i32
      %dma_wait3A_587 = tpu.memref_slice %arg8[%dma_wait3A_581, %dma_wait3A_586] : memref<2x128xi32, #tpu.memory_space<vmem>> -> memref<1x128xi32, #tpu.memory_space<vmem>>
      %dma_wait3A_588 = tpu.memref_squeeze %dma_wait3A_587 : memref<1x128xi32, #tpu.memory_space<vmem>> -> memref<128xi32, #tpu.memory_space<vmem>>
      %dma_wait3A_589 = arith.constant 0 : i32
      %dma_wait3A_590 = arith.constant 0 : i32
      %dma_wait3A_591 = tpu.memref_slice %arg11[%dma_wait3A_589, %dma_wait3A_590] : memref<10240x128xf32, #tpu.memory_space<vmem_shared>> -> memref<10240x128xf32, #tpu.memory_space<vmem_shared>>
      tpu.wait_indirect_dma semaphore(%arg14 : memref<!tpu.dma_semaphore, #tpu.memory_space<semaphore_mem>>) src(%dma_wait3A_585 : memref<128x128xf32, #tpu.memory_space<vmem>>) dst(%dma_wait3A_591 : memref<10240x128xf32, #tpu.memory_space<vmem_shared>>)
      %dma_start3A_592 = arith.constant 0 : i32
      %dma_start3A_593 = arith.constant 0 : i32
      %dma_start3A_594 = arith.constant 0 : i32
      %dma_start3A_595 = arith.constant 0 : i32
      %dma_start3A_596 = tpu.memref_slice %arg9[%dma_start3A_593, %dma_start3A_594, %dma_start3A_595] : memref<2x128x128xf32, #tpu.memory_space<vmem>> -> memref<1x128x128xf32, #tpu.memory_space<vmem>>
      %dma_start3A_597 = tpu.memref_squeeze %dma_start3A_596 : memref<1x128x128xf32, #tpu.memory_space<vmem>> -> memref<128x128xf32, #tpu.memory_space<vmem>>
      %dma_start3A_598 = arith.constant 0 : i32
      %dma_start3A_599 = tpu.memref_slice %arg7[%dma_start3A_592, %dma_start3A_598] : memref<2x128xi32, #tpu.memory_space<vmem>> -> memref<1x128xi32, #tpu.memory_space<vmem>>
      %dma_start3A_600 = tpu.memref_squeeze %dma_start3A_599 : memref<1x128xi32, #tpu.memory_space<vmem>> -> memref<128xi32, #tpu.memory_space<vmem>>
      %dma_start3A_601 = arith.constant 0 : i32
      %dma_start3A_602 = arith.constant 0 : i32
      %dma_start3A_603 = tpu.memref_slice %arg2[%dma_start3A_601, %dma_start3A_602] : memref<10000x128xf32, #tpu.memory_space<hbm>> -> memref<10000x128xf32, #tpu.memory_space<hbm>>
      tpu.enqueue_indirect_dma source(%dma_start3A_603 : memref<10000x128xf32, #tpu.memory_space<hbm>>) target(%dma_start3A_597 : memref<128x128xf32, #tpu.memory_space<vmem>>) offsets(%dma_start3A_600 : memref<128xi32, #tpu.memory_space<vmem>>) semaphore(%arg12 : memref<!tpu.dma_semaphore, #tpu.memory_space<semaphore_mem>>)
      %add3A_604 = arith.constant 2 : i32
      %add3A_605 = arith.addi %add3A_551, %add3A_604 : i32
      %mul3A_606 = arith.constant 32 : i32
      %mul3A_607 = arith.muli %add3A_605, %mul3A_606 : i32
      %add3A_608 = arith.addi %add3A, %mul3A_607 : i32
      %lt3A_609 = arith.constant 2500 : i32
      %lt3A_610 = arith.cmpi slt, %add3A_608, %lt3A_609 : i32
      %convert_element_type3A_611 = arith.extui %lt3A_610 : i1 to i32
      %cond3A_612 = arith.constant 0 : i32
      %cond3A_613 = arith.cmpi ne, %convert_element_type3A_611, %cond3A_612 : i32
      scf.if %cond3A_613 {
        %mul3A_935 = arith.constant 128 : i32
        %mul3A_936 = arith.muli %add3A_608, %mul3A_935 : i32
        %dma_start3A_937 = arith.constant 0 : i32
        %dma_start3A_938 = arith.constant 0 : i32
        %dma_start3A_939 = arith.constant 0 : i32
        %dma_start3A_940 = tpu.memref_slice %arg8[%dma_start3A_938, %dma_start3A_939] : memref<2x128xi32, #tpu.memory_space<vmem>> -> memref<1x128xi32, #tpu.memory_space<vmem>>
        %dma_start3A_941 = tpu.memref_squeeze %dma_start3A_940 : memref<1x128xi32, #tpu.memory_space<vmem>> -> memref<128xi32, #tpu.memory_space<vmem>>
        %dma_start3A_942 = tpu.memref_slice %arg3[%dma_start3A_937, %mul3A_936] : memref<2x320000xi32, #tpu.memory_space<hbm>> -> memref<1x128xi32, #tpu.memory_space<hbm>>
        %dma_start3A_943 = tpu.memref_squeeze %dma_start3A_942 : memref<1x128xi32, #tpu.memory_space<hbm>> -> memref<128xi32, #tpu.memory_space<hbm>>
        %dma_start3A_944 = arith.constant 0 : i32
        %dma_start3A_945 = tpu.memref_slice %arg8[%dma_start3A_938, %dma_start3A_944] : memref<2x128xi32, #tpu.memory_space<vmem>> -> memref<1x128xi32, #tpu.memory_space<vmem>>
        %dma_start3A_946 = tpu.memref_squeeze %dma_start3A_945 : memref<1x128xi32, #tpu.memory_space<vmem>> -> memref<128xi32, #tpu.memory_space<vmem>>
        %dma_start3A_947 = tpu.memref_slice %arg3[%dma_start3A_937, %mul3A_936] : memref<2x320000xi32, #tpu.memory_space<hbm>> -> memref<1x128xi32, #tpu.memory_space<hbm>>
        %dma_start3A_948 = tpu.memref_squeeze %dma_start3A_947 : memref<1x128xi32, #tpu.memory_space<hbm>> -> memref<128xi32, #tpu.memory_space<hbm>>
        tpu.enqueue_dma source(%dma_start3A_948 : memref<128xi32, #tpu.memory_space<hbm>>) target(%dma_start3A_946 : memref<128xi32, #tpu.memory_space<vmem>>) target_semaphore(%arg18 : memref<!tpu.dma_semaphore, #tpu.memory_space<semaphore_mem>>)
        %mul3A_949 = arith.constant 128 : i32
        %mul3A_950 = arith.muli %add3A_608, %mul3A_949 : i32
        %dma_start3A_951 = arith.constant 1 : i32
        %dma_start3A_952 = arith.constant 1 : i32
        %dma_start3A_953 = arith.constant 0 : i32
        %dma_start3A_954 = tpu.memref_slice %arg8[%dma_start3A_952, %dma_start3A_953] : memref<2x128xi32, #tpu.memory_space<vmem>> -> memref<1x128xi32, #tpu.memory_space<vmem>>
        %dma_start3A_955 = tpu.memref_squeeze %dma_start3A_954 : memref<1x128xi32, #tpu.memory_space<vmem>> -> memref<128xi32, #tpu.memory_space<vmem>>
        %dma_start3A_956 = tpu.memref_slice %arg3[%dma_start3A_951, %mul3A_950] : memref<2x320000xi32, #tpu.memory_space<hbm>> -> memref<1x128xi32, #tpu.memory_space<hbm>>
        %dma_start3A_957 = tpu.memref_squeeze %dma_start3A_956 : memref<1x128xi32, #tpu.memory_space<hbm>> -> memref<128xi32, #tpu.memory_space<hbm>>
        %dma_start3A_958 = arith.constant 0 : i32
        %dma_start3A_959 = tpu.memref_slice %arg8[%dma_start3A_952, %dma_start3A_958] : memref<2x128xi32, #tpu.memory_space<vmem>> -> memref<1x128xi32, #tpu.memory_space<vmem>>
        %dma_start3A_960 = tpu.memref_squeeze %dma_start3A_959 : memref<1x128xi32, #tpu.memory_space<vmem>> -> memref<128xi32, #tpu.memory_space<vmem>>
        %dma_start3A_961 = tpu.memref_slice %arg3[%dma_start3A_951, %mul3A_950] : memref<2x320000xi32, #tpu.memory_space<hbm>> -> memref<1x128xi32, #tpu.memory_space<hbm>>
        %dma_start3A_962 = tpu.memref_squeeze %dma_start3A_961 : memref<1x128xi32, #tpu.memory_space<hbm>> -> memref<128xi32, #tpu.memory_space<hbm>>
        tpu.enqueue_dma source(%dma_start3A_962 : memref<128xi32, #tpu.memory_space<hbm>>) target(%dma_start3A_960 : memref<128xi32, #tpu.memory_space<vmem>>) target_semaphore(%arg18 : memref<!tpu.dma_semaphore, #tpu.memory_space<semaphore_mem>>)
      } else {
      }
      %ge3A_614 = arith.constant 2500 : i32
      %ge3A_615 = arith.cmpi sge, %add3A_608, %ge3A_614 : i32
      %convert_element_type3A_616 = arith.extui %ge3A_615 : i1 to i32
      %cond3A_617 = arith.constant 0 : i32
      %cond3A_618 = arith.cmpi ne, %convert_element_type3A_616, %cond3A_617 : i32
      scf.if %cond3A_618 {
        %dma_start3A_935 = arith.constant 0 : i32
        %dma_start3A_936 = arith.constant 0 : i32
        %dma_start3A_937 = arith.constant 0 : i32
        %dma_start3A_938 = tpu.memref_slice %arg8[%dma_start3A_936, %dma_start3A_937] : memref<2x128xi32, #tpu.memory_space<vmem>> -> memref<1x128xi32, #tpu.memory_space<vmem>>
        %dma_start3A_939 = tpu.memref_squeeze %dma_start3A_938 : memref<1x128xi32, #tpu.memory_space<vmem>> -> memref<128xi32, #tpu.memory_space<vmem>>
        %dma_start3A_940 = arith.constant 0 : i32
        %dma_start3A_941 = tpu.memref_slice %arg4[%dma_start3A_935, %dma_start3A_940] : memref<2x128xi32, #tpu.memory_space<hbm>> -> memref<1x128xi32, #tpu.memory_space<hbm>>
        %dma_start3A_942 = tpu.memref_squeeze %dma_start3A_941 : memref<1x128xi32, #tpu.memory_space<hbm>> -> memref<128xi32, #tpu.memory_space<hbm>>
        %dma_start3A_943 = arith.constant 0 : i32
        %dma_start3A_944 = tpu.memref_slice %arg8[%dma_start3A_936, %dma_start3A_943] : memref<2x128xi32, #tpu.memory_space<vmem>> -> memref<1x128xi32, #tpu.memory_space<vmem>>
        %dma_start3A_945 = tpu.memref_squeeze %dma_start3A_944 : memref<1x128xi32, #tpu.memory_space<vmem>> -> memref<128xi32, #tpu.memory_space<vmem>>
        %dma_start3A_946 = arith.constant 0 : i32
        %dma_start3A_947 = tpu.memref_slice %arg4[%dma_start3A_935, %dma_start3A_946] : memref<2x128xi32, #tpu.memory_space<hbm>> -> memref<1x128xi32, #tpu.memory_space<hbm>>
        %dma_start3A_948 = tpu.memref_squeeze %dma_start3A_947 : memref<1x128xi32, #tpu.memory_space<hbm>> -> memref<128xi32, #tpu.memory_space<hbm>>
        tpu.enqueue_dma source(%dma_start3A_948 : memref<128xi32, #tpu.memory_space<hbm>>) target(%dma_start3A_945 : memref<128xi32, #tpu.memory_space<vmem>>) target_semaphore(%arg18 : memref<!tpu.dma_semaphore, #tpu.memory_space<semaphore_mem>>)
        %dma_start3A_949 = arith.constant 1 : i32
        %dma_start3A_950 = arith.constant 1 : i32
        %dma_start3A_951 = arith.constant 0 : i32
        %dma_start3A_952 = tpu.memref_slice %arg8[%dma_start3A_950, %dma_start3A_951] : memref<2x128xi32, #tpu.memory_space<vmem>> -> memref<1x128xi32, #tpu.memory_space<vmem>>
        %dma_start3A_953 = tpu.memref_squeeze %dma_start3A_952 : memref<1x128xi32, #tpu.memory_space<vmem>> -> memref<128xi32, #tpu.memory_space<vmem>>
        %dma_start3A_954 = arith.constant 0 : i32
        %dma_start3A_955 = tpu.memref_slice %arg4[%dma_start3A_949, %dma_start3A_954] : memref<2x128xi32, #tpu.memory_space<hbm>> -> memref<1x128xi32, #tpu.memory_space<hbm>>
        %dma_start3A_956 = tpu.memref_squeeze %dma_start3A_955 : memref<1x128xi32, #tpu.memory_space<hbm>> -> memref<128xi32, #tpu.memory_space<hbm>>
        %dma_start3A_957 = arith.constant 0 : i32
        %dma_start3A_958 = tpu.memref_slice %arg8[%dma_start3A_950, %dma_start3A_957] : memref<2x128xi32, #tpu.memory_space<vmem>> -> memref<1x128xi32, #tpu.memory_space<vmem>>
        %dma_start3A_959 = tpu.memref_squeeze %dma_start3A_958 : memref<1x128xi32, #tpu.memory_space<vmem>> -> memref<128xi32, #tpu.memory_space<vmem>>
        %dma_start3A_960 = arith.constant 0 : i32
        %dma_start3A_961 = tpu.memref_slice %arg4[%dma_start3A_949, %dma_start3A_960] : memref<2x128xi32, #tpu.memory_space<hbm>> -> memref<1x128xi32, #tpu.memory_space<hbm>>
        %dma_start3A_962 = tpu.memref_squeeze %dma_start3A_961 : memref<1x128xi32, #tpu.memory_space<hbm>> -> memref<128xi32, #tpu.memory_space<hbm>>
        tpu.enqueue_dma source(%dma_start3A_962 : memref<128xi32, #tpu.memory_space<hbm>>) target(%dma_start3A_959 : memref<128xi32, #tpu.memory_space<vmem>>) target_semaphore(%arg18 : memref<!tpu.dma_semaphore, #tpu.memory_space<semaphore_mem>>)
      } else {
      }
      %dma_wait3A_619 = arith.constant 0 : i32
      %dma_wait3A_620 = arith.constant 1 : i32
      %dma_wait3A_621 = arith.constant 0 : i32
      %dma_wait3A_622 = arith.constant 0 : i32
      %dma_wait3A_623 = tpu.memref_slice %arg9[%dma_wait3A_620, %dma_wait3A_621, %dma_wait3A_622] : memref<2x128x128xf32, #tpu.memory_space<vmem>> -> memref<1x128x128xf32, #tpu.memory_space<vmem>>
      %dma_wait3A_624 = tpu.memref_squeeze %dma_wait3A_623 : memref<1x128x128xf32, #tpu.memory_space<vmem>> -> memref<128x128xf32, #tpu.memory_space<vmem>>
      %dma_wait3A_625 = arith.constant 0 : i32
      %dma_wait3A_626 = tpu.memref_slice %arg6[%dma_wait3A_619, %dma_wait3A_625] : memref<2x128xi32, #tpu.memory_space<vmem>> -> memref<1x128xi32, #tpu.memory_space<vmem>>
      %dma_wait3A_627 = tpu.memref_squeeze %dma_wait3A_626 : memref<1x128xi32, #tpu.memory_space<vmem>> -> memref<128xi32, #tpu.memory_space<vmem>>
      %dma_wait3A_628 = arith.constant 0 : i32
      %dma_wait3A_629 = arith.constant 0 : i32
      %dma_wait3A_630 = tpu.memref_slice %arg2[%dma_wait3A_628, %dma_wait3A_629] : memref<10000x128xf32, #tpu.memory_space<hbm>> -> memref<10000x128xf32, #tpu.memory_space<hbm>>
      tpu.wait_indirect_dma semaphore(%arg13 : memref<!tpu.dma_semaphore, #tpu.memory_space<semaphore_mem>>) src(%dma_wait3A_630 : memref<10000x128xf32, #tpu.memory_space<hbm>>) dst(%dma_wait3A_624 : memref<128x128xf32, #tpu.memory_space<vmem>>)
      %dma_start3A_631 = arith.constant 1 : i32
      %dma_start3A_632 = arith.constant 1 : i32
      %dma_start3A_633 = arith.constant 0 : i32
      %dma_start3A_634 = arith.constant 0 : i32
      %dma_start3A_635 = tpu.memref_slice %arg9[%dma_start3A_631, %dma_start3A_633, %dma_start3A_634] : memref<2x128x128xf32, #tpu.memory_space<vmem>> -> memref<1x128x128xf32, #tpu.memory_space<vmem>>
      %dma_start3A_636 = tpu.memref_squeeze %dma_start3A_635 : memref<1x128x128xf32, #tpu.memory_space<vmem>> -> memref<128x128xf32, #tpu.memory_space<vmem>>
      %dma_start3A_637 = arith.constant 0 : i32
      %dma_start3A_638 = tpu.memref_slice %arg6[%dma_start3A_632, %dma_start3A_637] : memref<2x128xi32, #tpu.memory_space<vmem>> -> memref<1x128xi32, #tpu.memory_space<vmem>>
      %dma_start3A_639 = tpu.memref_squeeze %dma_start3A_638 : memref<1x128xi32, #tpu.memory_space<vmem>> -> memref<128xi32, #tpu.memory_space<vmem>>
      %dma_start3A_640 = arith.constant 0 : i32
      %dma_start3A_641 = arith.constant 0 : i32
      %dma_start3A_642 = tpu.memref_slice %arg11[%dma_start3A_640, %dma_start3A_641] : memref<10240x128xf32, #tpu.memory_space<vmem_shared>> -> memref<10240x128xf32, #tpu.memory_space<vmem_shared>>
      tpu.enqueue_indirect_dma source(%dma_start3A_636 : memref<128x128xf32, #tpu.memory_space<vmem>>) target(%dma_start3A_642 : memref<10240x128xf32, #tpu.memory_space<vmem_shared>>) offsets(%dma_start3A_639 : memref<128xi32, #tpu.memory_space<vmem>>) semaphore(%arg15 : memref<!tpu.dma_semaphore, #tpu.memory_space<semaphore_mem>>) {add = true}
      %mul3A_643 = arith.constant 6 : i32
      %mul3A_644 = arith.muli %scan3A_350, %mul3A_643 : i32
      %add3A_645 = arith.constant 1 : i32
      %add3A_646 = arith.addi %add3A_645, %mul3A_644 : i32
      %add3A_647 = arith.constant 3 : i32
      %add3A_648 = arith.addi %add3A_646, %add3A_647 : i32
      %dma_wait3A_649 = arith.constant 0 : i32
      %dma_wait3A_650 = arith.constant 0 : i32
      %dma_wait3A_651 = arith.constant 0 : i32
      %dma_wait3A_652 = tpu.memref_slice %arg8[%dma_wait3A_650, %dma_wait3A_651] : memref<2x128xi32, #tpu.memory_space<vmem>> -> memref<1x128xi32, #tpu.memory_space<vmem>>
      %dma_wait3A_653 = tpu.memref_squeeze %dma_wait3A_652 : memref<1x128xi32, #tpu.memory_space<vmem>> -> memref<128xi32, #tpu.memory_space<vmem>>
      %dma_wait3A_654 = arith.constant 0 : i32
      %dma_wait3A_655 = tpu.memref_slice %arg4[%dma_wait3A_649, %dma_wait3A_654] : memref<2x128xi32, #tpu.memory_space<hbm>> -> memref<1x128xi32, #tpu.memory_space<hbm>>
      %dma_wait3A_656 = tpu.memref_squeeze %dma_wait3A_655 : memref<1x128xi32, #tpu.memory_space<hbm>> -> memref<128xi32, #tpu.memory_space<hbm>>
      %dma_wait3A_657 = arith.constant 0 : i32
      %dma_wait3A_658 = tpu.memref_slice %arg8[%dma_wait3A_650, %dma_wait3A_657] : memref<2x128xi32, #tpu.memory_space<vmem>> -> memref<1x128xi32, #tpu.memory_space<vmem>>
      %dma_wait3A_659 = tpu.memref_squeeze %dma_wait3A_658 : memref<1x128xi32, #tpu.memory_space<vmem>> -> memref<128xi32, #tpu.memory_space<vmem>>
      %dma_wait3A_660 = arith.constant 0 : i32
      %dma_wait3A_661 = tpu.memref_slice %arg4[%dma_wait3A_649, %dma_wait3A_660] : memref<2x128xi32, #tpu.memory_space<hbm>> -> memref<1x128xi32, #tpu.memory_space<hbm>>
      %dma_wait3A_662 = tpu.memref_squeeze %dma_wait3A_661 : memref<1x128xi32, #tpu.memory_space<hbm>> -> memref<128xi32, #tpu.memory_space<hbm>>
      tpu.wait_dma2 semaphore(%arg18 : memref<!tpu.dma_semaphore, #tpu.memory_space<semaphore_mem>>) src(%dma_wait3A_662 : memref<128xi32, #tpu.memory_space<hbm>>) dst(%dma_wait3A_659 : memref<128xi32, #tpu.memory_space<vmem>>)
      %dma_wait3A_663 = arith.constant 1 : i32
      %dma_wait3A_664 = arith.constant 1 : i32
      %dma_wait3A_665 = arith.constant 0 : i32
      %dma_wait3A_666 = tpu.memref_slice %arg8[%dma_wait3A_664, %dma_wait3A_665] : memref<2x128xi32, #tpu.memory_space<vmem>> -> memref<1x128xi32, #tpu.memory_space<vmem>>
      %dma_wait3A_667 = tpu.memref_squeeze %dma_wait3A_666 : memref<1x128xi32, #tpu.memory_space<vmem>> -> memref<128xi32, #tpu.memory_space<vmem>>
      %dma_wait3A_668 = arith.constant 0 : i32
      %dma_wait3A_669 = tpu.memref_slice %arg4[%dma_wait3A_663, %dma_wait3A_668] : memref<2x128xi32, #tpu.memory_space<hbm>> -> memref<1x128xi32, #tpu.memory_space<hbm>>
      %dma_wait3A_670 = tpu.memref_squeeze %dma_wait3A_669 : memref<1x128xi32, #tpu.memory_space<hbm>> -> memref<128xi32, #tpu.memory_space<hbm>>
      %dma_wait3A_671 = arith.constant 0 : i32
      %dma_wait3A_672 = tpu.memref_slice %arg8[%dma_wait3A_664, %dma_wait3A_671] : memref<2x128xi32, #tpu.memory_space<vmem>> -> memref<1x128xi32, #tpu.memory_space<vmem>>
      %dma_wait3A_673 = tpu.memref_squeeze %dma_wait3A_672 : memref<1x128xi32, #tpu.memory_space<vmem>> -> memref<128xi32, #tpu.memory_space<vmem>>
      %dma_wait3A_674 = arith.constant 0 : i32
      %dma_wait3A_675 = tpu.memref_slice %arg4[%dma_wait3A_663, %dma_wait3A_674] : memref<2x128xi32, #tpu.memory_space<hbm>> -> memref<1x128xi32, #tpu.memory_space<hbm>>
      %dma_wait3A_676 = tpu.memref_squeeze %dma_wait3A_675 : memref<1x128xi32, #tpu.memory_space<hbm>> -> memref<128xi32, #tpu.memory_space<hbm>>
      tpu.wait_dma2 semaphore(%arg18 : memref<!tpu.dma_semaphore, #tpu.memory_space<semaphore_mem>>) src(%dma_wait3A_676 : memref<128xi32, #tpu.memory_space<hbm>>) dst(%dma_wait3A_673 : memref<128xi32, #tpu.memory_space<vmem>>)
      %dma_wait3A_677 = arith.constant 1 : i32
      %dma_wait3A_678 = arith.constant 1 : i32
      %dma_wait3A_679 = arith.constant 0 : i32
      %dma_wait3A_680 = arith.constant 0 : i32
      %dma_wait3A_681 = tpu.memref_slice %arg9[%dma_wait3A_677, %dma_wait3A_679, %dma_wait3A_680] : memref<2x128x128xf32, #tpu.memory_space<vmem>> -> memref<1x128x128xf32, #tpu.memory_space<vmem>>
      %dma_wait3A_682 = tpu.memref_squeeze %dma_wait3A_681 : memref<1x128x128xf32, #tpu.memory_space<vmem>> -> memref<128x128xf32, #tpu.memory_space<vmem>>
      %dma_wait3A_683 = arith.constant 0 : i32
      %dma_wait3A_684 = tpu.memref_slice %arg6[%dma_wait3A_678, %dma_wait3A_683] : memref<2x128xi32, #tpu.memory_space<vmem>> -> memref<1x128xi32, #tpu.memory_space<vmem>>
      %dma_wait3A_685 = tpu.memref_squeeze %dma_wait3A_684 : memref<1x128xi32, #tpu.memory_space<vmem>> -> memref<128xi32, #tpu.memory_space<vmem>>
      %dma_wait3A_686 = arith.constant 0 : i32
      %dma_wait3A_687 = arith.constant 0 : i32
      %dma_wait3A_688 = tpu.memref_slice %arg11[%dma_wait3A_686, %dma_wait3A_687] : memref<10240x128xf32, #tpu.memory_space<vmem_shared>> -> memref<10240x128xf32, #tpu.memory_space<vmem_shared>>
      tpu.wait_indirect_dma semaphore(%arg15 : memref<!tpu.dma_semaphore, #tpu.memory_space<semaphore_mem>>) src(%dma_wait3A_682 : memref<128x128xf32, #tpu.memory_space<vmem>>) dst(%dma_wait3A_688 : memref<10240x128xf32, #tpu.memory_space<vmem_shared>>)
      %dma_start3A_689 = arith.constant 0 : i32
      %dma_start3A_690 = arith.constant 1 : i32
      %dma_start3A_691 = arith.constant 0 : i32
      %dma_start3A_692 = arith.constant 0 : i32
      %dma_start3A_693 = tpu.memref_slice %arg9[%dma_start3A_690, %dma_start3A_691, %dma_start3A_692] : memref<2x128x128xf32, #tpu.memory_space<vmem>> -> memref<1x128x128xf32, #tpu.memory_space<vmem>>
      %dma_start3A_694 = tpu.memref_squeeze %dma_start3A_693 : memref<1x128x128xf32, #tpu.memory_space<vmem>> -> memref<128x128xf32, #tpu.memory_space<vmem>>
      %dma_start3A_695 = arith.constant 0 : i32
      %dma_start3A_696 = tpu.memref_slice %arg8[%dma_start3A_689, %dma_start3A_695] : memref<2x128xi32, #tpu.memory_space<vmem>> -> memref<1x128xi32, #tpu.memory_space<vmem>>
      %dma_start3A_697 = tpu.memref_squeeze %dma_start3A_696 : memref<1x128xi32, #tpu.memory_space<vmem>> -> memref<128xi32, #tpu.memory_space<vmem>>
      %dma_start3A_698 = arith.constant 0 : i32
      %dma_start3A_699 = arith.constant 0 : i32
      %dma_start3A_700 = tpu.memref_slice %arg2[%dma_start3A_698, %dma_start3A_699] : memref<10000x128xf32, #tpu.memory_space<hbm>> -> memref<10000x128xf32, #tpu.memory_space<hbm>>
      tpu.enqueue_indirect_dma source(%dma_start3A_700 : memref<10000x128xf32, #tpu.memory_space<hbm>>) target(%dma_start3A_694 : memref<128x128xf32, #tpu.memory_space<vmem>>) offsets(%dma_start3A_697 : memref<128xi32, #tpu.memory_space<vmem>>) semaphore(%arg13 : memref<!tpu.dma_semaphore, #tpu.memory_space<semaphore_mem>>)
      %add3A_701 = arith.constant 2 : i32
      %add3A_702 = arith.addi %add3A_648, %add3A_701 : i32
      %mul3A_703 = arith.constant 32 : i32
      %mul3A_704 = arith.muli %add3A_702, %mul3A_703 : i32
      %add3A_705 = arith.addi %add3A, %mul3A_704 : i32
      %lt3A_706 = arith.constant 2500 : i32
      %lt3A_707 = arith.cmpi slt, %add3A_705, %lt3A_706 : i32
      %convert_element_type3A_708 = arith.extui %lt3A_707 : i1 to i32
      %cond3A_709 = arith.constant 0 : i32
      %cond3A_710 = arith.cmpi ne, %convert_element_type3A_708, %cond3A_709 : i32
      scf.if %cond3A_710 {
        %mul3A_935 = arith.constant 128 : i32
        %mul3A_936 = arith.muli %add3A_705, %mul3A_935 : i32
        %dma_start3A_937 = arith.constant 0 : i32
        %dma_start3A_938 = arith.constant 0 : i32
        %dma_start3A_939 = arith.constant 0 : i32
        %dma_start3A_940 = tpu.memref_slice %arg6[%dma_start3A_938, %dma_start3A_939] : memref<2x128xi32, #tpu.memory_space<vmem>> -> memref<1x128xi32, #tpu.memory_space<vmem>>
        %dma_start3A_941 = tpu.memref_squeeze %dma_start3A_940 : memref<1x128xi32, #tpu.memory_space<vmem>> -> memref<128xi32, #tpu.memory_space<vmem>>
        %dma_start3A_942 = tpu.memref_slice %arg3[%dma_start3A_937, %mul3A_936] : memref<2x320000xi32, #tpu.memory_space<hbm>> -> memref<1x128xi32, #tpu.memory_space<hbm>>
        %dma_start3A_943 = tpu.memref_squeeze %dma_start3A_942 : memref<1x128xi32, #tpu.memory_space<hbm>> -> memref<128xi32, #tpu.memory_space<hbm>>
        %dma_start3A_944 = arith.constant 0 : i32
        %dma_start3A_945 = tpu.memref_slice %arg6[%dma_start3A_938, %dma_start3A_944] : memref<2x128xi32, #tpu.memory_space<vmem>> -> memref<1x128xi32, #tpu.memory_space<vmem>>
        %dma_start3A_946 = tpu.memref_squeeze %dma_start3A_945 : memref<1x128xi32, #tpu.memory_space<vmem>> -> memref<128xi32, #tpu.memory_space<vmem>>
        %dma_start3A_947 = tpu.memref_slice %arg3[%dma_start3A_937, %mul3A_936] : memref<2x320000xi32, #tpu.memory_space<hbm>> -> memref<1x128xi32, #tpu.memory_space<hbm>>
        %dma_start3A_948 = tpu.memref_squeeze %dma_start3A_947 : memref<1x128xi32, #tpu.memory_space<hbm>> -> memref<128xi32, #tpu.memory_space<hbm>>
        tpu.enqueue_dma source(%dma_start3A_948 : memref<128xi32, #tpu.memory_space<hbm>>) target(%dma_start3A_946 : memref<128xi32, #tpu.memory_space<vmem>>) target_semaphore(%arg16 : memref<!tpu.dma_semaphore, #tpu.memory_space<semaphore_mem>>)
        %mul3A_949 = arith.constant 128 : i32
        %mul3A_950 = arith.muli %add3A_705, %mul3A_949 : i32
        %dma_start3A_951 = arith.constant 1 : i32
        %dma_start3A_952 = arith.constant 1 : i32
        %dma_start3A_953 = arith.constant 0 : i32
        %dma_start3A_954 = tpu.memref_slice %arg6[%dma_start3A_952, %dma_start3A_953] : memref<2x128xi32, #tpu.memory_space<vmem>> -> memref<1x128xi32, #tpu.memory_space<vmem>>
        %dma_start3A_955 = tpu.memref_squeeze %dma_start3A_954 : memref<1x128xi32, #tpu.memory_space<vmem>> -> memref<128xi32, #tpu.memory_space<vmem>>
        %dma_start3A_956 = tpu.memref_slice %arg3[%dma_start3A_951, %mul3A_950] : memref<2x320000xi32, #tpu.memory_space<hbm>> -> memref<1x128xi32, #tpu.memory_space<hbm>>
        %dma_start3A_957 = tpu.memref_squeeze %dma_start3A_956 : memref<1x128xi32, #tpu.memory_space<hbm>> -> memref<128xi32, #tpu.memory_space<hbm>>
        %dma_start3A_958 = arith.constant 0 : i32
        %dma_start3A_959 = tpu.memref_slice %arg6[%dma_start3A_952, %dma_start3A_958] : memref<2x128xi32, #tpu.memory_space<vmem>> -> memref<1x128xi32, #tpu.memory_space<vmem>>
        %dma_start3A_960 = tpu.memref_squeeze %dma_start3A_959 : memref<1x128xi32, #tpu.memory_space<vmem>> -> memref<128xi32, #tpu.memory_space<vmem>>
        %dma_start3A_961 = tpu.memref_slice %arg3[%dma_start3A_951, %mul3A_950] : memref<2x320000xi32, #tpu.memory_space<hbm>> -> memref<1x128xi32, #tpu.memory_space<hbm>>
        %dma_start3A_962 = tpu.memref_squeeze %dma_start3A_961 : memref<1x128xi32, #tpu.memory_space<hbm>> -> memref<128xi32, #tpu.memory_space<hbm>>
        tpu.enqueue_dma source(%dma_start3A_962 : memref<128xi32, #tpu.memory_space<hbm>>) target(%dma_start3A_960 : memref<128xi32, #tpu.memory_space<vmem>>) target_semaphore(%arg16 : memref<!tpu.dma_semaphore, #tpu.memory_space<semaphore_mem>>)
      } else {
      }
      %ge3A_711 = arith.constant 2500 : i32
      %ge3A_712 = arith.cmpi sge, %add3A_705, %ge3A_711 : i32
      %convert_element_type3A_713 = arith.extui %ge3A_712 : i1 to i32
      %cond3A_714 = arith.constant 0 : i32
      %cond3A_715 = arith.cmpi ne, %convert_element_type3A_713, %cond3A_714 : i32
      scf.if %cond3A_715 {
        %dma_start3A_935 = arith.constant 0 : i32
        %dma_start3A_936 = arith.constant 0 : i32
        %dma_start3A_937 = arith.constant 0 : i32
        %dma_start3A_938 = tpu.memref_slice %arg6[%dma_start3A_936, %dma_start3A_937] : memref<2x128xi32, #tpu.memory_space<vmem>> -> memref<1x128xi32, #tpu.memory_space<vmem>>
        %dma_start3A_939 = tpu.memref_squeeze %dma_start3A_938 : memref<1x128xi32, #tpu.memory_space<vmem>> -> memref<128xi32, #tpu.memory_space<vmem>>
        %dma_start3A_940 = arith.constant 0 : i32
        %dma_start3A_941 = tpu.memref_slice %arg4[%dma_start3A_935, %dma_start3A_940] : memref<2x128xi32, #tpu.memory_space<hbm>> -> memref<1x128xi32, #tpu.memory_space<hbm>>
        %dma_start3A_942 = tpu.memref_squeeze %dma_start3A_941 : memref<1x128xi32, #tpu.memory_space<hbm>> -> memref<128xi32, #tpu.memory_space<hbm>>
        %dma_start3A_943 = arith.constant 0 : i32
        %dma_start3A_944 = tpu.memref_slice %arg6[%dma_start3A_936, %dma_start3A_943] : memref<2x128xi32, #tpu.memory_space<vmem>> -> memref<1x128xi32, #tpu.memory_space<vmem>>
        %dma_start3A_945 = tpu.memref_squeeze %dma_start3A_944 : memref<1x128xi32, #tpu.memory_space<vmem>> -> memref<128xi32, #tpu.memory_space<vmem>>
        %dma_start3A_946 = arith.constant 0 : i32
        %dma_start3A_947 = tpu.memref_slice %arg4[%dma_start3A_935, %dma_start3A_946] : memref<2x128xi32, #tpu.memory_space<hbm>> -> memref<1x128xi32, #tpu.memory_space<hbm>>
        %dma_start3A_948 = tpu.memref_squeeze %dma_start3A_947 : memref<1x128xi32, #tpu.memory_space<hbm>> -> memref<128xi32, #tpu.memory_space<hbm>>
        tpu.enqueue_dma source(%dma_start3A_948 : memref<128xi32, #tpu.memory_space<hbm>>) target(%dma_start3A_945 : memref<128xi32, #tpu.memory_space<vmem>>) target_semaphore(%arg16 : memref<!tpu.dma_semaphore, #tpu.memory_space<semaphore_mem>>)
        %dma_start3A_949 = arith.constant 1 : i32
        %dma_start3A_950 = arith.constant 1 : i32
        %dma_start3A_951 = arith.constant 0 : i32
        %dma_start3A_952 = tpu.memref_slice %arg6[%dma_start3A_950, %dma_start3A_951] : memref<2x128xi32, #tpu.memory_space<vmem>> -> memref<1x128xi32, #tpu.memory_space<vmem>>
        %dma_start3A_953 = tpu.memref_squeeze %dma_start3A_952 : memref<1x128xi32, #tpu.memory_space<vmem>> -> memref<128xi32, #tpu.memory_space<vmem>>
        %dma_start3A_954 = arith.constant 0 : i32
        %dma_start3A_955 = tpu.memref_slice %arg4[%dma_start3A_949, %dma_start3A_954] : memref<2x128xi32, #tpu.memory_space<hbm>> -> memref<1x128xi32, #tpu.memory_space<hbm>>
        %dma_start3A_956 = tpu.memref_squeeze %dma_start3A_955 : memref<1x128xi32, #tpu.memory_space<hbm>> -> memref<128xi32, #tpu.memory_space<hbm>>
        %dma_start3A_957 = arith.constant 0 : i32
        %dma_start3A_958 = tpu.memref_slice %arg6[%dma_start3A_950, %dma_start3A_957] : memref<2x128xi32, #tpu.memory_space<vmem>> -> memref<1x128xi32, #tpu.memory_space<vmem>>
        %dma_start3A_959 = tpu.memref_squeeze %dma_start3A_958 : memref<1x128xi32, #tpu.memory_space<vmem>> -> memref<128xi32, #tpu.memory_space<vmem>>
        %dma_start3A_960 = arith.constant 0 : i32
        %dma_start3A_961 = tpu.memref_slice %arg4[%dma_start3A_949, %dma_start3A_960] : memref<2x128xi32, #tpu.memory_space<hbm>> -> memref<1x128xi32, #tpu.memory_space<hbm>>
        %dma_start3A_962 = tpu.memref_squeeze %dma_start3A_961 : memref<1x128xi32, #tpu.memory_space<hbm>> -> memref<128xi32, #tpu.memory_space<hbm>>
        tpu.enqueue_dma source(%dma_start3A_962 : memref<128xi32, #tpu.memory_space<hbm>>) target(%dma_start3A_959 : memref<128xi32, #tpu.memory_space<vmem>>) target_semaphore(%arg16 : memref<!tpu.dma_semaphore, #tpu.memory_space<semaphore_mem>>)
      } else {
      }
      %dma_wait3A_716 = arith.constant 0 : i32
      %dma_wait3A_717 = arith.constant 0 : i32
      %dma_wait3A_718 = arith.constant 0 : i32
      %dma_wait3A_719 = arith.constant 0 : i32
      %dma_wait3A_720 = tpu.memref_slice %arg9[%dma_wait3A_717, %dma_wait3A_718, %dma_wait3A_719] : memref<2x128x128xf32, #tpu.memory_space<vmem>> -> memref<1x128x128xf32, #tpu.memory_space<vmem>>
      %dma_wait3A_721 = tpu.memref_squeeze %dma_wait3A_720 : memref<1x128x128xf32, #tpu.memory_space<vmem>> -> memref<128x128xf32, #tpu.memory_space<vmem>>
      %dma_wait3A_722 = arith.constant 0 : i32
      %dma_wait3A_723 = tpu.memref_slice %arg7[%dma_wait3A_716, %dma_wait3A_722] : memref<2x128xi32, #tpu.memory_space<vmem>> -> memref<1x128xi32, #tpu.memory_space<vmem>>
      %dma_wait3A_724 = tpu.memref_squeeze %dma_wait3A_723 : memref<1x128xi32, #tpu.memory_space<vmem>> -> memref<128xi32, #tpu.memory_space<vmem>>
      %dma_wait3A_725 = arith.constant 0 : i32
      %dma_wait3A_726 = arith.constant 0 : i32
      %dma_wait3A_727 = tpu.memref_slice %arg2[%dma_wait3A_725, %dma_wait3A_726] : memref<10000x128xf32, #tpu.memory_space<hbm>> -> memref<10000x128xf32, #tpu.memory_space<hbm>>
      tpu.wait_indirect_dma semaphore(%arg12 : memref<!tpu.dma_semaphore, #tpu.memory_space<semaphore_mem>>) src(%dma_wait3A_727 : memref<10000x128xf32, #tpu.memory_space<hbm>>) dst(%dma_wait3A_721 : memref<128x128xf32, #tpu.memory_space<vmem>>)
      %dma_start3A_728 = arith.constant 0 : i32
      %dma_start3A_729 = arith.constant 1 : i32
      %dma_start3A_730 = arith.constant 0 : i32
      %dma_start3A_731 = arith.constant 0 : i32
      %dma_start3A_732 = tpu.memref_slice %arg9[%dma_start3A_728, %dma_start3A_730, %dma_start3A_731] : memref<2x128x128xf32, #tpu.memory_space<vmem>> -> memref<1x128x128xf32, #tpu.memory_space<vmem>>
      %dma_start3A_733 = tpu.memref_squeeze %dma_start3A_732 : memref<1x128x128xf32, #tpu.memory_space<vmem>> -> memref<128x128xf32, #tpu.memory_space<vmem>>
      %dma_start3A_734 = arith.constant 0 : i32
      %dma_start3A_735 = tpu.memref_slice %arg7[%dma_start3A_729, %dma_start3A_734] : memref<2x128xi32, #tpu.memory_space<vmem>> -> memref<1x128xi32, #tpu.memory_space<vmem>>
      %dma_start3A_736 = tpu.memref_squeeze %dma_start3A_735 : memref<1x128xi32, #tpu.memory_space<vmem>> -> memref<128xi32, #tpu.memory_space<vmem>>
      %dma_start3A_737 = arith.constant 0 : i32
      %dma_start3A_738 = arith.constant 0 : i32
      %dma_start3A_739 = tpu.memref_slice %arg11[%dma_start3A_737, %dma_start3A_738] : memref<10240x128xf32, #tpu.memory_space<vmem_shared>> -> memref<10240x128xf32, #tpu.memory_space<vmem_shared>>
      tpu.enqueue_indirect_dma source(%dma_start3A_733 : memref<128x128xf32, #tpu.memory_space<vmem>>) target(%dma_start3A_739 : memref<10240x128xf32, #tpu.memory_space<vmem_shared>>) offsets(%dma_start3A_736 : memref<128xi32, #tpu.memory_space<vmem>>) semaphore(%arg14 : memref<!tpu.dma_semaphore, #tpu.memory_space<semaphore_mem>>) {add = true}
      %mul3A_740 = arith.constant 6 : i32
      %mul3A_741 = arith.muli %scan3A_350, %mul3A_740 : i32
      %add3A_742 = arith.constant 1 : i32
      %add3A_743 = arith.addi %add3A_742, %mul3A_741 : i32
      %add3A_744 = arith.constant 4 : i32
      %add3A_745 = arith.addi %add3A_743, %add3A_744 : i32
      %dma_wait3A_746 = arith.constant 0 : i32
      %dma_wait3A_747 = arith.constant 0 : i32
      %dma_wait3A_748 = arith.constant 0 : i32
      %dma_wait3A_749 = tpu.memref_slice %arg6[%dma_wait3A_747, %dma_wait3A_748] : memref<2x128xi32, #tpu.memory_space<vmem>> -> memref<1x128xi32, #tpu.memory_space<vmem>>
      %dma_wait3A_750 = tpu.memref_squeeze %dma_wait3A_749 : memref<1x128xi32, #tpu.memory_space<vmem>> -> memref<128xi32, #tpu.memory_space<vmem>>
      %dma_wait3A_751 = arith.constant 0 : i32
      %dma_wait3A_752 = tpu.memref_slice %arg4[%dma_wait3A_746, %dma_wait3A_751] : memref<2x128xi32, #tpu.memory_space<hbm>> -> memref<1x128xi32, #tpu.memory_space<hbm>>
      %dma_wait3A_753 = tpu.memref_squeeze %dma_wait3A_752 : memref<1x128xi32, #tpu.memory_space<hbm>> -> memref<128xi32, #tpu.memory_space<hbm>>
      %dma_wait3A_754 = arith.constant 0 : i32
      %dma_wait3A_755 = tpu.memref_slice %arg6[%dma_wait3A_747, %dma_wait3A_754] : memref<2x128xi32, #tpu.memory_space<vmem>> -> memref<1x128xi32, #tpu.memory_space<vmem>>
      %dma_wait3A_756 = tpu.memref_squeeze %dma_wait3A_755 : memref<1x128xi32, #tpu.memory_space<vmem>> -> memref<128xi32, #tpu.memory_space<vmem>>
      %dma_wait3A_757 = arith.constant 0 : i32
      %dma_wait3A_758 = tpu.memref_slice %arg4[%dma_wait3A_746, %dma_wait3A_757] : memref<2x128xi32, #tpu.memory_space<hbm>> -> memref<1x128xi32, #tpu.memory_space<hbm>>
      %dma_wait3A_759 = tpu.memref_squeeze %dma_wait3A_758 : memref<1x128xi32, #tpu.memory_space<hbm>> -> memref<128xi32, #tpu.memory_space<hbm>>
      tpu.wait_dma2 semaphore(%arg16 : memref<!tpu.dma_semaphore, #tpu.memory_space<semaphore_mem>>) src(%dma_wait3A_759 : memref<128xi32, #tpu.memory_space<hbm>>) dst(%dma_wait3A_756 : memref<128xi32, #tpu.memory_space<vmem>>)
      %dma_wait3A_760 = arith.constant 1 : i32
      %dma_wait3A_761 = arith.constant 1 : i32
      %dma_wait3A_762 = arith.constant 0 : i32
      %dma_wait3A_763 = tpu.memref_slice %arg6[%dma_wait3A_761, %dma_wait3A_762] : memref<2x128xi32, #tpu.memory_space<vmem>> -> memref<1x128xi32, #tpu.memory_space<vmem>>
      %dma_wait3A_764 = tpu.memref_squeeze %dma_wait3A_763 : memref<1x128xi32, #tpu.memory_space<vmem>> -> memref<128xi32, #tpu.memory_space<vmem>>
      %dma_wait3A_765 = arith.constant 0 : i32
      %dma_wait3A_766 = tpu.memref_slice %arg4[%dma_wait3A_760, %dma_wait3A_765] : memref<2x128xi32, #tpu.memory_space<hbm>> -> memref<1x128xi32, #tpu.memory_space<hbm>>
      %dma_wait3A_767 = tpu.memref_squeeze %dma_wait3A_766 : memref<1x128xi32, #tpu.memory_space<hbm>> -> memref<128xi32, #tpu.memory_space<hbm>>
      %dma_wait3A_768 = arith.constant 0 : i32
      %dma_wait3A_769 = tpu.memref_slice %arg6[%dma_wait3A_761, %dma_wait3A_768] : memref<2x128xi32, #tpu.memory_space<vmem>> -> memref<1x128xi32, #tpu.memory_space<vmem>>
      %dma_wait3A_770 = tpu.memref_squeeze %dma_wait3A_769 : memref<1x128xi32, #tpu.memory_space<vmem>> -> memref<128xi32, #tpu.memory_space<vmem>>
      %dma_wait3A_771 = arith.constant 0 : i32
      %dma_wait3A_772 = tpu.memref_slice %arg4[%dma_wait3A_760, %dma_wait3A_771] : memref<2x128xi32, #tpu.memory_space<hbm>> -> memref<1x128xi32, #tpu.memory_space<hbm>>
      %dma_wait3A_773 = tpu.memref_squeeze %dma_wait3A_772 : memref<1x128xi32, #tpu.memory_space<hbm>> -> memref<128xi32, #tpu.memory_space<hbm>>
      tpu.wait_dma2 semaphore(%arg16 : memref<!tpu.dma_semaphore, #tpu.memory_space<semaphore_mem>>) src(%dma_wait3A_773 : memref<128xi32, #tpu.memory_space<hbm>>) dst(%dma_wait3A_770 : memref<128xi32, #tpu.memory_space<vmem>>)
      %dma_wait3A_774 = arith.constant 0 : i32
      %dma_wait3A_775 = arith.constant 1 : i32
      %dma_wait3A_776 = arith.constant 0 : i32
      %dma_wait3A_777 = arith.constant 0 : i32
      %dma_wait3A_778 = tpu.memref_slice %arg9[%dma_wait3A_774, %dma_wait3A_776, %dma_wait3A_777] : memref<2x128x128xf32, #tpu.memory_space<vmem>> -> memref<1x128x128xf32, #tpu.memory_space<vmem>>
      %dma_wait3A_779 = tpu.memref_squeeze %dma_wait3A_778 : memref<1x128x128xf32, #tpu.memory_space<vmem>> -> memref<128x128xf32, #tpu.memory_space<vmem>>
      %dma_wait3A_780 = arith.constant 0 : i32
      %dma_wait3A_781 = tpu.memref_slice %arg7[%dma_wait3A_775, %dma_wait3A_780] : memref<2x128xi32, #tpu.memory_space<vmem>> -> memref<1x128xi32, #tpu.memory_space<vmem>>
      %dma_wait3A_782 = tpu.memref_squeeze %dma_wait3A_781 : memref<1x128xi32, #tpu.memory_space<vmem>> -> memref<128xi32, #tpu.memory_space<vmem>>
      %dma_wait3A_783 = arith.constant 0 : i32
      %dma_wait3A_784 = arith.constant 0 : i32
      %dma_wait3A_785 = tpu.memref_slice %arg11[%dma_wait3A_783, %dma_wait3A_784] : memref<10240x128xf32, #tpu.memory_space<vmem_shared>> -> memref<10240x128xf32, #tpu.memory_space<vmem_shared>>
      tpu.wait_indirect_dma semaphore(%arg14 : memref<!tpu.dma_semaphore, #tpu.memory_space<semaphore_mem>>) src(%dma_wait3A_779 : memref<128x128xf32, #tpu.memory_space<vmem>>) dst(%dma_wait3A_785 : memref<10240x128xf32, #tpu.memory_space<vmem_shared>>)
      %dma_start3A_786 = arith.constant 0 : i32
      %dma_start3A_787 = arith.constant 0 : i32
      %dma_start3A_788 = arith.constant 0 : i32
      %dma_start3A_789 = arith.constant 0 : i32
      %dma_start3A_790 = tpu.memref_slice %arg9[%dma_start3A_787, %dma_start3A_788, %dma_start3A_789] : memref<2x128x128xf32, #tpu.memory_space<vmem>> -> memref<1x128x128xf32, #tpu.memory_space<vmem>>
      %dma_start3A_791 = tpu.memref_squeeze %dma_start3A_790 : memref<1x128x128xf32, #tpu.memory_space<vmem>> -> memref<128x128xf32, #tpu.memory_space<vmem>>
      %dma_start3A_792 = arith.constant 0 : i32
      %dma_start3A_793 = tpu.memref_slice %arg6[%dma_start3A_786, %dma_start3A_792] : memref<2x128xi32, #tpu.memory_space<vmem>> -> memref<1x128xi32, #tpu.memory_space<vmem>>
      %dma_start3A_794 = tpu.memref_squeeze %dma_start3A_793 : memref<1x128xi32, #tpu.memory_space<vmem>> -> memref<128xi32, #tpu.memory_space<vmem>>
      %dma_start3A_795 = arith.constant 0 : i32
      %dma_start3A_796 = arith.constant 0 : i32
      %dma_start3A_797 = tpu.memref_slice %arg2[%dma_start3A_795, %dma_start3A_796] : memref<10000x128xf32, #tpu.memory_space<hbm>> -> memref<10000x128xf32, #tpu.memory_space<hbm>>
      tpu.enqueue_indirect_dma source(%dma_start3A_797 : memref<10000x128xf32, #tpu.memory_space<hbm>>) target(%dma_start3A_791 : memref<128x128xf32, #tpu.memory_space<vmem>>) offsets(%dma_start3A_794 : memref<128xi32, #tpu.memory_space<vmem>>) semaphore(%arg12 : memref<!tpu.dma_semaphore, #tpu.memory_space<semaphore_mem>>)
      %add3A_798 = arith.constant 2 : i32
      %add3A_799 = arith.addi %add3A_745, %add3A_798 : i32
      %mul3A_800 = arith.constant 32 : i32
      %mul3A_801 = arith.muli %add3A_799, %mul3A_800 : i32
      %add3A_802 = arith.addi %add3A, %mul3A_801 : i32
      %lt3A_803 = arith.constant 2500 : i32
      %lt3A_804 = arith.cmpi slt, %add3A_802, %lt3A_803 : i32
      %convert_element_type3A_805 = arith.extui %lt3A_804 : i1 to i32
      %cond3A_806 = arith.constant 0 : i32
      %cond3A_807 = arith.cmpi ne, %convert_element_type3A_805, %cond3A_806 : i32
      scf.if %cond3A_807 {
        %mul3A_935 = arith.constant 128 : i32
        %mul3A_936 = arith.muli %add3A_802, %mul3A_935 : i32
        %dma_start3A_937 = arith.constant 0 : i32
        %dma_start3A_938 = arith.constant 0 : i32
        %dma_start3A_939 = arith.constant 0 : i32
        %dma_start3A_940 = tpu.memref_slice %arg7[%dma_start3A_938, %dma_start3A_939] : memref<2x128xi32, #tpu.memory_space<vmem>> -> memref<1x128xi32, #tpu.memory_space<vmem>>
        %dma_start3A_941 = tpu.memref_squeeze %dma_start3A_940 : memref<1x128xi32, #tpu.memory_space<vmem>> -> memref<128xi32, #tpu.memory_space<vmem>>
        %dma_start3A_942 = tpu.memref_slice %arg3[%dma_start3A_937, %mul3A_936] : memref<2x320000xi32, #tpu.memory_space<hbm>> -> memref<1x128xi32, #tpu.memory_space<hbm>>
        %dma_start3A_943 = tpu.memref_squeeze %dma_start3A_942 : memref<1x128xi32, #tpu.memory_space<hbm>> -> memref<128xi32, #tpu.memory_space<hbm>>
        %dma_start3A_944 = arith.constant 0 : i32
        %dma_start3A_945 = tpu.memref_slice %arg7[%dma_start3A_938, %dma_start3A_944] : memref<2x128xi32, #tpu.memory_space<vmem>> -> memref<1x128xi32, #tpu.memory_space<vmem>>
        %dma_start3A_946 = tpu.memref_squeeze %dma_start3A_945 : memref<1x128xi32, #tpu.memory_space<vmem>> -> memref<128xi32, #tpu.memory_space<vmem>>
        %dma_start3A_947 = tpu.memref_slice %arg3[%dma_start3A_937, %mul3A_936] : memref<2x320000xi32, #tpu.memory_space<hbm>> -> memref<1x128xi32, #tpu.memory_space<hbm>>
        %dma_start3A_948 = tpu.memref_squeeze %dma_start3A_947 : memref<1x128xi32, #tpu.memory_space<hbm>> -> memref<128xi32, #tpu.memory_space<hbm>>
        tpu.enqueue_dma source(%dma_start3A_948 : memref<128xi32, #tpu.memory_space<hbm>>) target(%dma_start3A_946 : memref<128xi32, #tpu.memory_space<vmem>>) target_semaphore(%arg17 : memref<!tpu.dma_semaphore, #tpu.memory_space<semaphore_mem>>)
        %mul3A_949 = arith.constant 128 : i32
        %mul3A_950 = arith.muli %add3A_802, %mul3A_949 : i32
        %dma_start3A_951 = arith.constant 1 : i32
        %dma_start3A_952 = arith.constant 1 : i32
        %dma_start3A_953 = arith.constant 0 : i32
        %dma_start3A_954 = tpu.memref_slice %arg7[%dma_start3A_952, %dma_start3A_953] : memref<2x128xi32, #tpu.memory_space<vmem>> -> memref<1x128xi32, #tpu.memory_space<vmem>>
        %dma_start3A_955 = tpu.memref_squeeze %dma_start3A_954 : memref<1x128xi32, #tpu.memory_space<vmem>> -> memref<128xi32, #tpu.memory_space<vmem>>
        %dma_start3A_956 = tpu.memref_slice %arg3[%dma_start3A_951, %mul3A_950] : memref<2x320000xi32, #tpu.memory_space<hbm>> -> memref<1x128xi32, #tpu.memory_space<hbm>>
        %dma_start3A_957 = tpu.memref_squeeze %dma_start3A_956 : memref<1x128xi32, #tpu.memory_space<hbm>> -> memref<128xi32, #tpu.memory_space<hbm>>
        %dma_start3A_958 = arith.constant 0 : i32
        %dma_start3A_959 = tpu.memref_slice %arg7[%dma_start3A_952, %dma_start3A_958] : memref<2x128xi32, #tpu.memory_space<vmem>> -> memref<1x128xi32, #tpu.memory_space<vmem>>
        %dma_start3A_960 = tpu.memref_squeeze %dma_start3A_959 : memref<1x128xi32, #tpu.memory_space<vmem>> -> memref<128xi32, #tpu.memory_space<vmem>>
        %dma_start3A_961 = tpu.memref_slice %arg3[%dma_start3A_951, %mul3A_950] : memref<2x320000xi32, #tpu.memory_space<hbm>> -> memref<1x128xi32, #tpu.memory_space<hbm>>
        %dma_start3A_962 = tpu.memref_squeeze %dma_start3A_961 : memref<1x128xi32, #tpu.memory_space<hbm>> -> memref<128xi32, #tpu.memory_space<hbm>>
        tpu.enqueue_dma source(%dma_start3A_962 : memref<128xi32, #tpu.memory_space<hbm>>) target(%dma_start3A_960 : memref<128xi32, #tpu.memory_space<vmem>>) target_semaphore(%arg17 : memref<!tpu.dma_semaphore, #tpu.memory_space<semaphore_mem>>)
      } else {
      }
      %ge3A_808 = arith.constant 2500 : i32
      %ge3A_809 = arith.cmpi sge, %add3A_802, %ge3A_808 : i32
      %convert_element_type3A_810 = arith.extui %ge3A_809 : i1 to i32
      %cond3A_811 = arith.constant 0 : i32
      %cond3A_812 = arith.cmpi ne, %convert_element_type3A_810, %cond3A_811 : i32
      scf.if %cond3A_812 {
        %dma_start3A_935 = arith.constant 0 : i32
        %dma_start3A_936 = arith.constant 0 : i32
        %dma_start3A_937 = arith.constant 0 : i32
        %dma_start3A_938 = tpu.memref_slice %arg7[%dma_start3A_936, %dma_start3A_937] : memref<2x128xi32, #tpu.memory_space<vmem>> -> memref<1x128xi32, #tpu.memory_space<vmem>>
        %dma_start3A_939 = tpu.memref_squeeze %dma_start3A_938 : memref<1x128xi32, #tpu.memory_space<vmem>> -> memref<128xi32, #tpu.memory_space<vmem>>
        %dma_start3A_940 = arith.constant 0 : i32
        %dma_start3A_941 = tpu.memref_slice %arg4[%dma_start3A_935, %dma_start3A_940] : memref<2x128xi32, #tpu.memory_space<hbm>> -> memref<1x128xi32, #tpu.memory_space<hbm>>
        %dma_start3A_942 = tpu.memref_squeeze %dma_start3A_941 : memref<1x128xi32, #tpu.memory_space<hbm>> -> memref<128xi32, #tpu.memory_space<hbm>>
        %dma_start3A_943 = arith.constant 0 : i32
        %dma_start3A_944 = tpu.memref_slice %arg7[%dma_start3A_936, %dma_start3A_943] : memref<2x128xi32, #tpu.memory_space<vmem>> -> memref<1x128xi32, #tpu.memory_space<vmem>>
        %dma_start3A_945 = tpu.memref_squeeze %dma_start3A_944 : memref<1x128xi32, #tpu.memory_space<vmem>> -> memref<128xi32, #tpu.memory_space<vmem>>
        %dma_start3A_946 = arith.constant 0 : i32
        %dma_start3A_947 = tpu.memref_slice %arg4[%dma_start3A_935, %dma_start3A_946] : memref<2x128xi32, #tpu.memory_space<hbm>> -> memref<1x128xi32, #tpu.memory_space<hbm>>
        %dma_start3A_948 = tpu.memref_squeeze %dma_start3A_947 : memref<1x128xi32, #tpu.memory_space<hbm>> -> memref<128xi32, #tpu.memory_space<hbm>>
        tpu.enqueue_dma source(%dma_start3A_948 : memref<128xi32, #tpu.memory_space<hbm>>) target(%dma_start3A_945 : memref<128xi32, #tpu.memory_space<vmem>>) target_semaphore(%arg17 : memref<!tpu.dma_semaphore, #tpu.memory_space<semaphore_mem>>)
        %dma_start3A_949 = arith.constant 1 : i32
        %dma_start3A_950 = arith.constant 1 : i32
        %dma_start3A_951 = arith.constant 0 : i32
        %dma_start3A_952 = tpu.memref_slice %arg7[%dma_start3A_950, %dma_start3A_951] : memref<2x128xi32, #tpu.memory_space<vmem>> -> memref<1x128xi32, #tpu.memory_space<vmem>>
        %dma_start3A_953 = tpu.memref_squeeze %dma_start3A_952 : memref<1x128xi32, #tpu.memory_space<vmem>> -> memref<128xi32, #tpu.memory_space<vmem>>
        %dma_start3A_954 = arith.constant 0 : i32
        %dma_start3A_955 = tpu.memref_slice %arg4[%dma_start3A_949, %dma_start3A_954] : memref<2x128xi32, #tpu.memory_space<hbm>> -> memref<1x128xi32, #tpu.memory_space<hbm>>
        %dma_start3A_956 = tpu.memref_squeeze %dma_start3A_955 : memref<1x128xi32, #tpu.memory_space<hbm>> -> memref<128xi32, #tpu.memory_space<hbm>>
        %dma_start3A_957 = arith.constant 0 : i32
        %dma_start3A_958 = tpu.memref_slice %arg7[%dma_start3A_950, %dma_start3A_957] : memref<2x128xi32, #tpu.memory_space<vmem>> -> memref<1x128xi32, #tpu.memory_space<vmem>>
        %dma_start3A_959 = tpu.memref_squeeze %dma_start3A_958 : memref<1x128xi32, #tpu.memory_space<vmem>> -> memref<128xi32, #tpu.memory_space<vmem>>
        %dma_start3A_960 = arith.constant 0 : i32
        %dma_start3A_961 = tpu.memref_slice %arg4[%dma_start3A_949, %dma_start3A_960] : memref<2x128xi32, #tpu.memory_space<hbm>> -> memref<1x128xi32, #tpu.memory_space<hbm>>
        %dma_start3A_962 = tpu.memref_squeeze %dma_start3A_961 : memref<1x128xi32, #tpu.memory_space<hbm>> -> memref<128xi32, #tpu.memory_space<hbm>>
        tpu.enqueue_dma source(%dma_start3A_962 : memref<128xi32, #tpu.memory_space<hbm>>) target(%dma_start3A_959 : memref<128xi32, #tpu.memory_space<vmem>>) target_semaphore(%arg17 : memref<!tpu.dma_semaphore, #tpu.memory_space<semaphore_mem>>)
      } else {
      }
      %dma_wait3A_813 = arith.constant 0 : i32
      %dma_wait3A_814 = arith.constant 1 : i32
      %dma_wait3A_815 = arith.constant 0 : i32
      %dma_wait3A_816 = arith.constant 0 : i32
      %dma_wait3A_817 = tpu.memref_slice %arg9[%dma_wait3A_814, %dma_wait3A_815, %dma_wait3A_816] : memref<2x128x128xf32, #tpu.memory_space<vmem>> -> memref<1x128x128xf32, #tpu.memory_space<vmem>>
      %dma_wait3A_818 = tpu.memref_squeeze %dma_wait3A_817 : memref<1x128x128xf32, #tpu.memory_space<vmem>> -> memref<128x128xf32, #tpu.memory_space<vmem>>
      %dma_wait3A_819 = arith.constant 0 : i32
      %dma_wait3A_820 = tpu.memref_slice %arg8[%dma_wait3A_813, %dma_wait3A_819] : memref<2x128xi32, #tpu.memory_space<vmem>> -> memref<1x128xi32, #tpu.memory_space<vmem>>
      %dma_wait3A_821 = tpu.memref_squeeze %dma_wait3A_820 : memref<1x128xi32, #tpu.memory_space<vmem>> -> memref<128xi32, #tpu.memory_space<vmem>>
      %dma_wait3A_822 = arith.constant 0 : i32
      %dma_wait3A_823 = arith.constant 0 : i32
      %dma_wait3A_824 = tpu.memref_slice %arg2[%dma_wait3A_822, %dma_wait3A_823] : memref<10000x128xf32, #tpu.memory_space<hbm>> -> memref<10000x128xf32, #tpu.memory_space<hbm>>
      tpu.wait_indirect_dma semaphore(%arg13 : memref<!tpu.dma_semaphore, #tpu.memory_space<semaphore_mem>>) src(%dma_wait3A_824 : memref<10000x128xf32, #tpu.memory_space<hbm>>) dst(%dma_wait3A_818 : memref<128x128xf32, #tpu.memory_space<vmem>>)
      %dma_start3A_825 = arith.constant 1 : i32
      %dma_start3A_826 = arith.constant 1 : i32
      %dma_start3A_827 = arith.constant 0 : i32
      %dma_start3A_828 = arith.constant 0 : i32
      %dma_start3A_829 = tpu.memref_slice %arg9[%dma_start3A_825, %dma_start3A_827, %dma_start3A_828] : memref<2x128x128xf32, #tpu.memory_space<vmem>> -> memref<1x128x128xf32, #tpu.memory_space<vmem>>
      %dma_start3A_830 = tpu.memref_squeeze %dma_start3A_829 : memref<1x128x128xf32, #tpu.memory_space<vmem>> -> memref<128x128xf32, #tpu.memory_space<vmem>>
      %dma_start3A_831 = arith.constant 0 : i32
      %dma_start3A_832 = tpu.memref_slice %arg8[%dma_start3A_826, %dma_start3A_831] : memref<2x128xi32, #tpu.memory_space<vmem>> -> memref<1x128xi32, #tpu.memory_space<vmem>>
      %dma_start3A_833 = tpu.memref_squeeze %dma_start3A_832 : memref<1x128xi32, #tpu.memory_space<vmem>> -> memref<128xi32, #tpu.memory_space<vmem>>
      %dma_start3A_834 = arith.constant 0 : i32
      %dma_start3A_835 = arith.constant 0 : i32
      %dma_start3A_836 = tpu.memref_slice %arg11[%dma_start3A_834, %dma_start3A_835] : memref<10240x128xf32, #tpu.memory_space<vmem_shared>> -> memref<10240x128xf32, #tpu.memory_space<vmem_shared>>
      tpu.enqueue_indirect_dma source(%dma_start3A_830 : memref<128x128xf32, #tpu.memory_space<vmem>>) target(%dma_start3A_836 : memref<10240x128xf32, #tpu.memory_space<vmem_shared>>) offsets(%dma_start3A_833 : memref<128xi32, #tpu.memory_space<vmem>>) semaphore(%arg15 : memref<!tpu.dma_semaphore, #tpu.memory_space<semaphore_mem>>) {add = true}
      %mul3A_837 = arith.constant 6 : i32
      %mul3A_838 = arith.muli %scan3A_350, %mul3A_837 : i32
      %add3A_839 = arith.constant 1 : i32
      %add3A_840 = arith.addi %add3A_839, %mul3A_838 : i32
      %add3A_841 = arith.constant 5 : i32
      %add3A_842 = arith.addi %add3A_840, %add3A_841 : i32
      %dma_wait3A_843 = arith.constant 0 : i32
      %dma_wait3A_844 = arith.constant 0 : i32
      %dma_wait3A_845 = arith.constant 0 : i32
      %dma_wait3A_846 = tpu.memref_slice %arg7[%dma_wait3A_844, %dma_wait3A_845] : memref<2x128xi32, #tpu.memory_space<vmem>> -> memref<1x128xi32, #tpu.memory_space<vmem>>
      %dma_wait3A_847 = tpu.memref_squeeze %dma_wait3A_846 : memref<1x128xi32, #tpu.memory_space<vmem>> -> memref<128xi32, #tpu.memory_space<vmem>>
      %dma_wait3A_848 = arith.constant 0 : i32
      %dma_wait3A_849 = tpu.memref_slice %arg4[%dma_wait3A_843, %dma_wait3A_848] : memref<2x128xi32, #tpu.memory_space<hbm>> -> memref<1x128xi32, #tpu.memory_space<hbm>>
      %dma_wait3A_850 = tpu.memref_squeeze %dma_wait3A_849 : memref<1x128xi32, #tpu.memory_space<hbm>> -> memref<128xi32, #tpu.memory_space<hbm>>
      %dma_wait3A_851 = arith.constant 0 : i32
      %dma_wait3A_852 = tpu.memref_slice %arg7[%dma_wait3A_844, %dma_wait3A_851] : memref<2x128xi32, #tpu.memory_space<vmem>> -> memref<1x128xi32, #tpu.memory_space<vmem>>
      %dma_wait3A_853 = tpu.memref_squeeze %dma_wait3A_852 : memref<1x128xi32, #tpu.memory_space<vmem>> -> memref<128xi32, #tpu.memory_space<vmem>>
      %dma_wait3A_854 = arith.constant 0 : i32
      %dma_wait3A_855 = tpu.memref_slice %arg4[%dma_wait3A_843, %dma_wait3A_854] : memref<2x128xi32, #tpu.memory_space<hbm>> -> memref<1x128xi32, #tpu.memory_space<hbm>>
      %dma_wait3A_856 = tpu.memref_squeeze %dma_wait3A_855 : memref<1x128xi32, #tpu.memory_space<hbm>> -> memref<128xi32, #tpu.memory_space<hbm>>
      tpu.wait_dma2 semaphore(%arg17 : memref<!tpu.dma_semaphore, #tpu.memory_space<semaphore_mem>>) src(%dma_wait3A_856 : memref<128xi32, #tpu.memory_space<hbm>>) dst(%dma_wait3A_853 : memref<128xi32, #tpu.memory_space<vmem>>)
      %dma_wait3A_857 = arith.constant 1 : i32
      %dma_wait3A_858 = arith.constant 1 : i32
      %dma_wait3A_859 = arith.constant 0 : i32
      %dma_wait3A_860 = tpu.memref_slice %arg7[%dma_wait3A_858, %dma_wait3A_859] : memref<2x128xi32, #tpu.memory_space<vmem>> -> memref<1x128xi32, #tpu.memory_space<vmem>>
      %dma_wait3A_861 = tpu.memref_squeeze %dma_wait3A_860 : memref<1x128xi32, #tpu.memory_space<vmem>> -> memref<128xi32, #tpu.memory_space<vmem>>
      %dma_wait3A_862 = arith.constant 0 : i32
      %dma_wait3A_863 = tpu.memref_slice %arg4[%dma_wait3A_857, %dma_wait3A_862] : memref<2x128xi32, #tpu.memory_space<hbm>> -> memref<1x128xi32, #tpu.memory_space<hbm>>
      %dma_wait3A_864 = tpu.memref_squeeze %dma_wait3A_863 : memref<1x128xi32, #tpu.memory_space<hbm>> -> memref<128xi32, #tpu.memory_space<hbm>>
      %dma_wait3A_865 = arith.constant 0 : i32
      %dma_wait3A_866 = tpu.memref_slice %arg7[%dma_wait3A_858, %dma_wait3A_865] : memref<2x128xi32, #tpu.memory_space<vmem>> -> memref<1x128xi32, #tpu.memory_space<vmem>>
      %dma_wait3A_867 = tpu.memref_squeeze %dma_wait3A_866 : memref<1x128xi32, #tpu.memory_space<vmem>> -> memref<128xi32, #tpu.memory_space<vmem>>
      %dma_wait3A_868 = arith.constant 0 : i32
      %dma_wait3A_869 = tpu.memref_slice %arg4[%dma_wait3A_857, %dma_wait3A_868] : memref<2x128xi32, #tpu.memory_space<hbm>> -> memref<1x128xi32, #tpu.memory_space<hbm>>
      %dma_wait3A_870 = tpu.memref_squeeze %dma_wait3A_869 : memref<1x128xi32, #tpu.memory_space<hbm>> -> memref<128xi32, #tpu.memory_space<hbm>>
      tpu.wait_dma2 semaphore(%arg17 : memref<!tpu.dma_semaphore, #tpu.memory_space<semaphore_mem>>) src(%dma_wait3A_870 : memref<128xi32, #tpu.memory_space<hbm>>) dst(%dma_wait3A_867 : memref<128xi32, #tpu.memory_space<vmem>>)
      %dma_wait3A_871 = arith.constant 1 : i32
      %dma_wait3A_872 = arith.constant 1 : i32
      %dma_wait3A_873 = arith.constant 0 : i32
      %dma_wait3A_874 = arith.constant 0 : i32
      %dma_wait3A_875 = tpu.memref_slice %arg9[%dma_wait3A_871, %dma_wait3A_873, %dma_wait3A_874] : memref<2x128x128xf32, #tpu.memory_space<vmem>> -> memref<1x128x128xf32, #tpu.memory_space<vmem>>
      %dma_wait3A_876 = tpu.memref_squeeze %dma_wait3A_875 : memref<1x128x128xf32, #tpu.memory_space<vmem>> -> memref<128x128xf32, #tpu.memory_space<vmem>>
      %dma_wait3A_877 = arith.constant 0 : i32
      %dma_wait3A_878 = tpu.memref_slice %arg8[%dma_wait3A_872, %dma_wait3A_877] : memref<2x128xi32, #tpu.memory_space<vmem>> -> memref<1x128xi32, #tpu.memory_space<vmem>>
      %dma_wait3A_879 = tpu.memref_squeeze %dma_wait3A_878 : memref<1x128xi32, #tpu.memory_space<vmem>> -> memref<128xi32, #tpu.memory_space<vmem>>
      %dma_wait3A_880 = arith.constant 0 : i32
      %dma_wait3A_881 = arith.constant 0 : i32
      %dma_wait3A_882 = tpu.memref_slice %arg11[%dma_wait3A_880, %dma_wait3A_881] : memref<10240x128xf32, #tpu.memory_space<vmem_shared>> -> memref<10240x128xf32, #tpu.memory_space<vmem_shared>>
      tpu.wait_indirect_dma semaphore(%arg15 : memref<!tpu.dma_semaphore, #tpu.memory_space<semaphore_mem>>) src(%dma_wait3A_876 : memref<128x128xf32, #tpu.memory_space<vmem>>) dst(%dma_wait3A_882 : memref<10240x128xf32, #tpu.memory_space<vmem_shared>>)
      %dma_start3A_883 = arith.constant 0 : i32
      %dma_start3A_884 = arith.constant 1 : i32
      %dma_start3A_885 = arith.constant 0 : i32
      %dma_start3A_886 = arith.constant 0 : i32
      %dma_start3A_887 = tpu.memref_slice %arg9[%dma_start3A_884, %dma_start3A_885, %dma_start3A_886] : memref<2x128x128xf32, #tpu.memory_space<vmem>> -> memref<1x128x128xf32, #tpu.memory_space<vmem>>
      %dma_start3A_888 = tpu.memref_squeeze %dma_start3A_887 : memref<1x128x128xf32, #tpu.memory_space<vmem>> -> memref<128x128xf32, #tpu.memory_space<vmem>>
      %dma_start3A_889 = arith.constant 0 : i32
      %dma_start3A_890 = tpu.memref_slice %arg7[%dma_start3A_883, %dma_start3A_889] : memref<2x128xi32, #tpu.memory_space<vmem>> -> memref<1x128xi32, #tpu.memory_space<vmem>>
      %dma_start3A_891 = tpu.memref_squeeze %dma_start3A_890 : memref<1x128xi32, #tpu.memory_space<vmem>> -> memref<128xi32, #tpu.memory_space<vmem>>
      %dma_start3A_892 = arith.constant 0 : i32
      %dma_start3A_893 = arith.constant 0 : i32
      %dma_start3A_894 = tpu.memref_slice %arg2[%dma_start3A_892, %dma_start3A_893] : memref<10000x128xf32, #tpu.memory_space<hbm>> -> memref<10000x128xf32, #tpu.memory_space<hbm>>
      tpu.enqueue_indirect_dma source(%dma_start3A_894 : memref<10000x128xf32, #tpu.memory_space<hbm>>) target(%dma_start3A_888 : memref<128x128xf32, #tpu.memory_space<vmem>>) offsets(%dma_start3A_891 : memref<128xi32, #tpu.memory_space<vmem>>) semaphore(%arg13 : memref<!tpu.dma_semaphore, #tpu.memory_space<semaphore_mem>>)
      %add3A_895 = arith.constant 2 : i32
      %add3A_896 = arith.addi %add3A_842, %add3A_895 : i32
      %mul3A_897 = arith.constant 32 : i32
      %mul3A_898 = arith.muli %add3A_896, %mul3A_897 : i32
      %add3A_899 = arith.addi %add3A, %mul3A_898 : i32
      %lt3A_900 = arith.constant 2500 : i32
      %lt3A_901 = arith.cmpi slt, %add3A_899, %lt3A_900 : i32
      %convert_element_type3A_902 = arith.extui %lt3A_901 : i1 to i32
      %cond3A_903 = arith.constant 0 : i32
      %cond3A_904 = arith.cmpi ne, %convert_element_type3A_902, %cond3A_903 : i32
      scf.if %cond3A_904 {
        %mul3A_935 = arith.constant 128 : i32
        %mul3A_936 = arith.muli %add3A_899, %mul3A_935 : i32
        %dma_start3A_937 = arith.constant 0 : i32
        %dma_start3A_938 = arith.constant 0 : i32
        %dma_start3A_939 = arith.constant 0 : i32
        %dma_start3A_940 = tpu.memref_slice %arg8[%dma_start3A_938, %dma_start3A_939] : memref<2x128xi32, #tpu.memory_space<vmem>> -> memref<1x128xi32, #tpu.memory_space<vmem>>
        %dma_start3A_941 = tpu.memref_squeeze %dma_start3A_940 : memref<1x128xi32, #tpu.memory_space<vmem>> -> memref<128xi32, #tpu.memory_space<vmem>>
        %dma_start3A_942 = tpu.memref_slice %arg3[%dma_start3A_937, %mul3A_936] : memref<2x320000xi32, #tpu.memory_space<hbm>> -> memref<1x128xi32, #tpu.memory_space<hbm>>
        %dma_start3A_943 = tpu.memref_squeeze %dma_start3A_942 : memref<1x128xi32, #tpu.memory_space<hbm>> -> memref<128xi32, #tpu.memory_space<hbm>>
        %dma_start3A_944 = arith.constant 0 : i32
        %dma_start3A_945 = tpu.memref_slice %arg8[%dma_start3A_938, %dma_start3A_944] : memref<2x128xi32, #tpu.memory_space<vmem>> -> memref<1x128xi32, #tpu.memory_space<vmem>>
        %dma_start3A_946 = tpu.memref_squeeze %dma_start3A_945 : memref<1x128xi32, #tpu.memory_space<vmem>> -> memref<128xi32, #tpu.memory_space<vmem>>
        %dma_start3A_947 = tpu.memref_slice %arg3[%dma_start3A_937, %mul3A_936] : memref<2x320000xi32, #tpu.memory_space<hbm>> -> memref<1x128xi32, #tpu.memory_space<hbm>>
        %dma_start3A_948 = tpu.memref_squeeze %dma_start3A_947 : memref<1x128xi32, #tpu.memory_space<hbm>> -> memref<128xi32, #tpu.memory_space<hbm>>
        tpu.enqueue_dma source(%dma_start3A_948 : memref<128xi32, #tpu.memory_space<hbm>>) target(%dma_start3A_946 : memref<128xi32, #tpu.memory_space<vmem>>) target_semaphore(%arg18 : memref<!tpu.dma_semaphore, #tpu.memory_space<semaphore_mem>>)
        %mul3A_949 = arith.constant 128 : i32
        %mul3A_950 = arith.muli %add3A_899, %mul3A_949 : i32
        %dma_start3A_951 = arith.constant 1 : i32
        %dma_start3A_952 = arith.constant 1 : i32
        %dma_start3A_953 = arith.constant 0 : i32
        %dma_start3A_954 = tpu.memref_slice %arg8[%dma_start3A_952, %dma_start3A_953] : memref<2x128xi32, #tpu.memory_space<vmem>> -> memref<1x128xi32, #tpu.memory_space<vmem>>
        %dma_start3A_955 = tpu.memref_squeeze %dma_start3A_954 : memref<1x128xi32, #tpu.memory_space<vmem>> -> memref<128xi32, #tpu.memory_space<vmem>>
        %dma_start3A_956 = tpu.memref_slice %arg3[%dma_start3A_951, %mul3A_950] : memref<2x320000xi32, #tpu.memory_space<hbm>> -> memref<1x128xi32, #tpu.memory_space<hbm>>
        %dma_start3A_957 = tpu.memref_squeeze %dma_start3A_956 : memref<1x128xi32, #tpu.memory_space<hbm>> -> memref<128xi32, #tpu.memory_space<hbm>>
        %dma_start3A_958 = arith.constant 0 : i32
        %dma_start3A_959 = tpu.memref_slice %arg8[%dma_start3A_952, %dma_start3A_958] : memref<2x128xi32, #tpu.memory_space<vmem>> -> memref<1x128xi32, #tpu.memory_space<vmem>>
        %dma_start3A_960 = tpu.memref_squeeze %dma_start3A_959 : memref<1x128xi32, #tpu.memory_space<vmem>> -> memref<128xi32, #tpu.memory_space<vmem>>
        %dma_start3A_961 = tpu.memref_slice %arg3[%dma_start3A_951, %mul3A_950] : memref<2x320000xi32, #tpu.memory_space<hbm>> -> memref<1x128xi32, #tpu.memory_space<hbm>>
        %dma_start3A_962 = tpu.memref_squeeze %dma_start3A_961 : memref<1x128xi32, #tpu.memory_space<hbm>> -> memref<128xi32, #tpu.memory_space<hbm>>
        tpu.enqueue_dma source(%dma_start3A_962 : memref<128xi32, #tpu.memory_space<hbm>>) target(%dma_start3A_960 : memref<128xi32, #tpu.memory_space<vmem>>) target_semaphore(%arg18 : memref<!tpu.dma_semaphore, #tpu.memory_space<semaphore_mem>>)
      } else {
      }
      %ge3A_905 = arith.constant 2500 : i32
      %ge3A_906 = arith.cmpi sge, %add3A_899, %ge3A_905 : i32
      %convert_element_type3A_907 = arith.extui %ge3A_906 : i1 to i32
      %cond3A_908 = arith.constant 0 : i32
      %cond3A_909 = arith.cmpi ne, %convert_element_type3A_907, %cond3A_908 : i32
      scf.if %cond3A_909 {
        %dma_start3A_935 = arith.constant 0 : i32
        %dma_start3A_936 = arith.constant 0 : i32
        %dma_start3A_937 = arith.constant 0 : i32
        %dma_start3A_938 = tpu.memref_slice %arg8[%dma_start3A_936, %dma_start3A_937] : memref<2x128xi32, #tpu.memory_space<vmem>> -> memref<1x128xi32, #tpu.memory_space<vmem>>
        %dma_start3A_939 = tpu.memref_squeeze %dma_start3A_938 : memref<1x128xi32, #tpu.memory_space<vmem>> -> memref<128xi32, #tpu.memory_space<vmem>>
        %dma_start3A_940 = arith.constant 0 : i32
        %dma_start3A_941 = tpu.memref_slice %arg4[%dma_start3A_935, %dma_start3A_940] : memref<2x128xi32, #tpu.memory_space<hbm>> -> memref<1x128xi32, #tpu.memory_space<hbm>>
        %dma_start3A_942 = tpu.memref_squeeze %dma_start3A_941 : memref<1x128xi32, #tpu.memory_space<hbm>> -> memref<128xi32, #tpu.memory_space<hbm>>
        %dma_start3A_943 = arith.constant 0 : i32
        %dma_start3A_944 = tpu.memref_slice %arg8[%dma_start3A_936, %dma_start3A_943] : memref<2x128xi32, #tpu.memory_space<vmem>> -> memref<1x128xi32, #tpu.memory_space<vmem>>
        %dma_start3A_945 = tpu.memref_squeeze %dma_start3A_944 : memref<1x128xi32, #tpu.memory_space<vmem>> -> memref<128xi32, #tpu.memory_space<vmem>>
        %dma_start3A_946 = arith.constant 0 : i32
        %dma_start3A_947 = tpu.memref_slice %arg4[%dma_start3A_935, %dma_start3A_946] : memref<2x128xi32, #tpu.memory_space<hbm>> -> memref<1x128xi32, #tpu.memory_space<hbm>>
        %dma_start3A_948 = tpu.memref_squeeze %dma_start3A_947 : memref<1x128xi32, #tpu.memory_space<hbm>> -> memref<128xi32, #tpu.memory_space<hbm>>
        tpu.enqueue_dma source(%dma_start3A_948 : memref<128xi32, #tpu.memory_space<hbm>>) target(%dma_start3A_945 : memref<128xi32, #tpu.memory_space<vmem>>) target_semaphore(%arg18 : memref<!tpu.dma_semaphore, #tpu.memory_space<semaphore_mem>>)
        %dma_start3A_949 = arith.constant 1 : i32
        %dma_start3A_950 = arith.constant 1 : i32
        %dma_start3A_951 = arith.constant 0 : i32
        %dma_start3A_952 = tpu.memref_slice %arg8[%dma_start3A_950, %dma_start3A_951] : memref<2x128xi32, #tpu.memory_space<vmem>> -> memref<1x128xi32, #tpu.memory_space<vmem>>
        %dma_start3A_953 = tpu.memref_squeeze %dma_start3A_952 : memref<1x128xi32, #tpu.memory_space<vmem>> -> memref<128xi32, #tpu.memory_space<vmem>>
        %dma_start3A_954 = arith.constant 0 : i32
        %dma_start3A_955 = tpu.memref_slice %arg4[%dma_start3A_949, %dma_start3A_954] : memref<2x128xi32, #tpu.memory_space<hbm>> -> memref<1x128xi32, #tpu.memory_space<hbm>>
        %dma_start3A_956 = tpu.memref_squeeze %dma_start3A_955 : memref<1x128xi32, #tpu.memory_space<hbm>> -> memref<128xi32, #tpu.memory_space<hbm>>
        %dma_start3A_957 = arith.constant 0 : i32
        %dma_start3A_958 = tpu.memref_slice %arg8[%dma_start3A_950, %dma_start3A_957] : memref<2x128xi32, #tpu.memory_space<vmem>> -> memref<1x128xi32, #tpu.memory_space<vmem>>
        %dma_start3A_959 = tpu.memref_squeeze %dma_start3A_958 : memref<1x128xi32, #tpu.memory_space<vmem>> -> memref<128xi32, #tpu.memory_space<vmem>>
        %dma_start3A_960 = arith.constant 0 : i32
        %dma_start3A_961 = tpu.memref_slice %arg4[%dma_start3A_949, %dma_start3A_960] : memref<2x128xi32, #tpu.memory_space<hbm>> -> memref<1x128xi32, #tpu.memory_space<hbm>>
        %dma_start3A_962 = tpu.memref_squeeze %dma_start3A_961 : memref<1x128xi32, #tpu.memory_space<hbm>> -> memref<128xi32, #tpu.memory_space<hbm>>
        tpu.enqueue_dma source(%dma_start3A_962 : memref<128xi32, #tpu.memory_space<hbm>>) target(%dma_start3A_959 : memref<128xi32, #tpu.memory_space<vmem>>) target_semaphore(%arg18 : memref<!tpu.dma_semaphore, #tpu.memory_space<semaphore_mem>>)
      } else {
      }
      %dma_wait3A_910 = arith.constant 0 : i32
      %dma_wait3A_911 = arith.constant 0 : i32
      %dma_wait3A_912 = arith.constant 0 : i32
      %dma_wait3A_913 = arith.constant 0 : i32
      %dma_wait3A_914 = tpu.memref_slice %arg9[%dma_wait3A_911, %dma_wait3A_912, %dma_wait3A_913] : memref<2x128x128xf32, #tpu.memory_space<vmem>> -> memref<1x128x128xf32, #tpu.memory_space<vmem>>
      %dma_wait3A_915 = tpu.memref_squeeze %dma_wait3A_914 : memref<1x128x128xf32, #tpu.memory_space<vmem>> -> memref<128x128xf32, #tpu.memory_space<vmem>>
      %dma_wait3A_916 = arith.constant 0 : i32
      %dma_wait3A_917 = tpu.memref_slice %arg6[%dma_wait3A_910, %dma_wait3A_916] : memref<2x128xi32, #tpu.memory_space<vmem>> -> memref<1x128xi32, #tpu.memory_space<vmem>>
      %dma_wait3A_918 = tpu.memref_squeeze %dma_wait3A_917 : memref<1x128xi32, #tpu.memory_space<vmem>> -> memref<128xi32, #tpu.memory_space<vmem>>
      %dma_wait3A_919 = arith.constant 0 : i32
      %dma_wait3A_920 = arith.constant 0 : i32
      %dma_wait3A_921 = tpu.memref_slice %arg2[%dma_wait3A_919, %dma_wait3A_920] : memref<10000x128xf32, #tpu.memory_space<hbm>> -> memref<10000x128xf32, #tpu.memory_space<hbm>>
      tpu.wait_indirect_dma semaphore(%arg12 : memref<!tpu.dma_semaphore, #tpu.memory_space<semaphore_mem>>) src(%dma_wait3A_921 : memref<10000x128xf32, #tpu.memory_space<hbm>>) dst(%dma_wait3A_915 : memref<128x128xf32, #tpu.memory_space<vmem>>)
      %dma_start3A_922 = arith.constant 0 : i32
      %dma_start3A_923 = arith.constant 1 : i32
      %dma_start3A_924 = arith.constant 0 : i32
      %dma_start3A_925 = arith.constant 0 : i32
      %dma_start3A_926 = tpu.memref_slice %arg9[%dma_start3A_922, %dma_start3A_924, %dma_start3A_925] : memref<2x128x128xf32, #tpu.memory_space<vmem>> -> memref<1x128x128xf32, #tpu.memory_space<vmem>>
      %dma_start3A_927 = tpu.memref_squeeze %dma_start3A_926 : memref<1x128x128xf32, #tpu.memory_space<vmem>> -> memref<128x128xf32, #tpu.memory_space<vmem>>
      %dma_start3A_928 = arith.constant 0 : i32
      %dma_start3A_929 = tpu.memref_slice %arg6[%dma_start3A_923, %dma_start3A_928] : memref<2x128xi32, #tpu.memory_space<vmem>> -> memref<1x128xi32, #tpu.memory_space<vmem>>
      %dma_start3A_930 = tpu.memref_squeeze %dma_start3A_929 : memref<1x128xi32, #tpu.memory_space<vmem>> -> memref<128xi32, #tpu.memory_space<vmem>>
      %dma_start3A_931 = arith.constant 0 : i32
      %dma_start3A_932 = arith.constant 0 : i32
      %dma_start3A_933 = tpu.memref_slice %arg11[%dma_start3A_931, %dma_start3A_932] : memref<10240x128xf32, #tpu.memory_space<vmem_shared>> -> memref<10240x128xf32, #tpu.memory_space<vmem_shared>>
      tpu.enqueue_indirect_dma source(%dma_start3A_927 : memref<128x128xf32, #tpu.memory_space<vmem>>) target(%dma_start3A_933 : memref<10240x128xf32, #tpu.memory_space<vmem_shared>>) offsets(%dma_start3A_930 : memref<128xi32, #tpu.memory_space<vmem>>) semaphore(%arg14 : memref<!tpu.dma_semaphore, #tpu.memory_space<semaphore_mem>>) {add = true}
      %scan3A_934 = arith.constant 0 : i32
      scf.yield %scan3A_934 : i32
    }
    %scan3A_188 = arith.constant 13 : i32
    %dma_wait3A_189 = arith.constant 0 : i32
    %dma_wait3A_190 = arith.constant 0 : i32
    %dma_wait3A_191 = arith.constant 0 : i32
    %dma_wait3A_192 = tpu.memref_slice %arg8[%dma_wait3A_190, %dma_wait3A_191] : memref<2x128xi32, #tpu.memory_space<vmem>> -> memref<1x128xi32, #tpu.memory_space<vmem>>
    %dma_wait3A_193 = tpu.memref_squeeze %dma_wait3A_192 : memref<1x128xi32, #tpu.memory_space<vmem>> -> memref<128xi32, #tpu.memory_space<vmem>>
    %dma_wait3A_194 = arith.constant 0 : i32
    %dma_wait3A_195 = tpu.memref_slice %arg4[%dma_wait3A_189, %dma_wait3A_194] : memref<2x128xi32, #tpu.memory_space<hbm>> -> memref<1x128xi32, #tpu.memory_space<hbm>>
    %dma_wait3A_196 = tpu.memref_squeeze %dma_wait3A_195 : memref<1x128xi32, #tpu.memory_space<hbm>> -> memref<128xi32, #tpu.memory_space<hbm>>
    %dma_wait3A_197 = arith.constant 0 : i32
    %dma_wait3A_198 = tpu.memref_slice %arg8[%dma_wait3A_190, %dma_wait3A_197] : memref<2x128xi32, #tpu.memory_space<vmem>> -> memref<1x128xi32, #tpu.memory_space<vmem>>
    %dma_wait3A_199 = tpu.memref_squeeze %dma_wait3A_198 : memref<1x128xi32, #tpu.memory_space<vmem>> -> memref<128xi32, #tpu.memory_space<vmem>>
    %dma_wait3A_200 = arith.constant 0 : i32
    %dma_wait3A_201 = tpu.memref_slice %arg4[%dma_wait3A_189, %dma_wait3A_200] : memref<2x128xi32, #tpu.memory_space<hbm>> -> memref<1x128xi32, #tpu.memory_space<hbm>>
    %dma_wait3A_202 = tpu.memref_squeeze %dma_wait3A_201 : memref<1x128xi32, #tpu.memory_space<hbm>> -> memref<128xi32, #tpu.memory_space<hbm>>
    tpu.wait_dma2 semaphore(%arg18 : memref<!tpu.dma_semaphore, #tpu.memory_space<semaphore_mem>>) src(%dma_wait3A_202 : memref<128xi32, #tpu.memory_space<hbm>>) dst(%dma_wait3A_199 : memref<128xi32, #tpu.memory_space<vmem>>)
    %dma_wait3A_203 = arith.constant 1 : i32
    %dma_wait3A_204 = arith.constant 1 : i32
    %dma_wait3A_205 = arith.constant 0 : i32
    %dma_wait3A_206 = tpu.memref_slice %arg8[%dma_wait3A_204, %dma_wait3A_205] : memref<2x128xi32, #tpu.memory_space<vmem>> -> memref<1x128xi32, #tpu.memory_space<vmem>>
    %dma_wait3A_207 = tpu.memref_squeeze %dma_wait3A_206 : memref<1x128xi32, #tpu.memory_space<vmem>> -> memref<128xi32, #tpu.memory_space<vmem>>
    %dma_wait3A_208 = arith.constant 0 : i32
    %dma_wait3A_209 = tpu.memref_slice %arg4[%dma_wait3A_203, %dma_wait3A_208] : memref<2x128xi32, #tpu.memory_space<hbm>> -> memref<1x128xi32, #tpu.memory_space<hbm>>
    %dma_wait3A_210 = tpu.memref_squeeze %dma_wait3A_209 : memref<1x128xi32, #tpu.memory_space<hbm>> -> memref<128xi32, #tpu.memory_space<hbm>>
    %dma_wait3A_211 = arith.constant 0 : i32
    %dma_wait3A_212 = tpu.memref_slice %arg8[%dma_wait3A_204, %dma_wait3A_211] : memref<2x128xi32, #tpu.memory_space<vmem>> -> memref<1x128xi32, #tpu.memory_space<vmem>>
    %dma_wait3A_213 = tpu.memref_squeeze %dma_wait3A_212 : memref<1x128xi32, #tpu.memory_space<vmem>> -> memref<128xi32, #tpu.memory_space<vmem>>
    %dma_wait3A_214 = arith.constant 0 : i32
    %dma_wait3A_215 = tpu.memref_slice %arg4[%dma_wait3A_203, %dma_wait3A_214] : memref<2x128xi32, #tpu.memory_space<hbm>> -> memref<1x128xi32, #tpu.memory_space<hbm>>
    %dma_wait3A_216 = tpu.memref_squeeze %dma_wait3A_215 : memref<1x128xi32, #tpu.memory_space<hbm>> -> memref<128xi32, #tpu.memory_space<hbm>>
    tpu.wait_dma2 semaphore(%arg18 : memref<!tpu.dma_semaphore, #tpu.memory_space<semaphore_mem>>) src(%dma_wait3A_216 : memref<128xi32, #tpu.memory_space<hbm>>) dst(%dma_wait3A_213 : memref<128xi32, #tpu.memory_space<vmem>>)
    %dma_wait3A_217 = arith.constant 0 : i32
    %dma_wait3A_218 = arith.constant 1 : i32
    %dma_wait3A_219 = arith.constant 0 : i32
    %dma_wait3A_220 = arith.constant 0 : i32
    %dma_wait3A_221 = tpu.memref_slice %arg9[%dma_wait3A_217, %dma_wait3A_219, %dma_wait3A_220] : memref<2x128x128xf32, #tpu.memory_space<vmem>> -> memref<1x128x128xf32, #tpu.memory_space<vmem>>
    %dma_wait3A_222 = tpu.memref_squeeze %dma_wait3A_221 : memref<1x128x128xf32, #tpu.memory_space<vmem>> -> memref<128x128xf32, #tpu.memory_space<vmem>>
    %dma_wait3A_223 = arith.constant 0 : i32
    %dma_wait3A_224 = tpu.memref_slice %arg6[%dma_wait3A_218, %dma_wait3A_223] : memref<2x128xi32, #tpu.memory_space<vmem>> -> memref<1x128xi32, #tpu.memory_space<vmem>>
    %dma_wait3A_225 = tpu.memref_squeeze %dma_wait3A_224 : memref<1x128xi32, #tpu.memory_space<vmem>> -> memref<128xi32, #tpu.memory_space<vmem>>
    %dma_wait3A_226 = arith.constant 0 : i32
    %dma_wait3A_227 = arith.constant 0 : i32
    %dma_wait3A_228 = tpu.memref_slice %arg11[%dma_wait3A_226, %dma_wait3A_227] : memref<10240x128xf32, #tpu.memory_space<vmem_shared>> -> memref<10240x128xf32, #tpu.memory_space<vmem_shared>>
    tpu.wait_indirect_dma semaphore(%arg14 : memref<!tpu.dma_semaphore, #tpu.memory_space<semaphore_mem>>) src(%dma_wait3A_222 : memref<128x128xf32, #tpu.memory_space<vmem>>) dst(%dma_wait3A_228 : memref<10240x128xf32, #tpu.memory_space<vmem_shared>>)
    %dma_start3A_229 = arith.constant 0 : i32
    %dma_start3A_230 = arith.constant 0 : i32
    %dma_start3A_231 = arith.constant 0 : i32
    %dma_start3A_232 = arith.constant 0 : i32
    %dma_start3A_233 = tpu.memref_slice %arg9[%dma_start3A_230, %dma_start3A_231, %dma_start3A_232] : memref<2x128x128xf32, #tpu.memory_space<vmem>> -> memref<1x128x128xf32, #tpu.memory_space<vmem>>
    %dma_start3A_234 = tpu.memref_squeeze %dma_start3A_233 : memref<1x128x128xf32, #tpu.memory_space<vmem>> -> memref<128x128xf32, #tpu.memory_space<vmem>>
    %dma_start3A_235 = arith.constant 0 : i32
    %dma_start3A_236 = tpu.memref_slice %arg8[%dma_start3A_229, %dma_start3A_235] : memref<2x128xi32, #tpu.memory_space<vmem>> -> memref<1x128xi32, #tpu.memory_space<vmem>>
    %dma_start3A_237 = tpu.memref_squeeze %dma_start3A_236 : memref<1x128xi32, #tpu.memory_space<vmem>> -> memref<128xi32, #tpu.memory_space<vmem>>
    %dma_start3A_238 = arith.constant 0 : i32
    %dma_start3A_239 = arith.constant 0 : i32
    %dma_start3A_240 = tpu.memref_slice %arg2[%dma_start3A_238, %dma_start3A_239] : memref<10000x128xf32, #tpu.memory_space<hbm>> -> memref<10000x128xf32, #tpu.memory_space<hbm>>
    tpu.enqueue_indirect_dma source(%dma_start3A_240 : memref<10000x128xf32, #tpu.memory_space<hbm>>) target(%dma_start3A_234 : memref<128x128xf32, #tpu.memory_space<vmem>>) offsets(%dma_start3A_237 : memref<128xi32, #tpu.memory_space<vmem>>) semaphore(%arg12 : memref<!tpu.dma_semaphore, #tpu.memory_space<semaphore_mem>>)
    %add3A_241 = arith.constant 2592 : i32
    %add3A_242 = arith.addi %add3A, %add3A_241 : i32
    %lt3A_243 = arith.constant 2500 : i32
    %lt3A_244 = arith.cmpi slt, %add3A_242, %lt3A_243 : i32
    %convert_element_type3A_245 = arith.extui %lt3A_244 : i1 to i32
    %cond3A_246 = arith.constant 0 : i32
    %cond3A_247 = arith.cmpi ne, %convert_element_type3A_245, %cond3A_246 : i32
    scf.if %cond3A_247 {
      %mul3A_350 = arith.constant 128 : i32
      %mul3A_351 = arith.muli %add3A_242, %mul3A_350 : i32
      %dma_start3A_352 = arith.constant 0 : i32
      %dma_start3A_353 = arith.constant 0 : i32
      %dma_start3A_354 = arith.constant 0 : i32
      %dma_start3A_355 = tpu.memref_slice %arg6[%dma_start3A_353, %dma_start3A_354] : memref<2x128xi32, #tpu.memory_space<vmem>> -> memref<1x128xi32, #tpu.memory_space<vmem>>
      %dma_start3A_356 = tpu.memref_squeeze %dma_start3A_355 : memref<1x128xi32, #tpu.memory_space<vmem>> -> memref<128xi32, #tpu.memory_space<vmem>>
      %dma_start3A_357 = tpu.memref_slice %arg3[%dma_start3A_352, %mul3A_351] : memref<2x320000xi32, #tpu.memory_space<hbm>> -> memref<1x128xi32, #tpu.memory_space<hbm>>
      %dma_start3A_358 = tpu.memref_squeeze %dma_start3A_357 : memref<1x128xi32, #tpu.memory_space<hbm>> -> memref<128xi32, #tpu.memory_space<hbm>>
      %dma_start3A_359 = arith.constant 0 : i32
      %dma_start3A_360 = tpu.memref_slice %arg6[%dma_start3A_353, %dma_start3A_359] : memref<2x128xi32, #tpu.memory_space<vmem>> -> memref<1x128xi32, #tpu.memory_space<vmem>>
      %dma_start3A_361 = tpu.memref_squeeze %dma_start3A_360 : memref<1x128xi32, #tpu.memory_space<vmem>> -> memref<128xi32, #tpu.memory_space<vmem>>
      %dma_start3A_362 = tpu.memref_slice %arg3[%dma_start3A_352, %mul3A_351] : memref<2x320000xi32, #tpu.memory_space<hbm>> -> memref<1x128xi32, #tpu.memory_space<hbm>>
      %dma_start3A_363 = tpu.memref_squeeze %dma_start3A_362 : memref<1x128xi32, #tpu.memory_space<hbm>> -> memref<128xi32, #tpu.memory_space<hbm>>
      tpu.enqueue_dma source(%dma_start3A_363 : memref<128xi32, #tpu.memory_space<hbm>>) target(%dma_start3A_361 : memref<128xi32, #tpu.memory_space<vmem>>) target_semaphore(%arg16 : memref<!tpu.dma_semaphore, #tpu.memory_space<semaphore_mem>>)
      %mul3A_364 = arith.constant 128 : i32
      %mul3A_365 = arith.muli %add3A_242, %mul3A_364 : i32
      %dma_start3A_366 = arith.constant 1 : i32
      %dma_start3A_367 = arith.constant 1 : i32
      %dma_start3A_368 = arith.constant 0 : i32
      %dma_start3A_369 = tpu.memref_slice %arg6[%dma_start3A_367, %dma_start3A_368] : memref<2x128xi32, #tpu.memory_space<vmem>> -> memref<1x128xi32, #tpu.memory_space<vmem>>
      %dma_start3A_370 = tpu.memref_squeeze %dma_start3A_369 : memref<1x128xi32, #tpu.memory_space<vmem>> -> memref<128xi32, #tpu.memory_space<vmem>>
      %dma_start3A_371 = tpu.memref_slice %arg3[%dma_start3A_366, %mul3A_365] : memref<2x320000xi32, #tpu.memory_space<hbm>> -> memref<1x128xi32, #tpu.memory_space<hbm>>
      %dma_start3A_372 = tpu.memref_squeeze %dma_start3A_371 : memref<1x128xi32, #tpu.memory_space<hbm>> -> memref<128xi32, #tpu.memory_space<hbm>>
      %dma_start3A_373 = arith.constant 0 : i32
      %dma_start3A_374 = tpu.memref_slice %arg6[%dma_start3A_367, %dma_start3A_373] : memref<2x128xi32, #tpu.memory_space<vmem>> -> memref<1x128xi32, #tpu.memory_space<vmem>>
      %dma_start3A_375 = tpu.memref_squeeze %dma_start3A_374 : memref<1x128xi32, #tpu.memory_space<vmem>> -> memref<128xi32, #tpu.memory_space<vmem>>
      %dma_start3A_376 = tpu.memref_slice %arg3[%dma_start3A_366, %mul3A_365] : memref<2x320000xi32, #tpu.memory_space<hbm>> -> memref<1x128xi32, #tpu.memory_space<hbm>>
      %dma_start3A_377 = tpu.memref_squeeze %dma_start3A_376 : memref<1x128xi32, #tpu.memory_space<hbm>> -> memref<128xi32, #tpu.memory_space<hbm>>
      tpu.enqueue_dma source(%dma_start3A_377 : memref<128xi32, #tpu.memory_space<hbm>>) target(%dma_start3A_375 : memref<128xi32, #tpu.memory_space<vmem>>) target_semaphore(%arg16 : memref<!tpu.dma_semaphore, #tpu.memory_space<semaphore_mem>>)
    } else {
    }
    %ge3A_248 = arith.constant 2500 : i32
    %ge3A_249 = arith.cmpi sge, %add3A_242, %ge3A_248 : i32
    %convert_element_type3A_250 = arith.extui %ge3A_249 : i1 to i32
    %cond3A_251 = arith.constant 0 : i32
    %cond3A_252 = arith.cmpi ne, %convert_element_type3A_250, %cond3A_251 : i32
    scf.if %cond3A_252 {
      %dma_start3A_350 = arith.constant 0 : i32
      %dma_start3A_351 = arith.constant 0 : i32
      %dma_start3A_352 = arith.constant 0 : i32
      %dma_start3A_353 = tpu.memref_slice %arg6[%dma_start3A_351, %dma_start3A_352] : memref<2x128xi32, #tpu.memory_space<vmem>> -> memref<1x128xi32, #tpu.memory_space<vmem>>
      %dma_start3A_354 = tpu.memref_squeeze %dma_start3A_353 : memref<1x128xi32, #tpu.memory_space<vmem>> -> memref<128xi32, #tpu.memory_space<vmem>>
      %dma_start3A_355 = arith.constant 0 : i32
      %dma_start3A_356 = tpu.memref_slice %arg4[%dma_start3A_350, %dma_start3A_355] : memref<2x128xi32, #tpu.memory_space<hbm>> -> memref<1x128xi32, #tpu.memory_space<hbm>>
      %dma_start3A_357 = tpu.memref_squeeze %dma_start3A_356 : memref<1x128xi32, #tpu.memory_space<hbm>> -> memref<128xi32, #tpu.memory_space<hbm>>
      %dma_start3A_358 = arith.constant 0 : i32
      %dma_start3A_359 = tpu.memref_slice %arg6[%dma_start3A_351, %dma_start3A_358] : memref<2x128xi32, #tpu.memory_space<vmem>> -> memref<1x128xi32, #tpu.memory_space<vmem>>
      %dma_start3A_360 = tpu.memref_squeeze %dma_start3A_359 : memref<1x128xi32, #tpu.memory_space<vmem>> -> memref<128xi32, #tpu.memory_space<vmem>>
      %dma_start3A_361 = arith.constant 0 : i32
      %dma_start3A_362 = tpu.memref_slice %arg4[%dma_start3A_350, %dma_start3A_361] : memref<2x128xi32, #tpu.memory_space<hbm>> -> memref<1x128xi32, #tpu.memory_space<hbm>>
      %dma_start3A_363 = tpu.memref_squeeze %dma_start3A_362 : memref<1x128xi32, #tpu.memory_space<hbm>> -> memref<128xi32, #tpu.memory_space<hbm>>
      tpu.enqueue_dma source(%dma_start3A_363 : memref<128xi32, #tpu.memory_space<hbm>>) target(%dma_start3A_360 : memref<128xi32, #tpu.memory_space<vmem>>) target_semaphore(%arg16 : memref<!tpu.dma_semaphore, #tpu.memory_space<semaphore_mem>>)
      %dma_start3A_364 = arith.constant 1 : i32
      %dma_start3A_365 = arith.constant 1 : i32
      %dma_start3A_366 = arith.constant 0 : i32
      %dma_start3A_367 = tpu.memref_slice %arg6[%dma_start3A_365, %dma_start3A_366] : memref<2x128xi32, #tpu.memory_space<vmem>> -> memref<1x128xi32, #tpu.memory_space<vmem>>
      %dma_start3A_368 = tpu.memref_squeeze %dma_start3A_367 : memref<1x128xi32, #tpu.memory_space<vmem>> -> memref<128xi32, #tpu.memory_space<vmem>>
      %dma_start3A_369 = arith.constant 0 : i32
      %dma_start3A_370 = tpu.memref_slice %arg4[%dma_start3A_364, %dma_start3A_369] : memref<2x128xi32, #tpu.memory_space<hbm>> -> memref<1x128xi32, #tpu.memory_space<hbm>>
      %dma_start3A_371 = tpu.memref_squeeze %dma_start3A_370 : memref<1x128xi32, #tpu.memory_space<hbm>> -> memref<128xi32, #tpu.memory_space<hbm>>
      %dma_start3A_372 = arith.constant 0 : i32
      %dma_start3A_373 = tpu.memref_slice %arg6[%dma_start3A_365, %dma_start3A_372] : memref<2x128xi32, #tpu.memory_space<vmem>> -> memref<1x128xi32, #tpu.memory_space<vmem>>
      %dma_start3A_374 = tpu.memref_squeeze %dma_start3A_373 : memref<1x128xi32, #tpu.memory_space<vmem>> -> memref<128xi32, #tpu.memory_space<vmem>>
      %dma_start3A_375 = arith.constant 0 : i32
      %dma_start3A_376 = tpu.memref_slice %arg4[%dma_start3A_364, %dma_start3A_375] : memref<2x128xi32, #tpu.memory_space<hbm>> -> memref<1x128xi32, #tpu.memory_space<hbm>>
      %dma_start3A_377 = tpu.memref_squeeze %dma_start3A_376 : memref<1x128xi32, #tpu.memory_space<hbm>> -> memref<128xi32, #tpu.memory_space<hbm>>
      tpu.enqueue_dma source(%dma_start3A_377 : memref<128xi32, #tpu.memory_space<hbm>>) target(%dma_start3A_374 : memref<128xi32, #tpu.memory_space<vmem>>) target_semaphore(%arg16 : memref<!tpu.dma_semaphore, #tpu.memory_space<semaphore_mem>>)
    } else {
    }
    %dma_wait3A_253 = arith.constant 0 : i32
    %dma_wait3A_254 = arith.constant 1 : i32
    %dma_wait3A_255 = arith.constant 0 : i32
    %dma_wait3A_256 = arith.constant 0 : i32
    %dma_wait3A_257 = tpu.memref_slice %arg9[%dma_wait3A_254, %dma_wait3A_255, %dma_wait3A_256] : memref<2x128x128xf32, #tpu.memory_space<vmem>> -> memref<1x128x128xf32, #tpu.memory_space<vmem>>
    %dma_wait3A_258 = tpu.memref_squeeze %dma_wait3A_257 : memref<1x128x128xf32, #tpu.memory_space<vmem>> -> memref<128x128xf32, #tpu.memory_space<vmem>>
    %dma_wait3A_259 = arith.constant 0 : i32
    %dma_wait3A_260 = tpu.memref_slice %arg7[%dma_wait3A_253, %dma_wait3A_259] : memref<2x128xi32, #tpu.memory_space<vmem>> -> memref<1x128xi32, #tpu.memory_space<vmem>>
    %dma_wait3A_261 = tpu.memref_squeeze %dma_wait3A_260 : memref<1x128xi32, #tpu.memory_space<vmem>> -> memref<128xi32, #tpu.memory_space<vmem>>
    %dma_wait3A_262 = arith.constant 0 : i32
    %dma_wait3A_263 = arith.constant 0 : i32
    %dma_wait3A_264 = tpu.memref_slice %arg2[%dma_wait3A_262, %dma_wait3A_263] : memref<10000x128xf32, #tpu.memory_space<hbm>> -> memref<10000x128xf32, #tpu.memory_space<hbm>>
    tpu.wait_indirect_dma semaphore(%arg13 : memref<!tpu.dma_semaphore, #tpu.memory_space<semaphore_mem>>) src(%dma_wait3A_264 : memref<10000x128xf32, #tpu.memory_space<hbm>>) dst(%dma_wait3A_258 : memref<128x128xf32, #tpu.memory_space<vmem>>)
    %dma_start3A_265 = arith.constant 1 : i32
    %dma_start3A_266 = arith.constant 1 : i32
    %dma_start3A_267 = arith.constant 0 : i32
    %dma_start3A_268 = arith.constant 0 : i32
    %dma_start3A_269 = tpu.memref_slice %arg9[%dma_start3A_265, %dma_start3A_267, %dma_start3A_268] : memref<2x128x128xf32, #tpu.memory_space<vmem>> -> memref<1x128x128xf32, #tpu.memory_space<vmem>>
    %dma_start3A_270 = tpu.memref_squeeze %dma_start3A_269 : memref<1x128x128xf32, #tpu.memory_space<vmem>> -> memref<128x128xf32, #tpu.memory_space<vmem>>
    %dma_start3A_271 = arith.constant 0 : i32
    %dma_start3A_272 = tpu.memref_slice %arg7[%dma_start3A_266, %dma_start3A_271] : memref<2x128xi32, #tpu.memory_space<vmem>> -> memref<1x128xi32, #tpu.memory_space<vmem>>
    %dma_start3A_273 = tpu.memref_squeeze %dma_start3A_272 : memref<1x128xi32, #tpu.memory_space<vmem>> -> memref<128xi32, #tpu.memory_space<vmem>>
    %dma_start3A_274 = arith.constant 0 : i32
    %dma_start3A_275 = arith.constant 0 : i32
    %dma_start3A_276 = tpu.memref_slice %arg11[%dma_start3A_274, %dma_start3A_275] : memref<10240x128xf32, #tpu.memory_space<vmem_shared>> -> memref<10240x128xf32, #tpu.memory_space<vmem_shared>>
    tpu.enqueue_indirect_dma source(%dma_start3A_270 : memref<128x128xf32, #tpu.memory_space<vmem>>) target(%dma_start3A_276 : memref<10240x128xf32, #tpu.memory_space<vmem_shared>>) offsets(%dma_start3A_273 : memref<128xi32, #tpu.memory_space<vmem>>) semaphore(%arg15 : memref<!tpu.dma_semaphore, #tpu.memory_space<semaphore_mem>>) {add = true}
    %dma_wait3A_277 = arith.constant 1 : i32
    %dma_wait3A_278 = arith.constant 1 : i32
    %dma_wait3A_279 = arith.constant 0 : i32
    %dma_wait3A_280 = arith.constant 0 : i32
    %dma_wait3A_281 = tpu.memref_slice %arg9[%dma_wait3A_277, %dma_wait3A_279, %dma_wait3A_280] : memref<2x128x128xf32, #tpu.memory_space<vmem>> -> memref<1x128x128xf32, #tpu.memory_space<vmem>>
    %dma_wait3A_282 = tpu.memref_squeeze %dma_wait3A_281 : memref<1x128x128xf32, #tpu.memory_space<vmem>> -> memref<128x128xf32, #tpu.memory_space<vmem>>
    %dma_wait3A_283 = arith.constant 0 : i32
    %dma_wait3A_284 = tpu.memref_slice %arg7[%dma_wait3A_278, %dma_wait3A_283] : memref<2x128xi32, #tpu.memory_space<vmem>> -> memref<1x128xi32, #tpu.memory_space<vmem>>
    %dma_wait3A_285 = tpu.memref_squeeze %dma_wait3A_284 : memref<1x128xi32, #tpu.memory_space<vmem>> -> memref<128xi32, #tpu.memory_space<vmem>>
    %dma_wait3A_286 = arith.constant 0 : i32
    %dma_wait3A_287 = arith.constant 0 : i32
    %dma_wait3A_288 = tpu.memref_slice %arg11[%dma_wait3A_286, %dma_wait3A_287] : memref<10240x128xf32, #tpu.memory_space<vmem_shared>> -> memref<10240x128xf32, #tpu.memory_space<vmem_shared>>
    tpu.wait_indirect_dma semaphore(%arg15 : memref<!tpu.dma_semaphore, #tpu.memory_space<semaphore_mem>>) src(%dma_wait3A_282 : memref<128x128xf32, #tpu.memory_space<vmem>>) dst(%dma_wait3A_288 : memref<10240x128xf32, #tpu.memory_space<vmem_shared>>)
    %dma_wait3A_289 = arith.constant 0 : i32
    %dma_wait3A_290 = arith.constant 0 : i32
    %dma_wait3A_291 = arith.constant 0 : i32
    %dma_wait3A_292 = arith.constant 0 : i32
    %dma_wait3A_293 = tpu.memref_slice %arg9[%dma_wait3A_290, %dma_wait3A_291, %dma_wait3A_292] : memref<2x128x128xf32, #tpu.memory_space<vmem>> -> memref<1x128x128xf32, #tpu.memory_space<vmem>>
    %dma_wait3A_294 = tpu.memref_squeeze %dma_wait3A_293 : memref<1x128x128xf32, #tpu.memory_space<vmem>> -> memref<128x128xf32, #tpu.memory_space<vmem>>
    %dma_wait3A_295 = arith.constant 0 : i32
    %dma_wait3A_296 = tpu.memref_slice %arg8[%dma_wait3A_289, %dma_wait3A_295] : memref<2x128xi32, #tpu.memory_space<vmem>> -> memref<1x128xi32, #tpu.memory_space<vmem>>
    %dma_wait3A_297 = tpu.memref_squeeze %dma_wait3A_296 : memref<1x128xi32, #tpu.memory_space<vmem>> -> memref<128xi32, #tpu.memory_space<vmem>>
    %dma_wait3A_298 = arith.constant 0 : i32
    %dma_wait3A_299 = arith.constant 0 : i32
    %dma_wait3A_300 = tpu.memref_slice %arg2[%dma_wait3A_298, %dma_wait3A_299] : memref<10000x128xf32, #tpu.memory_space<hbm>> -> memref<10000x128xf32, #tpu.memory_space<hbm>>
    tpu.wait_indirect_dma semaphore(%arg12 : memref<!tpu.dma_semaphore, #tpu.memory_space<semaphore_mem>>) src(%dma_wait3A_300 : memref<10000x128xf32, #tpu.memory_space<hbm>>) dst(%dma_wait3A_294 : memref<128x128xf32, #tpu.memory_space<vmem>>)
    %dma_wait3A_301 = arith.constant 0 : i32
    %dma_wait3A_302 = arith.constant 0 : i32
    %dma_wait3A_303 = arith.constant 0 : i32
    %dma_wait3A_304 = tpu.memref_slice %arg6[%dma_wait3A_302, %dma_wait3A_303] : memref<2x128xi32, #tpu.memory_space<vmem>> -> memref<1x128xi32, #tpu.memory_space<vmem>>
    %dma_wait3A_305 = tpu.memref_squeeze %dma_wait3A_304 : memref<1x128xi32, #tpu.memory_space<vmem>> -> memref<128xi32, #tpu.memory_space<vmem>>
    %dma_wait3A_306 = arith.constant 0 : i32
    %dma_wait3A_307 = tpu.memref_slice %arg4[%dma_wait3A_301, %dma_wait3A_306] : memref<2x128xi32, #tpu.memory_space<hbm>> -> memref<1x128xi32, #tpu.memory_space<hbm>>
    %dma_wait3A_308 = tpu.memref_squeeze %dma_wait3A_307 : memref<1x128xi32, #tpu.memory_space<hbm>> -> memref<128xi32, #tpu.memory_space<hbm>>
    %dma_wait3A_309 = arith.constant 0 : i32
    %dma_wait3A_310 = tpu.memref_slice %arg6[%dma_wait3A_302, %dma_wait3A_309] : memref<2x128xi32, #tpu.memory_space<vmem>> -> memref<1x128xi32, #tpu.memory_space<vmem>>
    %dma_wait3A_311 = tpu.memref_squeeze %dma_wait3A_310 : memref<1x128xi32, #tpu.memory_space<vmem>> -> memref<128xi32, #tpu.memory_space<vmem>>
    %dma_wait3A_312 = arith.constant 0 : i32
    %dma_wait3A_313 = tpu.memref_slice %arg4[%dma_wait3A_301, %dma_wait3A_312] : memref<2x128xi32, #tpu.memory_space<hbm>> -> memref<1x128xi32, #tpu.memory_space<hbm>>
    %dma_wait3A_314 = tpu.memref_squeeze %dma_wait3A_313 : memref<1x128xi32, #tpu.memory_space<hbm>> -> memref<128xi32, #tpu.memory_space<hbm>>
    tpu.wait_dma2 semaphore(%arg16 : memref<!tpu.dma_semaphore, #tpu.memory_space<semaphore_mem>>) src(%dma_wait3A_314 : memref<128xi32, #tpu.memory_space<hbm>>) dst(%dma_wait3A_311 : memref<128xi32, #tpu.memory_space<vmem>>)
    %dma_wait3A_315 = arith.constant 1 : i32
    %dma_wait3A_316 = arith.constant 1 : i32
    %dma_wait3A_317 = arith.constant 0 : i32
    %dma_wait3A_318 = tpu.memref_slice %arg6[%dma_wait3A_316, %dma_wait3A_317] : memref<2x128xi32, #tpu.memory_space<vmem>> -> memref<1x128xi32, #tpu.memory_space<vmem>>
    %dma_wait3A_319 = tpu.memref_squeeze %dma_wait3A_318 : memref<1x128xi32, #tpu.memory_space<vmem>> -> memref<128xi32, #tpu.memory_space<vmem>>
    %dma_wait3A_320 = arith.constant 0 : i32
    %dma_wait3A_321 = tpu.memref_slice %arg4[%dma_wait3A_315, %dma_wait3A_320] : memref<2x128xi32, #tpu.memory_space<hbm>> -> memref<1x128xi32, #tpu.memory_space<hbm>>
    %dma_wait3A_322 = tpu.memref_squeeze %dma_wait3A_321 : memref<1x128xi32, #tpu.memory_space<hbm>> -> memref<128xi32, #tpu.memory_space<hbm>>
    %dma_wait3A_323 = arith.constant 0 : i32
    %dma_wait3A_324 = tpu.memref_slice %arg6[%dma_wait3A_316, %dma_wait3A_323] : memref<2x128xi32, #tpu.memory_space<vmem>> -> memref<1x128xi32, #tpu.memory_space<vmem>>
    %dma_wait3A_325 = tpu.memref_squeeze %dma_wait3A_324 : memref<1x128xi32, #tpu.memory_space<vmem>> -> memref<128xi32, #tpu.memory_space<vmem>>
    %dma_wait3A_326 = arith.constant 0 : i32
    %dma_wait3A_327 = tpu.memref_slice %arg4[%dma_wait3A_315, %dma_wait3A_326] : memref<2x128xi32, #tpu.memory_space<hbm>> -> memref<1x128xi32, #tpu.memory_space<hbm>>
    %dma_wait3A_328 = tpu.memref_squeeze %dma_wait3A_327 : memref<1x128xi32, #tpu.memory_space<hbm>> -> memref<128xi32, #tpu.memory_space<hbm>>
    tpu.wait_dma2 semaphore(%arg16 : memref<!tpu.dma_semaphore, #tpu.memory_space<semaphore_mem>>) src(%dma_wait3A_328 : memref<128xi32, #tpu.memory_space<hbm>>) dst(%dma_wait3A_325 : memref<128xi32, #tpu.memory_space<vmem>>)
    %barrier3A_329 = arith.constant 0 : index
    tpu.barrier barrier_id(%barrier3A_329)
    %mul3A_330 = arith.constant 640 : i32
    %mul3A_331 = arith.muli %arg1, %mul3A_330 : i32
    %add3A_332 = arith.constant 0 : i32
    %add3A_333 = arith.addi %mul3A_331, %add3A_332 : i32
    "tpu.region"() ({
      %run_scoped3A = tpu.sem_alloc : memref<!tpu.dma_semaphore, #tpu.memory_space<semaphore_mem>>
      %dma_start3A_350 = arith.constant 0 : i32
      %dma_start3A_351 = tpu.memref_slice %arg5[%arg0, %add3A_333, %dma_start3A_350] : memref<2x10240x128xf32, #tpu.memory_space<hbm>> -> memref<1x128x128xf32, #tpu.memory_space<hbm>>
      %dma_start3A_352 = tpu.memref_squeeze %dma_start3A_351 : memref<1x128x128xf32, #tpu.memory_space<hbm>> -> memref<128x128xf32, #tpu.memory_space<hbm>>
      %dma_start3A_353 = arith.constant 0 : i32
      %dma_start3A_354 = tpu.memref_slice %arg11[%add3A_333, %dma_start3A_353] : memref<10240x128xf32, #tpu.memory_space<vmem_shared>> -> memref<128x128xf32, #tpu.memory_space<vmem_shared>>
      tpu.enqueue_dma source(%dma_start3A_354 : memref<128x128xf32, #tpu.memory_space<vmem_shared>>) target(%dma_start3A_352 : memref<128x128xf32, #tpu.memory_space<hbm>>) target_semaphore(%run_scoped3A : memref<!tpu.dma_semaphore, #tpu.memory_space<semaphore_mem>>)
      %dma_wait3A_355 = arith.constant 0 : i32
      %dma_wait3A_356 = tpu.memref_slice %arg5[%arg0, %add3A_333, %dma_wait3A_355] : memref<2x10240x128xf32, #tpu.memory_space<hbm>> -> memref<1x128x128xf32, #tpu.memory_space<hbm>>
      %dma_wait3A_357 = tpu.memref_squeeze %dma_wait3A_356 : memref<1x128x128xf32, #tpu.memory_space<hbm>> -> memref<128x128xf32, #tpu.memory_space<hbm>>
      %dma_wait3A_358 = arith.constant 0 : i32
      %dma_wait3A_359 = tpu.memref_slice %arg11[%add3A_333, %dma_wait3A_358] : memref<10240x128xf32, #tpu.memory_space<vmem_shared>> -> memref<128x128xf32, #tpu.memory_space<vmem_shared>>
      tpu.wait_dma2 semaphore(%run_scoped3A : memref<!tpu.dma_semaphore, #tpu.memory_space<semaphore_mem>>) src(%dma_wait3A_359 : memref<128x128xf32, #tpu.memory_space<vmem_shared>>) dst(%dma_wait3A_357 : memref<128x128xf32, #tpu.memory_space<hbm>>)
      tpu.yield
    }) : () -> ()
    %mul3A_334 = arith.constant 640 : i32
    %mul3A_335 = arith.muli %arg1, %mul3A_334 : i32
    %add3A_336 = arith.constant 128 : i32
    %add3A_337 = arith.addi %mul3A_335, %add3A_336 : i32
    "tpu.region"() ({
      %run_scoped3A = tpu.sem_alloc : memref<!tpu.dma_semaphore, #tpu.memory_space<semaphore_mem>>
      %dma_start3A_350 = arith.constant 0 : i32
      %dma_start3A_351 = tpu.memref_slice %arg5[%arg0, %add3A_337, %dma_start3A_350] : memref<2x10240x128xf32, #tpu.memory_space<hbm>> -> memref<1x128x128xf32, #tpu.memory_space<hbm>>
      %dma_start3A_352 = tpu.memref_squeeze %dma_start3A_351 : memref<1x128x128xf32, #tpu.memory_space<hbm>> -> memref<128x128xf32, #tpu.memory_space<hbm>>
      %dma_start3A_353 = arith.constant 0 : i32
      %dma_start3A_354 = tpu.memref_slice %arg11[%add3A_337, %dma_start3A_353] : memref<10240x128xf32, #tpu.memory_space<vmem_shared>> -> memref<128x128xf32, #tpu.memory_space<vmem_shared>>
      tpu.enqueue_dma source(%dma_start3A_354 : memref<128x128xf32, #tpu.memory_space<vmem_shared>>) target(%dma_start3A_352 : memref<128x128xf32, #tpu.memory_space<hbm>>) target_semaphore(%run_scoped3A : memref<!tpu.dma_semaphore, #tpu.memory_space<semaphore_mem>>)
      %dma_wait3A_355 = arith.constant 0 : i32
      %dma_wait3A_356 = tpu.memref_slice %arg5[%arg0, %add3A_337, %dma_wait3A_355] : memref<2x10240x128xf32, #tpu.memory_space<hbm>> -> memref<1x128x128xf32, #tpu.memory_space<hbm>>
      %dma_wait3A_357 = tpu.memref_squeeze %dma_wait3A_356 : memref<1x128x128xf32, #tpu.memory_space<hbm>> -> memref<128x128xf32, #tpu.memory_space<hbm>>
      %dma_wait3A_358 = arith.constant 0 : i32
      %dma_wait3A_359 = tpu.memref_slice %arg11[%add3A_337, %dma_wait3A_358] : memref<10240x128xf32, #tpu.memory_space<vmem_shared>> -> memref<128x128xf32, #tpu.memory_space<vmem_shared>>
      tpu.wait_dma2 semaphore(%run_scoped3A : memref<!tpu.dma_semaphore, #tpu.memory_space<semaphore_mem>>) src(%dma_wait3A_359 : memref<128x128xf32, #tpu.memory_space<vmem_shared>>) dst(%dma_wait3A_357 : memref<128x128xf32, #tpu.memory_space<hbm>>)
      tpu.yield
    }) : () -> ()
    %mul3A_338 = arith.constant 640 : i32
    %mul3A_339 = arith.muli %arg1, %mul3A_338 : i32
    %add3A_340 = arith.constant 256 : i32
    %add3A_341 = arith.addi %mul3A_339, %add3A_340 : i32
    "tpu.region"() ({
      %run_scoped3A = tpu.sem_alloc : memref<!tpu.dma_semaphore, #tpu.memory_space<semaphore_mem>>
      %dma_start3A_350 = arith.constant 0 : i32
      %dma_start3A_351 = tpu.memref_slice %arg5[%arg0, %add3A_341, %dma_start3A_350] : memref<2x10240x128xf32, #tpu.memory_space<hbm>> -> memref<1x128x128xf32, #tpu.memory_space<hbm>>
      %dma_start3A_352 = tpu.memref_squeeze %dma_start3A_351 : memref<1x128x128xf32, #tpu.memory_space<hbm>> -> memref<128x128xf32, #tpu.memory_space<hbm>>
      %dma_start3A_353 = arith.constant 0 : i32
      %dma_start3A_354 = tpu.memref_slice %arg11[%add3A_341, %dma_start3A_353] : memref<10240x128xf32, #tpu.memory_space<vmem_shared>> -> memref<128x128xf32, #tpu.memory_space<vmem_shared>>
      tpu.enqueue_dma source(%dma_start3A_354 : memref<128x128xf32, #tpu.memory_space<vmem_shared>>) target(%dma_start3A_352 : memref<128x128xf32, #tpu.memory_space<hbm>>) target_semaphore(%run_scoped3A : memref<!tpu.dma_semaphore, #tpu.memory_space<semaphore_mem>>)
      %dma_wait3A_355 = arith.constant 0 : i32
      %dma_wait3A_356 = tpu.memref_slice %arg5[%arg0, %add3A_341, %dma_wait3A_355] : memref<2x10240x128xf32, #tpu.memory_space<hbm>> -> memref<1x128x128xf32, #tpu.memory_space<hbm>>
      %dma_wait3A_357 = tpu.memref_squeeze %dma_wait3A_356 : memref<1x128x128xf32, #tpu.memory_space<hbm>> -> memref<128x128xf32, #tpu.memory_space<hbm>>
      %dma_wait3A_358 = arith.constant 0 : i32
      %dma_wait3A_359 = tpu.memref_slice %arg11[%add3A_341, %dma_wait3A_358] : memref<10240x128xf32, #tpu.memory_space<vmem_shared>> -> memref<128x128xf32, #tpu.memory_space<vmem_shared>>
      tpu.wait_dma2 semaphore(%run_scoped3A : memref<!tpu.dma_semaphore, #tpu.memory_space<semaphore_mem>>) src(%dma_wait3A_359 : memref<128x128xf32, #tpu.memory_space<vmem_shared>>) dst(%dma_wait3A_357 : memref<128x128xf32, #tpu.memory_space<hbm>>)
      tpu.yield
    }) : () -> ()
    %mul3A_342 = arith.constant 640 : i32
    %mul3A_343 = arith.muli %arg1, %mul3A_342 : i32
    %add3A_344 = arith.constant 384 : i32
    %add3A_345 = arith.addi %mul3A_343, %add3A_344 : i32
    "tpu.region"() ({
      %run_scoped3A = tpu.sem_alloc : memref<!tpu.dma_semaphore, #tpu.memory_space<semaphore_mem>>
      %dma_start3A_350 = arith.constant 0 : i32
      %dma_start3A_351 = tpu.memref_slice %arg5[%arg0, %add3A_345, %dma_start3A_350] : memref<2x10240x128xf32, #tpu.memory_space<hbm>> -> memref<1x128x128xf32, #tpu.memory_space<hbm>>
      %dma_start3A_352 = tpu.memref_squeeze %dma_start3A_351 : memref<1x128x128xf32, #tpu.memory_space<hbm>> -> memref<128x128xf32, #tpu.memory_space<hbm>>
      %dma_start3A_353 = arith.constant 0 : i32
      %dma_start3A_354 = tpu.memref_slice %arg11[%add3A_345, %dma_start3A_353] : memref<10240x128xf32, #tpu.memory_space<vmem_shared>> -> memref<128x128xf32, #tpu.memory_space<vmem_shared>>
      tpu.enqueue_dma source(%dma_start3A_354 : memref<128x128xf32, #tpu.memory_space<vmem_shared>>) target(%dma_start3A_352 : memref<128x128xf32, #tpu.memory_space<hbm>>) target_semaphore(%run_scoped3A : memref<!tpu.dma_semaphore, #tpu.memory_space<semaphore_mem>>)
      %dma_wait3A_355 = arith.constant 0 : i32
      %dma_wait3A_356 = tpu.memref_slice %arg5[%arg0, %add3A_345, %dma_wait3A_355] : memref<2x10240x128xf32, #tpu.memory_space<hbm>> -> memref<1x128x128xf32, #tpu.memory_space<hbm>>
      %dma_wait3A_357 = tpu.memref_squeeze %dma_wait3A_356 : memref<1x128x128xf32, #tpu.memory_space<hbm>> -> memref<128x128xf32, #tpu.memory_space<hbm>>
      %dma_wait3A_358 = arith.constant 0 : i32
      %dma_wait3A_359 = tpu.memref_slice %arg11[%add3A_345, %dma_wait3A_358] : memref<10240x128xf32, #tpu.memory_space<vmem_shared>> -> memref<128x128xf32, #tpu.memory_space<vmem_shared>>
      tpu.wait_dma2 semaphore(%run_scoped3A : memref<!tpu.dma_semaphore, #tpu.memory_space<semaphore_mem>>) src(%dma_wait3A_359 : memref<128x128xf32, #tpu.memory_space<vmem_shared>>) dst(%dma_wait3A_357 : memref<128x128xf32, #tpu.memory_space<hbm>>)
      tpu.yield
    }) : () -> ()
    %mul3A_346 = arith.constant 640 : i32
    %mul3A_347 = arith.muli %arg1, %mul3A_346 : i32
    %add3A_348 = arith.constant 512 : i32
    %add3A_349 = arith.addi %mul3A_347, %add3A_348 : i32
    "tpu.region"() ({
      %run_scoped3A = tpu.sem_alloc : memref<!tpu.dma_semaphore, #tpu.memory_space<semaphore_mem>>
      %dma_start3A_350 = arith.constant 0 : i32
      %dma_start3A_351 = tpu.memref_slice %arg5[%arg0, %add3A_349, %dma_start3A_350] : memref<2x10240x128xf32, #tpu.memory_space<hbm>> -> memref<1x128x128xf32, #tpu.memory_space<hbm>>
      %dma_start3A_352 = tpu.memref_squeeze %dma_start3A_351 : memref<1x128x128xf32, #tpu.memory_space<hbm>> -> memref<128x128xf32, #tpu.memory_space<hbm>>
      %dma_start3A_353 = arith.constant 0 : i32
      %dma_start3A_354 = tpu.memref_slice %arg11[%add3A_349, %dma_start3A_353] : memref<10240x128xf32, #tpu.memory_space<vmem_shared>> -> memref<128x128xf32, #tpu.memory_space<vmem_shared>>
      tpu.enqueue_dma source(%dma_start3A_354 : memref<128x128xf32, #tpu.memory_space<vmem_shared>>) target(%dma_start3A_352 : memref<128x128xf32, #tpu.memory_space<hbm>>) target_semaphore(%run_scoped3A : memref<!tpu.dma_semaphore, #tpu.memory_space<semaphore_mem>>)
      %dma_wait3A_355 = arith.constant 0 : i32
      %dma_wait3A_356 = tpu.memref_slice %arg5[%arg0, %add3A_349, %dma_wait3A_355] : memref<2x10240x128xf32, #tpu.memory_space<hbm>> -> memref<1x128x128xf32, #tpu.memory_space<hbm>>
      %dma_wait3A_357 = tpu.memref_squeeze %dma_wait3A_356 : memref<1x128x128xf32, #tpu.memory_space<hbm>> -> memref<128x128xf32, #tpu.memory_space<hbm>>
      %dma_wait3A_358 = arith.constant 0 : i32
      %dma_wait3A_359 = tpu.memref_slice %arg11[%add3A_349, %dma_wait3A_358] : memref<10240x128xf32, #tpu.memory_space<vmem_shared>> -> memref<128x128xf32, #tpu.memory_space<vmem_shared>>
      tpu.wait_dma2 semaphore(%run_scoped3A : memref<!tpu.dma_semaphore, #tpu.memory_space<semaphore_mem>>) src(%dma_wait3A_359 : memref<128x128xf32, #tpu.memory_space<vmem_shared>>) dst(%dma_wait3A_357 : memref<128x128xf32, #tpu.memory_space<hbm>>)
      tpu.yield
    }) : () -> ()
    return
  }
}

module attributes {stable_mosaic.version = 14 : i64} {
  func.func @_epi_body(%arg0: memref<2x10240x128xf32, #tpu.memory_space<vmem>>, %arg1: memref<10240x1xf32, #tpu.memory_space<vmem>>, %arg2: memref<10240x1xf32, #tpu.memory_space<vmem>>, %arg3: memref<1x128xf32, #tpu.memory_space<vmem>>, %arg4: memref<1x128xf32, #tpu.memory_space<vmem>>, %arg5: memref<1x128xf32, #tpu.memory_space<vmem>>, %arg6: memref<10000x128xf32, #tpu.memory_space<vmem>>) attributes {dimension_semantics = [], scalar_prefetch = 0 : i64, scratch_operands = 0 : i64, tpu.core_type = #tpu.core_type<tc>} {
    %get3A = arith.constant 0 : index
    %get3A_0 = arith.constant 0 : index
    %get3A_1 = arith.constant 0 : index
    %get3A_2 = vector.load %arg0[%get3A, %get3A_0, %get3A_1] : memref<2x10240x128xf32, #tpu.memory_space<vmem>>, vector<1x10000x128xf32>
    %get3A_3 = vector.shape_cast %get3A_2 : vector<1x10000x128xf32> to vector<10000x128xf32>
    %get3A_4 = arith.constant 1 : index
    %get3A_5 = arith.constant 0 : index
    %get3A_6 = arith.constant 0 : index
    %get3A_7 = vector.load %arg0[%get3A_4, %get3A_5, %get3A_6] : memref<2x10240x128xf32, #tpu.memory_space<vmem>>, vector<1x10000x128xf32>
    %get3A_8 = vector.shape_cast %get3A_7 : vector<1x10000x128xf32> to vector<10000x128xf32>
    %add3A = arith.addf %get3A_3, %get3A_8 : vector<10000x128xf32>
    %get3A_9 = arith.constant 0 : index
    %get3A_10 = arith.constant 0 : index
    %get3A_11 = vector.load %arg1[%get3A_9, %get3A_10] : memref<10240x1xf32, #tpu.memory_space<vmem>>, vector<10000x1xf32>
    %mul3A = vector.broadcast %get3A_11 : vector<10000x1xf32> to vector<10000x128xf32>
    %mul3A_12 = arith.mulf %add3A, %mul3A : vector<10000x128xf32>
    %get3A_13 = arith.constant 0 : index
    %get3A_14 = arith.constant 0 : index
    %get3A_15 = vector.load %arg2[%get3A_13, %get3A_14] : memref<10240x1xf32, #tpu.memory_space<vmem>>, vector<10000x1xf32>
    %get3A_16 = arith.constant 0 : index
    %get3A_17 = arith.constant 0 : index
    %get3A_18 = vector.load %arg3[%get3A_16, %get3A_17] : memref<1x128xf32, #tpu.memory_space<vmem>>, vector<1x128xf32>
    %mul3A_19 = vector.broadcast %get3A_15 : vector<10000x1xf32> to vector<10000x128xf32>
    %mul3A_20 = vector.broadcast %get3A_18 : vector<1x128xf32> to vector<10000x128xf32>
    %mul3A_21 = arith.mulf %mul3A_19, %mul3A_20 : vector<10000x128xf32>
    %add3A_22 = arith.addf %mul3A_12, %mul3A_21 : vector<10000x128xf32>
    %reduce_sum3A = arith.constant dense<0.000000e+00> : vector<128xf32>
    %reduce_sum3A_23 = vector.multi_reduction <add>, %add3A_22, %reduce_sum3A [0] : vector<10000x128xf32> to vector<128xf32>
    %broadcast_in_dim3A = vector.shape_cast %reduce_sum3A_23 : vector<128xf32> to vector<1x128xf32>
    %div3A = arith.constant 1.000000e+04 : f32
    %div3A_24 = vector.broadcast %div3A : f32 to vector<1x128xf32>
    %div3A_25 = arith.divf %broadcast_in_dim3A, %div3A_24 : vector<1x128xf32>
    %sub3A = vector.broadcast %div3A_25 : vector<1x128xf32> to vector<10000x128xf32>
    %sub3A_26 = arith.subf %add3A_22, %sub3A : vector<10000x128xf32>
    %sub3A_27 = vector.broadcast %div3A_25 : vector<1x128xf32> to vector<10000x128xf32>
    %sub3A_28 = arith.subf %add3A_22, %sub3A_27 : vector<10000x128xf32>
    %mul3A_29 = arith.mulf %sub3A_26, %sub3A_28 : vector<10000x128xf32>
    %reduce_sum3A_30 = arith.constant dense<0.000000e+00> : vector<128xf32>
    %reduce_sum3A_31 = vector.multi_reduction <add>, %mul3A_29, %reduce_sum3A_30 [0] : vector<10000x128xf32> to vector<128xf32>
    %broadcast_in_dim3A_32 = vector.shape_cast %reduce_sum3A_31 : vector<128xf32> to vector<1x128xf32>
    %div3A_33 = arith.constant 1.000000e+04 : f32
    %div3A_34 = vector.broadcast %div3A_33 : f32 to vector<1x128xf32>
    %div3A_35 = arith.divf %broadcast_in_dim3A_32, %div3A_34 : vector<1x128xf32>
    %sub3A_36 = vector.broadcast %div3A_25 : vector<1x128xf32> to vector<10000x128xf32>
    %sub3A_37 = arith.subf %add3A_22, %sub3A_36 : vector<10000x128xf32>
    %add3A_38 = arith.constant 9.99999974E-6 : f32
    %add3A_39 = vector.broadcast %add3A_38 : f32 to vector<1x128xf32>
    %add3A_40 = arith.addf %div3A_35, %add3A_39 : vector<1x128xf32>
    %sqrt3A = math.sqrt %add3A_40 : vector<1x128xf32>
    %div3A_41 = vector.broadcast %sqrt3A : vector<1x128xf32> to vector<10000x128xf32>
    %div3A_42 = arith.divf %sub3A_37, %div3A_41 : vector<10000x128xf32>
    %get3A_43 = arith.constant 0 : index
    %get3A_44 = arith.constant 0 : index
    %get3A_45 = vector.load %arg4[%get3A_43, %get3A_44] : memref<1x128xf32, #tpu.memory_space<vmem>>, vector<1x128xf32>
    %mul3A_46 = vector.broadcast %get3A_45 : vector<1x128xf32> to vector<10000x128xf32>
    %mul3A_47 = arith.mulf %div3A_42, %mul3A_46 : vector<10000x128xf32>
    %get3A_48 = arith.constant 0 : index
    %get3A_49 = arith.constant 0 : index
    %get3A_50 = vector.load %arg5[%get3A_48, %get3A_49] : memref<1x128xf32, #tpu.memory_space<vmem>>, vector<1x128xf32>
    %add3A_51 = vector.broadcast %get3A_50 : vector<1x128xf32> to vector<10000x128xf32>
    %add3A_52 = arith.addf %mul3A_47, %add3A_51 : vector<10000x128xf32>
    %div3A_53 = arith.constant 2.000000e+00 : f32
    %div3A_54 = vector.broadcast %div3A_53 : f32 to vector<10000x128xf32>
    %div3A_55 = arith.divf %add3A_52, %div3A_54 : vector<10000x128xf32>
    %ge3A = arith.constant 1.000000e+00 : f32
    %ge3A_56 = vector.broadcast %ge3A : f32 to vector<10000x128xf32>
    %ge3A_57 = arith.cmpf oge, %div3A_55, %ge3A_56 : vector<10000x128xf32>
    %convert_element_type3A = arith.extui %ge3A_57 : vector<10000x128xi1> to vector<10000x128xi32>
    %convert_element_type3A_58 = arith.sitofp %convert_element_type3A : vector<10000x128xi32> to vector<10000x128xf32>
    %swap3A = arith.constant 0 : index
    %swap3A_59 = arith.constant 0 : index
    %swap3A_60 = vector.load %arg6[%swap3A, %swap3A_59] : memref<10000x128xf32, #tpu.memory_space<vmem>>, vector<10000x128xf32>
    tpu.vector_store %arg6[%swap3A, %swap3A_59], %convert_element_type3A_58 {strides = array<i32>} : memref<10000x128xf32, #tpu.memory_space<vmem>>, vector<10000x128xf32>,
    return
  }
}

module attributes {stable_mosaic.version = 14 : i64} {
  func.func @_proj_body(%arg0: memref<10000x128xf32, #tpu.memory_space<vmem>>, %arg1: memref<128x128xf32, #tpu.memory_space<vmem>>, %arg2: memref<10240x2xf32, #tpu.memory_space<vmem>>, %arg3: memref<10000x128xf32, #tpu.memory_space<vmem>>, %arg4: memref<10240x1xf32, #tpu.memory_space<vmem>>, %arg5: memref<10240x1xf32, #tpu.memory_space<vmem>>) attributes {dimension_semantics = [], scalar_prefetch = 0 : i64, scratch_operands = 0 : i64, tpu.core_type = #tpu.core_type<tc>} {
    %get3A = arith.constant 0 : index
    %get3A_0 = arith.constant 0 : index
    %get3A_1 = vector.load %arg2[%get3A, %get3A_0] : memref<10240x2xf32, #tpu.memory_space<vmem>>, vector<10240x1xf32>
    %get3A_2 = arith.constant 0 : index
    %get3A_3 = arith.constant 1 : index
    %get3A_4 = vector.load %arg2[%get3A_2, %get3A_3] : memref<10240x2xf32, #tpu.memory_space<vmem>>, vector<10240x1xf32>
    %add3A = arith.addf %get3A_1, %get3A_4 : vector<10240x1xf32>
    %gt3A = arith.constant 0.000000e+00 : f32
    %gt3A_5 = vector.broadcast %gt3A : f32 to vector<10240x1xf32>
    %gt3A_6 = arith.cmpf ogt, %add3A, %gt3A_5 : vector<10240x1xf32>
    %max3A = arith.constant 9.99999996E-13 : f32
    %max3A_7 = vector.broadcast %max3A : f32 to vector<10240x1xf32>
    %max3A_8 = arith.maximumf %add3A, %max3A_7 : vector<10240x1xf32>
    %sqrt3A = math.sqrt %max3A_8 : vector<10240x1xf32>
    %div3A = arith.constant 1.000000e+00 : f32
    %div3A_9 = vector.broadcast %div3A : f32 to vector<10240x1xf32>
    %div3A_10 = arith.divf %div3A_9, %sqrt3A : vector<10240x1xf32>
    %jit3A = arith.constant 0.000000e+00 : f32
    %broadcast_in_dim3A = vector.broadcast %jit3A : f32 to vector<10240x1xf32>
    %select_n3A = arith.select %gt3A_6, %div3A_10, %broadcast_in_dim3A : vector<10240x1xi1>, vector<10240x1xf32>
    %max3A_11 = arith.constant 1.000000e+00 : f32
    %max3A_12 = vector.broadcast %max3A_11 : f32 to vector<10240x1xf32>
    %max3A_13 = arith.maximumf %add3A, %max3A_12 : vector<10240x1xf32>
    %div3A_14 = arith.divf %select_n3A, %max3A_13 : vector<10240x1xf32>
    %swap3A = arith.constant 0 : index
    %swap3A_15 = arith.constant 0 : index
    %swap3A_16 = vector.load %arg4[%swap3A, %swap3A_15] : memref<10240x1xf32, #tpu.memory_space<vmem>>, vector<10240x1xf32>
    tpu.vector_store %arg4[%swap3A, %swap3A_15], %div3A_14 {strides = array<i32>} : memref<10240x1xf32, #tpu.memory_space<vmem>>, vector<10240x1xf32>,
    %gt3A_17 = arith.constant 0.000000e+00 : f32
    %gt3A_18 = vector.broadcast %gt3A_17 : f32 to vector<10240x1xf32>
    %gt3A_19 = arith.cmpf ogt, %add3A, %gt3A_18 : vector<10240x1xf32>
    %convert_element_type3A = arith.extui %gt3A_19 : vector<10240x1xi1> to vector<10240x1xi32>
    %convert_element_type3A_20 = arith.sitofp %convert_element_type3A : vector<10240x1xi32> to vector<10240x1xf32>
    %swap3A_21 = arith.constant 0 : index
    %swap3A_22 = arith.constant 0 : index
    %swap3A_23 = vector.load %arg5[%swap3A_21, %swap3A_22] : memref<10240x1xf32, #tpu.memory_space<vmem>>, vector<10240x1xf32>
    tpu.vector_store %arg5[%swap3A_21, %swap3A_22], %convert_element_type3A_20 {strides = array<i32>} : memref<10240x1xf32, #tpu.memory_space<vmem>>, vector<10240x1xf32>,
    %get3A_24 = arith.constant 0 : index
    %get3A_25 = arith.constant 0 : index
    %get3A_26 = vector.load %arg0[%get3A_24, %get3A_25] : memref<10000x128xf32, #tpu.memory_space<vmem>>, vector<10000x128xf32>
    %get3A_27 = arith.constant 0 : index
    %get3A_28 = arith.constant 0 : index
    %get3A_29 = vector.load %arg1[%get3A_27, %get3A_28] : memref<128x128xf32, #tpu.memory_space<vmem>>, vector<128x128xf32>
    %dot_general3A = arith.constant dense<0.000000e+00> : vector<10000x128xf32>
    %dot_general3A_30 = tpu.matmul %get3A_26, %get3A_29, %dot_general3A {dimension_numbers = #tpu.dot_dimension_numbers<[1], [1], [0], [0], [0, 0, 1, 0], [], []>, transpose_lhs_hint = false} : vector<10000x128xf32>, vector<128x128xf32>, vector<10000x128xf32> -> vector<10000x128xf32>
    %slice3A = vector.extract_strided_slice %select_n3A {offsets = [0, 0], sizes = [10000, 1], strides = [1, 1]} : vector<10240x1xf32> to vector<10000x1xf32>
    %mul3A = vector.broadcast %slice3A : vector<10000x1xf32> to vector<10000x128xf32>
    %mul3A_31 = arith.mulf %dot_general3A_30, %mul3A : vector<10000x128xf32>
    %swap3A_32 = arith.constant 0 : index
    %swap3A_33 = arith.constant 0 : index
    %swap3A_34 = vector.load %arg3[%swap3A_32, %swap3A_33] : memref<10000x128xf32, #tpu.memory_space<vmem>>, vector<10000x128xf32>
    tpu.vector_store %arg3[%swap3A_32, %swap3A_33], %mul3A_31 {strides = array<i32>} : memref<10000x128xf32, #tpu.memory_space<vmem>>, vector<10000x128xf32>,
    return
  }
}

</mosaic_0001>

<sc_bundles>
// kernel: kernel.6.cloned.1.call-start
scs
__scs_entry_jumppad:
0x0: {  	(pc) =	sbr.rel $0x88, $3  }
0x1: {  	(tag) =	ssettag $0x0;
	lr =	simm.s32 $0x1  }
0x2: {  	[smem:$0x3F9B] =	sst lr;
	_ =	strace $0xD0000000  }
0x3: {  	_ = 	snop  }
0x4: {  	_ = 	snop  }
0x5: {  	_ = 	snop  }
0x6: {  	_ = 	snop  }
0x7: {  	_ = 	snop  }
__scs_overlays_trampoline_lowered:
0x8: {  	[smem:$0x3FAA] =	sst s0  }
0x9: {  	[smem:$0x3FAB] =	sst s1  }
0xa: {  	[smem:$0x3FAC] =	sst s2  }
0xb: {  	[smem:$0x3FAD] =	sst s3  }
0xc: {  	[smem:$0x3FAE] =	sst s4  }
0xd: {  	[smem:$0x3FAF] =	sst s5  }
0xe: {  	[smem:$0x3FB0] =	sst s6  }
0xf: {  	[smem:$0x3FB1] =	sst s7  }
0x10: {  	[smem:$0x3FB2] =	sst s8  }
0x11: {  	[smem:$0x3FB3] =	sst s9;
	s0 =	simm.s32 @!p0 $0x0  }
0x12: {  	s1 =	sld [smem:$0x3F99];
	s0 =	simm.s32 @p0 $0x1  }
0x13: {  	[smem:$0x3FB4] =	sst s0;
	s0 =	simm.s32 @!p1 $0x0  }
0x14: {  	s2 =	sld [smem:$0x3F98];
	s0 =	simm.s32 @p1 $0x1  }
0x15: {  	[smem:$0x3FB5] =	sst s0;
	s0 =	simm.s32 @!p2 $0x0  }
0x16: {  	s3 =	sld [smem:$0x3FDB];
	s0 =	simm.s32 @p2 $0x1  }
0x17: {  	s4 =	simm.s32 $0x1BF5;
	[smem:$0x3FB7] =	sst s0  }
0x18: {  	s0 =	sld [smem:$0x3F9A];
	_ =	swait.ge [sflag:s4], $0x0  }
0x19: {  	s7 =	sld [smem:$0x3F9B]  }
0x1a: {  	s8 =	sadd.s32 $0xFFFFE003, lr  }
0x1b: {  	s9 =	sadd.s32 $0xFFFFFEF7, lr;
	s5 =	simm.s32 $0xFFFFFFFF;
	p2 =	slt.u32 s8, $0xFFFFF086  }
0x1c: {  	p1 =	slt.u32 s9, $0xF7A;
	s5 =	simm.s32 @!p2 $0x0  }
0x1d: {  	s5 =	simm.s32 @p1 $0x1;
	p0 =	seq.s32 s7, s2  }
0x1e: {  	s7 =	smul.u32 @!p0 $0xF7A, s2;
	p2 =	seq.s32 @!p0 s5, $0x0  }
0x1f: {  	s9 =	smul.u32 $0xF7A, s1;
	s8 =	simm.s32 @!p0 $0x1BF5;
	p2 =	por !p2, p0  }
0x20: {  	[sflag:s8] =	ssyncset.s32 @!p0 $0xFFFFF086;
	s6 =	sadd.s32 @!p0 s3, s7;
	s7 =	simm.s32 @!p0 $0x108  }
0x21: {  	s3 =	sadd.s32 s3, s9;
	s6 =	sadd.s32 @!p0 $0x88, s6;
	s7 =	simm.s32 @p2 $0x1082  }
0x22: {  	[simem:s7], [sflag:s8] =	dma.local @!p0 [hbm:s6], $0xF7A  }
0x23: {  	s9 =	sor.u32 $0xD0000000, s2;
	s6 =	simm.s32 $0x108;
	_ =	swait.ge @!p0 [sflag:s8], $0x0  }
0x24: {  	s3 =	sadd.s32 $0x88, s3;
	s6 =	simm.s32 @!p1 $0x1082;
	[sflag:s4] =	ssyncset.s32 $0xFFFFF086  }
0x25: {  	[simem:s6], [sflag:s4] =	dma.local [hbm:s3], $0xF7A  }
0x26: {  	[smem:$0x3F9B] =	sst s1;
	(tag) =	ssettag s2;
	_ =	strace s9  }
0x27: {  	s1 =	sld [smem:$0x3FAB]  }
0x28: {  	s2 =	sld [smem:$0x3FAC]  }
0x29: {  	s4 =	sld [smem:$0x3FAE]  }
0x2a: {  	p0 =	seq.s32 s5, $0x0;
	s5 =	sld [smem:$0x3FAF]  }
0x2b: {  	s6 =	sld [smem:$0x3FB0]  }
0x2c: {  	s7 =	sld [smem:$0x3FB1]  }
0x2d: {  	s3 =	simm.s32 $0x108;
	s8 =	sld [smem:$0x3FB2]  }
0x2e: {  	s3 =	simm.s32 @!p0 $0x1082;
	s9 =	sld [smem:$0x3FB3]  }
0x2f: {  	lr =	sadd.s32 s0, s3;
	s0 =	sld [smem:$0x3FAA]  }
0x30: {  	s3 =	sld [smem:$0x3FAD]  }
0x31: {  	[smem:$0x3FB6] =	sst s10  }
0x32: {  	s10 =	sld [smem:$0x3FB4];
	_ =	sdelay $0x3  }
0x33: {  	p0 =	seq.s32 s10, $0x1;
	s10 =	sld [smem:$0x3FB6];
	_ =	sdelay $0x3  }
0x34: {  	[smem:$0x3FB6] =	sst s10  }
0x35: {  	s10 =	sld [smem:$0x3FB5];
	_ =	sdelay $0x3  }
0x36: {  	p1 =	seq.s32 s10, $0x1;
	s10 =	sld [smem:$0x3FB6];
	_ =	sdelay $0x3  }
0x37: {  	[smem:$0x3FB6] =	sst s10  }
0x38: {  	s10 =	sld [smem:$0x3FB7]  }
0x39: {  	_ = 	snop;
	(pc) =	sbr.ind lr, $3  }
0x3a: {  	_ = 	snop  }
0x3b: {  	_ = 	snop  }
0x3c: {  	p2 =	seq.s32 s10, $0x1;
	s10 =	sld [smem:$0x3FB6]  }
0x3d: {  	_ =	shalt  }
0x3e: {  	_ =	shalt  }
0x3f: {  	_ =	shalt  }
0x40: {  	_ =	shalt  }
0x41: {  	_ =	shalt  }
0x42: {  	_ =	shalt  }
0x43: {  	_ =	shalt  }
0x44: {  	_ =	shalt  }
0x45: {  	_ =	shalt  }
0x46: {  	_ =	shalt  }
0x47: {  	_ =	shalt  }
0x48: {  	_ =	shalt  }
0x49: {  	_ =	shalt  }
0x4a: {  	_ =	shalt  }
0x4b: {  	_ =	shalt  }
0x4c: {  	_ =	shalt  }
0x4d: {  	_ =	shalt  }
0x4e: {  	_ =	shalt  }
0x4f: {  	_ =	shalt  }
0x50: {  	_ =	shalt  }
0x51: {  	_ =	shalt  }
0x52: {  	_ =	shalt  }
0x53: {  	_ =	shalt  }
0x54: {  	_ =	shalt  }
0x55: {  	_ =	shalt  }
0x56: {  	_ =	shalt  }
0x57: {  	_ =	shalt  }
0x58: {  	_ =	shalt  }
0x59: {  	_ =	shalt  }
0x5a: {  	_ =	shalt  }
0x5b: {  	_ =	shalt  }
0x5c: {  	_ =	shalt  }
0x5d: {  	_ =	shalt  }
0x5e: {  	_ =	shalt  }
0x5f: {  	_ =	shalt  }
0x60: {  	_ =	shalt  }
0x61: {  	_ =	shalt  }
0x62: {  	_ =	shalt  }
0x63: {  	_ =	shalt  }
0x64: {  	_ =	shalt  }
0x65: {  	_ =	shalt  }
0x66: {  	_ =	shalt  }
0x67: {  	_ =	shalt  }
0x68: {  	_ =	shalt  }
0x69: {  	_ =	shalt  }
0x6a: {  	_ =	shalt  }
0x6b: {  	_ =	shalt  }
0x6c: {  	_ =	shalt  }
0x6d: {  	_ =	shalt  }
0x6e: {  	_ =	shalt  }
0x6f: {  	_ =	shalt  }
0x70: {  	_ =	shalt  }
0x71: {  	_ =	shalt  }
0x72: {  	_ =	shalt  }
0x73: {  	_ =	shalt  }
0x74: {  	_ =	shalt  }
0x75: {  	_ =	shalt  }
0x76: {  	_ =	shalt  }
0x77: {  	_ =	shalt  }
0x78: {  	_ =	shalt  }
0x79: {  	_ =	shalt  }
0x7a: {  	_ =	shalt  }
0x7b: {  	_ =	shalt  }
0x7c: {  	_ =	shalt  }
0x7d: {  	_ =	shalt  }
0x7e: {  	_ =	shalt  }
0x7f: {  	_ =	shalt  }
0x80: {  	_ =	shalt  }
0x81: {  	_ =	shalt  }
0x82: {  	_ =	shalt  }
0x83: {  	_ =	shalt  }
0x84: {  	_ =	shalt  }
0x85: {  	_ =	shalt  }
0x86: {  	_ =	shalt  }
0x87: {  	_ =	shalt  }
.Lfunc_end0:
.L_simem_size_0:
called_computation_lowered:
.L_overlay_start_0:
0x88: {  	s2 =	sld [smem:$0x3FD9]  }
0x89: {  	s3 =	sld [smem:$0x3FFE];
	_ =	sdelay $0x1  }
0x8a: {  	s1 =	srdreg.scid  }
0x8b: {  	s0 =	sand.u32 $0x1, s1  }
0x8c: {  	s17 =	sshll.u32 s0, $0xA;
	s2 =	sadd.s32 s3, s2  }
0x8d: {  	s2 =	sadd.s32 s2, s17  }
0x8e: {  	[smem:$0x3FC2] =	sst s2  }
0x8f: {  	_ = 	snop  }
0x90: {  	s2 =	sld [smem:$0x3FC8]  }
0x91: {  	s18 =	sld [smem:$0x3FD0];
	(tm) =	ssettm $0x1  }
0x92: {  	s4 =	sld [smem:$0x3FFB];
	_ =	sdelay $0x3  }
0x93: {  	_ =	strace s4  }
0x94: {  	s4 =	sld [smem:$0x3FFC];
	_ =	sdelay $0x3  }
0x95: {  	_ =	strace s4  }
0x96: {  	s4 =	sld [smem:$0x3FFD];
	_ =	sdelay $0x3  }
0x97: {  	_ =	strace s4  }
0x98: {  	_ =	strace $0x8FFFFFFF  }
0x99: {  	s19 =	sld [smem:$0x3FDB];
	_ =	sdelay $0x1  }
0x9a: {  	s5 =	simm.s32 $_scs_section_size  }
0x9b: {  	s6 =	simm.s32 $_size__tile_overlayer_lowered;
	s7 =	simm.s32 $_tile_overlayer_lowered  }
0x9c: {  	s22 =	simm.s32 $0x1BFF;
	s21 =	sshll.u32 s7, $0x1;
	s4 =	sadd.s32 s5, s19  }
0x9d: {  	s8 =	simm.s32 $0x0;
	s20 =	sshll.u32 s6, $0x1;
	s6 =	sadd.s32 s21, s4  }
0x9e: {  	[timem:s8], [sflag:s22] =	dma.local [hbm:s6], s20  }
0x9f: {  	_ =	swait.ge [sflag:s22], s20  }
0xa0: {  	s5 =	ssub.s32 $0x0, s20;
	[sflag:s22] =	ssyncset.done $0x0  }
0xa1: {  	[sflag:s22] =	ssyncadd.s32 s5;
	_ =	sdelay $0x1  }
0xa2: {  	s23 =	simm.s32 $0x1B8B  }
0xa3: {  	_ =	swait.ge [sflag:s23], $0x1  }
0xa4: {  	[sflag:s23] =	ssyncset.done $0x0  }
0xa5: {  	s25 =	simm.s32 $0x1B8E;
	s24 =	sld [smem:$0x3FFE];
	[sflag:s23] =	ssyncadd.s32 $0xFFFFFFFF  }
0xa6: {  	s26 =	simm.s32 $execute0_lowered;
	[smem:$0x3FD2] =	sst s25  }
0xa7: {  	s6 =	sshll.u32 s26, $0x1;
	_ =	strace $0x80000046;
	[dreg:$0x1] =	wrdreg $0xFFFFFFFF  }
0xa8: {  	s28 =	simm.s32 $_size_execute0_lowered;
	s4 =	sadd.s32 s4, s6;
	[dreg:$0x0] =	wrdreg $0x0  }
0xa9: {  	s6 =	sshll.u32 s28, $0x1;
	[dreg:$0x2] =	wrdreg s4  }
0xaa: {  	[dreg:$0x3] =	wrdreg s6  }
0xab: {  	[dreg:$0x4] =	wrdreg $0xC0  }
0xac: {  	_ =	task [dreg:s8], $0x5FFFF  }
0xad: {  	[dreg:$0x1] =	wrdreg $0xFFFFFFFF  }
0xae: {  	[dreg:$0x0] =	wrdreg $0x60  }
0xaf: {  	[dreg:$0x2] =	wrdreg s2  }
0xb0: {  	[dreg:$0x3] =	wrdreg s24  }
0xb1: {  	[dreg:$0x4] =	wrdreg s18  }
0xb2: {  	[dreg:$0x5] =	wrdreg $0x5000  }
0xb3: {  	[dreg:$0x6] =	wrdreg $0x9  }
0xb4: {  	_ =	task.clear_ibuf [dreg:s8], $0x7FFFF;
	_ =	strace $0x90000046  }
0xb5: {  	s29 =	simm.s32 $0x9;
	_ =	strace $0x80000048  }
0xb6: {  	_ =	swait.ge [sflag:s29], $0x1  }
0xb7: {  	[sflag:s29] =	ssyncadd.s32 $0xFFFFFFFF  }
0xb8: {  	_ =	strace $0x90000048  }
0xb9: {  	_ =	sfence  }
0xba: {  	s30 =	sld [smem:$0x0];
	_ =	sdelay $0x2  }
0xbb: {  	s31 =	sshll.u32 s1, $0xD;
	s1 =	sshrl.u32 s1, $0x2  }
0xbc: {  	s3 =	sand.u32 $0x4000, s31;
	s1 =	sadd.s32 s1, s30  }
0xbd: {  	s0 =	sor.u32 s3, s0;
	s1 =	sshll.u32 s1, $0x11  }
0xbe: {  	s0 =	sor.u32 s1, s0  }
0xbf: {  	s0 =	sadd.s32 $0x8F2B, s0  }
0xc0: {  	[sflag:s0] =	ssyncadd.remote.s32 $0x1  }
0xc1: {  	_ =	sfence.sel $0xFFFF  }
0xc2: {  	[dreg:$0x0] =	wrdreg $0xFFFFFFFF;
	(pc) =	sbr.abs _section_cstart, $3  }
0xc3: {  	[dreg:$0x1] =	wrdreg $0xFFFFFFFF  }
0xc4: {  	_ =	task.clear_ibuf [dreg:s8], $0x2FFFF;
	_ =	strace $0x9FFFFFFF  }
0xc5: {  	(tm) =	ssettm $0x7FFFFFFF  }
tec
execute0_lowered:
.L_overlay_start_1:
0x0: {  	(tag) =	ssettag $0x1  }
0x1: {  	s0 =	rddreg [dreg:$0x0]  }
0x2: {  	s1 =	rddreg [dreg:$0x1]  }
0x3: {  	s10 =	rddreg [dreg:$0x2]  }
0x4: {  	s2 =	rddreg [dreg:$0x3];
	s3 =	simm.s32 $0x0;
	s4 =	srdreg.scid  }
0x5: {  	s17 =	stileid.u32;
	s19 =	simm.s32 $0x80;
	s20 =	simm.s32 $0x1  }
0x6: {  	s28 =	simm.s32 $0x4;
	s29 =	simm.s32 $0x6;
	s30 =	simm.s32 $0x7  }
0x7: {  	s31 =	simm.s32 $0x8;
	[smem:$0x7FF] =	sst s3;
	s15 =	sand.u32 $0x1, s4  }
0x8: {  	s21 =	smul.u32 $0xA00, s17;
	s7 =	sshll.u32 s17, $0x1;
	s16 =	sadd.s32 $0x10, s0  }
0x9: {  	s8 =	smul.u32 $0x500, s17;
	_ =	strace $0x80000047;
	s5 =	ssub.s32 $0x2, s15  }
0xa: {  	s14 =	sor.u32 s15, s7;
	s12 =	sshll.u32 s15, $0x7;
	s7 =	sadd.s32 $0x1E10, s1  }
0xb: {  	s18 =	sshll.u32 s15, $0x5;
	s6 =	sshrl.u32 s5, $0x1;
	s4 =	sshrl.u32 s21, $0x2  }
0xc: {  	s22 =	sshll.u32 s14, $0x5;
	s23 =	sor.u32 s12, s8;
	s25 =	sor.u32 $0x9C0, s14  }
0xd: {  	s14 =	sshll.u32 s17, $0x6;
	s21 =	simm.s32 $0x200;
	s17 =	simm.s32 $0x0  }
0xe: {  	s8 =	simm.s32 $0x10;
	s11 =	ssub.s32 s5, s6;
	s4 =	sadd.s32 s4, s2  }
0xf: {  	s5 =	sadd.s32 s22, s16;
	s9 =	sadd.s32 s22, s0;
	s1 =	sshrl.u32 s23, $0x3  }
0x10: {  	s26 =	sshll.u32 s25, $0x5;
	s0 =	sadd.s32 s14, s0;
	s22 =	simm.s32 $0x100  }
0x11: {  	s23 =	simm.s32 $0x2;
	p0 =	sgt.u32 s25, $0x9C3;
	s25 =	simm.s32 $0x3  }
0x12: {  	s6 =	sadd.s32 $0x410, s9;
	s24 =	sadd.s32 $0x810, s9;
	s9 =	sadd.s32 $0xC10, s9  }
0x13: {  	s10 =	sadd.s32 s10, s1;
	s11 =	smax.u32 s11, $0x1;
	s12 =	sadd.s32 $0x13000, s5  }
0x14: {  	s13 =	sadd.s32 $0x13400, s5;
	s15 =	sadd.s32 s26, s16;
	s16 =	sadd.s32 s18, s0  }
0x15: {  	s18 =	simm.s32 $0x9;
	s26 =	simm.s32 $0x5;
	[dreg:$0x5] =	wrdreg s6  }
0x16: {  	v0 =	vimm.f32 $0.0e+00;
	v1 =	vimm.f32 $1.000000000e+00;
	[dreg:$0x6] =	wrdreg s24;
	s24 =	simm.s32 $0x180;
	s15 =	smov.u32 @p0 s7  }
.LBB2_1:
0x17: {  	[tilespmem:$0x280] =	vst v0  }
0x18: {  	[tilespmem:$0x290] =	vst v0  }
0x19: {  	[tilespmem:$0x2A0] =	vst v0  }
0x1a: {  	[tilespmem:$0x2B0] =	vst v0  }
0x1b: {  	[tilespmem:$0x2C0] =	vst v0  }
0x1c: {  	[tilespmem:$0x2D0] =	vst v0  }
0x1d: {  	[tilespmem:$0x2E0] =	vst v0  }
0x1e: {  	[tilespmem:$0x2F0] =	vst v0  }
0x1f: {  	[tilespmem:$0x300] =	vst v0  }
0x20: {  	[tilespmem:$0x310] =	vst v0  }
0x21: {  	[tilespmem:$0x320] =	vst v0  }
0x22: {  	[tilespmem:$0x330] =	vst v0  }
0x23: {  	[tilespmem:$0x340] =	vst v0  }
0x24: {  	[tilespmem:$0x350] =	vst v0  }
0x25: {  	[tilespmem:$0x360] =	vst v0  }
0x26: {  	[tilespmem:$0x370] =	vst v0  }
0x27: {  	[tilespmem:$0x380] =	vst v0  }
0x28: {  	[tilespmem:$0x390] =	vst v0  }
0x29: {  	[tilespmem:$0x3A0] =	vst v0  }
0x2a: {  	[tilespmem:$0x3B0] =	vst v0  }
0x2b: {  	[tilespmem:$0x3C0] =	vst v0  }
0x2c: {  	[tilespmem:$0x3D0] =	vst v0  }
0x2d: {  	[tilespmem:$0x3E0] =	vst v0  }
0x2e: {  	[tilespmem:$0x3F0] =	vst v0  }
0x2f: {  	[tilespmem:$0x400] =	vst v0  }
0x30: {  	[tilespmem:$0x410] =	vst v0  }
0x31: {  	[tilespmem:$0x420] =	vst v0  }
0x32: {  	[tilespmem:$0x430] =	vst v0  }
0x33: {  	[tilespmem:$0x440] =	vst v0  }
0x34: {  	[tilespmem:$0x450] =	vst v0  }
0x35: {  	[tilespmem:$0x460] =	vst v0  }
0x36: {  	[tilespmem:$0x470] =	vst v0  }
0x37: {  	[tilespmem:$0x480] =	vst v0  }
0x38: {  	[tilespmem:$0x490] =	vst v0  }
0x39: {  	[tilespmem:$0x4A0] =	vst v0  }
0x3a: {  	[tilespmem:$0x4B0] =	vst v0  }
0x3b: {  	[tilespmem:$0x4C0] =	vst v0  }
0x3c: {  	[tilespmem:$0x4D0] =	vst v0  }
0x3d: {  	[tilespmem:$0x4E0] =	vst v0  }
0x3e: {  	[tilespmem:$0x4F0] =	vst v0  }
0x3f: {  	[tilespmem:$0x200] =	vst v1  }
0x40: {  	[tilespmem:$0x210] =	vst v1  }
0x41: {  	[tilespmem:$0x220] =	vst v1  }
0x42: {  	[tilespmem:$0x230] =	vst v1  }
0x43: {  	[tilespmem:$0x240] =	vst v1  }
0x44: {  	[tilespmem:$0x250] =	vst v1  }
0x45: {  	[tilespmem:$0x260] =	vst v1  }
0x46: {  	[tilespmem:$0x270] =	vst v1;
	s0 =	simm.s32 $0x280  }
0x47: {  	[spmem:s4] =	stream.linear.scatter [tilespmem:s0], [sflag:$0x9], $0x280, $0x38;
	[tilespmem:$0x780] =	vst v63  }
0x48: {  	_ =	swait.ge [sflag:s18], $0x280  }
0x49: {  	[sflag:s18] =	ssyncset.done $0x0  }
0x4a: {  	[sflag:s18] =	ssyncadd.s32 $0xFFFFFD80  }
0x4b: {  	[bflag:$0x0] =	sbarrier.arrive $0xFFFF  }
0x4c: {  	[tilespmem:s3], [sflag:$0x1] =	stream.linear.gather [hbm4b:s5+s3], $0x80, $0x38;
	[tilespmem:$0x780] =	vst v63  }
0x4d: {  	s6 =	rddreg [dreg:$0x5]  }
0x4e: {  	[tilespmem:s19], [sflag:$0x2] =	stream.linear.gather [hbm4b:s6+s3], $0x80, $0x38;
	[tilespmem:$0x780] =	vst v63  }
0x4f: {  	_ =	swait.ge [sflag:s20], $0x80  }
0x50: {  	[sflag:s20] =	ssyncset.done $0x0  }
0x51: {  	[sflag:s20] =	ssyncadd.s32 $0xFFFFFF80  }
0x52: {  	[spmem:s2] =	stream.indirect.scatter.add.f32 [tilespmem:s21], [sflag:$0x5], $0x1, s3, s19, $0xb8;
	[tilespmem:$0x780] =	vst v63  }
0x53: {  	s1 =	rddreg [dreg:$0x6]  }
0x54: {  	[tilespmem:s22], [sflag:$0x3] =	stream.linear.gather [hbm4b:s1+s3], $0x80, $0x38;
	[tilespmem:$0x780] =	vst v63  }
0x55: {  	_ =	swait.ge [sflag:s23], $0x80  }
0x56: {  	[sflag:s23] =	ssyncset.done $0x0  }
0x57: {  	[sflag:s23] =	ssyncadd.s32 $0xFFFFFF80  }
0x58: {  	[spmem:s2] =	stream.indirect.scatter.add.f32 [tilespmem:s21], [sflag:$0x6], $0x1, s19, s19, $0xb8;
	[tilespmem:$0x780] =	vst v63  }
0x59: {  	_ = 	snop  }
0x5a: {  	[tilespmem:s24], [sflag:$0x4] =	stream.linear.gather [hbm4b:s9+s3], $0x80, $0x38;
	[tilespmem:$0x780] =	vst v63  }
0x5b: {  	_ =	swait.ge [sflag:s25], $0x80  }
0x5c: {  	[sflag:s25] =	ssyncset.done $0x0  }
0x5d: {  	[sflag:s25] =	ssyncadd.s32 $0xFFFFFF80  }
0x5e: {  	[spmem:s2] =	stream.indirect.scatter.add.f32 [tilespmem:s21], [sflag:$0x7], $0x1, s22, s19, $0xb8;
	[tilespmem:$0x780] =	vst v63  }
0x5f: {  	_ =	swait.ge [sflag:s26], $0x80  }
0x60: {  	s1 =	sadd.s32 $0x0, s16;
	[sflag:s26] =	ssyncset.done $0x0  }
0x61: {  	s6 =	sadd.s32 $0x1010, s1;
	[sflag:s26] =	ssyncadd.s32 $0xFFFFFF80  }
0x62: {  	[tilespmem:s3], [sflag:$0x1] =	stream.linear.gather [hbm4b:s6+s3], $0x80, $0x38;
	[tilespmem:$0x780] =	vst v63  }
0x63: {  	_ =	swait.ge [sflag:s28], $0x80  }
0x64: {  	[sflag:s28] =	ssyncset.done $0x0  }
0x65: {  	[sflag:s28] =	ssyncadd.s32 $0xFFFFFF80  }
0x66: {  	[spmem:s2] =	stream.indirect.scatter.add.f32 [tilespmem:s21], [sflag:$0x8], $0x1, s24, s19, $0xb8;
	[tilespmem:$0x780] =	vst v63  }
0x67: {  	_ =	swait.ge [sflag:s29], $0x80  }
0x68: {  	[sflag:s29] =	ssyncset.done $0x0  }
0x69: {  	s6 =	sadd.s32 $0x1410, s1;
	[sflag:s29] =	ssyncadd.s32 $0xFFFFFF80  }
0x6a: {  	[tilespmem:s19], [sflag:$0x2] =	stream.linear.gather [hbm4b:s6+s3], $0x80, $0x38;
	[tilespmem:$0x780] =	vst v63  }
0x6b: {  	_ =	swait.ge [sflag:s20], $0x80  }
0x6c: {  	[sflag:s20] =	ssyncset.done $0x0  }
0x6d: {  	[sflag:s20] =	ssyncadd.s32 $0xFFFFFF80  }
0x6e: {  	[spmem:s2] =	stream.indirect.scatter.add.f32 [tilespmem:s21], [sflag:$0x5], $0x1, s3, s19, $0xb8;
	[tilespmem:$0x780] =	vst v63  }
0x6f: {  	_ =	swait.ge [sflag:s30], $0x80  }
0x70: {  	[sflag:s30] =	ssyncset.done $0x0  }
0x71: {  	s6 =	sadd.s32 $0x1810, s1;
	[sflag:s30] =	ssyncadd.s32 $0xFFFFFF80  }
0x72: {  	[tilespmem:s22], [sflag:$0x3] =	stream.linear.gather [hbm4b:s6+s3], $0x80, $0x38;
	[tilespmem:$0x780] =	vst v63  }
0x73: {  	_ =	swait.ge [sflag:s23], $0x80  }
0x74: {  	[sflag:s23] =	ssyncset.done $0x0  }
0x75: {  	[sflag:s23] =	ssyncadd.s32 $0xFFFFFF80  }
0x76: {  	[spmem:s2] =	stream.indirect.scatter.add.f32 [tilespmem:s21], [sflag:$0x6], $0x1, s19, s19, $0xb8;
	[tilespmem:$0x780] =	vst v63  }
0x77: {  	_ =	swait.ge [sflag:s31], $0x80  }
0x78: {  	[sflag:s31] =	ssyncset.done $0x0  }
0x79: {  	s0 =	simm.s32 $0x1000;
	s1 =	sadd.s32 $0x1C10, s1;
	[sflag:s31] =	ssyncadd.s32 $0xFFFFFF80  }
.LBB2_2:
0x7a: {  	[tilespmem:s24], [sflag:$0x4] =	stream.linear.gather [hbm4b:s1+s3], $0x80, $0x38;
	[tilespmem:$0x780] =	vst v63  }
0x7b: {  	s1 =	smov.u32 s0  }
0x7c: {  	p0 =	sne.s32 s0, $0x11000;
	s0 =	sadd.s32 $0x1000, s0;
	_ =	swait.ge [sflag:s25], $0x80  }
0x7d: {  	[sflag:s25] =	ssyncset.done $0x0  }
0x7e: {  	[sflag:s25] =	ssyncadd.s32 $0xFFFFFF80  }
0x7f: {  	[spmem:s2] =	stream.indirect.scatter.add.f32 [tilespmem:s21], [sflag:$0x7], $0x1, s22, s19, $0xb8;
	[tilespmem:$0x780] =	vst v63  }
0x80: {  	_ =	swait.ge [sflag:s26], $0x80  }
0x81: {  	s1 =	sadd.s32 s1, s16;
	[sflag:s26] =	ssyncset.done $0x0  }
0x82: {  	s6 =	sadd.s32 $0x1010, s1;
	[sflag:s26] =	ssyncadd.s32 $0xFFFFFF80  }
0x83: {  	[tilespmem:s3], [sflag:$0x1] =	stream.linear.gather [hbm4b:s6+s3], $0x80, $0x38;
	[tilespmem:$0x780] =	vst v63  }
0x84: {  	_ =	swait.ge [sflag:s28], $0x80  }
0x85: {  	[sflag:s28] =	ssyncset.done $0x0  }
0x86: {  	[sflag:s28] =	ssyncadd.s32 $0xFFFFFF80  }
0x87: {  	[spmem:s2] =	stream.indirect.scatter.add.f32 [tilespmem:s21], [sflag:$0x8], $0x1, s24, s19, $0xb8;
	[tilespmem:$0x780] =	vst v63  }
0x88: {  	_ =	swait.ge [sflag:s29], $0x80  }
0x89: {  	[sflag:s29] =	ssyncset.done $0x0  }
0x8a: {  	s6 =	sadd.s32 $0x1410, s1;
	[sflag:s29] =	ssyncadd.s32 $0xFFFFFF80  }
0x8b: {  	[tilespmem:s19], [sflag:$0x2] =	stream.linear.gather [hbm4b:s6+s3], $0x80, $0x38;
	[tilespmem:$0x780] =	vst v63  }
0x8c: {  	_ =	swait.ge [sflag:s20], $0x80  }
0x8d: {  	[sflag:s20] =	ssyncset.done $0x0  }
0x8e: {  	[sflag:s20] =	ssyncadd.s32 $0xFFFFFF80  }
0x8f: {  	[spmem:s2] =	stream.indirect.scatter.add.f32 [tilespmem:s21], [sflag:$0x5], $0x1, s3, s19, $0xb8;
	[tilespmem:$0x780] =	vst v63  }
0x90: {  	_ =	swait.ge [sflag:s30], $0x80  }
0x91: {  	[sflag:s30] =	ssyncset.done $0x0  }
0x92: {  	s6 =	sadd.s32 $0x1810, s1;
	[sflag:s30] =	ssyncadd.s32 $0xFFFFFF80  }
0x93: {  	[tilespmem:s22], [sflag:$0x3] =	stream.linear.gather [hbm4b:s6+s3], $0x80, $0x38;
	[tilespmem:$0x780] =	vst v63  }
0x94: {  	_ =	swait.ge [sflag:s23], $0x80  }
0x95: {  	[sflag:s23] =	ssyncset.done $0x0  }
.Ltmp0:
0x96: {  	[sflag:s23] =	ssyncadd.s32 $0xFFFFFF80;
	(pc) =	sbr.rel @p0 .LBB2_2-.Ltmp0, $4  }
0x97: {  	[spmem:s2] =	stream.indirect.scatter.add.f32 [tilespmem:s21], [sflag:$0x6], $0x1, s19, s19, $0xb8;
	[tilespmem:$0x780] =	vst v63  }
0x98: {  	_ =	swait.ge [sflag:s31], $0x80  }
0x99: {  	[sflag:s31] =	ssyncset.done $0x0  }
0x9a: {  	s1 =	sadd.s32 $0x1C10, s1;
	[sflag:s31] =	ssyncadd.s32 $0xFFFFFF80  }
0x9b: {  	[tilespmem:s24], [sflag:$0x4] =	stream.linear.gather [hbm4b:s1+s3], $0x80, $0x38;
	[tilespmem:$0x780] =	vst v63  }
0x9c: {  	_ =	swait.ge [sflag:s25], $0x80  }
0x9d: {  	[sflag:s25] =	ssyncset.done $0x0  }
0x9e: {  	[sflag:s25] =	ssyncadd.s32 $0xFFFFFF80  }
0x9f: {  	[spmem:s2] =	stream.indirect.scatter.add.f32 [tilespmem:s21], [sflag:$0x7], $0x1, s22, s19, $0xb8;
	[tilespmem:$0x780] =	vst v63  }
0xa0: {  	_ =	swait.ge [sflag:s26], $0x80  }
0xa1: {  	[sflag:s26] =	ssyncset.done $0x0  }
0xa2: {  	[sflag:s26] =	ssyncadd.s32 $0xFFFFFF80  }
0xa3: {  	[tilespmem:s3], [sflag:$0x1] =	stream.linear.gather [hbm4b:s12+s3], $0x80, $0x38;
	[tilespmem:$0x780] =	vst v63  }
0xa4: {  	_ =	swait.ge [sflag:s28], $0x80  }
0xa5: {  	[sflag:s28] =	ssyncset.done $0x0  }
0xa6: {  	[sflag:s28] =	ssyncadd.s32 $0xFFFFFF80  }
0xa7: {  	[spmem:s2] =	stream.indirect.scatter.add.f32 [tilespmem:s21], [sflag:$0x8], $0x1, s24, s19, $0xb8;
	[tilespmem:$0x780] =	vst v63  }
0xa8: {  	_ =	swait.ge [sflag:s29], $0x80  }
0xa9: {  	[sflag:s29] =	ssyncset.done $0x0  }
0xaa: {  	[sflag:s29] =	ssyncadd.s32 $0xFFFFFF80  }
0xab: {  	[tilespmem:s19], [sflag:$0x2] =	stream.linear.gather [hbm4b:s13+s3], $0x80, $0x38;
	[tilespmem:$0x780] =	vst v63  }
0xac: {  	_ =	swait.ge [sflag:s20], $0x80  }
0xad: {  	[sflag:s20] =	ssyncset.done $0x0  }
0xae: {  	[sflag:s20] =	ssyncadd.s32 $0xFFFFFF80  }
0xaf: {  	[spmem:s2] =	stream.indirect.scatter.add.f32 [tilespmem:s21], [sflag:$0x5], $0x1, s3, s19, $0xb8;
	[tilespmem:$0x780] =	vst v63  }
0xb0: {  	_ =	swait.ge [sflag:s30], $0x80  }
0xb1: {  	[sflag:s30] =	ssyncset.done $0x0  }
0xb2: {  	[sflag:s30] =	ssyncadd.s32 $0xFFFFFF80  }
0xb3: {  	[tilespmem:s22], [sflag:$0x3] =	stream.linear.gather [hbm4b:s15+s3], $0x80, $0x38;
	[tilespmem:$0x780] =	vst v63  }
0xb4: {  	_ =	swait.ge [sflag:s23], $0x80  }
0xb5: {  	[sflag:s23] =	ssyncset.done $0x0  }
0xb6: {  	[sflag:s23] =	ssyncadd.s32 $0xFFFFFF80  }
0xb7: {  	[spmem:s2] =	stream.indirect.scatter.add.f32 [tilespmem:s21], [sflag:$0x6], $0x1, s19, s19, $0xb8;
	[tilespmem:$0x780] =	vst v63  }
0xb8: {  	_ =	swait.ge [sflag:s31], $0x80  }
0xb9: {  	[sflag:s31] =	ssyncset.done $0x0  }
0xba: {  	[sflag:s31] =	ssyncadd.s32 $0xFFFFFF80  }
0xbb: {  	[tilespmem:s24], [sflag:$0x4] =	stream.linear.gather [hbm4b:s7+s3], $0x80, $0x38;
	[tilespmem:$0x780] =	vst v63  }
0xbc: {  	_ =	swait.ge [sflag:s25], $0x80  }
0xbd: {  	[sflag:s25] =	ssyncset.done $0x0  }
0xbe: {  	[sflag:s25] =	ssyncadd.s32 $0xFFFFFF80  }
0xbf: {  	[spmem:s2] =	stream.indirect.scatter.add.f32 [tilespmem:s21], [sflag:$0x7], $0x1, s22, s19, $0xb8;
	[tilespmem:$0x780] =	vst v63  }
0xc0: {  	_ =	swait.ge [sflag:s26], $0x80  }
0xc1: {  	[sflag:s26] =	ssyncset.done $0x0  }
0xc2: {  	[sflag:s26] =	ssyncadd.s32 $0xFFFFFF80  }
0xc3: {  	[tilespmem:s3], [sflag:$0x1] =	stream.linear.gather [hbm4b:s7+s3], $0x80, $0x38;
	[tilespmem:$0x780] =	vst v63  }
0xc4: {  	_ =	swait.ge [sflag:s28], $0x80  }
0xc5: {  	[sflag:s28] =	ssyncset.done $0x0  }
0xc6: {  	[sflag:s28] =	ssyncadd.s32 $0xFFFFFF80  }
0xc7: {  	[spmem:s2] =	stream.indirect.scatter.add.f32 [tilespmem:s21], [sflag:$0x8], $0x1, s24, s19, $0xb8;
	[tilespmem:$0x780] =	vst v63  }
0xc8: {  	_ =	swait.ge [sflag:s29], $0x80  }
0xc9: {  	[sflag:s29] =	ssyncset.done $0x0  }
0xca: {  	[sflag:s29] =	ssyncadd.s32 $0xFFFFFF80  }
0xcb: {  	[tilespmem:s19], [sflag:$0x2] =	stream.linear.gather [hbm4b:s7+s3], $0x80, $0x38;
	[tilespmem:$0x780] =	vst v63  }
0xcc: {  	_ =	swait.ge [sflag:s30], $0x80  }
0xcd: {  	[sflag:s30] =	ssyncset.done $0x0  }
0xce: {  	[sflag:s30] =	ssyncadd.s32 $0xFFFFFF80  }
0xcf: {  	_ =	swait.ge [sflag:s31], $0x80  }
0xd0: {  	[sflag:s31] =	ssyncset.done $0x0  }
0xd1: {  	[sflag:s31] =	ssyncadd.s32 $0xFFFFFF80  }
0xd2: {  	_ =	swait.ge [sflag:s20], $0x80  }
0xd3: {  	[sflag:s20] =	ssyncset.done $0x0  }
0xd4: {  	[sflag:s20] =	ssyncadd.s32 $0xFFFFFF80  }
0xd5: {  	_ =	swait.ge [sflag:s23], $0x80  }
0xd6: {  	s0 =	sor.u32 $0x1C09, s14;
	s17 =	sadd.s32 $0x1, s17;
	[sflag:s23] =	ssyncset.done $0x0  }
0xd7: {  	s1 =	sshrl.u32 s4, $0x3;
	p0 =	sne.s32 s17, s11;
	[sflag:s23] =	ssyncadd.s32 $0xFFFFFF80  }
.Ltmp1:
0xd8: {  	s6 =	simm.s32 $0x20;
	[bflag:$0x0] =	sbarrier.arrive $0xFFFF;
	(pc) =	sbr.rel @p0 .LBB2_1-.Ltmp1, $4  }
0xd9: {  	[hbm:s10@s6], [sflag:s0] =	dma.strided [spmem:s1@s8], $0x50, s20, $0x10   }
0xda: {  	_ =	swait.ge [sflag:s18], $0x50  }
0xdb: {  	[sflag:s18] =	ssyncset.done $0x0  }
0xdc: {  	[sflag:s18] =	ssyncadd.s32 $0xFFFFFFB0  }
0xdd: {  	_ =	sfence.sel $0x180000  }
0xde: {  	[bflag:$0x0] =	sbarrier.arrive $0xFFFF  }
0xdf: {  	_ =	strace $0x90000047  }
0xe0: {  	s0 =	stileid.u32;
	[bflag:$0x2] =	sbarrier.arrive $0xFFFF  }
0xe1: {  	p0 =	sne.s32 s0, $0x0;
	s0 =	rddreg [dreg:$0x4]  }
0xe2: {  	s0 =	sadd.s32 @!p0 $0x100000, s0  }
0xe3: {  	[sflag:s0] =	ssyncadd.tile.s32 @!p0 $0x1;
	_ =	shalt  }
.Lfunc_end2:
_tile_overlayer_lowered:
.L_overlay_start_2:
0xe4: {  	(tag) =	ssettag $0x2  }
0xe5: {  	s0 =	rddreg [dreg:$0x0];
	s2 =	stileid.u32  }
0xe6: {  	s1 =	rddreg [dreg:$0x1];
	p0 =	sne.s32 s2, $0x0  }
0xe7: {  	s3 =	rddreg [dreg:$0x2];
	[bflag:$0x3] =	sbarrier.arrive $0xFFFF;
	s2 =	simm.s32 @!p0 $0x1C09  }
0xe8: {  	[timem:s3], [sflag:s2] =	dma.local @!p0 [hbm:s0], s1  }
0xe9: {  	s0 =	simm.s32 @!p0 $0x9  }
0xea: {  	_ =	swait.ge @!p0 [sflag:s0], s1  }
0xeb: {  	s1 =	ssub.s32 @!p0 $0x0, s1;
	[sflag:s0] =	ssyncset.done @!p0 $0x0  }
0xec: {  	[sflag:s0] =	ssyncadd.s32 @!p0 s1  }
0xed: {  	[bflag:$0x3] =	sbarrier.arrive $0xFFFF  }
0xee: {  	_ =	shalt  }

// kernel: kernel.9.cloned.1.call-start
scs
__scs_entry_jumppad:
0x0: {  	(pc) =	sbr.rel $0x88, $3  }
0x1: {  	(tag) =	ssettag $0x0;
	lr =	simm.s32 $0x1  }
0x2: {  	[smem:$0x3F9B] =	sst lr;
	_ =	strace $0xD0000000  }
0x3: {  	_ = 	snop  }
0x4: {  	_ = 	snop  }
0x5: {  	_ = 	snop  }
0x6: {  	_ = 	snop  }
0x7: {  	_ = 	snop  }
__scs_overlays_trampoline_lowered:
0x8: {  	[smem:$0x3FAA] =	sst s0  }
0x9: {  	[smem:$0x3FAB] =	sst s1  }
0xa: {  	[smem:$0x3FAC] =	sst s2  }
0xb: {  	[smem:$0x3FAD] =	sst s3  }
0xc: {  	[smem:$0x3FAE] =	sst s4  }
0xd: {  	[smem:$0x3FAF] =	sst s5  }
0xe: {  	[smem:$0x3FB0] =	sst s6  }
0xf: {  	[smem:$0x3FB1] =	sst s7  }
0x10: {  	[smem:$0x3FB2] =	sst s8  }
0x11: {  	[smem:$0x3FB3] =	sst s9;
	s0 =	simm.s32 @!p0 $0x0  }
0x12: {  	s1 =	sld [smem:$0x3F99];
	s0 =	simm.s32 @p0 $0x1  }
0x13: {  	[smem:$0x3FB4] =	sst s0;
	s0 =	simm.s32 @!p1 $0x0  }
0x14: {  	s2 =	sld [smem:$0x3F98];
	s0 =	simm.s32 @p1 $0x1  }
0x15: {  	[smem:$0x3FB5] =	sst s0;
	s0 =	simm.s32 @!p2 $0x0  }
0x16: {  	s3 =	sld [smem:$0x3FDB];
	s0 =	simm.s32 @p2 $0x1  }
0x17: {  	s4 =	simm.s32 $0x1BF5;
	[smem:$0x3FB7] =	sst s0  }
0x18: {  	s0 =	sld [smem:$0x3F9A];
	_ =	swait.ge [sflag:s4], $0x0  }
0x19: {  	s7 =	sld [smem:$0x3F9B]  }
0x1a: {  	s8 =	sadd.s32 $0xFFFFE003, lr  }
0x1b: {  	s9 =	sadd.s32 $0xFFFFFEF7, lr;
	s5 =	simm.s32 $0xFFFFFFFF;
	p2 =	slt.u32 s8, $0xFFFFF086  }
0x1c: {  	p1 =	slt.u32 s9, $0xF7A;
	s5 =	simm.s32 @!p2 $0x0  }
0x1d: {  	s5 =	simm.s32 @p1 $0x1;
	p0 =	seq.s32 s7, s2  }
0x1e: {  	s7 =	smul.u32 @!p0 $0xF7A, s2;
	p2 =	seq.s32 @!p0 s5, $0x0  }
0x1f: {  	s9 =	smul.u32 $0xF7A, s1;
	s8 =	simm.s32 @!p0 $0x1BF5;
	p2 =	por !p2, p0  }
0x20: {  	[sflag:s8] =	ssyncset.s32 @!p0 $0xFFFFF086;
	s6 =	sadd.s32 @!p0 s3, s7;
	s7 =	simm.s32 @!p0 $0x108  }
0x21: {  	s3 =	sadd.s32 s3, s9;
	s6 =	sadd.s32 @!p0 $0x88, s6;
	s7 =	simm.s32 @p2 $0x1082  }
0x22: {  	[simem:s7], [sflag:s8] =	dma.local @!p0 [hbm:s6], $0xF7A  }
0x23: {  	s9 =	sor.u32 $0xD0000000, s2;
	s6 =	simm.s32 $0x108;
	_ =	swait.ge @!p0 [sflag:s8], $0x0  }
0x24: {  	s3 =	sadd.s32 $0x88, s3;
	s6 =	simm.s32 @!p1 $0x1082;
	[sflag:s4] =	ssyncset.s32 $0xFFFFF086  }
0x25: {  	[simem:s6], [sflag:s4] =	dma.local [hbm:s3], $0xF7A  }
0x26: {  	[smem:$0x3F9B] =	sst s1;
	(tag) =	ssettag s2;
	_ =	strace s9  }
0x27: {  	s1 =	sld [smem:$0x3FAB]  }
0x28: {  	s2 =	sld [smem:$0x3FAC]  }
0x29: {  	s4 =	sld [smem:$0x3FAE]  }
0x2a: {  	p0 =	seq.s32 s5, $0x0;
	s5 =	sld [smem:$0x3FAF]  }
0x2b: {  	s6 =	sld [smem:$0x3FB0]  }
0x2c: {  	s7 =	sld [smem:$0x3FB1]  }
0x2d: {  	s3 =	simm.s32 $0x108;
	s8 =	sld [smem:$0x3FB2]  }
0x2e: {  	s3 =	simm.s32 @!p0 $0x1082;
	s9 =	sld [smem:$0x3FB3]  }
0x2f: {  	lr =	sadd.s32 s0, s3;
	s0 =	sld [smem:$0x3FAA]  }
0x30: {  	s3 =	sld [smem:$0x3FAD]  }
0x31: {  	[smem:$0x3FB6] =	sst s10  }
0x32: {  	s10 =	sld [smem:$0x3FB4];
	_ =	sdelay $0x3  }
0x33: {  	p0 =	seq.s32 s10, $0x1;
	s10 =	sld [smem:$0x3FB6];
	_ =	sdelay $0x3  }
0x34: {  	[smem:$0x3FB6] =	sst s10  }
0x35: {  	s10 =	sld [smem:$0x3FB5];
	_ =	sdelay $0x3  }
0x36: {  	p1 =	seq.s32 s10, $0x1;
	s10 =	sld [smem:$0x3FB6];
	_ =	sdelay $0x3  }
0x37: {  	[smem:$0x3FB6] =	sst s10  }
0x38: {  	s10 =	sld [smem:$0x3FB7]  }
0x39: {  	_ = 	snop;
	(pc) =	sbr.ind lr, $3  }
0x3a: {  	_ = 	snop  }
0x3b: {  	_ = 	snop  }
0x3c: {  	p2 =	seq.s32 s10, $0x1;
	s10 =	sld [smem:$0x3FB6]  }
0x3d: {  	_ =	shalt  }
0x3e: {  	_ =	shalt  }
0x3f: {  	_ =	shalt  }
0x40: {  	_ =	shalt  }
0x41: {  	_ =	shalt  }
0x42: {  	_ =	shalt  }
0x43: {  	_ =	shalt  }
0x44: {  	_ =	shalt  }
0x45: {  	_ =	shalt  }
0x46: {  	_ =	shalt  }
0x47: {  	_ =	shalt  }
0x48: {  	_ =	shalt  }
0x49: {  	_ =	shalt  }
0x4a: {  	_ =	shalt  }
0x4b: {  	_ =	shalt  }
0x4c: {  	_ =	shalt  }
0x4d: {  	_ =	shalt  }
0x4e: {  	_ =	shalt  }
0x4f: {  	_ =	shalt  }
0x50: {  	_ =	shalt  }
0x51: {  	_ =	shalt  }
0x52: {  	_ =	shalt  }
0x53: {  	_ =	shalt  }
0x54: {  	_ =	shalt  }
0x55: {  	_ =	shalt  }
0x56: {  	_ =	shalt  }
0x57: {  	_ =	shalt  }
0x58: {  	_ =	shalt  }
0x59: {  	_ =	shalt  }
0x5a: {  	_ =	shalt  }
0x5b: {  	_ =	shalt  }
0x5c: {  	_ =	shalt  }
0x5d: {  	_ =	shalt  }
0x5e: {  	_ =	shalt  }
0x5f: {  	_ =	shalt  }
0x60: {  	_ =	shalt  }
0x61: {  	_ =	shalt  }
0x62: {  	_ =	shalt  }
0x63: {  	_ =	shalt  }
0x64: {  	_ =	shalt  }
0x65: {  	_ =	shalt  }
0x66: {  	_ =	shalt  }
0x67: {  	_ =	shalt  }
0x68: {  	_ =	shalt  }
0x69: {  	_ =	shalt  }
0x6a: {  	_ =	shalt  }
0x6b: {  	_ =	shalt  }
0x6c: {  	_ =	shalt  }
0x6d: {  	_ =	shalt  }
0x6e: {  	_ =	shalt  }
0x6f: {  	_ =	shalt  }
0x70: {  	_ =	shalt  }
0x71: {  	_ =	shalt  }
0x72: {  	_ =	shalt  }
0x73: {  	_ =	shalt  }
0x74: {  	_ =	shalt  }
0x75: {  	_ =	shalt  }
0x76: {  	_ =	shalt  }
0x77: {  	_ =	shalt  }
0x78: {  	_ =	shalt  }
0x79: {  	_ =	shalt  }
0x7a: {  	_ =	shalt  }
0x7b: {  	_ =	shalt  }
0x7c: {  	_ =	shalt  }
0x7d: {  	_ =	shalt  }
0x7e: {  	_ =	shalt  }
0x7f: {  	_ =	shalt  }
0x80: {  	_ =	shalt  }
0x81: {  	_ =	shalt  }
0x82: {  	_ =	shalt  }
0x83: {  	_ =	shalt  }
0x84: {  	_ =	shalt  }
0x85: {  	_ =	shalt  }
0x86: {  	_ =	shalt  }
0x87: {  	_ =	shalt  }
.Lfunc_end0:
.L_simem_size_0:
called_computation.1_lowered:
.L_overlay_start_0:
0x88: {  	s2 =	sld [smem:$0x3FD9]  }
0x89: {  	s3 =	sld [smem:$0x3FFE];
	_ =	sdelay $0x1  }
0x8a: {  	s1 =	srdreg.scid  }
0x8b: {  	s0 =	sand.u32 $0x1, s1  }
0x8c: {  	s17 =	sshll.u32 s0, $0xA;
	s2 =	sadd.s32 s3, s2  }
0x8d: {  	s2 =	sadd.s32 s2, s17  }
0x8e: {  	[smem:$0x3FC2] =	sst s2  }
0x8f: {  	_ = 	snop  }
0x90: {  	s2 =	sld [smem:$0x3FC8]  }
0x91: {  	s18 =	sld [smem:$0x3FD0];
	(tm) =	ssettm $0x1  }
0x92: {  	s4 =	sld [smem:$0x3FFB];
	_ =	sdelay $0x3  }
0x93: {  	_ =	strace s4  }
0x94: {  	s4 =	sld [smem:$0x3FFC];
	_ =	sdelay $0x3  }
0x95: {  	_ =	strace s4  }
0x96: {  	s4 =	sld [smem:$0x3FFD];
	_ =	sdelay $0x3  }
0x97: {  	_ =	strace s4  }
0x98: {  	_ =	strace $0x8FFFFFFF  }
0x99: {  	s19 =	sld [smem:$0x3FDB];
	_ =	sdelay $0x1  }
0x9a: {  	s5 =	simm.s32 $_scs_section_size  }
0x9b: {  	s6 =	simm.s32 $_size__tile_overlayer_lowered;
	s7 =	simm.s32 $_tile_overlayer_lowered  }
0x9c: {  	s22 =	simm.s32 $0x1BFF;
	s21 =	sshll.u32 s7, $0x1;
	s4 =	sadd.s32 s5, s19  }
0x9d: {  	s8 =	simm.s32 $0x0;
	s20 =	sshll.u32 s6, $0x1;
	s6 =	sadd.s32 s21, s4  }
0x9e: {  	[timem:s8], [sflag:s22] =	dma.local [hbm:s6], s20  }
0x9f: {  	_ =	swait.ge [sflag:s22], s20  }
0xa0: {  	s5 =	ssub.s32 $0x0, s20;
	[sflag:s22] =	ssyncset.done $0x0  }
0xa1: {  	[sflag:s22] =	ssyncadd.s32 s5;
	_ =	sdelay $0x1  }
0xa2: {  	s23 =	simm.s32 $0x1B8B  }
0xa3: {  	_ =	swait.ge [sflag:s23], $0x1  }
0xa4: {  	[sflag:s23] =	ssyncset.done $0x0  }
0xa5: {  	s25 =	simm.s32 $0x1B8E;
	s24 =	sld [smem:$0x3FFE];
	[sflag:s23] =	ssyncadd.s32 $0xFFFFFFFF  }
0xa6: {  	s26 =	simm.s32 $execute0_lowered;
	[smem:$0x3FD2] =	sst s25  }
0xa7: {  	s6 =	sshll.u32 s26, $0x1;
	_ =	strace $0x80000049;
	[dreg:$0x1] =	wrdreg $0xFFFFFFFF  }
0xa8: {  	s28 =	simm.s32 $_size_execute0_lowered;
	s4 =	sadd.s32 s4, s6;
	[dreg:$0x0] =	wrdreg $0x0  }
0xa9: {  	s6 =	sshll.u32 s28, $0x1;
	[dreg:$0x2] =	wrdreg s4  }
0xaa: {  	[dreg:$0x3] =	wrdreg s6  }
0xab: {  	[dreg:$0x4] =	wrdreg $0xC0  }
0xac: {  	_ =	task [dreg:s8], $0x5FFFF  }
0xad: {  	[dreg:$0x1] =	wrdreg $0xFFFFFFFF  }
0xae: {  	[dreg:$0x0] =	wrdreg $0x60  }
0xaf: {  	[dreg:$0x2] =	wrdreg s18  }
0xb0: {  	[dreg:$0x3] =	wrdreg s2  }
0xb1: {  	[dreg:$0x4] =	wrdreg s24  }
0xb2: {  	[dreg:$0x5] =	wrdreg $0xA3000  }
0xb3: {  	[dreg:$0x6] =	wrdreg $0x9  }
0xb4: {  	_ =	task.clear_ibuf [dreg:s8], $0x7FFFF;
	_ =	strace $0x90000049  }
0xb5: {  	s29 =	simm.s32 $0x9;
	_ =	strace $0x8000004B  }
0xb6: {  	_ =	swait.ge [sflag:s29], $0x1  }
0xb7: {  	[sflag:s29] =	ssyncadd.s32 $0xFFFFFFFF  }
0xb8: {  	_ =	strace $0x9000004B  }
0xb9: {  	_ =	sfence  }
0xba: {  	s30 =	sld [smem:$0x0];
	_ =	sdelay $0x2  }
0xbb: {  	s31 =	sshll.u32 s1, $0xD;
	s1 =	sshrl.u32 s1, $0x2  }
0xbc: {  	s3 =	sand.u32 $0x4000, s31;
	s1 =	sadd.s32 s1, s30  }
0xbd: {  	s0 =	sor.u32 s3, s0;
	s1 =	sshll.u32 s1, $0x11  }
0xbe: {  	s0 =	sor.u32 s1, s0  }
0xbf: {  	s0 =	sadd.s32 $0x8F2B, s0  }
0xc0: {  	[sflag:s0] =	ssyncadd.remote.s32 $0x1  }
0xc1: {  	_ =	sfence.sel $0xFFFF  }
0xc2: {  	[dreg:$0x0] =	wrdreg $0xFFFFFFFF;
	(pc) =	sbr.abs _section_cstart, $3  }
0xc3: {  	[dreg:$0x1] =	wrdreg $0xFFFFFFFF  }
0xc4: {  	_ =	task.clear_ibuf [dreg:s8], $0x2FFFF;
	_ =	strace $0x9FFFFFFF  }
0xc5: {  	(tm) =	ssettm $0x7FFFFFFF  }
tec
execute0_lowered:
.L_overlay_start_1:
0x0: {  	(tag) =	ssettag $0x1  }
0x1: {  	s1 =	rddreg [dreg:$0x0]  }
0x2: {  	s0 =	rddreg [dreg:$0x1]  }
0x3: {  	s3 =	rddreg [dreg:$0x2]  }
0x4: {  	s2 =	rddreg [dreg:$0x3];
	s4 =	simm.s32 $0x0  }
0x5: {  	s5 =	srdreg.scid;
	s18 =	stileid.u32;
	s28 =	simm.s32 $0x7  }
0x6: {  	s29 =	simm.s32 $0x3;
	s30 =	simm.s32 $0x2;
	s31 =	simm.s32 $0x4  }
0x7: {  	[smem:$0x7FF] =	sst s4;
	s7 =	sand.u32 $0x1, s5;
	s8 =	smul.u32 $0x50000, s18  }
0x8: {  	s10 =	smul.u32 $0x14000, s18;
	s11 =	sadd.s32 $0x2000, s3;
	s15 =	sshll.u32 s18, $0x1  }
0x9: {  	_ =	strace $0x8000004A;
	s6 =	ssub.s32 $0x2, s7;
	s14 =	sshrl.u32 s8, $0x2  }
0xa: {  	s9 =	sshrl.u32 s6, $0x1;
	s12 =	sadd.s32 $0x4000, s10;
	s19 =	sadd.s32 s14, s2  }
0xb: {  	s13 =	sadd.s32 $0x8000, s10;
	s22 =	sadd.s32 s12, s2;
	[dreg:$0x5] =	wrdreg s19  }
0xc: {  	s8 =	sor.u32 s7, s15;
	s25 =	sadd.s32 s13, s2;
	[dreg:$0x7] =	wrdreg s22  }
0xd: {  	s9 =	ssub.s32 s6, s9;
	s6 =	sadd.s32 $0x2000, s19;
	[dreg:$0x9] =	wrdreg s25  }
0xe: {  	s14 =	smul.u32 $0x140000, s7;
	s16 =	sadd.s32 $0x6000, s19;
	[dreg:$0x6] =	wrdreg s6  }
0xf: {  	s15 =	sadd.s32 $0xC000, s10;
	s17 =	sadd.s32 $0xA000, s19;
	[dreg:$0x8] =	wrdreg s16  }
0x10: {  	[dreg:$0xa] =	wrdreg s17;
	s16 =	sadd.s32 $0x10000, s10;
	s10 =	sadd.s32 s10, s14  }
0x11: {  	s12 =	sadd.s32 s14, s12;
	s23 =	sadd.s32 s14, s13;
	s24 =	sadd.s32 s14, s15  }
0x12: {  	s13 =	smax.u32 s9, $0x1;
	s10 =	sshrl.u32 s10, $0x3;
	s26 =	sadd.s32 s14, s16  }
0x13: {  	s14 =	sshrl.u32 s24, $0x3;
	s24 =	sshll.u32 s18, $0x6;
	[dreg:$0x15] =	wrdreg s13  }
0x14: {  	s12 =	sshrl.u32 s12, $0x3;
	s20 =	sadd.s32 s11, s10;
	[dreg:$0x10] =	wrdreg s24  }
0x15: {  	s5 =	sadd.s32 $0x1E00, s3;
	s21 =	sadd.s32 s11, s12;
	[dreg:$0xb] =	wrdreg s20  }
0x16: {  	s10 =	sshrl.u32 s23, $0x3;
	s12 =	sadd.s32 s16, s2;
	[dreg:$0xc] =	wrdreg s21  }
0x17: {  	s7 =	sshll.u32 s7, $0x5;
	s10 =	sadd.s32 s11, s10;
	[dreg:$0x14] =	wrdreg s12  }
0x18: {  	s17 =	sshll.u32 s8, $0x5;
	s21 =	sadd.s32 s11, s14;
	[dreg:$0xd] =	wrdreg s10  }
0x19: {  	s9 =	simm.s32 $0x80;
	s14 =	sadd.s32 $0x12000, s19;
	[dreg:$0xe] =	wrdreg s21  }
0x1a: {  	s20 =	sshrl.u32 s26, $0x3;
	s26 =	sadd.s32 s0, s17;
	[dreg:$0x16] =	wrdreg s14  }
0x1b: {  	s18 =	sor.u32 $0x100, s8;
	s17 =	sadd.s32 s15, s2;
	[dreg:$0x11] =	wrdreg s26  }
0x1c: {  	s13 =	simm.s32 $0x5;
	s23 =	sadd.s32 s11, s20;
	[dreg:$0x12] =	wrdreg s17  }
0x1d: {  	s0 =	sadd.s32 s24, s0;
	s11 =	sadd.s32 $0xE000, s19;
	[dreg:$0xf] =	wrdreg s23  }
0x1e: {  	s12 =	simm.s32 $0x180;
	s15 =	sadd.s32 $0x10, s26;
	[dreg:$0x13] =	wrdreg s11  }
0x1f: {  	s20 =	sadd.s32 s7, s0;
	s16 =	sadd.s32 $0x400, s26;
	[dreg:$0x17] =	wrdreg s15  }
0x20: {  	s21 =	sadd.s32 $0x410, s26;
	s24 =	sadd.s32 $0x800, s26;
	[dreg:$0x18] =	wrdreg s16  }
0x21: {  	s26 =	sadd.s32 $0x810, s26;
	s7 =	simm.s32 $0x8;
	[dreg:$0x19] =	wrdreg s21  }
0x22: {  	s14 =	simm.s32 $0x300;
	s0 =	simm.s32 $0x0;
	[dreg:$0x1a] =	wrdreg s24  }
0x23: {  	s23 =	sadd.s32 $0x1E10, s3;
	[dreg:$0x1b] =	wrdreg s26;
	s3 =	simm.s32 $0x8300  }
0x24: {  	s11 =	simm.s32 $0x100;
	s15 =	simm.s32 $0x6;
	s16 =	simm.s32 $0x4300  }
0x25: {  	v0 =	vimm.f32 $0.0e+00;
	s21 =	simm.s32 $0x200;
	s24 =	simm.s32 $0x280;
	s26 =	simm.s32 $0x1  }
.LBB2_1:
0x26: {  	s8 =	simm.s32 $0x0;
	s10 =	simm.s32 $0x200  }
.LBB2_2:
0x27: {  	p0 =	sne.s32 s10, $0x7E00;
	[tilespmem:s8+$0x8370] =	vst v0  }
0x28: {  	[tilespmem:s8+$0x8300] =	vst v0  }
0x29: {  	[tilespmem:s8+$0x8310] =	vst v0  }
.Ltmp0:
0x2a: {  	[tilespmem:s8+$0x8320] =	vst v0;
	(pc) =	sbr.rel @p0 .LBB2_2-.Ltmp0, $4  }
0x2b: {  	[tilespmem:s8+$0x8330] =	vst v0  }
0x2c: {  	[tilespmem:s8+$0x8340] =	vst v0  }
0x2d: {  	[tilespmem:s8+$0x8350] =	vst v0  }
0x2e: {  	[tilespmem:s8+$0x8360] =	vst v0;
	s8 =	sshra.s32 s10, $0x2;
	s10 =	sadd.s32 $0x200, s10  }
0x2f: {  	[tilespmem:s8+$0x8370] =	vst v0  }
0x30: {  	[tilespmem:s8+$0x8300] =	vst v0  }
0x31: {  	[tilespmem:s8+$0x8310] =	vst v0  }
0x32: {  	[tilespmem:s8+$0x8320] =	vst v0  }
0x33: {  	[tilespmem:s8+$0x8330] =	vst v0  }
0x34: {  	[tilespmem:s8+$0x8340] =	vst v0  }
0x35: {  	[tilespmem:s8+$0x8350] =	vst v0  }
0x36: {  	[tilespmem:s8+$0x8360] =	vst v0  }
0x37: {  	[spmem:s19] =	stream.linear.scatter [tilespmem:s3], [sflag:$0x8], $0x2000, $0x38;
	[tilespmem:$0x1E300] =	vst v63  }
0x38: {  	_ =	swait.ge [sflag:s7], $0x2000  }
0x39: {  	[sflag:s7] =	ssyncset.done $0x0  }
0x3a: {  	s6 =	rddreg [dreg:$0x6];
	[sflag:s7] =	ssyncadd.s32 $0xFFFFE000  }
0x3b: {  	[spmem:s6] =	stream.linear.scatter [tilespmem:s3], [sflag:$0x8], $0x2000, $0x38;
	[tilespmem:$0x1E300] =	vst v63  }
0x3c: {  	_ =	swait.ge [sflag:s7], $0x2000  }
0x3d: {  	[sflag:s7] =	ssyncset.done $0x0  }
0x3e: {  	[sflag:s7] =	ssyncadd.s32 $0xFFFFE000  }
0x3f: {  	[spmem:s22] =	stream.linear.scatter [tilespmem:s3], [sflag:$0x8], $0x2000, $0x38;
	[tilespmem:$0x1E300] =	vst v63  }
0x40: {  	_ =	swait.ge [sflag:s7], $0x2000  }
0x41: {  	[sflag:s7] =	ssyncset.done $0x0  }
0x42: {  	s22 =	rddreg [dreg:$0x8];
	[sflag:s7] =	ssyncadd.s32 $0xFFFFE000  }
0x43: {  	[spmem:s22] =	stream.linear.scatter [tilespmem:s3], [sflag:$0x8], $0x2000, $0x38;
	[tilespmem:$0x1E300] =	vst v63  }
0x44: {  	_ =	swait.ge [sflag:s7], $0x2000  }
0x45: {  	[sflag:s7] =	ssyncset.done $0x0  }
0x46: {  	[sflag:s7] =	ssyncadd.s32 $0xFFFFE000  }
0x47: {  	[spmem:s25] =	stream.linear.scatter [tilespmem:s3], [sflag:$0x8], $0x2000, $0x38;
	[tilespmem:$0x1E300] =	vst v63  }
0x48: {  	_ =	swait.ge [sflag:s7], $0x2000  }
0x49: {  	[sflag:s7] =	ssyncset.done $0x0  }
0x4a: {  	s25 =	rddreg [dreg:$0xa];
	[sflag:s7] =	ssyncadd.s32 $0xFFFFE000  }
0x4b: {  	[spmem:s25] =	stream.linear.scatter [tilespmem:s3], [sflag:$0x8], $0x2000, $0x38;
	[tilespmem:$0x1E300] =	vst v63  }
0x4c: {  	_ =	swait.ge [sflag:s7], $0x2000  }
0x4d: {  	[sflag:s7] =	ssyncset.done $0x0  }
0x4e: {  	[sflag:s7] =	ssyncadd.s32 $0xFFFFE000  }
0x4f: {  	[spmem:s17] =	stream.linear.scatter [tilespmem:s3], [sflag:$0x8], $0x2000, $0x38;
	[tilespmem:$0x1E300] =	vst v63  }
0x50: {  	_ =	swait.ge [sflag:s7], $0x2000  }
0x51: {  	[sflag:s7] =	ssyncset.done $0x0  }
0x52: {  	s8 =	rddreg [dreg:$0x13];
	[sflag:s7] =	ssyncadd.s32 $0xFFFFE000  }
0x53: {  	[spmem:s8] =	stream.linear.scatter [tilespmem:s3], [sflag:$0x8], $0x2000, $0x38;
	[tilespmem:$0x1E300] =	vst v63  }
0x54: {  	_ =	swait.ge [sflag:s7], $0x2000  }
0x55: {  	[sflag:s7] =	ssyncset.done $0x0  }
0x56: {  	s10 =	rddreg [dreg:$0x14];
	[sflag:s7] =	ssyncadd.s32 $0xFFFFE000  }
0x57: {  	[spmem:s10] =	stream.linear.scatter [tilespmem:s3], [sflag:$0x8], $0x2000, $0x38;
	[tilespmem:$0x1E300] =	vst v63  }
0x58: {  	_ =	swait.ge [sflag:s7], $0x2000  }
0x59: {  	[sflag:s7] =	ssyncset.done $0x0  }
0x5a: {  	s17 =	rddreg [dreg:$0x16];
	[sflag:s7] =	ssyncadd.s32 $0xFFFFE000  }
0x5b: {  	[spmem:s17] =	stream.linear.scatter [tilespmem:s3], [sflag:$0x8], $0x2000, $0x38;
	[tilespmem:$0x1E300] =	vst v63  }
0x5c: {  	_ =	swait.ge [sflag:s7], $0x2000  }
0x5d: {  	[sflag:s7] =	ssyncset.done $0x0  }
0x5e: {  	[sflag:s7] =	ssyncadd.s32 $0xFFFFE000  }
0x5f: {  	[bflag:$0x0] =	sbarrier.arrive $0xFFFF  }
0x60: {  	s8 =	simm.s32 $0x0;
	s19 =	rddreg [dreg:$0x11]  }
0x61: {  	[tilespmem:s8], [sflag:$0x5] =	stream.linear.gather [hbm4b:s19+s8], $0x80, $0x38;
	[tilespmem:$0x1E300] =	vst v63  }
0x62: {  	s22 =	rddreg [dreg:$0x17]  }
0x63: {  	[tilespmem:s9], [sflag:$0x5] =	stream.linear.gather [hbm4b:s22+s8], $0x80, $0x38;
	[tilespmem:$0x1E300] =	vst v63  }
0x64: {  	s25 =	rddreg [dreg:$0x18]  }
0x65: {  	[tilespmem:s11], [sflag:$0x6] =	stream.linear.gather [hbm4b:s25+s8], $0x80, $0x38;
	[tilespmem:$0x1E300] =	vst v63  }
0x66: {  	s10 =	rddreg [dreg:$0x19]  }
0x67: {  	[tilespmem:s12], [sflag:$0x6] =	stream.linear.gather [hbm4b:s10+s8], $0x80, $0x38;
	[tilespmem:$0x1E300] =	vst v63  }
0x68: {  	_ =	swait.ge [sflag:s13], $0x80  }
0x69: {  	[sflag:s13] =	ssyncset.done $0x0  }
0x6a: {  	[sflag:s13] =	ssyncadd.s32 $0xFFFFFF80  }
0x6b: {  	_ =	swait.ge [sflag:s13], $0x80  }
0x6c: {  	[sflag:s13] =	ssyncset.done $0x0  }
0x6d: {  	[sflag:s13] =	ssyncadd.s32 $0xFFFFFF80  }
0x6e: {  	[tilespmem:s14], [sflag:$0x1] =	stream.indirect.gather [hbm4b:s1+s9], $0x80, s8, s9, $0xb8;
	[tilespmem:$0x1E300] =	vst v63  }
0x6f: {  	_ =	swait.ge [sflag:s15], $0x80  }
0x70: {  	[sflag:s15] =	ssyncset.done $0x0  }
0x71: {  	[sflag:s15] =	ssyncadd.s32 $0xFFFFFF80  }
0x72: {  	_ =	swait.ge [sflag:s15], $0x80  }
0x73: {  	[sflag:s15] =	ssyncset.done $0x0  }
0x74: {  	[sflag:s15] =	ssyncadd.s32 $0xFFFFFF80  }
0x75: {  	[tilespmem:s16], [sflag:$0x2] =	stream.indirect.gather [hbm4b:s1+s9], $0x80, s11, s9, $0xb8;
	[tilespmem:$0x1E300] =	vst v63  }
0x76: {  	s17 =	rddreg [dreg:$0x1a]  }
0x77: {  	[tilespmem:s21], [sflag:$0x7] =	stream.linear.gather [hbm4b:s17+s8], $0x80, $0x38;
	[tilespmem:$0x1E300] =	vst v63  }
0x78: {  	s19 =	rddreg [dreg:$0x1b]  }
0x79: {  	[tilespmem:s24], [sflag:$0x7] =	stream.linear.gather [hbm4b:s19+s8], $0x80, $0x38;
	[tilespmem:$0x1E300] =	vst v63  }
0x7a: {  	_ =	swait.ge [sflag:s26], $0x4000  }
0x7b: {  	[sflag:s26] =	ssyncset.done $0x0  }
0x7c: {  	[sflag:s26] =	ssyncadd.s32 $0xFFFFC000  }
0x7d: {  	[spmem:s2] =	stream.indirect.scatter.add.f32 [tilespmem:s14], [sflag:$0x3], $0x80, s9, s9, $0xb8;
	[tilespmem:$0x1E300] =	vst v63  }
0x7e: {  	_ =	swait.ge [sflag:s28], $0x80  }
0x7f: {  	[sflag:s28] =	ssyncset.done $0x0  }
0x80: {  	[sflag:s28] =	ssyncadd.s32 $0xFFFFFF80  }
0x81: {  	_ =	swait.ge [sflag:s28], $0x80  }
0x82: {  	[sflag:s28] =	ssyncset.done $0x0  }
0x83: {  	[sflag:s28] =	ssyncadd.s32 $0xFFFFFF80  }
0x84: {  	_ =	swait.ge [sflag:s29], $0x4000  }
0x85: {  	[sflag:s29] =	ssyncset.done $0x0  }
0x86: {  	s22 =	sadd.s32 $0x0, s20;
	[sflag:s29] =	ssyncadd.s32 $0xFFFFC000  }
0x87: {  	[tilespmem:s14], [sflag:$0x1] =	stream.indirect.gather [hbm4b:s1+s9], $0x80, s21, s9, $0xb8;
	[tilespmem:$0x1E300] =	vst v63  }
0x88: {  	s10 =	sadd.s32 $0xC00, s22  }
0x89: {  	[tilespmem:s4], [sflag:$0x5] =	stream.linear.gather [hbm4b:s10+s4], $0x80, $0x38;
	[tilespmem:$0x1E300] =	vst v63  }
0x8a: {  	s25 =	sadd.s32 $0xC10, s22  }
0x8b: {  	[tilespmem:s9], [sflag:$0x5] =	stream.linear.gather [hbm4b:s25+s4], $0x80, $0x38;
	[tilespmem:$0x1E300] =	vst v63  }
0x8c: {  	_ =	swait.ge [sflag:s30], $0x4000  }
0x8d: {  	[sflag:s30] =	ssyncset.done $0x0  }
0x8e: {  	[sflag:s30] =	ssyncadd.s32 $0xFFFFC000  }
0x8f: {  	[spmem:s2] =	stream.indirect.scatter.add.f32 [tilespmem:s16], [sflag:$0x4], $0x80, s12, s9, $0xb8;
	[tilespmem:$0x1E300] =	vst v63  }
0x90: {  	_ =	swait.ge [sflag:s13], $0x80  }
0x91: {  	[sflag:s13] =	ssyncset.done $0x0  }
0x92: {  	[sflag:s13] =	ssyncadd.s32 $0xFFFFFF80  }
0x93: {  	_ =	swait.ge [sflag:s13], $0x80  }
0x94: {  	[sflag:s13] =	ssyncset.done $0x0  }
0x95: {  	[sflag:s13] =	ssyncadd.s32 $0xFFFFFF80  }
0x96: {  	_ =	swait.ge [sflag:s31], $0x4000  }
0x97: {  	[sflag:s31] =	ssyncset.done $0x0  }
0x98: {  	[sflag:s31] =	ssyncadd.s32 $0xFFFFC000  }
0x99: {  	[tilespmem:s16], [sflag:$0x2] =	stream.indirect.gather [hbm4b:s1+s9], $0x80, s4, s9, $0xb8;
	[tilespmem:$0x1E300] =	vst v63  }
0x9a: {  	s6 =	sadd.s32 $0x1000, s22  }
0x9b: {  	[tilespmem:s11], [sflag:$0x6] =	stream.linear.gather [hbm4b:s6+s4], $0x80, $0x38;
	[tilespmem:$0x1E300] =	vst v63  }
0x9c: {  	s17 =	sadd.s32 $0x1010, s22  }
0x9d: {  	[tilespmem:s12], [sflag:$0x6] =	stream.linear.gather [hbm4b:s17+s4], $0x80, $0x38;
	[tilespmem:$0x1E300] =	vst v63  }
0x9e: {  	_ =	swait.ge [sflag:s26], $0x4000  }
0x9f: {  	[sflag:s26] =	ssyncset.done $0x0  }
0xa0: {  	[sflag:s26] =	ssyncadd.s32 $0xFFFFC000  }
0xa1: {  	[spmem:s2] =	stream.indirect.scatter.add.f32 [tilespmem:s14], [sflag:$0x3], $0x80, s24, s9, $0xb8;
	[tilespmem:$0x1E300] =	vst v63  }
0xa2: {  	_ =	swait.ge [sflag:s15], $0x80  }
0xa3: {  	[sflag:s15] =	ssyncset.done $0x0  }
0xa4: {  	[sflag:s15] =	ssyncadd.s32 $0xFFFFFF80  }
0xa5: {  	_ =	swait.ge [sflag:s15], $0x80  }
0xa6: {  	[sflag:s15] =	ssyncset.done $0x0  }
0xa7: {  	[sflag:s15] =	ssyncadd.s32 $0xFFFFFF80  }
0xa8: {  	_ =	swait.ge [sflag:s29], $0x4000  }
0xa9: {  	[sflag:s29] =	ssyncset.done $0x0  }
0xaa: {  	[sflag:s29] =	ssyncadd.s32 $0xFFFFC000  }
0xab: {  	[tilespmem:s14], [sflag:$0x1] =	stream.indirect.gather [hbm4b:s1+s9], $0x80, s11, s9, $0xb8;
	[tilespmem:$0x1E300] =	vst v63  }
0xac: {  	s19 =	sadd.s32 $0x1400, s22  }
0xad: {  	[tilespmem:s21], [sflag:$0x7] =	stream.linear.gather [hbm4b:s19+s4], $0x80, $0x38;
	[tilespmem:$0x1E300] =	vst v63  }
0xae: {  	s8 =	sadd.s32 $0x1410, s22  }
0xaf: {  	[tilespmem:s24], [sflag:$0x7] =	stream.linear.gather [hbm4b:s8+s4], $0x80, $0x38;
	[tilespmem:$0x1E300] =	vst v63  }
0xb0: {  	_ =	swait.ge [sflag:s30], $0x4000  }
0xb1: {  	[sflag:s30] =	ssyncset.done $0x0  }
0xb2: {  	[sflag:s30] =	ssyncadd.s32 $0xFFFFC000  }
0xb3: {  	[spmem:s2] =	stream.indirect.scatter.add.f32 [tilespmem:s16], [sflag:$0x4], $0x80, s9, s9, $0xb8;
	[tilespmem:$0x1E300] =	vst v63  }
0xb4: {  	_ =	swait.ge [sflag:s28], $0x80  }
0xb5: {  	[sflag:s28] =	ssyncset.done $0x0  }
0xb6: {  	[sflag:s28] =	ssyncadd.s32 $0xFFFFFF80  }
0xb7: {  	_ =	swait.ge [sflag:s28], $0x80  }
0xb8: {  	[sflag:s28] =	ssyncset.done $0x0  }
0xb9: {  	[sflag:s28] =	ssyncadd.s32 $0xFFFFFF80  }
0xba: {  	_ =	swait.ge [sflag:s31], $0x4000  }
0xbb: {  	s22 =	sadd.s32 $0xFFFFFFC0, s18;
	[sflag:s31] =	ssyncset.done $0x0  }
0xbc: {  	p0 =	sgt.u32 s22, $0x9C3;
	[sflag:s31] =	ssyncadd.s32 $0xFFFFC000  }
0xbd: {  	[tilespmem:s16], [sflag:$0x2] =	stream.indirect.gather [hbm4b:s1+s9], $0x80, s21, s9, $0xb8;
	[tilespmem:$0x1E300] =	vst v63  }
0xbe: {  	s10 =	simm.s32 @p0 $0x0;
	s8 =	sadd.s32 @!p0 $0x0, s20  }
0xbf: {  	[tilespmem:s10], [sflag:$0x5] =	stream.linear.gather @p0 [hbm4b:s5+s10], $0x80, $0x38;
	[tilespmem:$0x1E300] =	vst v63  }
0xc0: {  	s17 =	simm.s32 @!p0 $0x0;
	s10 =	sadd.s32 @!p0 $0x1800, s8;
	s8 =	sadd.s32 @!p0 $0x1810, s8  }
0xc1: {  	[tilespmem:s17], [sflag:$0x5] =	stream.linear.gather @!p0 [hbm4b:s10+s17], $0x80, $0x38;
	[tilespmem:$0x1E300] =	vst v63  }
0xc2: {  	s8 =	smov.u32 @p0 s23  }
0xc3: {  	[tilespmem:s9], [sflag:$0x5] =	stream.linear.gather [hbm4b:s8+s4], $0x80, $0x38;
	[tilespmem:$0x1E300] =	vst v63  }
0xc4: {  	_ =	swait.ge [sflag:s26], $0x4000  }
0xc5: {  	[sflag:s26] =	ssyncset.done $0x0  }
0xc6: {  	[sflag:s26] =	ssyncadd.s32 $0xFFFFC000  }
0xc7: {  	[spmem:s2] =	stream.indirect.scatter.add.f32 [tilespmem:s14], [sflag:$0x3], $0x80, s12, s9, $0xb8;
	[tilespmem:$0x1E300] =	vst v63  }
0xc8: {  	_ =	swait.ge [sflag:s13], $0x80  }
0xc9: {  	[sflag:s13] =	ssyncset.done $0x0  }
0xca: {  	[sflag:s13] =	ssyncadd.s32 $0xFFFFFF80  }
0xcb: {  	_ =	swait.ge [sflag:s13], $0x80  }
0xcc: {  	[sflag:s13] =	ssyncset.done $0x0  }
0xcd: {  	[sflag:s13] =	ssyncadd.s32 $0xFFFFFF80  }
0xce: {  	s25 =	sadd.s32 $0xFFFFFFE0, s18;
	_ =	swait.ge [sflag:s29], $0x4000  }
0xcf: {  	p0 =	sgt.u32 s25, $0x9C3;
	[sflag:s29] =	ssyncset.done $0x0  }
0xd0: {  	s8 =	sadd.s32 @!p0 $0x0, s20;
	[sflag:s29] =	ssyncadd.s32 $0xFFFFC000  }
0xd1: {  	[tilespmem:s14], [sflag:$0x1] =	stream.indirect.gather [hbm4b:s1+s9], $0x80, s4, s9, $0xb8;
	[tilespmem:$0x1E300] =	vst v63  }
0xd2: {  	s10 =	simm.s32 @p0 $0x0;
	s17 =	simm.s32 @p0 $0x100;
	s25 =	sadd.s32 @!p0 $0x1C00, s8  }
0xd3: {  	[tilespmem:s17], [sflag:$0x6] =	stream.linear.gather @p0 [hbm4b:s5+s10], $0x80, $0x38;
	[tilespmem:$0x1E300] =	vst v63  }
0xd4: {  	s8 =	sadd.s32 @!p0 $0x1C10, s8;
	s10 =	simm.s32 @!p0 $0x0;
	s17 =	simm.s32 @!p0 $0x100  }
0xd5: {  	[tilespmem:s17], [sflag:$0x6] =	stream.linear.gather @!p0 [hbm4b:s25+s10], $0x80, $0x38;
	[tilespmem:$0x1E300] =	vst v63  }
0xd6: {  	s8 =	smov.u32 @p0 s23  }
0xd7: {  	[tilespmem:s12], [sflag:$0x6] =	stream.linear.gather [hbm4b:s8+s4], $0x80, $0x38;
	[tilespmem:$0x1E300] =	vst v63  }
0xd8: {  	_ =	swait.ge [sflag:s30], $0x4000  }
0xd9: {  	[sflag:s30] =	ssyncset.done $0x0  }
0xda: {  	[sflag:s30] =	ssyncadd.s32 $0xFFFFC000  }
0xdb: {  	[spmem:s2] =	stream.indirect.scatter.add.f32 [tilespmem:s16], [sflag:$0x4], $0x80, s24, s9, $0xb8;
	[tilespmem:$0x1E300] =	vst v63  }
0xdc: {  	_ =	swait.ge [sflag:s15], $0x80  }
0xdd: {  	[sflag:s15] =	ssyncset.done $0x0  }
0xde: {  	[sflag:s15] =	ssyncadd.s32 $0xFFFFFF80  }
0xdf: {  	_ =	swait.ge [sflag:s15], $0x80  }
0xe0: {  	[sflag:s15] =	ssyncset.done $0x0  }
0xe1: {  	[sflag:s15] =	ssyncadd.s32 $0xFFFFFF80  }
0xe2: {  	_ =	swait.ge [sflag:s31], $0x4000  }
0xe3: {  	[sflag:s31] =	ssyncset.done $0x0  }
0xe4: {  	p0 =	sgt.u32 s18, $0x9C3;
	[sflag:s31] =	ssyncadd.s32 $0xFFFFC000  }
0xe5: {  	[tilespmem:s16], [sflag:$0x2] =	stream.indirect.gather [hbm4b:s1+s9], $0x80, s11, s9, $0xb8;
	[tilespmem:$0x1E300] =	vst v63  }
0xe6: {  	s10 =	sadd.s32 @!p0 $0x0, s20;
	s17 =	simm.s32 @p0 $0x0;
	s8 =	simm.s32 @p0 $0x200  }
0xe7: {  	[tilespmem:s8], [sflag:$0x7] =	stream.linear.gather @p0 [hbm4b:s5+s17], $0x80, $0x38;
	[tilespmem:$0x1E300] =	vst v63  }
0xe8: {  	s25 =	simm.s32 @!p0 $0x200;
	s8 =	sadd.s32 @!p0 $0x2000, s10;
	s17 =	simm.s32 @!p0 $0x0  }
0xe9: {  	[tilespmem:s25], [sflag:$0x7] =	stream.linear.gather @!p0 [hbm4b:s8+s17], $0x80, $0x38;
	[tilespmem:$0x1E300] =	vst v63  }
0xea: {  	s8 =	sadd.s32 @!p0 $0x2010, s10  }
0xeb: {  	s17 =	simm.s32 $0x1800;
	s25 =	smov.u32 s18;
	s8 =	smov.u32 @p0 s23  }
0xec: {  	[tilespmem:s24], [sflag:$0x7] =	stream.linear.gather [hbm4b:s8+s4], $0x80, $0x38;
	[tilespmem:$0x1E300] =	vst v63  }
.LBB2_4:
0xed: {  	_ =	swait.ge [sflag:s26], $0x4000  }
0xee: {  	s25 =	sadd.s32 $0xC0, s25;
	s8 =	smov.u32 s17;
	s17 =	sadd.s32 $0x1800, s17  }
0xef: {  	p0 =	sne.s32 s17, $0x13800;
	[sflag:s26] =	ssyncset.done $0x0  }
0xf0: {  	[sflag:s26] =	ssyncadd.s32 $0xFFFFC000  }
0xf1: {  	[spmem:s2] =	stream.indirect.scatter.add.f32 [tilespmem:s14], [sflag:$0x3], $0x80, s9, s9, $0xb8;
	[tilespmem:$0x1E300] =	vst v63  }
0xf2: {  	_ =	swait.ge [sflag:s28], $0x80  }
0xf3: {  	[sflag:s28] =	ssyncset.done $0x0  }
0xf4: {  	[sflag:s28] =	ssyncadd.s32 $0xFFFFFF80  }
0xf5: {  	_ =	swait.ge [sflag:s28], $0x80  }
0xf6: {  	[sflag:s28] =	ssyncset.done $0x0  }
0xf7: {  	[sflag:s28] =	ssyncadd.s32 $0xFFFFFF80  }
0xf8: {  	s10 =	sadd.s32 s8, s20;
	_ =	swait.ge [sflag:s29], $0x4000  }
0xf9: {  	[sflag:s29] =	ssyncset.done $0x0  }
0xfa: {  	[sflag:s29] =	ssyncadd.s32 $0xFFFFC000  }
0xfb: {  	[tilespmem:s14], [sflag:$0x1] =	stream.indirect.gather [hbm4b:s1+s9], $0x80, s21, s9, $0xb8;
	[tilespmem:$0x1E300] =	vst v63  }
0xfc: {  	s19 =	sadd.s32 $0xC00, s10  }
0xfd: {  	[tilespmem:s4], [sflag:$0x5] =	stream.linear.gather [hbm4b:s19+s4], $0x80, $0x38;
	[tilespmem:$0x1E300] =	vst v63  }
0xfe: {  	s19 =	sadd.s32 $0xC10, s10  }
0xff: {  	[tilespmem:s9], [sflag:$0x5] =	stream.linear.gather [hbm4b:s19+s4], $0x80, $0x38;
	[tilespmem:$0x1E300] =	vst v63  }
0x100: {  	_ =	swait.ge [sflag:s30], $0x4000  }
0x101: {  	[sflag:s30] =	ssyncset.done $0x0  }
0x102: {  	[sflag:s30] =	ssyncadd.s32 $0xFFFFC000  }
0x103: {  	[spmem:s2] =	stream.indirect.scatter.add.f32 [tilespmem:s16], [sflag:$0x4], $0x80, s12, s9, $0xb8;
	[tilespmem:$0x1E300] =	vst v63  }
0x104: {  	_ =	swait.ge [sflag:s13], $0x80  }
0x105: {  	[sflag:s13] =	ssyncset.done $0x0  }
0x106: {  	[sflag:s13] =	ssyncadd.s32 $0xFFFFFF80  }
0x107: {  	_ =	swait.ge [sflag:s13], $0x80  }
0x108: {  	[sflag:s13] =	ssyncset.done $0x0  }
0x109: {  	[sflag:s13] =	ssyncadd.s32 $0xFFFFFF80  }
0x10a: {  	_ =	swait.ge [sflag:s31], $0x4000  }
0x10b: {  	[sflag:s31] =	ssyncset.done $0x0  }
0x10c: {  	[sflag:s31] =	ssyncadd.s32 $0xFFFFC000  }
0x10d: {  	[tilespmem:s16], [sflag:$0x2] =	stream.indirect.gather [hbm4b:s1+s9], $0x80, s4, s9, $0xb8;
	[tilespmem:$0x1E300] =	vst v63  }
0x10e: {  	s19 =	sadd.s32 $0x1000, s10  }
0x10f: {  	[tilespmem:s11], [sflag:$0x6] =	stream.linear.gather [hbm4b:s19+s4], $0x80, $0x38;
	[tilespmem:$0x1E300] =	vst v63  }
0x110: {  	s19 =	sadd.s32 $0x1010, s10  }
0x111: {  	[tilespmem:s12], [sflag:$0x6] =	stream.linear.gather [hbm4b:s19+s4], $0x80, $0x38;
	[tilespmem:$0x1E300] =	vst v63  }
0x112: {  	_ =	swait.ge [sflag:s26], $0x4000  }
0x113: {  	[sflag:s26] =	ssyncset.done $0x0  }
0x114: {  	[sflag:s26] =	ssyncadd.s32 $0xFFFFC000  }
0x115: {  	[spmem:s2] =	stream.indirect.scatter.add.f32 [tilespmem:s14], [sflag:$0x3], $0x80, s24, s9, $0xb8;
	[tilespmem:$0x1E300] =	vst v63  }
0x116: {  	_ =	swait.ge [sflag:s15], $0x80  }
0x117: {  	[sflag:s15] =	ssyncset.done $0x0  }
0x118: {  	[sflag:s15] =	ssyncadd.s32 $0xFFFFFF80  }
0x119: {  	_ =	swait.ge [sflag:s15], $0x80  }
0x11a: {  	[sflag:s15] =	ssyncset.done $0x0  }
0x11b: {  	[sflag:s15] =	ssyncadd.s32 $0xFFFFFF80  }
0x11c: {  	_ =	swait.ge [sflag:s29], $0x4000  }
0x11d: {  	[sflag:s29] =	ssyncset.done $0x0  }
0x11e: {  	[sflag:s29] =	ssyncadd.s32 $0xFFFFC000  }
0x11f: {  	[tilespmem:s14], [sflag:$0x1] =	stream.indirect.gather [hbm4b:s1+s9], $0x80, s11, s9, $0xb8;
	[tilespmem:$0x1E300] =	vst v63  }
0x120: {  	s19 =	sadd.s32 $0x1400, s10  }
0x121: {  	[tilespmem:s21], [sflag:$0x7] =	stream.linear.gather [hbm4b:s19+s4], $0x80, $0x38;
	[tilespmem:$0x1E300] =	vst v63  }
0x122: {  	s10 =	sadd.s32 $0x1410, s10  }
0x123: {  	[tilespmem:s24], [sflag:$0x7] =	stream.linear.gather [hbm4b:s10+s4], $0x80, $0x38;
	[tilespmem:$0x1E300] =	vst v63  }
0x124: {  	_ =	swait.ge [sflag:s30], $0x4000  }
0x125: {  	[sflag:s30] =	ssyncset.done $0x0  }
0x126: {  	[sflag:s30] =	ssyncadd.s32 $0xFFFFC000  }
0x127: {  	[spmem:s2] =	stream.indirect.scatter.add.f32 [tilespmem:s16], [sflag:$0x4], $0x80, s9, s9, $0xb8;
	[tilespmem:$0x1E300] =	vst v63  }
0x128: {  	_ =	swait.ge [sflag:s28], $0x80  }
0x129: {  	[sflag:s28] =	ssyncset.done $0x0  }
0x12a: {  	[sflag:s28] =	ssyncadd.s32 $0xFFFFFF80  }
0x12b: {  	_ =	swait.ge [sflag:s28], $0x80  }
0x12c: {  	[sflag:s28] =	ssyncset.done $0x0  }
0x12d: {  	[sflag:s28] =	ssyncadd.s32 $0xFFFFFF80  }
0x12e: {  	s10 =	sadd.s32 $0xFFFFFFC0, s25;
	_ =	swait.ge [sflag:s31], $0x4000  }
0x12f: {  	p1 =	sgt.u32 s10, $0x9C3;
	[sflag:s31] =	ssyncset.done $0x0  }
0x130: {  	s10 =	sadd.s32 @!p1 s8, s20;
	[sflag:s31] =	ssyncadd.s32 $0xFFFFC000  }
0x131: {  	[tilespmem:s16], [sflag:$0x2] =	stream.indirect.gather [hbm4b:s1+s9], $0x80, s21, s9, $0xb8;
	[tilespmem:$0x1E300] =	vst v63  }
0x132: {  	s19 =	simm.s32 @p1 $0x0;
	s22 =	sadd.s32 @!p1 $0x1800, s10;
	s10 =	sadd.s32 @!p1 $0x1810, s10  }
0x133: {  	[tilespmem:s19], [sflag:$0x5] =	stream.linear.gather @p1 [hbm4b:s5+s19], $0x80, $0x38;
	[tilespmem:$0x1E300] =	vst v63  }
0x134: {  	s10 =	smov.u32 @p1 s23;
	s19 =	simm.s32 @!p1 $0x0  }
0x135: {  	[tilespmem:s19], [sflag:$0x5] =	stream.linear.gather @!p1 [hbm4b:s22+s19], $0x80, $0x38;
	[tilespmem:$0x1E300] =	vst v63  }
0x136: {  	_ = 	snop  }
0x137: {  	[tilespmem:s9], [sflag:$0x5] =	stream.linear.gather [hbm4b:s10+s4], $0x80, $0x38;
	[tilespmem:$0x1E300] =	vst v63  }
0x138: {  	_ =	swait.ge [sflag:s26], $0x4000  }
0x139: {  	[sflag:s26] =	ssyncset.done $0x0  }
0x13a: {  	[sflag:s26] =	ssyncadd.s32 $0xFFFFC000  }
0x13b: {  	[spmem:s2] =	stream.indirect.scatter.add.f32 [tilespmem:s14], [sflag:$0x3], $0x80, s12, s9, $0xb8;
	[tilespmem:$0x1E300] =	vst v63  }
0x13c: {  	_ =	swait.ge [sflag:s13], $0x80  }
0x13d: {  	[sflag:s13] =	ssyncset.done $0x0  }
0x13e: {  	[sflag:s13] =	ssyncadd.s32 $0xFFFFFF80  }
0x13f: {  	_ =	swait.ge [sflag:s13], $0x80  }
0x140: {  	[sflag:s13] =	ssyncset.done $0x0  }
0x141: {  	[sflag:s13] =	ssyncadd.s32 $0xFFFFFF80  }
0x142: {  	s10 =	sadd.s32 $0xFFFFFFE0, s25;
	_ =	swait.ge [sflag:s29], $0x4000  }
0x143: {  	p1 =	sgt.u32 s10, $0x9C3;
	[sflag:s29] =	ssyncset.done $0x0  }
0x144: {  	s10 =	simm.s32 @p1 $0x0;
	s19 =	simm.s32 @p1 $0x100;
	s22 =	sadd.s32 @!p1 s8, s20  }
0x145: {  	s6 =	sadd.s32 @!p1 $0x1C00, s22;
	s22 =	sadd.s32 @!p1 $0x1C10, s22;
	[sflag:s29] =	ssyncadd.s32 $0xFFFFC000  }
0x146: {  	[tilespmem:s14], [sflag:$0x1] =	stream.indirect.gather [hbm4b:s1+s9], $0x80, s4, s9, $0xb8;
	[tilespmem:$0x1E300] =	vst v63  }
0x147: {  	s22 =	smov.u32 @p1 s23  }
0x148: {  	[tilespmem:s19], [sflag:$0x6] =	stream.linear.gather @p1 [hbm4b:s5+s10], $0x80, $0x38;
	[tilespmem:$0x1E300] =	vst v63  }
0x149: {  	s10 =	simm.s32 @!p1 $0x0;
	s19 =	simm.s32 @!p1 $0x100  }
0x14a: {  	[tilespmem:s19], [sflag:$0x6] =	stream.linear.gather @!p1 [hbm4b:s6+s10], $0x80, $0x38;
	[tilespmem:$0x1E300] =	vst v63  }
0x14b: {  	_ = 	snop  }
0x14c: {  	[tilespmem:s12], [sflag:$0x6] =	stream.linear.gather [hbm4b:s22+s4], $0x80, $0x38;
	[tilespmem:$0x1E300] =	vst v63  }
0x14d: {  	_ =	swait.ge [sflag:s30], $0x4000  }
0x14e: {  	[sflag:s30] =	ssyncset.done $0x0  }
0x14f: {  	[sflag:s30] =	ssyncadd.s32 $0xFFFFC000  }
0x150: {  	[spmem:s2] =	stream.indirect.scatter.add.f32 [tilespmem:s16], [sflag:$0x4], $0x80, s24, s9, $0xb8;
	[tilespmem:$0x1E300] =	vst v63  }
0x151: {  	_ =	swait.ge [sflag:s15], $0x80  }
0x152: {  	[sflag:s15] =	ssyncset.done $0x0  }
0x153: {  	[sflag:s15] =	ssyncadd.s32 $0xFFFFFF80  }
0x154: {  	_ =	swait.ge [sflag:s15], $0x80  }
0x155: {  	[sflag:s15] =	ssyncset.done $0x0  }
0x156: {  	[sflag:s15] =	ssyncadd.s32 $0xFFFFFF80  }
0x157: {  	_ =	swait.ge [sflag:s31], $0x4000  }
0x158: {  	p1 =	sgt.u32 s25, $0x9C3;
	[sflag:s31] =	ssyncset.done $0x0  }
0x159: {  	s6 =	simm.s32 @p1 $0x200;
	s8 =	sadd.s32 @!p1 s8, s20;
	[sflag:s31] =	ssyncadd.s32 $0xFFFFC000  }
0x15a: {  	[tilespmem:s16], [sflag:$0x2] =	stream.indirect.gather [hbm4b:s1+s9], $0x80, s11, s9, $0xb8;
	[tilespmem:$0x1E300] =	vst v63  }
0x15b: {  	s10 =	simm.s32 @p1 $0x0;
	s19 =	sadd.s32 @!p1 $0x2000, s8;
	s8 =	sadd.s32 @!p1 $0x2010, s8  }
0x15c: {  	[tilespmem:s6], [sflag:$0x7] =	stream.linear.gather @p1 [hbm4b:s5+s10], $0x80, $0x38;
	[tilespmem:$0x1E300] =	vst v63  }
.Ltmp1:
0x15d: {  	_ = 	snop;
	(pc) =	sbr.rel @p0 .LBB2_4-.Ltmp1, $4  }
0x15e: {  	s8 =	smov.u32 @p1 s23;
	s6 =	simm.s32 @!p1 $0x0;
	s10 =	simm.s32 @!p1 $0x200  }
0x15f: {  	[tilespmem:s10], [sflag:$0x7] =	stream.linear.gather @!p1 [hbm4b:s19+s6], $0x80, $0x38;
	[tilespmem:$0x1E300] =	vst v63  }
0x160: {  	_ = 	snop  }
0x161: {  	[tilespmem:s24], [sflag:$0x7] =	stream.linear.gather [hbm4b:s8+s4], $0x80, $0x38;
	[tilespmem:$0x1E300] =	vst v63  }
0x162: {  	_ =	swait.ge [sflag:s26], $0x4000  }
0x163: {  	[sflag:s26] =	ssyncset.done $0x0  }
0x164: {  	[sflag:s26] =	ssyncadd.s32 $0xFFFFC000  }
0x165: {  	[spmem:s2] =	stream.indirect.scatter.add.f32 [tilespmem:s14], [sflag:$0x3], $0x80, s9, s9, $0xb8;
	[tilespmem:$0x1E300] =	vst v63  }
0x166: {  	_ =	swait.ge [sflag:s28], $0x80  }
0x167: {  	[sflag:s28] =	ssyncset.done $0x0  }
0x168: {  	[sflag:s28] =	ssyncadd.s32 $0xFFFFFF80  }
0x169: {  	_ =	swait.ge [sflag:s28], $0x80  }
0x16a: {  	[sflag:s28] =	ssyncset.done $0x0  }
0x16b: {  	[sflag:s28] =	ssyncadd.s32 $0xFFFFFF80  }
0x16c: {  	_ =	swait.ge [sflag:s29], $0x4000  }
0x16d: {  	[sflag:s29] =	ssyncset.done $0x0  }
0x16e: {  	[sflag:s29] =	ssyncadd.s32 $0xFFFFC000  }
0x16f: {  	[tilespmem:s14], [sflag:$0x1] =	stream.indirect.gather [hbm4b:s1+s9], $0x80, s21, s9, $0xb8;
	[tilespmem:$0x1E300] =	vst v63  }
0x170: {  	_ = 	snop  }
0x171: {  	[tilespmem:s4], [sflag:$0x5] =	stream.linear.gather [hbm4b:s5+s4], $0x80, $0x38;
	[tilespmem:$0x1E300] =	vst v63  }
0x172: {  	_ = 	snop  }
0x173: {  	[tilespmem:s9], [sflag:$0x5] =	stream.linear.gather [hbm4b:s23+s4], $0x80, $0x38;
	[tilespmem:$0x1E300] =	vst v63  }
0x174: {  	_ =	swait.ge [sflag:s30], $0x4000  }
0x175: {  	[sflag:s30] =	ssyncset.done $0x0  }
0x176: {  	[sflag:s30] =	ssyncadd.s32 $0xFFFFC000  }
0x177: {  	[spmem:s2] =	stream.indirect.scatter.add.f32 [tilespmem:s16], [sflag:$0x4], $0x80, s12, s9, $0xb8;
	[tilespmem:$0x1E300] =	vst v63  }
0x178: {  	_ =	swait.ge [sflag:s31], $0x4000  }
0x179: {  	[sflag:s31] =	ssyncset.done $0x0  }
0x17a: {  	[sflag:s31] =	ssyncadd.s32 $0xFFFFC000  }
0x17b: {  	_ =	swait.ge [sflag:s26], $0x4000  }
0x17c: {  	[sflag:s26] =	ssyncset.done $0x0  }
0x17d: {  	[sflag:s26] =	ssyncadd.s32 $0xFFFFC000  }
0x17e: {  	_ =	swait.ge [sflag:s13], $0x80  }
0x17f: {  	[sflag:s13] =	ssyncset.done $0x0  }
0x180: {  	[sflag:s13] =	ssyncadd.s32 $0xFFFFFF80  }
0x181: {  	_ =	swait.ge [sflag:s13], $0x80  }
0x182: {  	[sflag:s13] =	ssyncset.done $0x0  }
0x183: {  	[sflag:s13] =	ssyncadd.s32 $0xFFFFFF80  }
0x184: {  	[bflag:$0x0] =	sbarrier.arrive $0xFFFF  }
0x185: {  	s6 =	rddreg [dreg:$0x10]  }
0x186: {  	s19 =	rddreg [dreg:$0x5]  }
0x187: {  	s10 =	rddreg [dreg:$0xb];
	s6 =	sor.u32 $0x1C08, s6;
	s8 =	sshrl.u32 s19, $0x3  }
0x188: {  	[hbm:s10], [sflag:s6] =	dma.local [spmem:s8], $0x800  }
0x189: {  	_ =	swait.ge [sflag:s7], $0x800  }
0x18a: {  	[sflag:s7] =	ssyncset.done $0x0;
	s22 =	rddreg [dreg:$0x7]  }
0x18b: {  	s25 =	rddreg [dreg:$0xc];
	[sflag:s7] =	ssyncadd.s32 $0xFFFFF800;
	s17 =	sshrl.u32 s22, $0x3  }
0x18c: {  	[hbm:s25], [sflag:s6] =	dma.local [spmem:s17], $0x800  }
0x18d: {  	_ =	swait.ge [sflag:s7], $0x800  }
0x18e: {  	[sflag:s7] =	ssyncset.done $0x0;
	s25 =	rddreg [dreg:$0x9]  }
0x18f: {  	s17 =	rddreg [dreg:$0xd];
	[sflag:s7] =	ssyncadd.s32 $0xFFFFF800;
	s10 =	sshrl.u32 s25, $0x3  }
0x190: {  	[hbm:s17], [sflag:s6] =	dma.local [spmem:s10], $0x800  }
0x191: {  	_ =	swait.ge [sflag:s7], $0x800  }
0x192: {  	[sflag:s7] =	ssyncset.done $0x0;
	s17 =	rddreg [dreg:$0x12]  }
0x193: {  	s10 =	rddreg [dreg:$0xe];
	[sflag:s7] =	ssyncadd.s32 $0xFFFFF800;
	s8 =	sshrl.u32 s17, $0x3  }
0x194: {  	[hbm:s10], [sflag:s6] =	dma.local [spmem:s8], $0x800  }
0x195: {  	_ =	swait.ge [sflag:s7], $0x800  }
0x196: {  	[sflag:s7] =	ssyncset.done $0x0;
	s10 =	rddreg [dreg:$0x14]  }
0x197: {  	[sflag:s7] =	ssyncadd.s32 $0xFFFFF800;
	s8 =	sshrl.u32 s10, $0x3;
	s10 =	rddreg [dreg:$0xf]  }
0x198: {  	[hbm:s10], [sflag:s6] =	dma.local [spmem:s8], $0x800  }
0x199: {  	_ =	swait.ge [sflag:s7], $0x800  }
0x19a: {  	s0 =	sadd.s32 $0x1, s0;
	s10 =	rddreg [dreg:$0x15]  }
0x19b: {  	p0 =	sne.s32 s0, s10  }
.Ltmp2:
0x19c: {  	_ = 	snop;
	(pc) =	sbr.rel @p0 .LBB2_1-.Ltmp2, $3  }
0x19d: {  	_ =	sdelay $0x1  }
0x19e: {  	[sflag:s7] =	ssyncset.done $0x0  }
0x19f: {  	[sflag:s7] =	ssyncadd.s32 $0xFFFFF800  }
0x1a0: {  	_ =	sfence.sel $0x180000  }
0x1a1: {  	[bflag:$0x0] =	sbarrier.arrive $0xFFFF  }
0x1a2: {  	_ =	strace $0x9000004A  }
0x1a3: {  	s0 =	stileid.u32;
	[bflag:$0x2] =	sbarrier.arrive $0xFFFF  }
0x1a4: {  	p0 =	sne.s32 s0, $0x0;
	s0 =	rddreg [dreg:$0x4]  }
0x1a5: {  	s0 =	sadd.s32 @!p0 $0x100000, s0  }
0x1a6: {  	[sflag:s0] =	ssyncadd.tile.s32 @!p0 $0x1;
	_ =	shalt  }
.Lfunc_end2:
_tile_overlayer_lowered:
.L_overlay_start_2:
0x1a7: {  	(tag) =	ssettag $0x2  }
0x1a8: {  	s0 =	rddreg [dreg:$0x0];
	s2 =	stileid.u32  }
0x1a9: {  	s1 =	rddreg [dreg:$0x1];
	p0 =	sne.s32 s2, $0x0  }
0x1aa: {  	s3 =	rddreg [dreg:$0x2];
	[bflag:$0x3] =	sbarrier.arrive $0xFFFF;
	s2 =	simm.s32 @!p0 $0x1C08  }
0x1ab: {  	[timem:s3], [sflag:s2] =	dma.local @!p0 [hbm:s0], s1  }
0x1ac: {  	s0 =	simm.s32 @!p0 $0x8  }
0x1ad: {  	_ =	swait.ge @!p0 [sflag:s0], s1  }
0x1ae: {  	s1 =	ssub.s32 @!p0 $0x0, s1;
	[sflag:s0] =	ssyncset.done @!p0 $0x0  }
0x1af: {  	[sflag:s0] =	ssyncadd.s32 @!p0 s1  }
0x1b0: {  	[bflag:$0x3] =	sbarrier.arrive $0xFFFF  }
0x1b1: {  	_ =	shalt  }

</sc_bundles>
